<compile_context>
chip_gen: v7x
topology: tpu7x:2x2x1
jax: 0.10.2.dev20260603
libtpu: 0.0.44.dev20260713+nightly
codegen_flags: <defaults>
</compile_context>

<pallas_src>
import functools

import jax
import jax.numpy as jnp
from jax import lax
from jax.experimental import pallas as pl
from jax.experimental.pallas import tpu as pltpu
from jax.experimental.pallas import tpu_sc as plsc

_VOCAB = 100000
_N_PREFIX = 100
_DIM = 64
_LANES = 16
_NC = 2
_NS = 16
_NW = _NC * _NS
_B = 16384
_L = 50
_CHUNK = 256
_SUB = 128
_NBUF = 2
_BQ = _B // _CHUNK
_DT = _DIM // 8
_NBT = _CHUNK // _SUB
_PITCH = _SUB + 1


@functools.cache
def _make_gather(n_idx):
    n_chunks = n_idx // _CHUNK
    n_per_w = n_chunks // _NW
    n_rows = n_idx * _DIM // _SUB
    mesh = plsc.VectorSubcoreMesh(core_axis_name="c", subcore_axis_name="s",
                                  num_cores=_NC, num_subcores=_NS)

    @functools.partial(
        pl.kernel,
        out_type=jax.ShapeDtypeStruct((n_rows, _SUB), jnp.float32),
        mesh=mesh,
        compiler_params=pltpu.CompilerParams(use_tc_tiling_on_sc=False,
                                             needs_layout_passes=False),
        scratch_types=[
            pltpu.VMEM((_NBUF, _CHUNK), jnp.int32),
            pltpu.VMEM((_NBUF, _CHUNK), jnp.int32),
            pltpu.VMEM((_NBUF, _CHUNK, _DIM), jnp.float32),
            pltpu.VMEM((_NBUF, _NBT * _DIM, _PITCH), jnp.float32),
            pltpu.VMEM((_N_PREFIX, _DIM), jnp.float32),
            pltpu.SemaphoreType.DMA,
            pltpu.SemaphoreType.DMA,
            pltpu.SemaphoreType.DMA,
            pltpu.SemaphoreType.DMA,
            pltpu.SemaphoreType.DMA,
            pltpu.SemaphoreType.DMA,
        ],
    )
    def gather_kernel(w_hbm, wn_hbm, idx_hbm, out_hbm,
                      idxo_v, idxc_v, rows_v, stage_v, wn_v,
                      isem0, isem1, gsem0, gsem1, ssem0, ssem1):
        wid = lax.axis_index("s") * _NC + lax.axis_index("c")
        isems = (isem0, isem1)
        gsems = (gsem0, gsem1)
        ssems = (ssem0, ssem1)
        pltpu.sync_copy(wn_hbm, wn_v)
        lanes16 = lax.iota(jnp.int32, _LANES)
        dg_vecs = [dg * _LANES + lanes16 for dg in range(_DIM // _LANES)]
        c_base = wid * n_per_w

        def offsets(c):
            l = c // _BQ
            bq = c % _BQ
            p0 = l * _B + bq * _CHUNK
            r0 = (l * _DT * (_B // _SUB) + bq * _NBT) * 8
            return p0, r0

        def idx_copy(g, b):
            c = c_base + jnp.minimum(g, n_per_w - 1)
            p0, _ = offsets(c)
            return pltpu.make_async_copy(
                idx_hbm.at[pl.ds(p0, _CHUNK)], idxo_v.at[b], isems[b])

        def gather_copies(g, b):
            idxc = idxc_v.at[b]
            rows = rows_v.at[b]
            return [
                pltpu.make_async_copy(
                    w_hbm.at[idxc.at[pl.ds(k * _SUB, _SUB)]],
                    rows.at[pl.ds(k * _SUB, _SUB)],
                    gsems[b],
                )
                for k in range(_NBT)
            ]

        def gather_drain(b):
            idxc = idxc_v.at[b]
            rows = rows_v.at[b]
            for k in range(_NBT):
                pltpu.make_async_copy(
                    w_hbm.at[idxc.at[pl.ds(k * _SUB, _SUB)]],
                    rows.at[pl.ds(k * _SUB, _SUB)],
                    gsems[b]).wait()

        def store_dmas(b, r0):
            stage = stage_v.at[b]
            return [
                pltpu.make_async_copy(
                    stage.at[pl.ds(bt * _DIM + dt * 8, 8), pl.ds(0, _SUB)],
                    out_hbm.at[pl.ds(r0 + dt * (_B // _SUB) * 8 + bt * 8, 8)],
                    ssems[b],
                )
                for dt in range(_DT)
                for bt in range(_NBT)
            ]

        def clamp(b):
            idxo = idxo_v.at[b]
            idxc = idxc_v.at[b]

            @plsc.parallel_loop(0, _CHUNK // _LANES, unroll=4,
                                carry=jnp.bool_(False))
            def has_prefix(j, acc):
                v = idxo[pl.ds(j * _LANES, _LANES)]
                m = v >= _VOCAB
                idxc[pl.ds(j * _LANES, _LANES)] = jnp.where(m, _VOCAB - 1, v)
                return acc | jnp.any(m)

            return has_prefix

        def patch(b, has_prefix):
            idxo = idxo_v.at[b]
            rows = rows_v.at[b]

            @pl.when(has_prefix)
            def _patch():
                def patch_slice(j, acc):
                    v = idxo[pl.ds(j * _LANES, _LANES)]
                    m = v >= _VOCAB

                    @pl.when(jnp.any(m))
                    def _do_patch():
                        e = jnp.where(m, v - _VOCAB, 0)
                        rows16 = j * _LANES + lanes16

                        def col_body(d, cc):
                            colv = jnp.full((_LANES,), d, jnp.int32)
                            vals = plsc.load_gather(wn_v, [e, colv], mask=m)
                            plsc.store_scatter(rows, [rows16, colv], vals,
                                               mask=m)
                            return cc

                        lax.fori_loop(0, _DIM, col_body, jnp.int32(0))

                    return acc

                lax.fori_loop(0, _CHUNK // _LANES, patch_slice, jnp.int32(0))

        def transpose(b):
            rows = rows_v.at[b]
            stage = stage_v.at[b]

            @plsc.parallel_loop(0, _CHUNK, unroll=8)
            def _tr(r):
                bt = lax.shift_right_logical(r, 7)
                bi = lax.bitwise_and(r, _SUB - 1)
                biv = jnp.full((_LANES,), bi, jnp.int32)
                pbase = bt * _DIM
                for dg in range(_DIM // _LANES):
                    pv = pbase + dg_vecs[dg]
                    vals = rows[r, pl.ds(dg * _LANES, _LANES)]
                    plsc.store_scatter(stage, [pv, biv], vals)

        idx_copy(0, 0).start()
        idx_copy(1, 1).start()
        idx_copy(0, 0).wait()
        hp0_init = clamp(0)
        for cp in gather_copies(0, 0):
            cp.start()

        def step_body(s, hp0):
            def half(g, b, hp_b, first):
                gather_drain(b)
                patch(b, hp_b)
                idx_copy(g + 2, b).start()
                idx_copy(g + 1, 1 - b).wait()
                hp_next = clamp(1 - b)
                for cp in gather_copies(g + 1, 1 - b):
                    cp.start()
                _, r0 = offsets(c_base + g)

                @pl.when(jnp.logical_not(first))
                def _drain_prev():
                    for cp in store_dmas(b, r0):
                        cp.wait()

                transpose(b)
                for cp in store_dmas(b, r0):
                    cp.start()
                return hp_next

            g0 = s * _NBUF
            hp1 = half(g0, 0, hp0, s < 1)
            hp0_next = half(g0 + 1, 1, hp1, s < 1)
            return hp0_next

        lax.fori_loop(0, n_per_w // _NBUF, step_body, hp0_init)

        idx_copy(n_per_w + 1, 1).wait()
        gather_drain(0)
        for b in range(_NBUF):
            g = n_per_w - _NBUF + b
            _, r0 = offsets(c_base + g)
            for cp in store_dmas(b, r0):
                cp.wait()

    return gather_kernel


def kernel(input, W, W_new):
    b, l = input.shape
    idx = input.T.reshape(-1).astype(jnp.int32)
    flat = _make_gather(idx.shape[0])(W, W_new, idx)
    out5 = flat.reshape(l, _DIM // 8, b // _SUB, 8, _SUB)
    return out5.transpose(2, 4, 0, 1, 3).reshape(b, l, _DIM)

# --- scband reference (transcript-rebuilt; emitter-appended) ---
"""Pipeline reference for scband-my-embedding-1846835937764 (READ-ONLY COPY).

The authoritative reference and input builder live on the scoring server;
editing this copy changes nothing except your own understanding.
"""

import jax, jax.numpy as jnp
import numpy as np

VOCAB = 100000
N_PREFIX = 100
DIM = 64
B = 16384
L = 50


def setup_inputs(seed: int = 0) -> dict:
    key = jax.random.key(seed)
    k1, k2, k3 = jax.random.split(key, 3)
    # forward arg: token indices into the concatenated [VOCAB + N_PREFIX, DIM] table
    input_ids = jax.random.randint(k1, (B, L), 0, VOCAB + N_PREFIX, dtype=jnp.int64)
    # learned parameters: base embedding table and new prefix table
    W = jax.random.normal(k2, (VOCAB, DIM), dtype=jnp.float32)
    W_new = jax.random.normal(k3, (N_PREFIX, DIM), dtype=jnp.float32)
    return {"input": input_ids, "W": W, "W_new": W_new}


def reference(input, W, W_new):
    # F.embedding(input, torch.cat([embed.weight, new_embed.weight], 0), ...)
    # padding_idx=None, max_norm=None, norm_type=2.0, scale_grad_by_freq=False, sparse=False
    # -> plain gather from the concatenated table.
    table = jnp.concatenate([W, W_new], axis=0)
    return jnp.take(table, input, axis=0)

if __name__ == "__main__":
    import jax
    _d = setup_inputs()
    print(jax.jit(kernel)(*tuple(_d.values())))

</pallas_src>

<mosaic_0001>
#map = affine_map<(d0, d1) -> (0, 0)>
#map1 = affine_map<(d0, d1) -> (0)>
module attributes {stable_mosaic.version = 14 : i64} {
  func.func @gather_kernel(%arg0: i32, %arg1: i32, %arg2: memref<100000x64xf32, #tpu.memory_space<hbm>>, %arg3: memref<100x64xf32, #tpu.memory_space<hbm>>, %arg4: memref<819200xi32, #tpu.memory_space<hbm>>, %arg5: memref<409600x128xf32, #tpu.memory_space<hbm>>, %arg6: memref<2x256xi32, #tpu.memory_space<vmem>>, %arg7: memref<2x256xi32, #tpu.memory_space<vmem>>, %arg8: memref<2x256x64xf32, #tpu.memory_space<vmem>>, %arg9: memref<2x128x129xf32, #tpu.memory_space<vmem>>, %arg10: memref<100x64xf32, #tpu.memory_space<vmem>>, %arg11: memref<!tpu.dma_semaphore, #tpu.memory_space<semaphore_mem>>, %arg12: memref<!tpu.dma_semaphore, #tpu.memory_space<semaphore_mem>>, %arg13: memref<!tpu.dma_semaphore, #tpu.memory_space<semaphore_mem>>, %arg14: memref<!tpu.dma_semaphore, #tpu.memory_space<semaphore_mem>>, %arg15: memref<!tpu.dma_semaphore, #tpu.memory_space<semaphore_mem>>, %arg16: memref<!tpu.dma_semaphore, #tpu.memory_space<semaphore_mem>>) attributes {dimension_semantics = [#tpu.dimension_semantics<core_parallel>, #tpu.dimension_semantics<subcore_parallel>], iteration_bounds = array<i64: 2, 16>, scalar_prefetch = 0 : i64, scratch_operands = 11 : i64, tpu.core_type = #tpu.core_type<sc_vector_subcore>, window_params = [{transform_indices = #map}, {transform_indices = #map}, {transform_indices = #map1}, {transform_indices = #map}]} {
    %mul3A = arith.constant 2 : i32
    %mul3A_0 = arith.muli %arg1, %mul3A : i32
    %add3A = arith.addi %mul3A_0, %arg0 : i32
    "tpu.region"() ({
      %run_scoped3A = tpu.sem_alloc : memref<!tpu.dma_semaphore, #tpu.memory_space<semaphore_mem>>
      tpu.enqueue_dma source(%arg3 : memref<100x64xf32, #tpu.memory_space<hbm>>) target(%arg10 : memref<100x64xf32, #tpu.memory_space<vmem>>) target_semaphore(%run_scoped3A : memref<!tpu.dma_semaphore, #tpu.memory_space<semaphore_mem>>)
      tpu.wait_dma2 semaphore(%run_scoped3A : memref<!tpu.dma_semaphore, #tpu.memory_space<semaphore_mem>>) src(%arg3 : memref<100x64xf32, #tpu.memory_space<hbm>>) dst(%arg10 : memref<100x64xf32, #tpu.memory_space<vmem>>)
      tpu.yield
    }) : () -> ()
    %iota3A = tpu.iota {dimensions = array<i32: 0>} : vector<16xi32>
    %add3A_1 = arith.constant 0 : i32
    %add3A_2 = vector.broadcast %add3A_1 : i32 to vector<16xi32>
    %add3A_3 = arith.addi %add3A_2, %iota3A : vector<16xi32>
    %add3A_4 = arith.constant 16 : i32
    %add3A_5 = vector.broadcast %add3A_4 : i32 to vector<16xi32>
    %add3A_6 = arith.addi %add3A_5, %iota3A : vector<16xi32>
    %add3A_7 = arith.constant 32 : i32
    %add3A_8 = vector.broadcast %add3A_7 : i32 to vector<16xi32>
    %add3A_9 = arith.addi %add3A_8, %iota3A : vector<16xi32>
    %add3A_10 = arith.constant 48 : i32
    %add3A_11 = vector.broadcast %add3A_10 : i32 to vector<16xi32>
    %add3A_12 = arith.addi %add3A_11, %iota3A : vector<16xi32>
    %mul3A_13 = arith.constant 100 : i32
    %mul3A_14 = arith.muli %add3A, %mul3A_13 : i32
    %min3A = arith.constant 0 : i32
    %min3A_15 = arith.constant 99 : i32
    %min3A_16 = arith.minsi %min3A, %min3A_15 : i32
    %add3A_17 = arith.addi %mul3A_14, %min3A_16 : i32
    %jit3A = arith.constant 64 : i32
    %div3A = arith.divsi %add3A_17, %jit3A : i32
    %sign3A = arith.constant 0 : i32
    %sign3A_18 = arith.cmpi sgt, %add3A_17, %sign3A : i32
    %sign3A_19 = arith.extui %sign3A_18 : i1 to i32
    %sign3A_20 = arith.constant 0 : i32
    %sign3A_21 = arith.cmpi slt, %add3A_17, %sign3A_20 : i32
    %sign3A_22 = arith.extui %sign3A_21 : i1 to i32
    %sign3A_23 = arith.subi %sign3A_19, %sign3A_22 : i32
    %sign3A_24 = arith.constant 0 : i32
    %sign3A_25 = arith.cmpi sgt, %jit3A, %sign3A_24 : i32
    %sign3A_26 = arith.extui %sign3A_25 : i1 to i32
    %sign3A_27 = arith.constant 0 : i32
    %sign3A_28 = arith.cmpi slt, %jit3A, %sign3A_27 : i32
    %sign3A_29 = arith.extui %sign3A_28 : i1 to i32
    %sign3A_30 = arith.subi %sign3A_26, %sign3A_29 : i32
    %ne3A = arith.cmpi ne, %sign3A_23, %sign3A_30 : i32
    %rem3A = arith.remsi %add3A_17, %jit3A : i32
    %ne3A_31 = arith.constant 0 : i32
    %ne3A_32 = arith.cmpi ne, %rem3A, %ne3A_31 : i32
    %and3A = arith.andi %ne3A, %ne3A_32 : i1
    %sub3A = arith.constant 1 : i32
    %sub3A_33 = arith.subi %div3A, %sub3A : i32
    %select_n3A = arith.select %and3A, %sub3A_33, %div3A : i32
    %jit3A_34 = arith.constant 64 : i32
    %eq3A = arith.constant 0 : i32
    %eq3A_35 = arith.cmpi eq, %jit3A_34, %eq3A : i32
    %jit3A_36 = arith.constant 1 : i32
    %select_n3A_37 = arith.select %eq3A_35, %jit3A_36, %jit3A_34 : i32
    %rem3A_38 = arith.remsi %add3A_17, %select_n3A_37 : i32
    %ne3A_39 = arith.constant 0 : i32
    %ne3A_40 = arith.cmpi ne, %rem3A_38, %ne3A_39 : i32
    %lt3A = arith.constant 0 : i32
    %lt3A_41 = arith.cmpi slt, %rem3A_38, %lt3A : i32
    %lt3A_42 = arith.constant 0 : i32
    %lt3A_43 = arith.cmpi slt, %select_n3A_37, %lt3A_42 : i32
    %ne3A_44 = arith.xori %lt3A_41, %lt3A_43 : i1
    %and3A_45 = arith.andi %ne3A_44, %ne3A_40 : i1
    %add3A_46 = arith.addi %rem3A_38, %select_n3A_37 : i32
    %select_n3A_47 = arith.select %and3A_45, %add3A_46, %rem3A_38 : i32
    %mul3A_48 = arith.constant 16384 : i32
    %mul3A_49 = arith.muli %select_n3A, %mul3A_48 : i32
    %mul3A_50 = arith.constant 256 : i32
    %mul3A_51 = arith.muli %select_n3A_47, %mul3A_50 : i32
    %add3A_52 = arith.addi %mul3A_49, %mul3A_51 : i32
    %mul3A_53 = arith.constant 8 : i32
    %mul3A_54 = arith.muli %select_n3A, %mul3A_53 : i32
    %mul3A_55 = arith.constant 128 : i32
    %mul3A_56 = arith.muli %mul3A_54, %mul3A_55 : i32
    %mul3A_57 = arith.constant 2 : i32
    %mul3A_58 = arith.muli %select_n3A_47, %mul3A_57 : i32
    %add3A_59 = arith.addi %mul3A_56, %mul3A_58 : i32
    %mul3A_60 = arith.constant 8 : i32
    %mul3A_61 = arith.muli %add3A_59, %mul3A_60 : i32
    %dma_start3A = arith.constant 0 : i32
    %dma_start3A_62 = arith.constant 0 : i32
    %dma_start3A_63 = tpu.memref_slice %arg6[%dma_start3A, %dma_start3A_62] : memref<2x256xi32, #tpu.memory_space<vmem>> -> memref<1x256xi32, #tpu.memory_space<vmem>>
    %dma_start3A_64 = tpu.memref_squeeze %dma_start3A_63 : memref<1x256xi32, #tpu.memory_space<vmem>> -> memref<256xi32, #tpu.memory_space<vmem>>
    %dma_start3A_65 = tpu.memref_slice %arg4[%add3A_52] : memref<819200xi32, #tpu.memory_space<hbm>> -> memref<256xi32, #tpu.memory_space<hbm>>
    %dma_start3A_66 = arith.constant 0 : i32
    %dma_start3A_67 = tpu.memref_slice %arg6[%dma_start3A, %dma_start3A_66] : memref<2x256xi32, #tpu.memory_space<vmem>> -> memref<1x256xi32, #tpu.memory_space<vmem>>
    %dma_start3A_68 = tpu.memref_squeeze %dma_start3A_67 : memref<1x256xi32, #tpu.memory_space<vmem>> -> memref<256xi32, #tpu.memory_space<vmem>>
    %dma_start3A_69 = tpu.memref_slice %arg4[%add3A_52] : memref<819200xi32, #tpu.memory_space<hbm>> -> memref<256xi32, #tpu.memory_space<hbm>>
    tpu.enqueue_dma source(%dma_start3A_69 : memref<256xi32, #tpu.memory_space<hbm>>) target(%dma_start3A_68 : memref<256xi32, #tpu.memory_space<vmem>>) target_semaphore(%arg11 : memref<!tpu.dma_semaphore, #tpu.memory_space<semaphore_mem>>)
    %min3A_70 = arith.constant 1 : i32
    %min3A_71 = arith.constant 99 : i32
    %min3A_72 = arith.minsi %min3A_70, %min3A_71 : i32
    %add3A_73 = arith.addi %mul3A_14, %min3A_72 : i32
    %jit3A_74 = arith.constant 64 : i32
    %div3A_75 = arith.divsi %add3A_73, %jit3A_74 : i32
    %sign3A_76 = arith.constant 0 : i32
    %sign3A_77 = arith.cmpi sgt, %add3A_73, %sign3A_76 : i32
    %sign3A_78 = arith.extui %sign3A_77 : i1 to i32
    %sign3A_79 = arith.constant 0 : i32
    %sign3A_80 = arith.cmpi slt, %add3A_73, %sign3A_79 : i32
    %sign3A_81 = arith.extui %sign3A_80 : i1 to i32
    %sign3A_82 = arith.subi %sign3A_78, %sign3A_81 : i32
    %sign3A_83 = arith.constant 0 : i32
    %sign3A_84 = arith.cmpi sgt, %jit3A_74, %sign3A_83 : i32
    %sign3A_85 = arith.extui %sign3A_84 : i1 to i32
    %sign3A_86 = arith.constant 0 : i32
    %sign3A_87 = arith.cmpi slt, %jit3A_74, %sign3A_86 : i32
    %sign3A_88 = arith.extui %sign3A_87 : i1 to i32
    %sign3A_89 = arith.subi %sign3A_85, %sign3A_88 : i32
    %ne3A_90 = arith.cmpi ne, %sign3A_82, %sign3A_89 : i32
    %rem3A_91 = arith.remsi %add3A_73, %jit3A_74 : i32
    %ne3A_92 = arith.constant 0 : i32
    %ne3A_93 = arith.cmpi ne, %rem3A_91, %ne3A_92 : i32
    %and3A_94 = arith.andi %ne3A_90, %ne3A_93 : i1
    %sub3A_95 = arith.constant 1 : i32
    %sub3A_96 = arith.subi %div3A_75, %sub3A_95 : i32
    %select_n3A_97 = arith.select %and3A_94, %sub3A_96, %div3A_75 : i32
    %jit3A_98 = arith.constant 64 : i32
    %eq3A_99 = arith.constant 0 : i32
    %eq3A_100 = arith.cmpi eq, %jit3A_98, %eq3A_99 : i32
    %jit3A_101 = arith.constant 1 : i32
    %select_n3A_102 = arith.select %eq3A_100, %jit3A_101, %jit3A_98 : i32
    %rem3A_103 = arith.remsi %add3A_73, %select_n3A_102 : i32
    %ne3A_104 = arith.constant 0 : i32
    %ne3A_105 = arith.cmpi ne, %rem3A_103, %ne3A_104 : i32
    %lt3A_106 = arith.constant 0 : i32
    %lt3A_107 = arith.cmpi slt, %rem3A_103, %lt3A_106 : i32
    %lt3A_108 = arith.constant 0 : i32
    %lt3A_109 = arith.cmpi slt, %select_n3A_102, %lt3A_108 : i32
    %ne3A_110 = arith.xori %lt3A_107, %lt3A_109 : i1
    %and3A_111 = arith.andi %ne3A_110, %ne3A_105 : i1
    %add3A_112 = arith.addi %rem3A_103, %select_n3A_102 : i32
    %select_n3A_113 = arith.select %and3A_111, %add3A_112, %rem3A_103 : i32
    %mul3A_114 = arith.constant 16384 : i32
    %mul3A_115 = arith.muli %select_n3A_97, %mul3A_114 : i32
    %mul3A_116 = arith.constant 256 : i32
    %mul3A_117 = arith.muli %select_n3A_113, %mul3A_116 : i32
    %add3A_118 = arith.addi %mul3A_115, %mul3A_117 : i32
    %mul3A_119 = arith.constant 8 : i32
    %mul3A_120 = arith.muli %select_n3A_97, %mul3A_119 : i32
    %mul3A_121 = arith.constant 128 : i32
    %mul3A_122 = arith.muli %mul3A_120, %mul3A_121 : i32
    %mul3A_123 = arith.constant 2 : i32
    %mul3A_124 = arith.muli %select_n3A_113, %mul3A_123 : i32
    %add3A_125 = arith.addi %mul3A_122, %mul3A_124 : i32
    %mul3A_126 = arith.constant 8 : i32
    %mul3A_127 = arith.muli %add3A_125, %mul3A_126 : i32
    %dma_start3A_128 = arith.constant 1 : i32
    %dma_start3A_129 = arith.constant 0 : i32
    %dma_start3A_130 = tpu.memref_slice %arg6[%dma_start3A_128, %dma_start3A_129] : memref<2x256xi32, #tpu.memory_space<vmem>> -> memref<1x256xi32, #tpu.memory_space<vmem>>
    %dma_start3A_131 = tpu.memref_squeeze %dma_start3A_130 : memref<1x256xi32, #tpu.memory_space<vmem>> -> memref<256xi32, #tpu.memory_space<vmem>>
    %dma_start3A_132 = tpu.memref_slice %arg4[%add3A_118] : memref<819200xi32, #tpu.memory_space<hbm>> -> memref<256xi32, #tpu.memory_space<hbm>>
    %dma_start3A_133 = arith.constant 0 : i32
    %dma_start3A_134 = tpu.memref_slice %arg6[%dma_start3A_128, %dma_start3A_133] : memref<2x256xi32, #tpu.memory_space<vmem>> -> memref<1x256xi32, #tpu.memory_space<vmem>>
    %dma_start3A_135 = tpu.memref_squeeze %dma_start3A_134 : memref<1x256xi32, #tpu.memory_space<vmem>> -> memref<256xi32, #tpu.memory_space<vmem>>
    %dma_start3A_136 = tpu.memref_slice %arg4[%add3A_118] : memref<819200xi32, #tpu.memory_space<hbm>> -> memref<256xi32, #tpu.memory_space<hbm>>
    tpu.enqueue_dma source(%dma_start3A_136 : memref<256xi32, #tpu.memory_space<hbm>>) target(%dma_start3A_135 : memref<256xi32, #tpu.memory_space<vmem>>) target_semaphore(%arg12 : memref<!tpu.dma_semaphore, #tpu.memory_space<semaphore_mem>>)
    %min3A_137 = arith.constant 0 : i32
    %min3A_138 = arith.constant 99 : i32
    %min3A_139 = arith.minsi %min3A_137, %min3A_138 : i32
    %add3A_140 = arith.addi %mul3A_14, %min3A_139 : i32
    %jit3A_141 = arith.constant 64 : i32
    %div3A_142 = arith.divsi %add3A_140, %jit3A_141 : i32
    %sign3A_143 = arith.constant 0 : i32
    %sign3A_144 = arith.cmpi sgt, %add3A_140, %sign3A_143 : i32
    %sign3A_145 = arith.extui %sign3A_144 : i1 to i32
    %sign3A_146 = arith.constant 0 : i32
    %sign3A_147 = arith.cmpi slt, %add3A_140, %sign3A_146 : i32
    %sign3A_148 = arith.extui %sign3A_147 : i1 to i32
    %sign3A_149 = arith.subi %sign3A_145, %sign3A_148 : i32
    %sign3A_150 = arith.constant 0 : i32
    %sign3A_151 = arith.cmpi sgt, %jit3A_141, %sign3A_150 : i32
    %sign3A_152 = arith.extui %sign3A_151 : i1 to i32
    %sign3A_153 = arith.constant 0 : i32
    %sign3A_154 = arith.cmpi slt, %jit3A_141, %sign3A_153 : i32
    %sign3A_155 = arith.extui %sign3A_154 : i1 to i32
    %sign3A_156 = arith.subi %sign3A_152, %sign3A_155 : i32
    %ne3A_157 = arith.cmpi ne, %sign3A_149, %sign3A_156 : i32
    %rem3A_158 = arith.remsi %add3A_140, %jit3A_141 : i32
    %ne3A_159 = arith.constant 0 : i32
    %ne3A_160 = arith.cmpi ne, %rem3A_158, %ne3A_159 : i32
    %and3A_161 = arith.andi %ne3A_157, %ne3A_160 : i1
    %sub3A_162 = arith.constant 1 : i32
    %sub3A_163 = arith.subi %div3A_142, %sub3A_162 : i32
    %select_n3A_164 = arith.select %and3A_161, %sub3A_163, %div3A_142 : i32
    %jit3A_165 = arith.constant 64 : i32
    %eq3A_166 = arith.constant 0 : i32
    %eq3A_167 = arith.cmpi eq, %jit3A_165, %eq3A_166 : i32
    %jit3A_168 = arith.constant 1 : i32
    %select_n3A_169 = arith.select %eq3A_167, %jit3A_168, %jit3A_165 : i32
    %rem3A_170 = arith.remsi %add3A_140, %select_n3A_169 : i32
    %ne3A_171 = arith.constant 0 : i32
    %ne3A_172 = arith.cmpi ne, %rem3A_170, %ne3A_171 : i32
    %lt3A_173 = arith.constant 0 : i32
    %lt3A_174 = arith.cmpi slt, %rem3A_170, %lt3A_173 : i32
    %lt3A_175 = arith.constant 0 : i32
    %lt3A_176 = arith.cmpi slt, %select_n3A_169, %lt3A_175 : i32
    %ne3A_177 = arith.xori %lt3A_174, %lt3A_176 : i1
    %and3A_178 = arith.andi %ne3A_177, %ne3A_172 : i1
    %add3A_179 = arith.addi %rem3A_170, %select_n3A_169 : i32
    %select_n3A_180 = arith.select %and3A_178, %add3A_179, %rem3A_170 : i32
    %mul3A_181 = arith.constant 16384 : i32
    %mul3A_182 = arith.muli %select_n3A_164, %mul3A_181 : i32
    %mul3A_183 = arith.constant 256 : i32
    %mul3A_184 = arith.muli %select_n3A_180, %mul3A_183 : i32
    %add3A_185 = arith.addi %mul3A_182, %mul3A_184 : i32
    %mul3A_186 = arith.constant 8 : i32
    %mul3A_187 = arith.muli %select_n3A_164, %mul3A_186 : i32
    %mul3A_188 = arith.constant 128 : i32
    %mul3A_189 = arith.muli %mul3A_187, %mul3A_188 : i32
    %mul3A_190 = arith.constant 2 : i32
    %mul3A_191 = arith.muli %select_n3A_180, %mul3A_190 : i32
    %add3A_192 = arith.addi %mul3A_189, %mul3A_191 : i32
    %mul3A_193 = arith.constant 8 : i32
    %mul3A_194 = arith.muli %add3A_192, %mul3A_193 : i32
    %dma_wait3A = arith.constant 0 : i32
    %dma_wait3A_195 = arith.constant 0 : i32
    %dma_wait3A_196 = tpu.memref_slice %arg6[%dma_wait3A, %dma_wait3A_195] : memref<2x256xi32, #tpu.memory_space<vmem>> -> memref<1x256xi32, #tpu.memory_space<vmem>>
    %dma_wait3A_197 = tpu.memref_squeeze %dma_wait3A_196 : memref<1x256xi32, #tpu.memory_space<vmem>> -> memref<256xi32, #tpu.memory_space<vmem>>
    %dma_wait3A_198 = tpu.memref_slice %arg4[%add3A_185] : memref<819200xi32, #tpu.memory_space<hbm>> -> memref<256xi32, #tpu.memory_space<hbm>>
    %dma_wait3A_199 = arith.constant 0 : i32
    %dma_wait3A_200 = tpu.memref_slice %arg6[%dma_wait3A, %dma_wait3A_199] : memref<2x256xi32, #tpu.memory_space<vmem>> -> memref<1x256xi32, #tpu.memory_space<vmem>>
    %dma_wait3A_201 = tpu.memref_squeeze %dma_wait3A_200 : memref<1x256xi32, #tpu.memory_space<vmem>> -> memref<256xi32, #tpu.memory_space<vmem>>
    %dma_wait3A_202 = tpu.memref_slice %arg4[%add3A_185] : memref<819200xi32, #tpu.memory_space<hbm>> -> memref<256xi32, #tpu.memory_space<hbm>>
    tpu.wait_dma2 semaphore(%arg11 : memref<!tpu.dma_semaphore, #tpu.memory_space<semaphore_mem>>) src(%dma_wait3A_202 : memref<256xi32, #tpu.memory_space<hbm>>) dst(%dma_wait3A_201 : memref<256xi32, #tpu.memory_space<vmem>>)
    %parallel_loop3A = arith.constant 0 : i32
    %parallel_loop3A_203 = arith.constant 16 : i32
    %parallel_loop3A_204 = arith.constant 1 : i32
    %parallel_loop3A_205 = arith.constant 0 : i32
    %parallel_loop3A_206 = arith.constant 0 : i32
    %parallel_loop3A_207 = arith.constant false
    %parallel_loop3A_208 = scf.for %parallel_loop3A_1197 = %parallel_loop3A to %parallel_loop3A_203 step %parallel_loop3A_204 iter_args(%parallel_loop3A_1198 = %parallel_loop3A_207) -> (i1)  : i32 {
      %parallel_loop3A_1199 = arith.constant 16 : i32
      %parallel_loop3A_1200 = arith.muli %parallel_loop3A_1197, %parallel_loop3A_1199 : i32
      %parallel_loop3A_1201 = arith.constant 0 : i32
      %parallel_loop3A_1202 = tpu.memref_slice %arg6[%parallel_loop3A_205, %parallel_loop3A_1201] : memref<2x256xi32, #tpu.memory_space<vmem>> -> memref<1x256xi32, #tpu.memory_space<vmem>>
      %parallel_loop3A_1203 = tpu.memref_squeeze %parallel_loop3A_1202 : memref<1x256xi32, #tpu.memory_space<vmem>> -> memref<256xi32, #tpu.memory_space<vmem>>
      %parallel_loop3A_1204 = arith.index_cast %parallel_loop3A_1200 : i32 to index
      %parallel_loop3A_1205 = tpu.vector_load %parallel_loop3A_1203[%parallel_loop3A_1204] {strides = array<i32>} : memref<256xi32, #tpu.memory_space<vmem>>, vector<16xi32>,
      %parallel_loop3A_1206 = arith.constant 100000 : i32
      %parallel_loop3A_1207 = vector.broadcast %parallel_loop3A_1206 : i32 to vector<16xi32>
      %parallel_loop3A_1208 = arith.cmpi sge, %parallel_loop3A_1205, %parallel_loop3A_1207 : vector<16xi32>
      %parallel_loop3A_1209 = arith.constant 99999 : i32
      %parallel_loop3A_1210 = vector.broadcast %parallel_loop3A_1209 : i32 to vector<16xi32>
      %parallel_loop3A_1211 = arith.select %parallel_loop3A_1208, %parallel_loop3A_1210, %parallel_loop3A_1205 : vector<16xi1>, vector<16xi32>
      %parallel_loop3A_1212 = arith.constant 16 : i32
      %parallel_loop3A_1213 = arith.muli %parallel_loop3A_1197, %parallel_loop3A_1212 : i32
      %parallel_loop3A_1214 = arith.constant 0 : i32
      %parallel_loop3A_1215 = tpu.memref_slice %arg7[%parallel_loop3A_206, %parallel_loop3A_1214] : memref<2x256xi32, #tpu.memory_space<vmem>> -> memref<1x256xi32, #tpu.memory_space<vmem>>
      %parallel_loop3A_1216 = tpu.memref_squeeze %parallel_loop3A_1215 : memref<1x256xi32, #tpu.memory_space<vmem>> -> memref<256xi32, #tpu.memory_space<vmem>>
      %parallel_loop3A_1217 = arith.index_cast %parallel_loop3A_1213 : i32 to index
      %parallel_loop3A_1218 = tpu.vector_load %parallel_loop3A_1216[%parallel_loop3A_1217] {strides = array<i32>} : memref<256xi32, #tpu.memory_space<vmem>>, vector<16xi32>,
      tpu.vector_store %parallel_loop3A_1216[%parallel_loop3A_1217], %parallel_loop3A_1211 {strides = array<i32>} : memref<256xi32, #tpu.memory_space<vmem>>, vector<16xi32>,
      %parallel_loop3A_1219 = arith.constant 1.000000e+00 : f32
      %parallel_loop3A_1220 = arith.constant 0.000000e+00 : f32
      %parallel_loop3A_1221 = vector.broadcast %parallel_loop3A_1219 : f32 to vector<16xf32>
      %parallel_loop3A_1222 = vector.broadcast %parallel_loop3A_1220 : f32 to vector<16xf32>
      %parallel_loop3A_1223 = arith.select %parallel_loop3A_1208, %parallel_loop3A_1221, %parallel_loop3A_1222 : vector<16xi1>, vector<16xf32>
      %parallel_loop3A_1224 = arith.constant true
      %parallel_loop3A_1225 = vector.broadcast %parallel_loop3A_1224 : i1 to vector<16xi1>
      %parallel_loop3A_1226 = tpu.scan <max>, %parallel_loop3A_1223 masked %parallel_loop3A_1225 : vector<16xf32>, vector<16xi1> -> vector<16xf32>
      %parallel_loop3A_1227 = vector.extract %parallel_loop3A_1226[15] : f32 from vector<16xf32>
      %parallel_loop3A_1228 = arith.constant 0.000000e+00 : f32
      %parallel_loop3A_1229 = arith.cmpf ogt, %parallel_loop3A_1227, %parallel_loop3A_1228 : f32
      %parallel_loop3A_1230 = arith.ori %parallel_loop3A_1198, %parallel_loop3A_1229 : i1
      scf.yield %parallel_loop3A_1230 : i1
    } {sc.loop_unroll_factor = 4 : i64, sc.parallel_access}
    %dma_start3A_209 = arith.constant 0 : i32
    %dma_start3A_210 = arith.constant 0 : i32
    %dma_start3A_211 = arith.constant 0 : i32
    %dma_start3A_212 = arith.constant 0 : i32
    %dma_start3A_213 = tpu.memref_slice %arg8[%dma_start3A_210, %dma_start3A_211, %dma_start3A_212] : memref<2x256x64xf32, #tpu.memory_space<vmem>> -> memref<1x256x64xf32, #tpu.memory_space<vmem>>
    %dma_start3A_214 = tpu.memref_squeeze %dma_start3A_213 : memref<1x256x64xf32, #tpu.memory_space<vmem>> -> memref<256x64xf32, #tpu.memory_space<vmem>>
    %dma_start3A_215 = arith.constant 0 : i32
    %dma_start3A_216 = arith.constant 0 : i32
    %dma_start3A_217 = tpu.memref_slice %dma_start3A_214[%dma_start3A_215, %dma_start3A_216] : memref<256x64xf32, #tpu.memory_space<vmem>> -> memref<128x64xf32, #tpu.memory_space<vmem>>
    %dma_start3A_218 = arith.constant 0 : i32
    %dma_start3A_219 = tpu.memref_slice %arg7[%dma_start3A_209, %dma_start3A_218] : memref<2x256xi32, #tpu.memory_space<vmem>> -> memref<1x256xi32, #tpu.memory_space<vmem>>
    %dma_start3A_220 = tpu.memref_squeeze %dma_start3A_219 : memref<1x256xi32, #tpu.memory_space<vmem>> -> memref<256xi32, #tpu.memory_space<vmem>>
    %dma_start3A_221 = arith.constant 0 : i32
    %dma_start3A_222 = tpu.memref_slice %dma_start3A_220[%dma_start3A_221] : memref<256xi32, #tpu.memory_space<vmem>> -> memref<128xi32, #tpu.memory_space<vmem>>
    %dma_start3A_223 = arith.constant 0 : i32
    %dma_start3A_224 = arith.constant 0 : i32
    %dma_start3A_225 = tpu.memref_slice %arg2[%dma_start3A_223, %dma_start3A_224] : memref<100000x64xf32, #tpu.memory_space<hbm>> -> memref<100000x64xf32, #tpu.memory_space<hbm>>
    tpu.enqueue_indirect_dma source(%dma_start3A_225 : memref<100000x64xf32, #tpu.memory_space<hbm>>) target(%dma_start3A_217 : memref<128x64xf32, #tpu.memory_space<vmem>>) offsets(%dma_start3A_222 : memref<128xi32, #tpu.memory_space<vmem>>) semaphore(%arg13 : memref<!tpu.dma_semaphore, #tpu.memory_space<semaphore_mem>>)
    %dma_start3A_226 = arith.constant 0 : i32
    %dma_start3A_227 = arith.constant 0 : i32
    %dma_start3A_228 = arith.constant 0 : i32
    %dma_start3A_229 = arith.constant 0 : i32
    %dma_start3A_230 = tpu.memref_slice %arg8[%dma_start3A_227, %dma_start3A_228, %dma_start3A_229] : memref<2x256x64xf32, #tpu.memory_space<vmem>> -> memref<1x256x64xf32, #tpu.memory_space<vmem>>
    %dma_start3A_231 = tpu.memref_squeeze %dma_start3A_230 : memref<1x256x64xf32, #tpu.memory_space<vmem>> -> memref<256x64xf32, #tpu.memory_space<vmem>>
    %dma_start3A_232 = arith.constant 128 : i32
    %dma_start3A_233 = arith.constant 0 : i32
    %dma_start3A_234 = tpu.memref_slice %dma_start3A_231[%dma_start3A_232, %dma_start3A_233] : memref<256x64xf32, #tpu.memory_space<vmem>> -> memref<128x64xf32, #tpu.memory_space<vmem>>
    %dma_start3A_235 = arith.constant 0 : i32
    %dma_start3A_236 = tpu.memref_slice %arg7[%dma_start3A_226, %dma_start3A_235] : memref<2x256xi32, #tpu.memory_space<vmem>> -> memref<1x256xi32, #tpu.memory_space<vmem>>
    %dma_start3A_237 = tpu.memref_squeeze %dma_start3A_236 : memref<1x256xi32, #tpu.memory_space<vmem>> -> memref<256xi32, #tpu.memory_space<vmem>>
    %dma_start3A_238 = arith.constant 128 : i32
    %dma_start3A_239 = tpu.memref_slice %dma_start3A_237[%dma_start3A_238] : memref<256xi32, #tpu.memory_space<vmem>> -> memref<128xi32, #tpu.memory_space<vmem>>
    %dma_start3A_240 = arith.constant 0 : i32
    %dma_start3A_241 = arith.constant 0 : i32
    %dma_start3A_242 = tpu.memref_slice %arg2[%dma_start3A_240, %dma_start3A_241] : memref<100000x64xf32, #tpu.memory_space<hbm>> -> memref<100000x64xf32, #tpu.memory_space<hbm>>
    tpu.enqueue_indirect_dma source(%dma_start3A_242 : memref<100000x64xf32, #tpu.memory_space<hbm>>) target(%dma_start3A_234 : memref<128x64xf32, #tpu.memory_space<vmem>>) offsets(%dma_start3A_239 : memref<128xi32, #tpu.memory_space<vmem>>) semaphore(%arg13 : memref<!tpu.dma_semaphore, #tpu.memory_space<semaphore_mem>>)
    %scan3A = arith.constant 0 : i32
    %scan3A_243 = arith.constant 50 : i32
    %scan3A_244 = arith.addi %scan3A, %scan3A_243 : i32
    %scan3A_245 = arith.constant 1 : i32
    %scan3A_246 = scf.for %scan3A_1197 = %scan3A to %scan3A_244 step %scan3A_245 iter_args(%scan3A_1198 = %parallel_loop3A_208) -> (i1)  : i32 {
      %mul3A_1199 = arith.constant 2 : i32
      %mul3A_1200 = arith.muli %scan3A_1197, %mul3A_1199 : i32
      %lt3A_1201 = arith.constant 1 : i32
      %lt3A_1202 = arith.cmpi slt, %scan3A_1197, %lt3A_1201 : i32
      %dma_wait3A_1203 = arith.constant 0 : i32
      %dma_wait3A_1204 = arith.constant 0 : i32
      %dma_wait3A_1205 = arith.constant 0 : i32
      %dma_wait3A_1206 = arith.constant 0 : i32
      %dma_wait3A_1207 = tpu.memref_slice %arg8[%dma_wait3A_1204, %dma_wait3A_1205, %dma_wait3A_1206] : memref<2x256x64xf32, #tpu.memory_space<vmem>> -> memref<1x256x64xf32, #tpu.memory_space<vmem>>
      %dma_wait3A_1208 = tpu.memref_squeeze %dma_wait3A_1207 : memref<1x256x64xf32, #tpu.memory_space<vmem>> -> memref<256x64xf32, #tpu.memory_space<vmem>>
      %dma_wait3A_1209 = arith.constant 0 : i32
      %dma_wait3A_1210 = arith.constant 0 : i32
      %dma_wait3A_1211 = tpu.memref_slice %dma_wait3A_1208[%dma_wait3A_1209, %dma_wait3A_1210] : memref<256x64xf32, #tpu.memory_space<vmem>> -> memref<128x64xf32, #tpu.memory_space<vmem>>
      %dma_wait3A_1212 = arith.constant 0 : i32
      %dma_wait3A_1213 = tpu.memref_slice %arg7[%dma_wait3A_1203, %dma_wait3A_1212] : memref<2x256xi32, #tpu.memory_space<vmem>> -> memref<1x256xi32, #tpu.memory_space<vmem>>
      %dma_wait3A_1214 = tpu.memref_squeeze %dma_wait3A_1213 : memref<1x256xi32, #tpu.memory_space<vmem>> -> memref<256xi32, #tpu.memory_space<vmem>>
      %dma_wait3A_1215 = arith.constant 0 : i32
      %dma_wait3A_1216 = tpu.memref_slice %dma_wait3A_1214[%dma_wait3A_1215] : memref<256xi32, #tpu.memory_space<vmem>> -> memref<128xi32, #tpu.memory_space<vmem>>
      %dma_wait3A_1217 = arith.constant 0 : i32
      %dma_wait3A_1218 = arith.constant 0 : i32
      %dma_wait3A_1219 = tpu.memref_slice %arg2[%dma_wait3A_1217, %dma_wait3A_1218] : memref<100000x64xf32, #tpu.memory_space<hbm>> -> memref<100000x64xf32, #tpu.memory_space<hbm>>
      tpu.wait_indirect_dma semaphore(%arg13 : memref<!tpu.dma_semaphore, #tpu.memory_space<semaphore_mem>>) src(%dma_wait3A_1219 : memref<100000x64xf32, #tpu.memory_space<hbm>>) dst(%dma_wait3A_1211 : memref<128x64xf32, #tpu.memory_space<vmem>>)
      %dma_wait3A_1220 = arith.constant 0 : i32
      %dma_wait3A_1221 = arith.constant 0 : i32
      %dma_wait3A_1222 = arith.constant 0 : i32
      %dma_wait3A_1223 = arith.constant 0 : i32
      %dma_wait3A_1224 = tpu.memref_slice %arg8[%dma_wait3A_1221, %dma_wait3A_1222, %dma_wait3A_1223] : memref<2x256x64xf32, #tpu.memory_space<vmem>> -> memref<1x256x64xf32, #tpu.memory_space<vmem>>
      %dma_wait3A_1225 = tpu.memref_squeeze %dma_wait3A_1224 : memref<1x256x64xf32, #tpu.memory_space<vmem>> -> memref<256x64xf32, #tpu.memory_space<vmem>>
      %dma_wait3A_1226 = arith.constant 128 : i32
      %dma_wait3A_1227 = arith.constant 0 : i32
      %dma_wait3A_1228 = tpu.memref_slice %dma_wait3A_1225[%dma_wait3A_1226, %dma_wait3A_1227] : memref<256x64xf32, #tpu.memory_space<vmem>> -> memref<128x64xf32, #tpu.memory_space<vmem>>
      %dma_wait3A_1229 = arith.constant 0 : i32
      %dma_wait3A_1230 = tpu.memref_slice %arg7[%dma_wait3A_1220, %dma_wait3A_1229] : memref<2x256xi32, #tpu.memory_space<vmem>> -> memref<1x256xi32, #tpu.memory_space<vmem>>
      %dma_wait3A_1231 = tpu.memref_squeeze %dma_wait3A_1230 : memref<1x256xi32, #tpu.memory_space<vmem>> -> memref<256xi32, #tpu.memory_space<vmem>>
      %dma_wait3A_1232 = arith.constant 128 : i32
      %dma_wait3A_1233 = tpu.memref_slice %dma_wait3A_1231[%dma_wait3A_1232] : memref<256xi32, #tpu.memory_space<vmem>> -> memref<128xi32, #tpu.memory_space<vmem>>
      %dma_wait3A_1234 = arith.constant 0 : i32
      %dma_wait3A_1235 = arith.constant 0 : i32
      %dma_wait3A_1236 = tpu.memref_slice %arg2[%dma_wait3A_1234, %dma_wait3A_1235] : memref<100000x64xf32, #tpu.memory_space<hbm>> -> memref<100000x64xf32, #tpu.memory_space<hbm>>
      tpu.wait_indirect_dma semaphore(%arg13 : memref<!tpu.dma_semaphore, #tpu.memory_space<semaphore_mem>>) src(%dma_wait3A_1236 : memref<100000x64xf32, #tpu.memory_space<hbm>>) dst(%dma_wait3A_1228 : memref<128x64xf32, #tpu.memory_space<vmem>>)
      %convert_element_type3A = arith.extui %scan3A_1198 : i1 to i32
      %cond3A = arith.constant 0 : i32
      %cond3A_1237 = arith.constant 0 : i32
      %cond3A_1238 = arith.constant 0 : i32
      %cond3A_1239 = arith.cmpi ne, %convert_element_type3A, %cond3A_1238 : i32
      scf.if %cond3A_1239 {
        %scan3A_2506 = arith.constant 0 : i32
        %scan3A_2507 = arith.constant 0 : i32
        %scan3A_2508 = arith.constant 16 : i32
        %scan3A_2509 = arith.addi %scan3A_2507, %scan3A_2508 : i32
        %scan3A_2510 = arith.constant 1 : i32
        scf.for %scan3A_2512 = %scan3A_2507 to %scan3A_2509 step %scan3A_2510  : i32 {
          %mul3A_2513 = arith.constant 16 : i32
          %mul3A_2514 = arith.muli %scan3A_2512, %mul3A_2513 : i32
          %get3A = arith.constant 0 : i32
          %get3A_2515 = tpu.memref_slice %arg6[%cond3A, %get3A] : memref<2x256xi32, #tpu.memory_space<vmem>> -> memref<1x256xi32, #tpu.memory_space<vmem>>
          %get3A_2516 = tpu.memref_squeeze %get3A_2515 : memref<1x256xi32, #tpu.memory_space<vmem>> -> memref<256xi32, #tpu.memory_space<vmem>>
          %get3A_2517 = arith.index_cast %mul3A_2514 : i32 to index
          %get3A_2518 = tpu.vector_load %get3A_2516[%get3A_2517] {strides = array<i32>} : memref<256xi32, #tpu.memory_space<vmem>>, vector<16xi32>,
          %ge3A = arith.constant 100000 : i32
          %ge3A_2519 = vector.broadcast %ge3A : i32 to vector<16xi32>
          %ge3A_2520 = arith.cmpi sge, %get3A_2518, %ge3A_2519 : vector<16xi32>
          %reduce_or3A = arith.constant 1.000000e+00 : f32
          %reduce_or3A_2521 = arith.constant 0.000000e+00 : f32
          %reduce_or3A_2522 = vector.broadcast %reduce_or3A : f32 to vector<16xf32>
          %reduce_or3A_2523 = vector.broadcast %reduce_or3A_2521 : f32 to vector<16xf32>
          %reduce_or3A_2524 = arith.select %ge3A_2520, %reduce_or3A_2522, %reduce_or3A_2523 : vector<16xi1>, vector<16xf32>
          %reduce_or3A_2525 = arith.constant true
          %reduce_or3A_2526 = vector.broadcast %reduce_or3A_2525 : i1 to vector<16xi1>
          %reduce_or3A_2527 = tpu.scan <max>, %reduce_or3A_2524 masked %reduce_or3A_2526 : vector<16xf32>, vector<16xi1> -> vector<16xf32>
          %reduce_or3A_2528 = vector.extract %reduce_or3A_2527[15] : f32 from vector<16xf32>
          %reduce_or3A_2529 = arith.constant 0.000000e+00 : f32
          %reduce_or3A_2530 = arith.cmpf ogt, %reduce_or3A_2528, %reduce_or3A_2529 : f32
          %convert_element_type3A_2531 = arith.extui %reduce_or3A_2530 : i1 to i32
          %cond3A_2532 = arith.constant 0 : i32
          %cond3A_2533 = arith.cmpi ne, %convert_element_type3A_2531, %cond3A_2532 : i32
          scf.if %cond3A_2533 {
            %sub3A_2534 = arith.constant 100000 : i32
            %sub3A_2535 = vector.broadcast %sub3A_2534 : i32 to vector<16xi32>
            %sub3A_2536 = arith.subi %get3A_2518, %sub3A_2535 : vector<16xi32>
            %jit3A_2537 = arith.constant 0 : i32
            %broadcast_in_dim3A = vector.broadcast %jit3A_2537 : i32 to vector<16xi32>
            %select_n3A_2538 = arith.select %ge3A_2520, %sub3A_2536, %broadcast_in_dim3A : vector<16xi1>, vector<16xi32>
            %mul3A_2539 = arith.constant 16 : i32
            %mul3A_2540 = arith.muli %scan3A_2512, %mul3A_2539 : i32
            %add3A_2541 = vector.broadcast %mul3A_2540 : i32 to vector<16xi32>
            %add3A_2542 = arith.addi %add3A_2541, %iota3A : vector<16xi32>
            %scan3A_2543 = arith.constant 0 : i32
            %scan3A_2544 = arith.constant 0 : i32
            %scan3A_2545 = arith.constant 64 : i32
            %scan3A_2546 = arith.addi %scan3A_2544, %scan3A_2545 : i32
            %scan3A_2547 = arith.constant 1 : i32
            scf.for %scan3A_2549 = %scan3A_2544 to %scan3A_2546 step %scan3A_2547  : i32 {
              %broadcast_in_dim3A_2550 = vector.broadcast %scan3A_2549 : i32 to vector<16xi32>
              %gather3A = tpu.vector_load_idx %arg10[%select_n3A_2538, %broadcast_in_dim3A_2550] masked %ge3A_2520 : memref<100x64xf32, #tpu.memory_space<vmem>>[vector<16xi32>, vector<16xi32>], vector<16xf32>, vector<16xi1>
              %scatter3A = arith.constant 0 : i32
              %scatter3A_2551 = arith.constant 0 : i32
              %scatter3A_2552 = tpu.memref_slice %arg8[%cond3A_1237, %scatter3A, %scatter3A_2551] : memref<2x256x64xf32, #tpu.memory_space<vmem>> -> memref<1x256x64xf32, #tpu.memory_space<vmem>>
              %scatter3A_2553 = tpu.memref_squeeze %scatter3A_2552 : memref<1x256x64xf32, #tpu.memory_space<vmem>> -> memref<256x64xf32, #tpu.memory_space<vmem>>
              tpu.vector_store_idx %scatter3A_2553[%add3A_2542, %broadcast_in_dim3A_2550], %gather3A masked %ge3A_2520 : memref<256x64xf32, #tpu.memory_space<vmem>>[vector<16xi32>, vector<16xi32>], vector<16xf32>, vector<16xi1>
            }
            %scan3A_2548 = arith.constant 64 : i32
          } else {
          }
        }
        %scan3A_2511 = arith.constant 16 : i32
      } else {
      }
      %add3A_1240 = arith.constant 2 : i32
      %add3A_1241 = arith.addi %mul3A_1200, %add3A_1240 : i32
      %min3A_1242 = arith.constant 99 : i32
      %min3A_1243 = arith.minsi %add3A_1241, %min3A_1242 : i32
      %add3A_1244 = arith.addi %mul3A_14, %min3A_1243 : i32
      %jit3A_1245 = arith.constant 64 : i32
      %div3A_1246 = arith.divsi %add3A_1244, %jit3A_1245 : i32
      %sign3A_1247 = arith.constant 0 : i32
      %sign3A_1248 = arith.cmpi sgt, %add3A_1244, %sign3A_1247 : i32
      %sign3A_1249 = arith.extui %sign3A_1248 : i1 to i32
      %sign3A_1250 = arith.constant 0 : i32
      %sign3A_1251 = arith.cmpi slt, %add3A_1244, %sign3A_1250 : i32
      %sign3A_1252 = arith.extui %sign3A_1251 : i1 to i32
      %sign3A_1253 = arith.subi %sign3A_1249, %sign3A_1252 : i32
      %sign3A_1254 = arith.constant 0 : i32
      %sign3A_1255 = arith.cmpi sgt, %jit3A_1245, %sign3A_1254 : i32
      %sign3A_1256 = arith.extui %sign3A_1255 : i1 to i32
      %sign3A_1257 = arith.constant 0 : i32
      %sign3A_1258 = arith.cmpi slt, %jit3A_1245, %sign3A_1257 : i32
      %sign3A_1259 = arith.extui %sign3A_1258 : i1 to i32
      %sign3A_1260 = arith.subi %sign3A_1256, %sign3A_1259 : i32
      %ne3A_1261 = arith.cmpi ne, %sign3A_1253, %sign3A_1260 : i32
      %rem3A_1262 = arith.remsi %add3A_1244, %jit3A_1245 : i32
      %ne3A_1263 = arith.constant 0 : i32
      %ne3A_1264 = arith.cmpi ne, %rem3A_1262, %ne3A_1263 : i32
      %and3A_1265 = arith.andi %ne3A_1261, %ne3A_1264 : i1
      %sub3A_1266 = arith.constant 1 : i32
      %sub3A_1267 = arith.subi %div3A_1246, %sub3A_1266 : i32
      %select_n3A_1268 = arith.select %and3A_1265, %sub3A_1267, %div3A_1246 : i32
      %jit3A_1269 = arith.constant 64 : i32
      %eq3A_1270 = arith.constant 0 : i32
      %eq3A_1271 = arith.cmpi eq, %jit3A_1269, %eq3A_1270 : i32
      %jit3A_1272 = arith.constant 1 : i32
      %select_n3A_1273 = arith.select %eq3A_1271, %jit3A_1272, %jit3A_1269 : i32
      %rem3A_1274 = arith.remsi %add3A_1244, %select_n3A_1273 : i32
      %ne3A_1275 = arith.constant 0 : i32
      %ne3A_1276 = arith.cmpi ne, %rem3A_1274, %ne3A_1275 : i32
      %lt3A_1277 = arith.constant 0 : i32
      %lt3A_1278 = arith.cmpi slt, %rem3A_1274, %lt3A_1277 : i32
      %lt3A_1279 = arith.constant 0 : i32
      %lt3A_1280 = arith.cmpi slt, %select_n3A_1273, %lt3A_1279 : i32
      %ne3A_1281 = arith.xori %lt3A_1278, %lt3A_1280 : i1
      %and3A_1282 = arith.andi %ne3A_1281, %ne3A_1276 : i1
      %add3A_1283 = arith.addi %rem3A_1274, %select_n3A_1273 : i32
      %select_n3A_1284 = arith.select %and3A_1282, %add3A_1283, %rem3A_1274 : i32
      %mul3A_1285 = arith.constant 16384 : i32
      %mul3A_1286 = arith.muli %select_n3A_1268, %mul3A_1285 : i32
      %mul3A_1287 = arith.constant 256 : i32
      %mul3A_1288 = arith.muli %select_n3A_1284, %mul3A_1287 : i32
      %add3A_1289 = arith.addi %mul3A_1286, %mul3A_1288 : i32
      %mul3A_1290 = arith.constant 8 : i32
      %mul3A_1291 = arith.muli %select_n3A_1268, %mul3A_1290 : i32
      %mul3A_1292 = arith.constant 128 : i32
      %mul3A_1293 = arith.muli %mul3A_1291, %mul3A_1292 : i32
      %mul3A_1294 = arith.constant 2 : i32
      %mul3A_1295 = arith.muli %select_n3A_1284, %mul3A_1294 : i32
      %add3A_1296 = arith.addi %mul3A_1293, %mul3A_1295 : i32
      %mul3A_1297 = arith.constant 8 : i32
      %mul3A_1298 = arith.muli %add3A_1296, %mul3A_1297 : i32
      %dma_start3A_1299 = arith.constant 0 : i32
      %dma_start3A_1300 = arith.constant 0 : i32
      %dma_start3A_1301 = tpu.memref_slice %arg6[%dma_start3A_1299, %dma_start3A_1300] : memref<2x256xi32, #tpu.memory_space<vmem>> -> memref<1x256xi32, #tpu.memory_space<vmem>>
      %dma_start3A_1302 = tpu.memref_squeeze %dma_start3A_1301 : memref<1x256xi32, #tpu.memory_space<vmem>> -> memref<256xi32, #tpu.memory_space<vmem>>
      %dma_start3A_1303 = tpu.memref_slice %arg4[%add3A_1289] : memref<819200xi32, #tpu.memory_space<hbm>> -> memref<256xi32, #tpu.memory_space<hbm>>
      %dma_start3A_1304 = arith.constant 0 : i32
      %dma_start3A_1305 = tpu.memref_slice %arg6[%dma_start3A_1299, %dma_start3A_1304] : memref<2x256xi32, #tpu.memory_space<vmem>> -> memref<1x256xi32, #tpu.memory_space<vmem>>
      %dma_start3A_1306 = tpu.memref_squeeze %dma_start3A_1305 : memref<1x256xi32, #tpu.memory_space<vmem>> -> memref<256xi32, #tpu.memory_space<vmem>>
      %dma_start3A_1307 = tpu.memref_slice %arg4[%add3A_1289] : memref<819200xi32, #tpu.memory_space<hbm>> -> memref<256xi32, #tpu.memory_space<hbm>>
      tpu.enqueue_dma source(%dma_start3A_1307 : memref<256xi32, #tpu.memory_space<hbm>>) target(%dma_start3A_1306 : memref<256xi32, #tpu.memory_space<vmem>>) target_semaphore(%arg11 : memref<!tpu.dma_semaphore, #tpu.memory_space<semaphore_mem>>)
      %add3A_1308 = arith.constant 1 : i32
      %add3A_1309 = arith.addi %mul3A_1200, %add3A_1308 : i32
      %min3A_1310 = arith.constant 99 : i32
      %min3A_1311 = arith.minsi %add3A_1309, %min3A_1310 : i32
      %add3A_1312 = arith.addi %mul3A_14, %min3A_1311 : i32
      %jit3A_1313 = arith.constant 64 : i32
      %div3A_1314 = arith.divsi %add3A_1312, %jit3A_1313 : i32
      %sign3A_1315 = arith.constant 0 : i32
      %sign3A_1316 = arith.cmpi sgt, %add3A_1312, %sign3A_1315 : i32
      %sign3A_1317 = arith.extui %sign3A_1316 : i1 to i32
      %sign3A_1318 = arith.constant 0 : i32
      %sign3A_1319 = arith.cmpi slt, %add3A_1312, %sign3A_1318 : i32
      %sign3A_1320 = arith.extui %sign3A_1319 : i1 to i32
      %sign3A_1321 = arith.subi %sign3A_1317, %sign3A_1320 : i32
      %sign3A_1322 = arith.constant 0 : i32
      %sign3A_1323 = arith.cmpi sgt, %jit3A_1313, %sign3A_1322 : i32
      %sign3A_1324 = arith.extui %sign3A_1323 : i1 to i32
      %sign3A_1325 = arith.constant 0 : i32
      %sign3A_1326 = arith.cmpi slt, %jit3A_1313, %sign3A_1325 : i32
      %sign3A_1327 = arith.extui %sign3A_1326 : i1 to i32
      %sign3A_1328 = arith.subi %sign3A_1324, %sign3A_1327 : i32
      %ne3A_1329 = arith.cmpi ne, %sign3A_1321, %sign3A_1328 : i32
      %rem3A_1330 = arith.remsi %add3A_1312, %jit3A_1313 : i32
      %ne3A_1331 = arith.constant 0 : i32
      %ne3A_1332 = arith.cmpi ne, %rem3A_1330, %ne3A_1331 : i32
      %and3A_1333 = arith.andi %ne3A_1329, %ne3A_1332 : i1
      %sub3A_1334 = arith.constant 1 : i32
      %sub3A_1335 = arith.subi %div3A_1314, %sub3A_1334 : i32
      %select_n3A_1336 = arith.select %and3A_1333, %sub3A_1335, %div3A_1314 : i32
      %jit3A_1337 = arith.constant 64 : i32
      %eq3A_1338 = arith.constant 0 : i32
      %eq3A_1339 = arith.cmpi eq, %jit3A_1337, %eq3A_1338 : i32
      %jit3A_1340 = arith.constant 1 : i32
      %select_n3A_1341 = arith.select %eq3A_1339, %jit3A_1340, %jit3A_1337 : i32
      %rem3A_1342 = arith.remsi %add3A_1312, %select_n3A_1341 : i32
      %ne3A_1343 = arith.constant 0 : i32
      %ne3A_1344 = arith.cmpi ne, %rem3A_1342, %ne3A_1343 : i32
      %lt3A_1345 = arith.constant 0 : i32
      %lt3A_1346 = arith.cmpi slt, %rem3A_1342, %lt3A_1345 : i32
      %lt3A_1347 = arith.constant 0 : i32
      %lt3A_1348 = arith.cmpi slt, %select_n3A_1341, %lt3A_1347 : i32
      %ne3A_1349 = arith.xori %lt3A_1346, %lt3A_1348 : i1
      %and3A_1350 = arith.andi %ne3A_1349, %ne3A_1344 : i1
      %add3A_1351 = arith.addi %rem3A_1342, %select_n3A_1341 : i32
      %select_n3A_1352 = arith.select %and3A_1350, %add3A_1351, %rem3A_1342 : i32
      %mul3A_1353 = arith.constant 16384 : i32
      %mul3A_1354 = arith.muli %select_n3A_1336, %mul3A_1353 : i32
      %mul3A_1355 = arith.constant 256 : i32
      %mul3A_1356 = arith.muli %select_n3A_1352, %mul3A_1355 : i32
      %add3A_1357 = arith.addi %mul3A_1354, %mul3A_1356 : i32
      %mul3A_1358 = arith.constant 8 : i32
      %mul3A_1359 = arith.muli %select_n3A_1336, %mul3A_1358 : i32
      %mul3A_1360 = arith.constant 128 : i32
      %mul3A_1361 = arith.muli %mul3A_1359, %mul3A_1360 : i32
      %mul3A_1362 = arith.constant 2 : i32
      %mul3A_1363 = arith.muli %select_n3A_1352, %mul3A_1362 : i32
      %add3A_1364 = arith.addi %mul3A_1361, %mul3A_1363 : i32
      %mul3A_1365 = arith.constant 8 : i32
      %mul3A_1366 = arith.muli %add3A_1364, %mul3A_1365 : i32
      %dma_wait3A_1367 = arith.constant 1 : i32
      %dma_wait3A_1368 = arith.constant 0 : i32
      %dma_wait3A_1369 = tpu.memref_slice %arg6[%dma_wait3A_1367, %dma_wait3A_1368] : memref<2x256xi32, #tpu.memory_space<vmem>> -> memref<1x256xi32, #tpu.memory_space<vmem>>
      %dma_wait3A_1370 = tpu.memref_squeeze %dma_wait3A_1369 : memref<1x256xi32, #tpu.memory_space<vmem>> -> memref<256xi32, #tpu.memory_space<vmem>>
      %dma_wait3A_1371 = tpu.memref_slice %arg4[%add3A_1357] : memref<819200xi32, #tpu.memory_space<hbm>> -> memref<256xi32, #tpu.memory_space<hbm>>
      %dma_wait3A_1372 = arith.constant 0 : i32
      %dma_wait3A_1373 = tpu.memref_slice %arg6[%dma_wait3A_1367, %dma_wait3A_1372] : memref<2x256xi32, #tpu.memory_space<vmem>> -> memref<1x256xi32, #tpu.memory_space<vmem>>
      %dma_wait3A_1374 = tpu.memref_squeeze %dma_wait3A_1373 : memref<1x256xi32, #tpu.memory_space<vmem>> -> memref<256xi32, #tpu.memory_space<vmem>>
      %dma_wait3A_1375 = tpu.memref_slice %arg4[%add3A_1357] : memref<819200xi32, #tpu.memory_space<hbm>> -> memref<256xi32, #tpu.memory_space<hbm>>
      tpu.wait_dma2 semaphore(%arg12 : memref<!tpu.dma_semaphore, #tpu.memory_space<semaphore_mem>>) src(%dma_wait3A_1375 : memref<256xi32, #tpu.memory_space<hbm>>) dst(%dma_wait3A_1374 : memref<256xi32, #tpu.memory_space<vmem>>)
      %parallel_loop3A_1376 = arith.constant 0 : i32
      %parallel_loop3A_1377 = arith.constant 16 : i32
      %parallel_loop3A_1378 = arith.constant 1 : i32
      %parallel_loop3A_1379 = arith.constant 1 : i32
      %parallel_loop3A_1380 = arith.constant 1 : i32
      %parallel_loop3A_1381 = arith.constant false
      %parallel_loop3A_1382 = scf.for %parallel_loop3A_2506 = %parallel_loop3A_1376 to %parallel_loop3A_1377 step %parallel_loop3A_1378 iter_args(%parallel_loop3A_2507 = %parallel_loop3A_1381) -> (i1)  : i32 {
        %parallel_loop3A_2508 = arith.constant 16 : i32
        %parallel_loop3A_2509 = arith.muli %parallel_loop3A_2506, %parallel_loop3A_2508 : i32
        %parallel_loop3A_2510 = arith.constant 0 : i32
        %parallel_loop3A_2511 = tpu.memref_slice %arg6[%parallel_loop3A_1379, %parallel_loop3A_2510] : memref<2x256xi32, #tpu.memory_space<vmem>> -> memref<1x256xi32, #tpu.memory_space<vmem>>
        %parallel_loop3A_2512 = tpu.memref_squeeze %parallel_loop3A_2511 : memref<1x256xi32, #tpu.memory_space<vmem>> -> memref<256xi32, #tpu.memory_space<vmem>>
        %parallel_loop3A_2513 = arith.index_cast %parallel_loop3A_2509 : i32 to index
        %parallel_loop3A_2514 = tpu.vector_load %parallel_loop3A_2512[%parallel_loop3A_2513] {strides = array<i32>} : memref<256xi32, #tpu.memory_space<vmem>>, vector<16xi32>,
        %parallel_loop3A_2515 = arith.constant 100000 : i32
        %parallel_loop3A_2516 = vector.broadcast %parallel_loop3A_2515 : i32 to vector<16xi32>
        %parallel_loop3A_2517 = arith.cmpi sge, %parallel_loop3A_2514, %parallel_loop3A_2516 : vector<16xi32>
        %parallel_loop3A_2518 = arith.constant 99999 : i32
        %parallel_loop3A_2519 = vector.broadcast %parallel_loop3A_2518 : i32 to vector<16xi32>
        %parallel_loop3A_2520 = arith.select %parallel_loop3A_2517, %parallel_loop3A_2519, %parallel_loop3A_2514 : vector<16xi1>, vector<16xi32>
        %parallel_loop3A_2521 = arith.constant 16 : i32
        %parallel_loop3A_2522 = arith.muli %parallel_loop3A_2506, %parallel_loop3A_2521 : i32
        %parallel_loop3A_2523 = arith.constant 0 : i32
        %parallel_loop3A_2524 = tpu.memref_slice %arg7[%parallel_loop3A_1380, %parallel_loop3A_2523] : memref<2x256xi32, #tpu.memory_space<vmem>> -> memref<1x256xi32, #tpu.memory_space<vmem>>
        %parallel_loop3A_2525 = tpu.memref_squeeze %parallel_loop3A_2524 : memref<1x256xi32, #tpu.memory_space<vmem>> -> memref<256xi32, #tpu.memory_space<vmem>>
        %parallel_loop3A_2526 = arith.index_cast %parallel_loop3A_2522 : i32 to index
        %parallel_loop3A_2527 = tpu.vector_load %parallel_loop3A_2525[%parallel_loop3A_2526] {strides = array<i32>} : memref<256xi32, #tpu.memory_space<vmem>>, vector<16xi32>,
        tpu.vector_store %parallel_loop3A_2525[%parallel_loop3A_2526], %parallel_loop3A_2520 {strides = array<i32>} : memref<256xi32, #tpu.memory_space<vmem>>, vector<16xi32>,
        %parallel_loop3A_2528 = arith.constant 1.000000e+00 : f32
        %parallel_loop3A_2529 = arith.constant 0.000000e+00 : f32
        %parallel_loop3A_2530 = vector.broadcast %parallel_loop3A_2528 : f32 to vector<16xf32>
        %parallel_loop3A_2531 = vector.broadcast %parallel_loop3A_2529 : f32 to vector<16xf32>
        %parallel_loop3A_2532 = arith.select %parallel_loop3A_2517, %parallel_loop3A_2530, %parallel_loop3A_2531 : vector<16xi1>, vector<16xf32>
        %parallel_loop3A_2533 = arith.constant true
        %parallel_loop3A_2534 = vector.broadcast %parallel_loop3A_2533 : i1 to vector<16xi1>
        %parallel_loop3A_2535 = tpu.scan <max>, %parallel_loop3A_2532 masked %parallel_loop3A_2534 : vector<16xf32>, vector<16xi1> -> vector<16xf32>
        %parallel_loop3A_2536 = vector.extract %parallel_loop3A_2535[15] : f32 from vector<16xf32>
        %parallel_loop3A_2537 = arith.constant 0.000000e+00 : f32
        %parallel_loop3A_2538 = arith.cmpf ogt, %parallel_loop3A_2536, %parallel_loop3A_2537 : f32
        %parallel_loop3A_2539 = arith.ori %parallel_loop3A_2507, %parallel_loop3A_2538 : i1
        scf.yield %parallel_loop3A_2539 : i1
      } {sc.loop_unroll_factor = 4 : i64, sc.parallel_access}
      %add3A_1383 = arith.constant 1 : i32
      %add3A_1384 = arith.addi %mul3A_1200, %add3A_1383 : i32
      %dma_start3A_1385 = arith.constant 1 : i32
      %dma_start3A_1386 = arith.constant 1 : i32
      %dma_start3A_1387 = arith.constant 0 : i32
      %dma_start3A_1388 = arith.constant 0 : i32
      %dma_start3A_1389 = tpu.memref_slice %arg8[%dma_start3A_1386, %dma_start3A_1387, %dma_start3A_1388] : memref<2x256x64xf32, #tpu.memory_space<vmem>> -> memref<1x256x64xf32, #tpu.memory_space<vmem>>
      %dma_start3A_1390 = tpu.memref_squeeze %dma_start3A_1389 : memref<1x256x64xf32, #tpu.memory_space<vmem>> -> memref<256x64xf32, #tpu.memory_space<vmem>>
      %dma_start3A_1391 = arith.constant 0 : i32
      %dma_start3A_1392 = arith.constant 0 : i32
      %dma_start3A_1393 = tpu.memref_slice %dma_start3A_1390[%dma_start3A_1391, %dma_start3A_1392] : memref<256x64xf32, #tpu.memory_space<vmem>> -> memref<128x64xf32, #tpu.memory_space<vmem>>
      %dma_start3A_1394 = arith.constant 0 : i32
      %dma_start3A_1395 = tpu.memref_slice %arg7[%dma_start3A_1385, %dma_start3A_1394] : memref<2x256xi32, #tpu.memory_space<vmem>> -> memref<1x256xi32, #tpu.memory_space<vmem>>
      %dma_start3A_1396 = tpu.memref_squeeze %dma_start3A_1395 : memref<1x256xi32, #tpu.memory_space<vmem>> -> memref<256xi32, #tpu.memory_space<vmem>>
      %dma_start3A_1397 = arith.constant 0 : i32
      %dma_start3A_1398 = tpu.memref_slice %dma_start3A_1396[%dma_start3A_1397] : memref<256xi32, #tpu.memory_space<vmem>> -> memref<128xi32, #tpu.memory_space<vmem>>
      %dma_start3A_1399 = arith.constant 0 : i32
      %dma_start3A_1400 = arith.constant 0 : i32
      %dma_start3A_1401 = tpu.memref_slice %arg2[%dma_start3A_1399, %dma_start3A_1400] : memref<100000x64xf32, #tpu.memory_space<hbm>> -> memref<100000x64xf32, #tpu.memory_space<hbm>>
      tpu.enqueue_indirect_dma source(%dma_start3A_1401 : memref<100000x64xf32, #tpu.memory_space<hbm>>) target(%dma_start3A_1393 : memref<128x64xf32, #tpu.memory_space<vmem>>) offsets(%dma_start3A_1398 : memref<128xi32, #tpu.memory_space<vmem>>) semaphore(%arg14 : memref<!tpu.dma_semaphore, #tpu.memory_space<semaphore_mem>>)
      %dma_start3A_1402 = arith.constant 1 : i32
      %dma_start3A_1403 = arith.constant 1 : i32
      %dma_start3A_1404 = arith.constant 0 : i32
      %dma_start3A_1405 = arith.constant 0 : i32
      %dma_start3A_1406 = tpu.memref_slice %arg8[%dma_start3A_1403, %dma_start3A_1404, %dma_start3A_1405] : memref<2x256x64xf32, #tpu.memory_space<vmem>> -> memref<1x256x64xf32, #tpu.memory_space<vmem>>
      %dma_start3A_1407 = tpu.memref_squeeze %dma_start3A_1406 : memref<1x256x64xf32, #tpu.memory_space<vmem>> -> memref<256x64xf32, #tpu.memory_space<vmem>>
      %dma_start3A_1408 = arith.constant 128 : i32
      %dma_start3A_1409 = arith.constant 0 : i32
      %dma_start3A_1410 = tpu.memref_slice %dma_start3A_1407[%dma_start3A_1408, %dma_start3A_1409] : memref<256x64xf32, #tpu.memory_space<vmem>> -> memref<128x64xf32, #tpu.memory_space<vmem>>
      %dma_start3A_1411 = arith.constant 0 : i32
      %dma_start3A_1412 = tpu.memref_slice %arg7[%dma_start3A_1402, %dma_start3A_1411] : memref<2x256xi32, #tpu.memory_space<vmem>> -> memref<1x256xi32, #tpu.memory_space<vmem>>
      %dma_start3A_1413 = tpu.memref_squeeze %dma_start3A_1412 : memref<1x256xi32, #tpu.memory_space<vmem>> -> memref<256xi32, #tpu.memory_space<vmem>>
      %dma_start3A_1414 = arith.constant 128 : i32
      %dma_start3A_1415 = tpu.memref_slice %dma_start3A_1413[%dma_start3A_1414] : memref<256xi32, #tpu.memory_space<vmem>> -> memref<128xi32, #tpu.memory_space<vmem>>
      %dma_start3A_1416 = arith.constant 0 : i32
      %dma_start3A_1417 = arith.constant 0 : i32
      %dma_start3A_1418 = tpu.memref_slice %arg2[%dma_start3A_1416, %dma_start3A_1417] : memref<100000x64xf32, #tpu.memory_space<hbm>> -> memref<100000x64xf32, #tpu.memory_space<hbm>>
      tpu.enqueue_indirect_dma source(%dma_start3A_1418 : memref<100000x64xf32, #tpu.memory_space<hbm>>) target(%dma_start3A_1410 : memref<128x64xf32, #tpu.memory_space<vmem>>) offsets(%dma_start3A_1415 : memref<128xi32, #tpu.memory_space<vmem>>) semaphore(%arg14 : memref<!tpu.dma_semaphore, #tpu.memory_space<semaphore_mem>>)
      %add3A_1419 = arith.addi %mul3A_14, %mul3A_1200 : i32
      %jit3A_1420 = arith.constant 64 : i32
      %div3A_1421 = arith.divsi %add3A_1419, %jit3A_1420 : i32
      %sign3A_1422 = arith.constant 0 : i32
      %sign3A_1423 = arith.cmpi sgt, %add3A_1419, %sign3A_1422 : i32
      %sign3A_1424 = arith.extui %sign3A_1423 : i1 to i32
      %sign3A_1425 = arith.constant 0 : i32
      %sign3A_1426 = arith.cmpi slt, %add3A_1419, %sign3A_1425 : i32
      %sign3A_1427 = arith.extui %sign3A_1426 : i1 to i32
      %sign3A_1428 = arith.subi %sign3A_1424, %sign3A_1427 : i32
      %sign3A_1429 = arith.constant 0 : i32
      %sign3A_1430 = arith.cmpi sgt, %jit3A_1420, %sign3A_1429 : i32
      %sign3A_1431 = arith.extui %sign3A_1430 : i1 to i32
      %sign3A_1432 = arith.constant 0 : i32
      %sign3A_1433 = arith.cmpi slt, %jit3A_1420, %sign3A_1432 : i32
      %sign3A_1434 = arith.extui %sign3A_1433 : i1 to i32
      %sign3A_1435 = arith.subi %sign3A_1431, %sign3A_1434 : i32
      %ne3A_1436 = arith.cmpi ne, %sign3A_1428, %sign3A_1435 : i32
      %rem3A_1437 = arith.remsi %add3A_1419, %jit3A_1420 : i32
      %ne3A_1438 = arith.constant 0 : i32
      %ne3A_1439 = arith.cmpi ne, %rem3A_1437, %ne3A_1438 : i32
      %and3A_1440 = arith.andi %ne3A_1436, %ne3A_1439 : i1
      %sub3A_1441 = arith.constant 1 : i32
      %sub3A_1442 = arith.subi %div3A_1421, %sub3A_1441 : i32
      %select_n3A_1443 = arith.select %and3A_1440, %sub3A_1442, %div3A_1421 : i32
      %jit3A_1444 = arith.constant 64 : i32
      %eq3A_1445 = arith.constant 0 : i32
      %eq3A_1446 = arith.cmpi eq, %jit3A_1444, %eq3A_1445 : i32
      %jit3A_1447 = arith.constant 1 : i32
      %select_n3A_1448 = arith.select %eq3A_1446, %jit3A_1447, %jit3A_1444 : i32
      %rem3A_1449 = arith.remsi %add3A_1419, %select_n3A_1448 : i32
      %ne3A_1450 = arith.constant 0 : i32
      %ne3A_1451 = arith.cmpi ne, %rem3A_1449, %ne3A_1450 : i32
      %lt3A_1452 = arith.constant 0 : i32
      %lt3A_1453 = arith.cmpi slt, %rem3A_1449, %lt3A_1452 : i32
      %lt3A_1454 = arith.constant 0 : i32
      %lt3A_1455 = arith.cmpi slt, %select_n3A_1448, %lt3A_1454 : i32
      %ne3A_1456 = arith.xori %lt3A_1453, %lt3A_1455 : i1
      %and3A_1457 = arith.andi %ne3A_1456, %ne3A_1451 : i1
      %add3A_1458 = arith.addi %rem3A_1449, %select_n3A_1448 : i32
      %select_n3A_1459 = arith.select %and3A_1457, %add3A_1458, %rem3A_1449 : i32
      %mul3A_1460 = arith.constant 16384 : i32
      %mul3A_1461 = arith.muli %select_n3A_1443, %mul3A_1460 : i32
      %mul3A_1462 = arith.constant 256 : i32
      %mul3A_1463 = arith.muli %select_n3A_1459, %mul3A_1462 : i32
      %add3A_1464 = arith.addi %mul3A_1461, %mul3A_1463 : i32
      %mul3A_1465 = arith.constant 8 : i32
      %mul3A_1466 = arith.muli %select_n3A_1443, %mul3A_1465 : i32
      %mul3A_1467 = arith.constant 128 : i32
      %mul3A_1468 = arith.muli %mul3A_1466, %mul3A_1467 : i32
      %mul3A_1469 = arith.constant 2 : i32
      %mul3A_1470 = arith.muli %select_n3A_1459, %mul3A_1469 : i32
      %add3A_1471 = arith.addi %mul3A_1468, %mul3A_1470 : i32
      %mul3A_1472 = arith.constant 8 : i32
      %mul3A_1473 = arith.muli %add3A_1471, %mul3A_1472 : i32
      %not3A = arith.constant true
      %not3A_1474 = arith.xori %lt3A_1202, %not3A : i1
      %convert_element_type3A_1475 = arith.extui %not3A_1474 : i1 to i32
      %cond3A_1476 = arith.constant 0 : i32
      %cond3A_1477 = arith.cmpi ne, %convert_element_type3A_1475, %cond3A_1476 : i32
      scf.if %cond3A_1477 {
        %add3A_2506 = arith.constant 0 : i32
        %add3A_2507 = arith.addi %mul3A_1473, %add3A_2506 : i32
        %add3A_2508 = arith.constant 0 : i32
        %add3A_2509 = arith.addi %add3A_2507, %add3A_2508 : i32
        %add3A_2510 = arith.constant 0 : i32
        %add3A_2511 = arith.addi %mul3A_1473, %add3A_2510 : i32
        %add3A_2512 = arith.constant 8 : i32
        %add3A_2513 = arith.addi %add3A_2511, %add3A_2512 : i32
        %add3A_2514 = arith.constant 1024 : i32
        %add3A_2515 = arith.addi %mul3A_1473, %add3A_2514 : i32
        %add3A_2516 = arith.constant 0 : i32
        %add3A_2517 = arith.addi %add3A_2515, %add3A_2516 : i32
        %add3A_2518 = arith.constant 1024 : i32
        %add3A_2519 = arith.addi %mul3A_1473, %add3A_2518 : i32
        %add3A_2520 = arith.constant 8 : i32
        %add3A_2521 = arith.addi %add3A_2519, %add3A_2520 : i32
        %add3A_2522 = arith.constant 2048 : i32
        %add3A_2523 = arith.addi %mul3A_1473, %add3A_2522 : i32
        %add3A_2524 = arith.constant 0 : i32
        %add3A_2525 = arith.addi %add3A_2523, %add3A_2524 : i32
        %add3A_2526 = arith.constant 2048 : i32
        %add3A_2527 = arith.addi %mul3A_1473, %add3A_2526 : i32
        %add3A_2528 = arith.constant 8 : i32
        %add3A_2529 = arith.addi %add3A_2527, %add3A_2528 : i32
        %add3A_2530 = arith.constant 3072 : i32
        %add3A_2531 = arith.addi %mul3A_1473, %add3A_2530 : i32
        %add3A_2532 = arith.constant 0 : i32
        %add3A_2533 = arith.addi %add3A_2531, %add3A_2532 : i32
        %add3A_2534 = arith.constant 3072 : i32
        %add3A_2535 = arith.addi %mul3A_1473, %add3A_2534 : i32
        %add3A_2536 = arith.constant 8 : i32
        %add3A_2537 = arith.addi %add3A_2535, %add3A_2536 : i32
        %add3A_2538 = arith.constant 4096 : i32
        %add3A_2539 = arith.addi %mul3A_1473, %add3A_2538 : i32
        %add3A_2540 = arith.constant 0 : i32
        %add3A_2541 = arith.addi %add3A_2539, %add3A_2540 : i32
        %add3A_2542 = arith.constant 4096 : i32
        %add3A_2543 = arith.addi %mul3A_1473, %add3A_2542 : i32
        %add3A_2544 = arith.constant 8 : i32
        %add3A_2545 = arith.addi %add3A_2543, %add3A_2544 : i32
        %add3A_2546 = arith.constant 5120 : i32
        %add3A_2547 = arith.addi %mul3A_1473, %add3A_2546 : i32
        %add3A_2548 = arith.constant 0 : i32
        %add3A_2549 = arith.addi %add3A_2547, %add3A_2548 : i32
        %add3A_2550 = arith.constant 5120 : i32
        %add3A_2551 = arith.addi %mul3A_1473, %add3A_2550 : i32
        %add3A_2552 = arith.constant 8 : i32
        %add3A_2553 = arith.addi %add3A_2551, %add3A_2552 : i32
        %add3A_2554 = arith.constant 6144 : i32
        %add3A_2555 = arith.addi %mul3A_1473, %add3A_2554 : i32
        %add3A_2556 = arith.constant 0 : i32
        %add3A_2557 = arith.addi %add3A_2555, %add3A_2556 : i32
        %add3A_2558 = arith.constant 6144 : i32
        %add3A_2559 = arith.addi %mul3A_1473, %add3A_2558 : i32
        %add3A_2560 = arith.constant 8 : i32
        %add3A_2561 = arith.addi %add3A_2559, %add3A_2560 : i32
        %add3A_2562 = arith.constant 7168 : i32
        %add3A_2563 = arith.addi %mul3A_1473, %add3A_2562 : i32
        %add3A_2564 = arith.constant 0 : i32
        %add3A_2565 = arith.addi %add3A_2563, %add3A_2564 : i32
        %add3A_2566 = arith.constant 7168 : i32
        %add3A_2567 = arith.addi %mul3A_1473, %add3A_2566 : i32
        %add3A_2568 = arith.constant 8 : i32
        %add3A_2569 = arith.addi %add3A_2567, %add3A_2568 : i32
        %dma_wait3A_2570 = arith.constant 0 : i32
        %dma_wait3A_2571 = arith.constant 0 : i32
        %dma_wait3A_2572 = arith.constant 0 : i32
        %dma_wait3A_2573 = tpu.memref_slice %arg9[%dma_wait3A_2570, %dma_wait3A_2571, %dma_wait3A_2572] : memref<2x128x129xf32, #tpu.memory_space<vmem>> -> memref<1x128x129xf32, #tpu.memory_space<vmem>>
        %dma_wait3A_2574 = tpu.memref_squeeze %dma_wait3A_2573 : memref<1x128x129xf32, #tpu.memory_space<vmem>> -> memref<128x129xf32, #tpu.memory_space<vmem>>
        %dma_wait3A_2575 = arith.constant 0 : i32
        %dma_wait3A_2576 = arith.constant 0 : i32
        %dma_wait3A_2577 = tpu.memref_slice %dma_wait3A_2574[%dma_wait3A_2575, %dma_wait3A_2576] : memref<128x129xf32, #tpu.memory_space<vmem>> -> memref<8x128xf32, #tpu.memory_space<vmem>>
        %dma_wait3A_2578 = arith.constant 0 : i32
        %dma_wait3A_2579 = tpu.memref_slice %arg5[%add3A_2509, %dma_wait3A_2578] : memref<409600x128xf32, #tpu.memory_space<hbm>> -> memref<8x128xf32, #tpu.memory_space<hbm>>
        %dma_wait3A_2580 = arith.constant 0 : i32
        %dma_wait3A_2581 = tpu.memref_slice %arg5[%add3A_2509, %dma_wait3A_2580] : memref<409600x128xf32, #tpu.memory_space<hbm>> -> memref<8x128xf32, #tpu.memory_space<hbm>>
        %dma_wait3A_2582 = arith.constant 0 : i32
        %dma_wait3A_2583 = arith.constant 0 : i32
        %dma_wait3A_2584 = tpu.memref_slice %arg9[%dma_wait3A_2570, %dma_wait3A_2582, %dma_wait3A_2583] : memref<2x128x129xf32, #tpu.memory_space<vmem>> -> memref<1x128x129xf32, #tpu.memory_space<vmem>>
        %dma_wait3A_2585 = tpu.memref_squeeze %dma_wait3A_2584 : memref<1x128x129xf32, #tpu.memory_space<vmem>> -> memref<128x129xf32, #tpu.memory_space<vmem>>
        %dma_wait3A_2586 = arith.constant 0 : i32
        %dma_wait3A_2587 = arith.constant 0 : i32
        %dma_wait3A_2588 = tpu.memref_slice %dma_wait3A_2585[%dma_wait3A_2586, %dma_wait3A_2587] : memref<128x129xf32, #tpu.memory_space<vmem>> -> memref<8x128xf32, #tpu.memory_space<vmem>>
        tpu.wait_dma2 semaphore(%arg15 : memref<!tpu.dma_semaphore, #tpu.memory_space<semaphore_mem>>) src(%dma_wait3A_2588 : memref<8x128xf32, #tpu.memory_space<vmem>>) dst(%dma_wait3A_2581 : memref<8x128xf32, #tpu.memory_space<hbm>>)
        %dma_wait3A_2589 = arith.constant 0 : i32
        %dma_wait3A_2590 = arith.constant 0 : i32
        %dma_wait3A_2591 = arith.constant 0 : i32
        %dma_wait3A_2592 = tpu.memref_slice %arg9[%dma_wait3A_2589, %dma_wait3A_2590, %dma_wait3A_2591] : memref<2x128x129xf32, #tpu.memory_space<vmem>> -> memref<1x128x129xf32, #tpu.memory_space<vmem>>
        %dma_wait3A_2593 = tpu.memref_squeeze %dma_wait3A_2592 : memref<1x128x129xf32, #tpu.memory_space<vmem>> -> memref<128x129xf32, #tpu.memory_space<vmem>>
        %dma_wait3A_2594 = arith.constant 64 : i32
        %dma_wait3A_2595 = arith.constant 0 : i32
        %dma_wait3A_2596 = tpu.memref_slice %dma_wait3A_2593[%dma_wait3A_2594, %dma_wait3A_2595] : memref<128x129xf32, #tpu.memory_space<vmem>> -> memref<8x128xf32, #tpu.memory_space<vmem>>
        %dma_wait3A_2597 = arith.constant 0 : i32
        %dma_wait3A_2598 = tpu.memref_slice %arg5[%add3A_2513, %dma_wait3A_2597] : memref<409600x128xf32, #tpu.memory_space<hbm>> -> memref<8x128xf32, #tpu.memory_space<hbm>>
        %dma_wait3A_2599 = arith.constant 0 : i32
        %dma_wait3A_2600 = tpu.memref_slice %arg5[%add3A_2513, %dma_wait3A_2599] : memref<409600x128xf32, #tpu.memory_space<hbm>> -> memref<8x128xf32, #tpu.memory_space<hbm>>
        %dma_wait3A_2601 = arith.constant 0 : i32
        %dma_wait3A_2602 = arith.constant 0 : i32
        %dma_wait3A_2603 = tpu.memref_slice %arg9[%dma_wait3A_2589, %dma_wait3A_2601, %dma_wait3A_2602] : memref<2x128x129xf32, #tpu.memory_space<vmem>> -> memref<1x128x129xf32, #tpu.memory_space<vmem>>
        %dma_wait3A_2604 = tpu.memref_squeeze %dma_wait3A_2603 : memref<1x128x129xf32, #tpu.memory_space<vmem>> -> memref<128x129xf32, #tpu.memory_space<vmem>>
        %dma_wait3A_2605 = arith.constant 64 : i32
        %dma_wait3A_2606 = arith.constant 0 : i32
        %dma_wait3A_2607 = tpu.memref_slice %dma_wait3A_2604[%dma_wait3A_2605, %dma_wait3A_2606] : memref<128x129xf32, #tpu.memory_space<vmem>> -> memref<8x128xf32, #tpu.memory_space<vmem>>
        tpu.wait_dma2 semaphore(%arg15 : memref<!tpu.dma_semaphore, #tpu.memory_space<semaphore_mem>>) src(%dma_wait3A_2607 : memref<8x128xf32, #tpu.memory_space<vmem>>) dst(%dma_wait3A_2600 : memref<8x128xf32, #tpu.memory_space<hbm>>)
        %dma_wait3A_2608 = arith.constant 0 : i32
        %dma_wait3A_2609 = arith.constant 0 : i32
        %dma_wait3A_2610 = arith.constant 0 : i32
        %dma_wait3A_2611 = tpu.memref_slice %arg9[%dma_wait3A_2608, %dma_wait3A_2609, %dma_wait3A_2610] : memref<2x128x129xf32, #tpu.memory_space<vmem>> -> memref<1x128x129xf32, #tpu.memory_space<vmem>>
        %dma_wait3A_2612 = tpu.memref_squeeze %dma_wait3A_2611 : memref<1x128x129xf32, #tpu.memory_space<vmem>> -> memref<128x129xf32, #tpu.memory_space<vmem>>
        %dma_wait3A_2613 = arith.constant 8 : i32
        %dma_wait3A_2614 = arith.constant 0 : i32
        %dma_wait3A_2615 = tpu.memref_slice %dma_wait3A_2612[%dma_wait3A_2613, %dma_wait3A_2614] : memref<128x129xf32, #tpu.memory_space<vmem>> -> memref<8x128xf32, #tpu.memory_space<vmem>>
        %dma_wait3A_2616 = arith.constant 0 : i32
        %dma_wait3A_2617 = tpu.memref_slice %arg5[%add3A_2517, %dma_wait3A_2616] : memref<409600x128xf32, #tpu.memory_space<hbm>> -> memref<8x128xf32, #tpu.memory_space<hbm>>
        %dma_wait3A_2618 = arith.constant 0 : i32
        %dma_wait3A_2619 = tpu.memref_slice %arg5[%add3A_2517, %dma_wait3A_2618] : memref<409600x128xf32, #tpu.memory_space<hbm>> -> memref<8x128xf32, #tpu.memory_space<hbm>>
        %dma_wait3A_2620 = arith.constant 0 : i32
        %dma_wait3A_2621 = arith.constant 0 : i32
        %dma_wait3A_2622 = tpu.memref_slice %arg9[%dma_wait3A_2608, %dma_wait3A_2620, %dma_wait3A_2621] : memref<2x128x129xf32, #tpu.memory_space<vmem>> -> memref<1x128x129xf32, #tpu.memory_space<vmem>>
        %dma_wait3A_2623 = tpu.memref_squeeze %dma_wait3A_2622 : memref<1x128x129xf32, #tpu.memory_space<vmem>> -> memref<128x129xf32, #tpu.memory_space<vmem>>
        %dma_wait3A_2624 = arith.constant 8 : i32
        %dma_wait3A_2625 = arith.constant 0 : i32
        %dma_wait3A_2626 = tpu.memref_slice %dma_wait3A_2623[%dma_wait3A_2624, %dma_wait3A_2625] : memref<128x129xf32, #tpu.memory_space<vmem>> -> memref<8x128xf32, #tpu.memory_space<vmem>>
        tpu.wait_dma2 semaphore(%arg15 : memref<!tpu.dma_semaphore, #tpu.memory_space<semaphore_mem>>) src(%dma_wait3A_2626 : memref<8x128xf32, #tpu.memory_space<vmem>>) dst(%dma_wait3A_2619 : memref<8x128xf32, #tpu.memory_space<hbm>>)
        %dma_wait3A_2627 = arith.constant 0 : i32
        %dma_wait3A_2628 = arith.constant 0 : i32
        %dma_wait3A_2629 = arith.constant 0 : i32
        %dma_wait3A_2630 = tpu.memref_slice %arg9[%dma_wait3A_2627, %dma_wait3A_2628, %dma_wait3A_2629] : memref<2x128x129xf32, #tpu.memory_space<vmem>> -> memref<1x128x129xf32, #tpu.memory_space<vmem>>
        %dma_wait3A_2631 = tpu.memref_squeeze %dma_wait3A_2630 : memref<1x128x129xf32, #tpu.memory_space<vmem>> -> memref<128x129xf32, #tpu.memory_space<vmem>>
        %dma_wait3A_2632 = arith.constant 72 : i32
        %dma_wait3A_2633 = arith.constant 0 : i32
        %dma_wait3A_2634 = tpu.memref_slice %dma_wait3A_2631[%dma_wait3A_2632, %dma_wait3A_2633] : memref<128x129xf32, #tpu.memory_space<vmem>> -> memref<8x128xf32, #tpu.memory_space<vmem>>
        %dma_wait3A_2635 = arith.constant 0 : i32
        %dma_wait3A_2636 = tpu.memref_slice %arg5[%add3A_2521, %dma_wait3A_2635] : memref<409600x128xf32, #tpu.memory_space<hbm>> -> memref<8x128xf32, #tpu.memory_space<hbm>>
        %dma_wait3A_2637 = arith.constant 0 : i32
        %dma_wait3A_2638 = tpu.memref_slice %arg5[%add3A_2521, %dma_wait3A_2637] : memref<409600x128xf32, #tpu.memory_space<hbm>> -> memref<8x128xf32, #tpu.memory_space<hbm>>
        %dma_wait3A_2639 = arith.constant 0 : i32
        %dma_wait3A_2640 = arith.constant 0 : i32
        %dma_wait3A_2641 = tpu.memref_slice %arg9[%dma_wait3A_2627, %dma_wait3A_2639, %dma_wait3A_2640] : memref<2x128x129xf32, #tpu.memory_space<vmem>> -> memref<1x128x129xf32, #tpu.memory_space<vmem>>
        %dma_wait3A_2642 = tpu.memref_squeeze %dma_wait3A_2641 : memref<1x128x129xf32, #tpu.memory_space<vmem>> -> memref<128x129xf32, #tpu.memory_space<vmem>>
        %dma_wait3A_2643 = arith.constant 72 : i32
        %dma_wait3A_2644 = arith.constant 0 : i32
        %dma_wait3A_2645 = tpu.memref_slice %dma_wait3A_2642[%dma_wait3A_2643, %dma_wait3A_2644] : memref<128x129xf32, #tpu.memory_space<vmem>> -> memref<8x128xf32, #tpu.memory_space<vmem>>
        tpu.wait_dma2 semaphore(%arg15 : memref<!tpu.dma_semaphore, #tpu.memory_space<semaphore_mem>>) src(%dma_wait3A_2645 : memref<8x128xf32, #tpu.memory_space<vmem>>) dst(%dma_wait3A_2638 : memref<8x128xf32, #tpu.memory_space<hbm>>)
        %dma_wait3A_2646 = arith.constant 0 : i32
        %dma_wait3A_2647 = arith.constant 0 : i32
        %dma_wait3A_2648 = arith.constant 0 : i32
        %dma_wait3A_2649 = tpu.memref_slice %arg9[%dma_wait3A_2646, %dma_wait3A_2647, %dma_wait3A_2648] : memref<2x128x129xf32, #tpu.memory_space<vmem>> -> memref<1x128x129xf32, #tpu.memory_space<vmem>>
        %dma_wait3A_2650 = tpu.memref_squeeze %dma_wait3A_2649 : memref<1x128x129xf32, #tpu.memory_space<vmem>> -> memref<128x129xf32, #tpu.memory_space<vmem>>
        %dma_wait3A_2651 = arith.constant 16 : i32
        %dma_wait3A_2652 = arith.constant 0 : i32
        %dma_wait3A_2653 = tpu.memref_slice %dma_wait3A_2650[%dma_wait3A_2651, %dma_wait3A_2652] : memref<128x129xf32, #tpu.memory_space<vmem>> -> memref<8x128xf32, #tpu.memory_space<vmem>>
        %dma_wait3A_2654 = arith.constant 0 : i32
        %dma_wait3A_2655 = tpu.memref_slice %arg5[%add3A_2525, %dma_wait3A_2654] : memref<409600x128xf32, #tpu.memory_space<hbm>> -> memref<8x128xf32, #tpu.memory_space<hbm>>
        %dma_wait3A_2656 = arith.constant 0 : i32
        %dma_wait3A_2657 = tpu.memref_slice %arg5[%add3A_2525, %dma_wait3A_2656] : memref<409600x128xf32, #tpu.memory_space<hbm>> -> memref<8x128xf32, #tpu.memory_space<hbm>>
        %dma_wait3A_2658 = arith.constant 0 : i32
        %dma_wait3A_2659 = arith.constant 0 : i32
        %dma_wait3A_2660 = tpu.memref_slice %arg9[%dma_wait3A_2646, %dma_wait3A_2658, %dma_wait3A_2659] : memref<2x128x129xf32, #tpu.memory_space<vmem>> -> memref<1x128x129xf32, #tpu.memory_space<vmem>>
        %dma_wait3A_2661 = tpu.memref_squeeze %dma_wait3A_2660 : memref<1x128x129xf32, #tpu.memory_space<vmem>> -> memref<128x129xf32, #tpu.memory_space<vmem>>
        %dma_wait3A_2662 = arith.constant 16 : i32
        %dma_wait3A_2663 = arith.constant 0 : i32
        %dma_wait3A_2664 = tpu.memref_slice %dma_wait3A_2661[%dma_wait3A_2662, %dma_wait3A_2663] : memref<128x129xf32, #tpu.memory_space<vmem>> -> memref<8x128xf32, #tpu.memory_space<vmem>>
        tpu.wait_dma2 semaphore(%arg15 : memref<!tpu.dma_semaphore, #tpu.memory_space<semaphore_mem>>) src(%dma_wait3A_2664 : memref<8x128xf32, #tpu.memory_space<vmem>>) dst(%dma_wait3A_2657 : memref<8x128xf32, #tpu.memory_space<hbm>>)
        %dma_wait3A_2665 = arith.constant 0 : i32
        %dma_wait3A_2666 = arith.constant 0 : i32
        %dma_wait3A_2667 = arith.constant 0 : i32
        %dma_wait3A_2668 = tpu.memref_slice %arg9[%dma_wait3A_2665, %dma_wait3A_2666, %dma_wait3A_2667] : memref<2x128x129xf32, #tpu.memory_space<vmem>> -> memref<1x128x129xf32, #tpu.memory_space<vmem>>
        %dma_wait3A_2669 = tpu.memref_squeeze %dma_wait3A_2668 : memref<1x128x129xf32, #tpu.memory_space<vmem>> -> memref<128x129xf32, #tpu.memory_space<vmem>>
        %dma_wait3A_2670 = arith.constant 80 : i32
        %dma_wait3A_2671 = arith.constant 0 : i32
        %dma_wait3A_2672 = tpu.memref_slice %dma_wait3A_2669[%dma_wait3A_2670, %dma_wait3A_2671] : memref<128x129xf32, #tpu.memory_space<vmem>> -> memref<8x128xf32, #tpu.memory_space<vmem>>
        %dma_wait3A_2673 = arith.constant 0 : i32
        %dma_wait3A_2674 = tpu.memref_slice %arg5[%add3A_2529, %dma_wait3A_2673] : memref<409600x128xf32, #tpu.memory_space<hbm>> -> memref<8x128xf32, #tpu.memory_space<hbm>>
        %dma_wait3A_2675 = arith.constant 0 : i32
        %dma_wait3A_2676 = tpu.memref_slice %arg5[%add3A_2529, %dma_wait3A_2675] : memref<409600x128xf32, #tpu.memory_space<hbm>> -> memref<8x128xf32, #tpu.memory_space<hbm>>
        %dma_wait3A_2677 = arith.constant 0 : i32
        %dma_wait3A_2678 = arith.constant 0 : i32
        %dma_wait3A_2679 = tpu.memref_slice %arg9[%dma_wait3A_2665, %dma_wait3A_2677, %dma_wait3A_2678] : memref<2x128x129xf32, #tpu.memory_space<vmem>> -> memref<1x128x129xf32, #tpu.memory_space<vmem>>
        %dma_wait3A_2680 = tpu.memref_squeeze %dma_wait3A_2679 : memref<1x128x129xf32, #tpu.memory_space<vmem>> -> memref<128x129xf32, #tpu.memory_space<vmem>>
        %dma_wait3A_2681 = arith.constant 80 : i32
        %dma_wait3A_2682 = arith.constant 0 : i32
        %dma_wait3A_2683 = tpu.memref_slice %dma_wait3A_2680[%dma_wait3A_2681, %dma_wait3A_2682] : memref<128x129xf32, #tpu.memory_space<vmem>> -> memref<8x128xf32, #tpu.memory_space<vmem>>
        tpu.wait_dma2 semaphore(%arg15 : memref<!tpu.dma_semaphore, #tpu.memory_space<semaphore_mem>>) src(%dma_wait3A_2683 : memref<8x128xf32, #tpu.memory_space<vmem>>) dst(%dma_wait3A_2676 : memref<8x128xf32, #tpu.memory_space<hbm>>)
        %dma_wait3A_2684 = arith.constant 0 : i32
        %dma_wait3A_2685 = arith.constant 0 : i32
        %dma_wait3A_2686 = arith.constant 0 : i32
        %dma_wait3A_2687 = tpu.memref_slice %arg9[%dma_wait3A_2684, %dma_wait3A_2685, %dma_wait3A_2686] : memref<2x128x129xf32, #tpu.memory_space<vmem>> -> memref<1x128x129xf32, #tpu.memory_space<vmem>>
        %dma_wait3A_2688 = tpu.memref_squeeze %dma_wait3A_2687 : memref<1x128x129xf32, #tpu.memory_space<vmem>> -> memref<128x129xf32, #tpu.memory_space<vmem>>
        %dma_wait3A_2689 = arith.constant 24 : i32
        %dma_wait3A_2690 = arith.constant 0 : i32
        %dma_wait3A_2691 = tpu.memref_slice %dma_wait3A_2688[%dma_wait3A_2689, %dma_wait3A_2690] : memref<128x129xf32, #tpu.memory_space<vmem>> -> memref<8x128xf32, #tpu.memory_space<vmem>>
        %dma_wait3A_2692 = arith.constant 0 : i32
        %dma_wait3A_2693 = tpu.memref_slice %arg5[%add3A_2533, %dma_wait3A_2692] : memref<409600x128xf32, #tpu.memory_space<hbm>> -> memref<8x128xf32, #tpu.memory_space<hbm>>
        %dma_wait3A_2694 = arith.constant 0 : i32
        %dma_wait3A_2695 = tpu.memref_slice %arg5[%add3A_2533, %dma_wait3A_2694] : memref<409600x128xf32, #tpu.memory_space<hbm>> -> memref<8x128xf32, #tpu.memory_space<hbm>>
        %dma_wait3A_2696 = arith.constant 0 : i32
        %dma_wait3A_2697 = arith.constant 0 : i32
        %dma_wait3A_2698 = tpu.memref_slice %arg9[%dma_wait3A_2684, %dma_wait3A_2696, %dma_wait3A_2697] : memref<2x128x129xf32, #tpu.memory_space<vmem>> -> memref<1x128x129xf32, #tpu.memory_space<vmem>>
        %dma_wait3A_2699 = tpu.memref_squeeze %dma_wait3A_2698 : memref<1x128x129xf32, #tpu.memory_space<vmem>> -> memref<128x129xf32, #tpu.memory_space<vmem>>
        %dma_wait3A_2700 = arith.constant 24 : i32
        %dma_wait3A_2701 = arith.constant 0 : i32
        %dma_wait3A_2702 = tpu.memref_slice %dma_wait3A_2699[%dma_wait3A_2700, %dma_wait3A_2701] : memref<128x129xf32, #tpu.memory_space<vmem>> -> memref<8x128xf32, #tpu.memory_space<vmem>>
        tpu.wait_dma2 semaphore(%arg15 : memref<!tpu.dma_semaphore, #tpu.memory_space<semaphore_mem>>) src(%dma_wait3A_2702 : memref<8x128xf32, #tpu.memory_space<vmem>>) dst(%dma_wait3A_2695 : memref<8x128xf32, #tpu.memory_space<hbm>>)
        %dma_wait3A_2703 = arith.constant 0 : i32
        %dma_wait3A_2704 = arith.constant 0 : i32
        %dma_wait3A_2705 = arith.constant 0 : i32
        %dma_wait3A_2706 = tpu.memref_slice %arg9[%dma_wait3A_2703, %dma_wait3A_2704, %dma_wait3A_2705] : memref<2x128x129xf32, #tpu.memory_space<vmem>> -> memref<1x128x129xf32, #tpu.memory_space<vmem>>
        %dma_wait3A_2707 = tpu.memref_squeeze %dma_wait3A_2706 : memref<1x128x129xf32, #tpu.memory_space<vmem>> -> memref<128x129xf32, #tpu.memory_space<vmem>>
        %dma_wait3A_2708 = arith.constant 88 : i32
        %dma_wait3A_2709 = arith.constant 0 : i32
        %dma_wait3A_2710 = tpu.memref_slice %dma_wait3A_2707[%dma_wait3A_2708, %dma_wait3A_2709] : memref<128x129xf32, #tpu.memory_space<vmem>> -> memref<8x128xf32, #tpu.memory_space<vmem>>
        %dma_wait3A_2711 = arith.constant 0 : i32
        %dma_wait3A_2712 = tpu.memref_slice %arg5[%add3A_2537, %dma_wait3A_2711] : memref<409600x128xf32, #tpu.memory_space<hbm>> -> memref<8x128xf32, #tpu.memory_space<hbm>>
        %dma_wait3A_2713 = arith.constant 0 : i32
        %dma_wait3A_2714 = tpu.memref_slice %arg5[%add3A_2537, %dma_wait3A_2713] : memref<409600x128xf32, #tpu.memory_space<hbm>> -> memref<8x128xf32, #tpu.memory_space<hbm>>
        %dma_wait3A_2715 = arith.constant 0 : i32
        %dma_wait3A_2716 = arith.constant 0 : i32
        %dma_wait3A_2717 = tpu.memref_slice %arg9[%dma_wait3A_2703, %dma_wait3A_2715, %dma_wait3A_2716] : memref<2x128x129xf32, #tpu.memory_space<vmem>> -> memref<1x128x129xf32, #tpu.memory_space<vmem>>
        %dma_wait3A_2718 = tpu.memref_squeeze %dma_wait3A_2717 : memref<1x128x129xf32, #tpu.memory_space<vmem>> -> memref<128x129xf32, #tpu.memory_space<vmem>>
        %dma_wait3A_2719 = arith.constant 88 : i32
        %dma_wait3A_2720 = arith.constant 0 : i32
        %dma_wait3A_2721 = tpu.memref_slice %dma_wait3A_2718[%dma_wait3A_2719, %dma_wait3A_2720] : memref<128x129xf32, #tpu.memory_space<vmem>> -> memref<8x128xf32, #tpu.memory_space<vmem>>
        tpu.wait_dma2 semaphore(%arg15 : memref<!tpu.dma_semaphore, #tpu.memory_space<semaphore_mem>>) src(%dma_wait3A_2721 : memref<8x128xf32, #tpu.memory_space<vmem>>) dst(%dma_wait3A_2714 : memref<8x128xf32, #tpu.memory_space<hbm>>)
        %dma_wait3A_2722 = arith.constant 0 : i32
        %dma_wait3A_2723 = arith.constant 0 : i32
        %dma_wait3A_2724 = arith.constant 0 : i32
        %dma_wait3A_2725 = tpu.memref_slice %arg9[%dma_wait3A_2722, %dma_wait3A_2723, %dma_wait3A_2724] : memref<2x128x129xf32, #tpu.memory_space<vmem>> -> memref<1x128x129xf32, #tpu.memory_space<vmem>>
        %dma_wait3A_2726 = tpu.memref_squeeze %dma_wait3A_2725 : memref<1x128x129xf32, #tpu.memory_space<vmem>> -> memref<128x129xf32, #tpu.memory_space<vmem>>
        %dma_wait3A_2727 = arith.constant 32 : i32
        %dma_wait3A_2728 = arith.constant 0 : i32
        %dma_wait3A_2729 = tpu.memref_slice %dma_wait3A_2726[%dma_wait3A_2727, %dma_wait3A_2728] : memref<128x129xf32, #tpu.memory_space<vmem>> -> memref<8x128xf32, #tpu.memory_space<vmem>>
        %dma_wait3A_2730 = arith.constant 0 : i32
        %dma_wait3A_2731 = tpu.memref_slice %arg5[%add3A_2541, %dma_wait3A_2730] : memref<409600x128xf32, #tpu.memory_space<hbm>> -> memref<8x128xf32, #tpu.memory_space<hbm>>
        %dma_wait3A_2732 = arith.constant 0 : i32
        %dma_wait3A_2733 = tpu.memref_slice %arg5[%add3A_2541, %dma_wait3A_2732] : memref<409600x128xf32, #tpu.memory_space<hbm>> -> memref<8x128xf32, #tpu.memory_space<hbm>>
        %dma_wait3A_2734 = arith.constant 0 : i32
        %dma_wait3A_2735 = arith.constant 0 : i32
        %dma_wait3A_2736 = tpu.memref_slice %arg9[%dma_wait3A_2722, %dma_wait3A_2734, %dma_wait3A_2735] : memref<2x128x129xf32, #tpu.memory_space<vmem>> -> memref<1x128x129xf32, #tpu.memory_space<vmem>>
        %dma_wait3A_2737 = tpu.memref_squeeze %dma_wait3A_2736 : memref<1x128x129xf32, #tpu.memory_space<vmem>> -> memref<128x129xf32, #tpu.memory_space<vmem>>
        %dma_wait3A_2738 = arith.constant 32 : i32
        %dma_wait3A_2739 = arith.constant 0 : i32
        %dma_wait3A_2740 = tpu.memref_slice %dma_wait3A_2737[%dma_wait3A_2738, %dma_wait3A_2739] : memref<128x129xf32, #tpu.memory_space<vmem>> -> memref<8x128xf32, #tpu.memory_space<vmem>>
        tpu.wait_dma2 semaphore(%arg15 : memref<!tpu.dma_semaphore, #tpu.memory_space<semaphore_mem>>) src(%dma_wait3A_2740 : memref<8x128xf32, #tpu.memory_space<vmem>>) dst(%dma_wait3A_2733 : memref<8x128xf32, #tpu.memory_space<hbm>>)
        %dma_wait3A_2741 = arith.constant 0 : i32
        %dma_wait3A_2742 = arith.constant 0 : i32
        %dma_wait3A_2743 = arith.constant 0 : i32
        %dma_wait3A_2744 = tpu.memref_slice %arg9[%dma_wait3A_2741, %dma_wait3A_2742, %dma_wait3A_2743] : memref<2x128x129xf32, #tpu.memory_space<vmem>> -> memref<1x128x129xf32, #tpu.memory_space<vmem>>
        %dma_wait3A_2745 = tpu.memref_squeeze %dma_wait3A_2744 : memref<1x128x129xf32, #tpu.memory_space<vmem>> -> memref<128x129xf32, #tpu.memory_space<vmem>>
        %dma_wait3A_2746 = arith.constant 96 : i32
        %dma_wait3A_2747 = arith.constant 0 : i32
        %dma_wait3A_2748 = tpu.memref_slice %dma_wait3A_2745[%dma_wait3A_2746, %dma_wait3A_2747] : memref<128x129xf32, #tpu.memory_space<vmem>> -> memref<8x128xf32, #tpu.memory_space<vmem>>
        %dma_wait3A_2749 = arith.constant 0 : i32
        %dma_wait3A_2750 = tpu.memref_slice %arg5[%add3A_2545, %dma_wait3A_2749] : memref<409600x128xf32, #tpu.memory_space<hbm>> -> memref<8x128xf32, #tpu.memory_space<hbm>>
        %dma_wait3A_2751 = arith.constant 0 : i32
        %dma_wait3A_2752 = tpu.memref_slice %arg5[%add3A_2545, %dma_wait3A_2751] : memref<409600x128xf32, #tpu.memory_space<hbm>> -> memref<8x128xf32, #tpu.memory_space<hbm>>
        %dma_wait3A_2753 = arith.constant 0 : i32
        %dma_wait3A_2754 = arith.constant 0 : i32
        %dma_wait3A_2755 = tpu.memref_slice %arg9[%dma_wait3A_2741, %dma_wait3A_2753, %dma_wait3A_2754] : memref<2x128x129xf32, #tpu.memory_space<vmem>> -> memref<1x128x129xf32, #tpu.memory_space<vmem>>
        %dma_wait3A_2756 = tpu.memref_squeeze %dma_wait3A_2755 : memref<1x128x129xf32, #tpu.memory_space<vmem>> -> memref<128x129xf32, #tpu.memory_space<vmem>>
        %dma_wait3A_2757 = arith.constant 96 : i32
        %dma_wait3A_2758 = arith.constant 0 : i32
        %dma_wait3A_2759 = tpu.memref_slice %dma_wait3A_2756[%dma_wait3A_2757, %dma_wait3A_2758] : memref<128x129xf32, #tpu.memory_space<vmem>> -> memref<8x128xf32, #tpu.memory_space<vmem>>
        tpu.wait_dma2 semaphore(%arg15 : memref<!tpu.dma_semaphore, #tpu.memory_space<semaphore_mem>>) src(%dma_wait3A_2759 : memref<8x128xf32, #tpu.memory_space<vmem>>) dst(%dma_wait3A_2752 : memref<8x128xf32, #tpu.memory_space<hbm>>)
        %dma_wait3A_2760 = arith.constant 0 : i32
        %dma_wait3A_2761 = arith.constant 0 : i32
        %dma_wait3A_2762 = arith.constant 0 : i32
        %dma_wait3A_2763 = tpu.memref_slice %arg9[%dma_wait3A_2760, %dma_wait3A_2761, %dma_wait3A_2762] : memref<2x128x129xf32, #tpu.memory_space<vmem>> -> memref<1x128x129xf32, #tpu.memory_space<vmem>>
        %dma_wait3A_2764 = tpu.memref_squeeze %dma_wait3A_2763 : memref<1x128x129xf32, #tpu.memory_space<vmem>> -> memref<128x129xf32, #tpu.memory_space<vmem>>
        %dma_wait3A_2765 = arith.constant 40 : i32
        %dma_wait3A_2766 = arith.constant 0 : i32
        %dma_wait3A_2767 = tpu.memref_slice %dma_wait3A_2764[%dma_wait3A_2765, %dma_wait3A_2766] : memref<128x129xf32, #tpu.memory_space<vmem>> -> memref<8x128xf32, #tpu.memory_space<vmem>>
        %dma_wait3A_2768 = arith.constant 0 : i32
        %dma_wait3A_2769 = tpu.memref_slice %arg5[%add3A_2549, %dma_wait3A_2768] : memref<409600x128xf32, #tpu.memory_space<hbm>> -> memref<8x128xf32, #tpu.memory_space<hbm>>
        %dma_wait3A_2770 = arith.constant 0 : i32
        %dma_wait3A_2771 = tpu.memref_slice %arg5[%add3A_2549, %dma_wait3A_2770] : memref<409600x128xf32, #tpu.memory_space<hbm>> -> memref<8x128xf32, #tpu.memory_space<hbm>>
        %dma_wait3A_2772 = arith.constant 0 : i32
        %dma_wait3A_2773 = arith.constant 0 : i32
        %dma_wait3A_2774 = tpu.memref_slice %arg9[%dma_wait3A_2760, %dma_wait3A_2772, %dma_wait3A_2773] : memref<2x128x129xf32, #tpu.memory_space<vmem>> -> memref<1x128x129xf32, #tpu.memory_space<vmem>>
        %dma_wait3A_2775 = tpu.memref_squeeze %dma_wait3A_2774 : memref<1x128x129xf32, #tpu.memory_space<vmem>> -> memref<128x129xf32, #tpu.memory_space<vmem>>
        %dma_wait3A_2776 = arith.constant 40 : i32
        %dma_wait3A_2777 = arith.constant 0 : i32
        %dma_wait3A_2778 = tpu.memref_slice %dma_wait3A_2775[%dma_wait3A_2776, %dma_wait3A_2777] : memref<128x129xf32, #tpu.memory_space<vmem>> -> memref<8x128xf32, #tpu.memory_space<vmem>>
        tpu.wait_dma2 semaphore(%arg15 : memref<!tpu.dma_semaphore, #tpu.memory_space<semaphore_mem>>) src(%dma_wait3A_2778 : memref<8x128xf32, #tpu.memory_space<vmem>>) dst(%dma_wait3A_2771 : memref<8x128xf32, #tpu.memory_space<hbm>>)
        %dma_wait3A_2779 = arith.constant 0 : i32
        %dma_wait3A_2780 = arith.constant 0 : i32
        %dma_wait3A_2781 = arith.constant 0 : i32
        %dma_wait3A_2782 = tpu.memref_slice %arg9[%dma_wait3A_2779, %dma_wait3A_2780, %dma_wait3A_2781] : memref<2x128x129xf32, #tpu.memory_space<vmem>> -> memref<1x128x129xf32, #tpu.memory_space<vmem>>
        %dma_wait3A_2783 = tpu.memref_squeeze %dma_wait3A_2782 : memref<1x128x129xf32, #tpu.memory_space<vmem>> -> memref<128x129xf32, #tpu.memory_space<vmem>>
        %dma_wait3A_2784 = arith.constant 104 : i32
        %dma_wait3A_2785 = arith.constant 0 : i32
        %dma_wait3A_2786 = tpu.memref_slice %dma_wait3A_2783[%dma_wait3A_2784, %dma_wait3A_2785] : memref<128x129xf32, #tpu.memory_space<vmem>> -> memref<8x128xf32, #tpu.memory_space<vmem>>
        %dma_wait3A_2787 = arith.constant 0 : i32
        %dma_wait3A_2788 = tpu.memref_slice %arg5[%add3A_2553, %dma_wait3A_2787] : memref<409600x128xf32, #tpu.memory_space<hbm>> -> memref<8x128xf32, #tpu.memory_space<hbm>>
        %dma_wait3A_2789 = arith.constant 0 : i32
        %dma_wait3A_2790 = tpu.memref_slice %arg5[%add3A_2553, %dma_wait3A_2789] : memref<409600x128xf32, #tpu.memory_space<hbm>> -> memref<8x128xf32, #tpu.memory_space<hbm>>
        %dma_wait3A_2791 = arith.constant 0 : i32
        %dma_wait3A_2792 = arith.constant 0 : i32
        %dma_wait3A_2793 = tpu.memref_slice %arg9[%dma_wait3A_2779, %dma_wait3A_2791, %dma_wait3A_2792] : memref<2x128x129xf32, #tpu.memory_space<vmem>> -> memref<1x128x129xf32, #tpu.memory_space<vmem>>
        %dma_wait3A_2794 = tpu.memref_squeeze %dma_wait3A_2793 : memref<1x128x129xf32, #tpu.memory_space<vmem>> -> memref<128x129xf32, #tpu.memory_space<vmem>>
        %dma_wait3A_2795 = arith.constant 104 : i32
        %dma_wait3A_2796 = arith.constant 0 : i32
        %dma_wait3A_2797 = tpu.memref_slice %dma_wait3A_2794[%dma_wait3A_2795, %dma_wait3A_2796] : memref<128x129xf32, #tpu.memory_space<vmem>> -> memref<8x128xf32, #tpu.memory_space<vmem>>
        tpu.wait_dma2 semaphore(%arg15 : memref<!tpu.dma_semaphore, #tpu.memory_space<semaphore_mem>>) src(%dma_wait3A_2797 : memref<8x128xf32, #tpu.memory_space<vmem>>) dst(%dma_wait3A_2790 : memref<8x128xf32, #tpu.memory_space<hbm>>)
        %dma_wait3A_2798 = arith.constant 0 : i32
        %dma_wait3A_2799 = arith.constant 0 : i32
        %dma_wait3A_2800 = arith.constant 0 : i32
        %dma_wait3A_2801 = tpu.memref_slice %arg9[%dma_wait3A_2798, %dma_wait3A_2799, %dma_wait3A_2800] : memref<2x128x129xf32, #tpu.memory_space<vmem>> -> memref<1x128x129xf32, #tpu.memory_space<vmem>>
        %dma_wait3A_2802 = tpu.memref_squeeze %dma_wait3A_2801 : memref<1x128x129xf32, #tpu.memory_space<vmem>> -> memref<128x129xf32, #tpu.memory_space<vmem>>
        %dma_wait3A_2803 = arith.constant 48 : i32
        %dma_wait3A_2804 = arith.constant 0 : i32
        %dma_wait3A_2805 = tpu.memref_slice %dma_wait3A_2802[%dma_wait3A_2803, %dma_wait3A_2804] : memref<128x129xf32, #tpu.memory_space<vmem>> -> memref<8x128xf32, #tpu.memory_space<vmem>>
        %dma_wait3A_2806 = arith.constant 0 : i32
        %dma_wait3A_2807 = tpu.memref_slice %arg5[%add3A_2557, %dma_wait3A_2806] : memref<409600x128xf32, #tpu.memory_space<hbm>> -> memref<8x128xf32, #tpu.memory_space<hbm>>
        %dma_wait3A_2808 = arith.constant 0 : i32
        %dma_wait3A_2809 = tpu.memref_slice %arg5[%add3A_2557, %dma_wait3A_2808] : memref<409600x128xf32, #tpu.memory_space<hbm>> -> memref<8x128xf32, #tpu.memory_space<hbm>>
        %dma_wait3A_2810 = arith.constant 0 : i32
        %dma_wait3A_2811 = arith.constant 0 : i32
        %dma_wait3A_2812 = tpu.memref_slice %arg9[%dma_wait3A_2798, %dma_wait3A_2810, %dma_wait3A_2811] : memref<2x128x129xf32, #tpu.memory_space<vmem>> -> memref<1x128x129xf32, #tpu.memory_space<vmem>>
        %dma_wait3A_2813 = tpu.memref_squeeze %dma_wait3A_2812 : memref<1x128x129xf32, #tpu.memory_space<vmem>> -> memref<128x129xf32, #tpu.memory_space<vmem>>
        %dma_wait3A_2814 = arith.constant 48 : i32
        %dma_wait3A_2815 = arith.constant 0 : i32
        %dma_wait3A_2816 = tpu.memref_slice %dma_wait3A_2813[%dma_wait3A_2814, %dma_wait3A_2815] : memref<128x129xf32, #tpu.memory_space<vmem>> -> memref<8x128xf32, #tpu.memory_space<vmem>>
        tpu.wait_dma2 semaphore(%arg15 : memref<!tpu.dma_semaphore, #tpu.memory_space<semaphore_mem>>) src(%dma_wait3A_2816 : memref<8x128xf32, #tpu.memory_space<vmem>>) dst(%dma_wait3A_2809 : memref<8x128xf32, #tpu.memory_space<hbm>>)
        %dma_wait3A_2817 = arith.constant 0 : i32
        %dma_wait3A_2818 = arith.constant 0 : i32
        %dma_wait3A_2819 = arith.constant 0 : i32
        %dma_wait3A_2820 = tpu.memref_slice %arg9[%dma_wait3A_2817, %dma_wait3A_2818, %dma_wait3A_2819] : memref<2x128x129xf32, #tpu.memory_space<vmem>> -> memref<1x128x129xf32, #tpu.memory_space<vmem>>
        %dma_wait3A_2821 = tpu.memref_squeeze %dma_wait3A_2820 : memref<1x128x129xf32, #tpu.memory_space<vmem>> -> memref<128x129xf32, #tpu.memory_space<vmem>>
        %dma_wait3A_2822 = arith.constant 112 : i32
        %dma_wait3A_2823 = arith.constant 0 : i32
        %dma_wait3A_2824 = tpu.memref_slice %dma_wait3A_2821[%dma_wait3A_2822, %dma_wait3A_2823] : memref<128x129xf32, #tpu.memory_space<vmem>> -> memref<8x128xf32, #tpu.memory_space<vmem>>
        %dma_wait3A_2825 = arith.constant 0 : i32
        %dma_wait3A_2826 = tpu.memref_slice %arg5[%add3A_2561, %dma_wait3A_2825] : memref<409600x128xf32, #tpu.memory_space<hbm>> -> memref<8x128xf32, #tpu.memory_space<hbm>>
        %dma_wait3A_2827 = arith.constant 0 : i32
        %dma_wait3A_2828 = tpu.memref_slice %arg5[%add3A_2561, %dma_wait3A_2827] : memref<409600x128xf32, #tpu.memory_space<hbm>> -> memref<8x128xf32, #tpu.memory_space<hbm>>
        %dma_wait3A_2829 = arith.constant 0 : i32
        %dma_wait3A_2830 = arith.constant 0 : i32
        %dma_wait3A_2831 = tpu.memref_slice %arg9[%dma_wait3A_2817, %dma_wait3A_2829, %dma_wait3A_2830] : memref<2x128x129xf32, #tpu.memory_space<vmem>> -> memref<1x128x129xf32, #tpu.memory_space<vmem>>
        %dma_wait3A_2832 = tpu.memref_squeeze %dma_wait3A_2831 : memref<1x128x129xf32, #tpu.memory_space<vmem>> -> memref<128x129xf32, #tpu.memory_space<vmem>>
        %dma_wait3A_2833 = arith.constant 112 : i32
        %dma_wait3A_2834 = arith.constant 0 : i32
        %dma_wait3A_2835 = tpu.memref_slice %dma_wait3A_2832[%dma_wait3A_2833, %dma_wait3A_2834] : memref<128x129xf32, #tpu.memory_space<vmem>> -> memref<8x128xf32, #tpu.memory_space<vmem>>
        tpu.wait_dma2 semaphore(%arg15 : memref<!tpu.dma_semaphore, #tpu.memory_space<semaphore_mem>>) src(%dma_wait3A_2835 : memref<8x128xf32, #tpu.memory_space<vmem>>) dst(%dma_wait3A_2828 : memref<8x128xf32, #tpu.memory_space<hbm>>)
        %dma_wait3A_2836 = arith.constant 0 : i32
        %dma_wait3A_2837 = arith.constant 0 : i32
        %dma_wait3A_2838 = arith.constant 0 : i32
        %dma_wait3A_2839 = tpu.memref_slice %arg9[%dma_wait3A_2836, %dma_wait3A_2837, %dma_wait3A_2838] : memref<2x128x129xf32, #tpu.memory_space<vmem>> -> memref<1x128x129xf32, #tpu.memory_space<vmem>>
        %dma_wait3A_2840 = tpu.memref_squeeze %dma_wait3A_2839 : memref<1x128x129xf32, #tpu.memory_space<vmem>> -> memref<128x129xf32, #tpu.memory_space<vmem>>
        %dma_wait3A_2841 = arith.constant 56 : i32
        %dma_wait3A_2842 = arith.constant 0 : i32
        %dma_wait3A_2843 = tpu.memref_slice %dma_wait3A_2840[%dma_wait3A_2841, %dma_wait3A_2842] : memref<128x129xf32, #tpu.memory_space<vmem>> -> memref<8x128xf32, #tpu.memory_space<vmem>>
        %dma_wait3A_2844 = arith.constant 0 : i32
        %dma_wait3A_2845 = tpu.memref_slice %arg5[%add3A_2565, %dma_wait3A_2844] : memref<409600x128xf32, #tpu.memory_space<hbm>> -> memref<8x128xf32, #tpu.memory_space<hbm>>
        %dma_wait3A_2846 = arith.constant 0 : i32
        %dma_wait3A_2847 = tpu.memref_slice %arg5[%add3A_2565, %dma_wait3A_2846] : memref<409600x128xf32, #tpu.memory_space<hbm>> -> memref<8x128xf32, #tpu.memory_space<hbm>>
        %dma_wait3A_2848 = arith.constant 0 : i32
        %dma_wait3A_2849 = arith.constant 0 : i32
        %dma_wait3A_2850 = tpu.memref_slice %arg9[%dma_wait3A_2836, %dma_wait3A_2848, %dma_wait3A_2849] : memref<2x128x129xf32, #tpu.memory_space<vmem>> -> memref<1x128x129xf32, #tpu.memory_space<vmem>>
        %dma_wait3A_2851 = tpu.memref_squeeze %dma_wait3A_2850 : memref<1x128x129xf32, #tpu.memory_space<vmem>> -> memref<128x129xf32, #tpu.memory_space<vmem>>
        %dma_wait3A_2852 = arith.constant 56 : i32
        %dma_wait3A_2853 = arith.constant 0 : i32
        %dma_wait3A_2854 = tpu.memref_slice %dma_wait3A_2851[%dma_wait3A_2852, %dma_wait3A_2853] : memref<128x129xf32, #tpu.memory_space<vmem>> -> memref<8x128xf32, #tpu.memory_space<vmem>>
        tpu.wait_dma2 semaphore(%arg15 : memref<!tpu.dma_semaphore, #tpu.memory_space<semaphore_mem>>) src(%dma_wait3A_2854 : memref<8x128xf32, #tpu.memory_space<vmem>>) dst(%dma_wait3A_2847 : memref<8x128xf32, #tpu.memory_space<hbm>>)
        %dma_wait3A_2855 = arith.constant 0 : i32
        %dma_wait3A_2856 = arith.constant 0 : i32
        %dma_wait3A_2857 = arith.constant 0 : i32
        %dma_wait3A_2858 = tpu.memref_slice %arg9[%dma_wait3A_2855, %dma_wait3A_2856, %dma_wait3A_2857] : memref<2x128x129xf32, #tpu.memory_space<vmem>> -> memref<1x128x129xf32, #tpu.memory_space<vmem>>
        %dma_wait3A_2859 = tpu.memref_squeeze %dma_wait3A_2858 : memref<1x128x129xf32, #tpu.memory_space<vmem>> -> memref<128x129xf32, #tpu.memory_space<vmem>>
        %dma_wait3A_2860 = arith.constant 120 : i32
        %dma_wait3A_2861 = arith.constant 0 : i32
        %dma_wait3A_2862 = tpu.memref_slice %dma_wait3A_2859[%dma_wait3A_2860, %dma_wait3A_2861] : memref<128x129xf32, #tpu.memory_space<vmem>> -> memref<8x128xf32, #tpu.memory_space<vmem>>
        %dma_wait3A_2863 = arith.constant 0 : i32
        %dma_wait3A_2864 = tpu.memref_slice %arg5[%add3A_2569, %dma_wait3A_2863] : memref<409600x128xf32, #tpu.memory_space<hbm>> -> memref<8x128xf32, #tpu.memory_space<hbm>>
        %dma_wait3A_2865 = arith.constant 0 : i32
        %dma_wait3A_2866 = tpu.memref_slice %arg5[%add3A_2569, %dma_wait3A_2865] : memref<409600x128xf32, #tpu.memory_space<hbm>> -> memref<8x128xf32, #tpu.memory_space<hbm>>
        %dma_wait3A_2867 = arith.constant 0 : i32
        %dma_wait3A_2868 = arith.constant 0 : i32
        %dma_wait3A_2869 = tpu.memref_slice %arg9[%dma_wait3A_2855, %dma_wait3A_2867, %dma_wait3A_2868] : memref<2x128x129xf32, #tpu.memory_space<vmem>> -> memref<1x128x129xf32, #tpu.memory_space<vmem>>
        %dma_wait3A_2870 = tpu.memref_squeeze %dma_wait3A_2869 : memref<1x128x129xf32, #tpu.memory_space<vmem>> -> memref<128x129xf32, #tpu.memory_space<vmem>>
        %dma_wait3A_2871 = arith.constant 120 : i32
        %dma_wait3A_2872 = arith.constant 0 : i32
        %dma_wait3A_2873 = tpu.memref_slice %dma_wait3A_2870[%dma_wait3A_2871, %dma_wait3A_2872] : memref<128x129xf32, #tpu.memory_space<vmem>> -> memref<8x128xf32, #tpu.memory_space<vmem>>
        tpu.wait_dma2 semaphore(%arg15 : memref<!tpu.dma_semaphore, #tpu.memory_space<semaphore_mem>>) src(%dma_wait3A_2873 : memref<8x128xf32, #tpu.memory_space<vmem>>) dst(%dma_wait3A_2866 : memref<8x128xf32, #tpu.memory_space<hbm>>)
      } else {
      }
      %parallel_loop3A_1478 = arith.constant 0 : i32
      %parallel_loop3A_1479 = arith.constant 256 : i32
      %parallel_loop3A_1480 = arith.constant 1 : i32
      %parallel_loop3A_1481 = arith.constant 0 : i32
      %parallel_loop3A_1482 = arith.constant 0 : i32
      scf.for %parallel_loop3A_2506 = %parallel_loop3A_1478 to %parallel_loop3A_1479 step %parallel_loop3A_1480  : i32 {
        %parallel_loop3A_2507 = arith.constant 7 : i32
        %parallel_loop3A_2508 = arith.shrui %parallel_loop3A_2506, %parallel_loop3A_2507 : i32
        %parallel_loop3A_2509 = arith.constant 127 : i32
        %parallel_loop3A_2510 = arith.andi %parallel_loop3A_2506, %parallel_loop3A_2509 : i32
        %parallel_loop3A_2511 = vector.broadcast %parallel_loop3A_2510 : i32 to vector<16xi32>
        %parallel_loop3A_2512 = arith.constant 64 : i32
        %parallel_loop3A_2513 = arith.muli %parallel_loop3A_2508, %parallel_loop3A_2512 : i32
        %parallel_loop3A_2514 = vector.broadcast %parallel_loop3A_2513 : i32 to vector<16xi32>
        %parallel_loop3A_2515 = arith.addi %parallel_loop3A_2514, %add3A_3 : vector<16xi32>
        %parallel_loop3A_2516 = arith.constant 0 : i32
        %parallel_loop3A_2517 = arith.constant 0 : i32
        %parallel_loop3A_2518 = tpu.memref_slice %arg8[%parallel_loop3A_1481, %parallel_loop3A_2516, %parallel_loop3A_2517] : memref<2x256x64xf32, #tpu.memory_space<vmem>> -> memref<1x256x64xf32, #tpu.memory_space<vmem>>
        %parallel_loop3A_2519 = tpu.memref_squeeze %parallel_loop3A_2518 : memref<1x256x64xf32, #tpu.memory_space<vmem>> -> memref<256x64xf32, #tpu.memory_space<vmem>>
        %parallel_loop3A_2520 = arith.index_cast %parallel_loop3A_2506 : i32 to index
        %parallel_loop3A_2521 = arith.constant 0 : index
        %parallel_loop3A_2522 = tpu.vector_load %parallel_loop3A_2519[%parallel_loop3A_2520, %parallel_loop3A_2521] {strides = array<i32>} : memref<256x64xf32, #tpu.memory_space<vmem>>, vector<16xf32>,
        %parallel_loop3A_2523 = arith.constant 0 : i32
        %parallel_loop3A_2524 = arith.constant 0 : i32
        %parallel_loop3A_2525 = tpu.memref_slice %arg9[%parallel_loop3A_1482, %parallel_loop3A_2523, %parallel_loop3A_2524] : memref<2x128x129xf32, #tpu.memory_space<vmem>> -> memref<1x128x129xf32, #tpu.memory_space<vmem>>
        %parallel_loop3A_2526 = tpu.memref_squeeze %parallel_loop3A_2525 : memref<1x128x129xf32, #tpu.memory_space<vmem>> -> memref<128x129xf32, #tpu.memory_space<vmem>>
        tpu.vector_store_idx %parallel_loop3A_2526[%parallel_loop3A_2515, %parallel_loop3A_2511], %parallel_loop3A_2522 : memref<128x129xf32, #tpu.memory_space<vmem>>[vector<16xi32>, vector<16xi32>], vector<16xf32>,
        %parallel_loop3A_2527 = vector.broadcast %parallel_loop3A_2513 : i32 to vector<16xi32>
        %parallel_loop3A_2528 = arith.addi %parallel_loop3A_2527, %add3A_6 : vector<16xi32>
        %parallel_loop3A_2529 = arith.constant 0 : i32
        %parallel_loop3A_2530 = arith.constant 0 : i32
        %parallel_loop3A_2531 = tpu.memref_slice %arg8[%parallel_loop3A_1481, %parallel_loop3A_2529, %parallel_loop3A_2530] : memref<2x256x64xf32, #tpu.memory_space<vmem>> -> memref<1x256x64xf32, #tpu.memory_space<vmem>>
        %parallel_loop3A_2532 = tpu.memref_squeeze %parallel_loop3A_2531 : memref<1x256x64xf32, #tpu.memory_space<vmem>> -> memref<256x64xf32, #tpu.memory_space<vmem>>
        %parallel_loop3A_2533 = arith.index_cast %parallel_loop3A_2506 : i32 to index
        %parallel_loop3A_2534 = arith.constant 16 : index
        %parallel_loop3A_2535 = tpu.vector_load %parallel_loop3A_2532[%parallel_loop3A_2533, %parallel_loop3A_2534] {strides = array<i32>} : memref<256x64xf32, #tpu.memory_space<vmem>>, vector<16xf32>,
        %parallel_loop3A_2536 = arith.constant 0 : i32
        %parallel_loop3A_2537 = arith.constant 0 : i32
        %parallel_loop3A_2538 = tpu.memref_slice %arg9[%parallel_loop3A_1482, %parallel_loop3A_2536, %parallel_loop3A_2537] : memref<2x128x129xf32, #tpu.memory_space<vmem>> -> memref<1x128x129xf32, #tpu.memory_space<vmem>>
        %parallel_loop3A_2539 = tpu.memref_squeeze %parallel_loop3A_2538 : memref<1x128x129xf32, #tpu.memory_space<vmem>> -> memref<128x129xf32, #tpu.memory_space<vmem>>
        tpu.vector_store_idx %parallel_loop3A_2539[%parallel_loop3A_2528, %parallel_loop3A_2511], %parallel_loop3A_2535 : memref<128x129xf32, #tpu.memory_space<vmem>>[vector<16xi32>, vector<16xi32>], vector<16xf32>,
        %parallel_loop3A_2540 = vector.broadcast %parallel_loop3A_2513 : i32 to vector<16xi32>
        %parallel_loop3A_2541 = arith.addi %parallel_loop3A_2540, %add3A_9 : vector<16xi32>
        %parallel_loop3A_2542 = arith.constant 0 : i32
        %parallel_loop3A_2543 = arith.constant 0 : i32
        %parallel_loop3A_2544 = tpu.memref_slice %arg8[%parallel_loop3A_1481, %parallel_loop3A_2542, %parallel_loop3A_2543] : memref<2x256x64xf32, #tpu.memory_space<vmem>> -> memref<1x256x64xf32, #tpu.memory_space<vmem>>
        %parallel_loop3A_2545 = tpu.memref_squeeze %parallel_loop3A_2544 : memref<1x256x64xf32, #tpu.memory_space<vmem>> -> memref<256x64xf32, #tpu.memory_space<vmem>>
        %parallel_loop3A_2546 = arith.index_cast %parallel_loop3A_2506 : i32 to index
        %parallel_loop3A_2547 = arith.constant 32 : index
        %parallel_loop3A_2548 = tpu.vector_load %parallel_loop3A_2545[%parallel_loop3A_2546, %parallel_loop3A_2547] {strides = array<i32>} : memref<256x64xf32, #tpu.memory_space<vmem>>, vector<16xf32>,
        %parallel_loop3A_2549 = arith.constant 0 : i32
        %parallel_loop3A_2550 = arith.constant 0 : i32
        %parallel_loop3A_2551 = tpu.memref_slice %arg9[%parallel_loop3A_1482, %parallel_loop3A_2549, %parallel_loop3A_2550] : memref<2x128x129xf32, #tpu.memory_space<vmem>> -> memref<1x128x129xf32, #tpu.memory_space<vmem>>
        %parallel_loop3A_2552 = tpu.memref_squeeze %parallel_loop3A_2551 : memref<1x128x129xf32, #tpu.memory_space<vmem>> -> memref<128x129xf32, #tpu.memory_space<vmem>>
        tpu.vector_store_idx %parallel_loop3A_2552[%parallel_loop3A_2541, %parallel_loop3A_2511], %parallel_loop3A_2548 : memref<128x129xf32, #tpu.memory_space<vmem>>[vector<16xi32>, vector<16xi32>], vector<16xf32>,
        %parallel_loop3A_2553 = vector.broadcast %parallel_loop3A_2513 : i32 to vector<16xi32>
        %parallel_loop3A_2554 = arith.addi %parallel_loop3A_2553, %add3A_12 : vector<16xi32>
        %parallel_loop3A_2555 = arith.constant 0 : i32
        %parallel_loop3A_2556 = arith.constant 0 : i32
        %parallel_loop3A_2557 = tpu.memref_slice %arg8[%parallel_loop3A_1481, %parallel_loop3A_2555, %parallel_loop3A_2556] : memref<2x256x64xf32, #tpu.memory_space<vmem>> -> memref<1x256x64xf32, #tpu.memory_space<vmem>>
        %parallel_loop3A_2558 = tpu.memref_squeeze %parallel_loop3A_2557 : memref<1x256x64xf32, #tpu.memory_space<vmem>> -> memref<256x64xf32, #tpu.memory_space<vmem>>
        %parallel_loop3A_2559 = arith.index_cast %parallel_loop3A_2506 : i32 to index
        %parallel_loop3A_2560 = arith.constant 48 : index
        %parallel_loop3A_2561 = tpu.vector_load %parallel_loop3A_2558[%parallel_loop3A_2559, %parallel_loop3A_2560] {strides = array<i32>} : memref<256x64xf32, #tpu.memory_space<vmem>>, vector<16xf32>,
        %parallel_loop3A_2562 = arith.constant 0 : i32
        %parallel_loop3A_2563 = arith.constant 0 : i32
        %parallel_loop3A_2564 = tpu.memref_slice %arg9[%parallel_loop3A_1482, %parallel_loop3A_2562, %parallel_loop3A_2563] : memref<2x128x129xf32, #tpu.memory_space<vmem>> -> memref<1x128x129xf32, #tpu.memory_space<vmem>>
        %parallel_loop3A_2565 = tpu.memref_squeeze %parallel_loop3A_2564 : memref<1x128x129xf32, #tpu.memory_space<vmem>> -> memref<128x129xf32, #tpu.memory_space<vmem>>
        tpu.vector_store_idx %parallel_loop3A_2565[%parallel_loop3A_2554, %parallel_loop3A_2511], %parallel_loop3A_2561 : memref<128x129xf32, #tpu.memory_space<vmem>>[vector<16xi32>, vector<16xi32>], vector<16xf32>,
      } {sc.loop_unroll_factor = 8 : i64, sc.parallel_access}
      %add3A_1483 = arith.constant 0 : i32
      %add3A_1484 = arith.addi %mul3A_1473, %add3A_1483 : i32
      %add3A_1485 = arith.constant 0 : i32
      %add3A_1486 = arith.addi %add3A_1484, %add3A_1485 : i32
      %add3A_1487 = arith.constant 0 : i32
      %add3A_1488 = arith.addi %mul3A_1473, %add3A_1487 : i32
      %add3A_1489 = arith.constant 8 : i32
      %add3A_1490 = arith.addi %add3A_1488, %add3A_1489 : i32
      %add3A_1491 = arith.constant 1024 : i32
      %add3A_1492 = arith.addi %mul3A_1473, %add3A_1491 : i32
      %add3A_1493 = arith.constant 0 : i32
      %add3A_1494 = arith.addi %add3A_1492, %add3A_1493 : i32
      %add3A_1495 = arith.constant 1024 : i32
      %add3A_1496 = arith.addi %mul3A_1473, %add3A_1495 : i32
      %add3A_1497 = arith.constant 8 : i32
      %add3A_1498 = arith.addi %add3A_1496, %add3A_1497 : i32
      %add3A_1499 = arith.constant 2048 : i32
      %add3A_1500 = arith.addi %mul3A_1473, %add3A_1499 : i32
      %add3A_1501 = arith.constant 0 : i32
      %add3A_1502 = arith.addi %add3A_1500, %add3A_1501 : i32
      %add3A_1503 = arith.constant 2048 : i32
      %add3A_1504 = arith.addi %mul3A_1473, %add3A_1503 : i32
      %add3A_1505 = arith.constant 8 : i32
      %add3A_1506 = arith.addi %add3A_1504, %add3A_1505 : i32
      %add3A_1507 = arith.constant 3072 : i32
      %add3A_1508 = arith.addi %mul3A_1473, %add3A_1507 : i32
      %add3A_1509 = arith.constant 0 : i32
      %add3A_1510 = arith.addi %add3A_1508, %add3A_1509 : i32
      %add3A_1511 = arith.constant 3072 : i32
      %add3A_1512 = arith.addi %mul3A_1473, %add3A_1511 : i32
      %add3A_1513 = arith.constant 8 : i32
      %add3A_1514 = arith.addi %add3A_1512, %add3A_1513 : i32
      %add3A_1515 = arith.constant 4096 : i32
      %add3A_1516 = arith.addi %mul3A_1473, %add3A_1515 : i32
      %add3A_1517 = arith.constant 0 : i32
      %add3A_1518 = arith.addi %add3A_1516, %add3A_1517 : i32
      %add3A_1519 = arith.constant 4096 : i32
      %add3A_1520 = arith.addi %mul3A_1473, %add3A_1519 : i32
      %add3A_1521 = arith.constant 8 : i32
      %add3A_1522 = arith.addi %add3A_1520, %add3A_1521 : i32
      %add3A_1523 = arith.constant 5120 : i32
      %add3A_1524 = arith.addi %mul3A_1473, %add3A_1523 : i32
      %add3A_1525 = arith.constant 0 : i32
      %add3A_1526 = arith.addi %add3A_1524, %add3A_1525 : i32
      %add3A_1527 = arith.constant 5120 : i32
      %add3A_1528 = arith.addi %mul3A_1473, %add3A_1527 : i32
      %add3A_1529 = arith.constant 8 : i32
      %add3A_1530 = arith.addi %add3A_1528, %add3A_1529 : i32
      %add3A_1531 = arith.constant 6144 : i32
      %add3A_1532 = arith.addi %mul3A_1473, %add3A_1531 : i32
      %add3A_1533 = arith.constant 0 : i32
      %add3A_1534 = arith.addi %add3A_1532, %add3A_1533 : i32
      %add3A_1535 = arith.constant 6144 : i32
      %add3A_1536 = arith.addi %mul3A_1473, %add3A_1535 : i32
      %add3A_1537 = arith.constant 8 : i32
      %add3A_1538 = arith.addi %add3A_1536, %add3A_1537 : i32
      %add3A_1539 = arith.constant 7168 : i32
      %add3A_1540 = arith.addi %mul3A_1473, %add3A_1539 : i32
      %add3A_1541 = arith.constant 0 : i32
      %add3A_1542 = arith.addi %add3A_1540, %add3A_1541 : i32
      %add3A_1543 = arith.constant 7168 : i32
      %add3A_1544 = arith.addi %mul3A_1473, %add3A_1543 : i32
      %add3A_1545 = arith.constant 8 : i32
      %add3A_1546 = arith.addi %add3A_1544, %add3A_1545 : i32
      %dma_start3A_1547 = arith.constant 0 : i32
      %dma_start3A_1548 = arith.constant 0 : i32
      %dma_start3A_1549 = arith.constant 0 : i32
      %dma_start3A_1550 = tpu.memref_slice %arg9[%dma_start3A_1547, %dma_start3A_1548, %dma_start3A_1549] : memref<2x128x129xf32, #tpu.memory_space<vmem>> -> memref<1x128x129xf32, #tpu.memory_space<vmem>>
      %dma_start3A_1551 = tpu.memref_squeeze %dma_start3A_1550 : memref<1x128x129xf32, #tpu.memory_space<vmem>> -> memref<128x129xf32, #tpu.memory_space<vmem>>
      %dma_start3A_1552 = arith.constant 0 : i32
      %dma_start3A_1553 = arith.constant 0 : i32
      %dma_start3A_1554 = tpu.memref_slice %dma_start3A_1551[%dma_start3A_1552, %dma_start3A_1553] : memref<128x129xf32, #tpu.memory_space<vmem>> -> memref<8x128xf32, #tpu.memory_space<vmem>>
      %dma_start3A_1555 = arith.constant 0 : i32
      %dma_start3A_1556 = tpu.memref_slice %arg5[%add3A_1486, %dma_start3A_1555] : memref<409600x128xf32, #tpu.memory_space<hbm>> -> memref<8x128xf32, #tpu.memory_space<hbm>>
      %dma_start3A_1557 = arith.constant 0 : i32
      %dma_start3A_1558 = tpu.memref_slice %arg5[%add3A_1486, %dma_start3A_1557] : memref<409600x128xf32, #tpu.memory_space<hbm>> -> memref<8x128xf32, #tpu.memory_space<hbm>>
      %dma_start3A_1559 = arith.constant 0 : i32
      %dma_start3A_1560 = arith.constant 0 : i32
      %dma_start3A_1561 = tpu.memref_slice %arg9[%dma_start3A_1547, %dma_start3A_1559, %dma_start3A_1560] : memref<2x128x129xf32, #tpu.memory_space<vmem>> -> memref<1x128x129xf32, #tpu.memory_space<vmem>>
      %dma_start3A_1562 = tpu.memref_squeeze %dma_start3A_1561 : memref<1x128x129xf32, #tpu.memory_space<vmem>> -> memref<128x129xf32, #tpu.memory_space<vmem>>
      %dma_start3A_1563 = arith.constant 0 : i32
      %dma_start3A_1564 = arith.constant 0 : i32
      %dma_start3A_1565 = tpu.memref_slice %dma_start3A_1562[%dma_start3A_1563, %dma_start3A_1564] : memref<128x129xf32, #tpu.memory_space<vmem>> -> memref<8x128xf32, #tpu.memory_space<vmem>>
      tpu.enqueue_dma source(%dma_start3A_1565 : memref<8x128xf32, #tpu.memory_space<vmem>>) target(%dma_start3A_1558 : memref<8x128xf32, #tpu.memory_space<hbm>>) target_semaphore(%arg15 : memref<!tpu.dma_semaphore, #tpu.memory_space<semaphore_mem>>)
      %dma_start3A_1566 = arith.constant 0 : i32
      %dma_start3A_1567 = arith.constant 0 : i32
      %dma_start3A_1568 = arith.constant 0 : i32
      %dma_start3A_1569 = tpu.memref_slice %arg9[%dma_start3A_1566, %dma_start3A_1567, %dma_start3A_1568] : memref<2x128x129xf32, #tpu.memory_space<vmem>> -> memref<1x128x129xf32, #tpu.memory_space<vmem>>
      %dma_start3A_1570 = tpu.memref_squeeze %dma_start3A_1569 : memref<1x128x129xf32, #tpu.memory_space<vmem>> -> memref<128x129xf32, #tpu.memory_space<vmem>>
      %dma_start3A_1571 = arith.constant 64 : i32
      %dma_start3A_1572 = arith.constant 0 : i32
      %dma_start3A_1573 = tpu.memref_slice %dma_start3A_1570[%dma_start3A_1571, %dma_start3A_1572] : memref<128x129xf32, #tpu.memory_space<vmem>> -> memref<8x128xf32, #tpu.memory_space<vmem>>
      %dma_start3A_1574 = arith.constant 0 : i32
      %dma_start3A_1575 = tpu.memref_slice %arg5[%add3A_1490, %dma_start3A_1574] : memref<409600x128xf32, #tpu.memory_space<hbm>> -> memref<8x128xf32, #tpu.memory_space<hbm>>
      %dma_start3A_1576 = arith.constant 0 : i32
      %dma_start3A_1577 = tpu.memref_slice %arg5[%add3A_1490, %dma_start3A_1576] : memref<409600x128xf32, #tpu.memory_space<hbm>> -> memref<8x128xf32, #tpu.memory_space<hbm>>
      %dma_start3A_1578 = arith.constant 0 : i32
      %dma_start3A_1579 = arith.constant 0 : i32
      %dma_start3A_1580 = tpu.memref_slice %arg9[%dma_start3A_1566, %dma_start3A_1578, %dma_start3A_1579] : memref<2x128x129xf32, #tpu.memory_space<vmem>> -> memref<1x128x129xf32, #tpu.memory_space<vmem>>
      %dma_start3A_1581 = tpu.memref_squeeze %dma_start3A_1580 : memref<1x128x129xf32, #tpu.memory_space<vmem>> -> memref<128x129xf32, #tpu.memory_space<vmem>>
      %dma_start3A_1582 = arith.constant 64 : i32
      %dma_start3A_1583 = arith.constant 0 : i32
      %dma_start3A_1584 = tpu.memref_slice %dma_start3A_1581[%dma_start3A_1582, %dma_start3A_1583] : memref<128x129xf32, #tpu.memory_space<vmem>> -> memref<8x128xf32, #tpu.memory_space<vmem>>
      tpu.enqueue_dma source(%dma_start3A_1584 : memref<8x128xf32, #tpu.memory_space<vmem>>) target(%dma_start3A_1577 : memref<8x128xf32, #tpu.memory_space<hbm>>) target_semaphore(%arg15 : memref<!tpu.dma_semaphore, #tpu.memory_space<semaphore_mem>>)
      %dma_start3A_1585 = arith.constant 0 : i32
      %dma_start3A_1586 = arith.constant 0 : i32
      %dma_start3A_1587 = arith.constant 0 : i32
      %dma_start3A_1588 = tpu.memref_slice %arg9[%dma_start3A_1585, %dma_start3A_1586, %dma_start3A_1587] : memref<2x128x129xf32, #tpu.memory_space<vmem>> -> memref<1x128x129xf32, #tpu.memory_space<vmem>>
      %dma_start3A_1589 = tpu.memref_squeeze %dma_start3A_1588 : memref<1x128x129xf32, #tpu.memory_space<vmem>> -> memref<128x129xf32, #tpu.memory_space<vmem>>
      %dma_start3A_1590 = arith.constant 8 : i32
      %dma_start3A_1591 = arith.constant 0 : i32
      %dma_start3A_1592 = tpu.memref_slice %dma_start3A_1589[%dma_start3A_1590, %dma_start3A_1591] : memref<128x129xf32, #tpu.memory_space<vmem>> -> memref<8x128xf32, #tpu.memory_space<vmem>>
      %dma_start3A_1593 = arith.constant 0 : i32
      %dma_start3A_1594 = tpu.memref_slice %arg5[%add3A_1494, %dma_start3A_1593] : memref<409600x128xf32, #tpu.memory_space<hbm>> -> memref<8x128xf32, #tpu.memory_space<hbm>>
      %dma_start3A_1595 = arith.constant 0 : i32
      %dma_start3A_1596 = tpu.memref_slice %arg5[%add3A_1494, %dma_start3A_1595] : memref<409600x128xf32, #tpu.memory_space<hbm>> -> memref<8x128xf32, #tpu.memory_space<hbm>>
      %dma_start3A_1597 = arith.constant 0 : i32
      %dma_start3A_1598 = arith.constant 0 : i32
      %dma_start3A_1599 = tpu.memref_slice %arg9[%dma_start3A_1585, %dma_start3A_1597, %dma_start3A_1598] : memref<2x128x129xf32, #tpu.memory_space<vmem>> -> memref<1x128x129xf32, #tpu.memory_space<vmem>>
      %dma_start3A_1600 = tpu.memref_squeeze %dma_start3A_1599 : memref<1x128x129xf32, #tpu.memory_space<vmem>> -> memref<128x129xf32, #tpu.memory_space<vmem>>
      %dma_start3A_1601 = arith.constant 8 : i32
      %dma_start3A_1602 = arith.constant 0 : i32
      %dma_start3A_1603 = tpu.memref_slice %dma_start3A_1600[%dma_start3A_1601, %dma_start3A_1602] : memref<128x129xf32, #tpu.memory_space<vmem>> -> memref<8x128xf32, #tpu.memory_space<vmem>>
      tpu.enqueue_dma source(%dma_start3A_1603 : memref<8x128xf32, #tpu.memory_space<vmem>>) target(%dma_start3A_1596 : memref<8x128xf32, #tpu.memory_space<hbm>>) target_semaphore(%arg15 : memref<!tpu.dma_semaphore, #tpu.memory_space<semaphore_mem>>)
      %dma_start3A_1604 = arith.constant 0 : i32
      %dma_start3A_1605 = arith.constant 0 : i32
      %dma_start3A_1606 = arith.constant 0 : i32
      %dma_start3A_1607 = tpu.memref_slice %arg9[%dma_start3A_1604, %dma_start3A_1605, %dma_start3A_1606] : memref<2x128x129xf32, #tpu.memory_space<vmem>> -> memref<1x128x129xf32, #tpu.memory_space<vmem>>
      %dma_start3A_1608 = tpu.memref_squeeze %dma_start3A_1607 : memref<1x128x129xf32, #tpu.memory_space<vmem>> -> memref<128x129xf32, #tpu.memory_space<vmem>>
      %dma_start3A_1609 = arith.constant 72 : i32
      %dma_start3A_1610 = arith.constant 0 : i32
      %dma_start3A_1611 = tpu.memref_slice %dma_start3A_1608[%dma_start3A_1609, %dma_start3A_1610] : memref<128x129xf32, #tpu.memory_space<vmem>> -> memref<8x128xf32, #tpu.memory_space<vmem>>
      %dma_start3A_1612 = arith.constant 0 : i32
      %dma_start3A_1613 = tpu.memref_slice %arg5[%add3A_1498, %dma_start3A_1612] : memref<409600x128xf32, #tpu.memory_space<hbm>> -> memref<8x128xf32, #tpu.memory_space<hbm>>
      %dma_start3A_1614 = arith.constant 0 : i32
      %dma_start3A_1615 = tpu.memref_slice %arg5[%add3A_1498, %dma_start3A_1614] : memref<409600x128xf32, #tpu.memory_space<hbm>> -> memref<8x128xf32, #tpu.memory_space<hbm>>
      %dma_start3A_1616 = arith.constant 0 : i32
      %dma_start3A_1617 = arith.constant 0 : i32
      %dma_start3A_1618 = tpu.memref_slice %arg9[%dma_start3A_1604, %dma_start3A_1616, %dma_start3A_1617] : memref<2x128x129xf32, #tpu.memory_space<vmem>> -> memref<1x128x129xf32, #tpu.memory_space<vmem>>
      %dma_start3A_1619 = tpu.memref_squeeze %dma_start3A_1618 : memref<1x128x129xf32, #tpu.memory_space<vmem>> -> memref<128x129xf32, #tpu.memory_space<vmem>>
      %dma_start3A_1620 = arith.constant 72 : i32
      %dma_start3A_1621 = arith.constant 0 : i32
      %dma_start3A_1622 = tpu.memref_slice %dma_start3A_1619[%dma_start3A_1620, %dma_start3A_1621] : memref<128x129xf32, #tpu.memory_space<vmem>> -> memref<8x128xf32, #tpu.memory_space<vmem>>
      tpu.enqueue_dma source(%dma_start3A_1622 : memref<8x128xf32, #tpu.memory_space<vmem>>) target(%dma_start3A_1615 : memref<8x128xf32, #tpu.memory_space<hbm>>) target_semaphore(%arg15 : memref<!tpu.dma_semaphore, #tpu.memory_space<semaphore_mem>>)
      %dma_start3A_1623 = arith.constant 0 : i32
      %dma_start3A_1624 = arith.constant 0 : i32
      %dma_start3A_1625 = arith.constant 0 : i32
      %dma_start3A_1626 = tpu.memref_slice %arg9[%dma_start3A_1623, %dma_start3A_1624, %dma_start3A_1625] : memref<2x128x129xf32, #tpu.memory_space<vmem>> -> memref<1x128x129xf32, #tpu.memory_space<vmem>>
      %dma_start3A_1627 = tpu.memref_squeeze %dma_start3A_1626 : memref<1x128x129xf32, #tpu.memory_space<vmem>> -> memref<128x129xf32, #tpu.memory_space<vmem>>
      %dma_start3A_1628 = arith.constant 16 : i32
      %dma_start3A_1629 = arith.constant 0 : i32
      %dma_start3A_1630 = tpu.memref_slice %dma_start3A_1627[%dma_start3A_1628, %dma_start3A_1629] : memref<128x129xf32, #tpu.memory_space<vmem>> -> memref<8x128xf32, #tpu.memory_space<vmem>>
      %dma_start3A_1631 = arith.constant 0 : i32
      %dma_start3A_1632 = tpu.memref_slice %arg5[%add3A_1502, %dma_start3A_1631] : memref<409600x128xf32, #tpu.memory_space<hbm>> -> memref<8x128xf32, #tpu.memory_space<hbm>>
      %dma_start3A_1633 = arith.constant 0 : i32
      %dma_start3A_1634 = tpu.memref_slice %arg5[%add3A_1502, %dma_start3A_1633] : memref<409600x128xf32, #tpu.memory_space<hbm>> -> memref<8x128xf32, #tpu.memory_space<hbm>>
      %dma_start3A_1635 = arith.constant 0 : i32
      %dma_start3A_1636 = arith.constant 0 : i32
      %dma_start3A_1637 = tpu.memref_slice %arg9[%dma_start3A_1623, %dma_start3A_1635, %dma_start3A_1636] : memref<2x128x129xf32, #tpu.memory_space<vmem>> -> memref<1x128x129xf32, #tpu.memory_space<vmem>>
      %dma_start3A_1638 = tpu.memref_squeeze %dma_start3A_1637 : memref<1x128x129xf32, #tpu.memory_space<vmem>> -> memref<128x129xf32, #tpu.memory_space<vmem>>
      %dma_start3A_1639 = arith.constant 16 : i32
      %dma_start3A_1640 = arith.constant 0 : i32
      %dma_start3A_1641 = tpu.memref_slice %dma_start3A_1638[%dma_start3A_1639, %dma_start3A_1640] : memref<128x129xf32, #tpu.memory_space<vmem>> -> memref<8x128xf32, #tpu.memory_space<vmem>>
      tpu.enqueue_dma source(%dma_start3A_1641 : memref<8x128xf32, #tpu.memory_space<vmem>>) target(%dma_start3A_1634 : memref<8x128xf32, #tpu.memory_space<hbm>>) target_semaphore(%arg15 : memref<!tpu.dma_semaphore, #tpu.memory_space<semaphore_mem>>)
      %dma_start3A_1642 = arith.constant 0 : i32
      %dma_start3A_1643 = arith.constant 0 : i32
      %dma_start3A_1644 = arith.constant 0 : i32
      %dma_start3A_1645 = tpu.memref_slice %arg9[%dma_start3A_1642, %dma_start3A_1643, %dma_start3A_1644] : memref<2x128x129xf32, #tpu.memory_space<vmem>> -> memref<1x128x129xf32, #tpu.memory_space<vmem>>
      %dma_start3A_1646 = tpu.memref_squeeze %dma_start3A_1645 : memref<1x128x129xf32, #tpu.memory_space<vmem>> -> memref<128x129xf32, #tpu.memory_space<vmem>>
      %dma_start3A_1647 = arith.constant 80 : i32
      %dma_start3A_1648 = arith.constant 0 : i32
      %dma_start3A_1649 = tpu.memref_slice %dma_start3A_1646[%dma_start3A_1647, %dma_start3A_1648] : memref<128x129xf32, #tpu.memory_space<vmem>> -> memref<8x128xf32, #tpu.memory_space<vmem>>
      %dma_start3A_1650 = arith.constant 0 : i32
      %dma_start3A_1651 = tpu.memref_slice %arg5[%add3A_1506, %dma_start3A_1650] : memref<409600x128xf32, #tpu.memory_space<hbm>> -> memref<8x128xf32, #tpu.memory_space<hbm>>
      %dma_start3A_1652 = arith.constant 0 : i32
      %dma_start3A_1653 = tpu.memref_slice %arg5[%add3A_1506, %dma_start3A_1652] : memref<409600x128xf32, #tpu.memory_space<hbm>> -> memref<8x128xf32, #tpu.memory_space<hbm>>
      %dma_start3A_1654 = arith.constant 0 : i32
      %dma_start3A_1655 = arith.constant 0 : i32
      %dma_start3A_1656 = tpu.memref_slice %arg9[%dma_start3A_1642, %dma_start3A_1654, %dma_start3A_1655] : memref<2x128x129xf32, #tpu.memory_space<vmem>> -> memref<1x128x129xf32, #tpu.memory_space<vmem>>
      %dma_start3A_1657 = tpu.memref_squeeze %dma_start3A_1656 : memref<1x128x129xf32, #tpu.memory_space<vmem>> -> memref<128x129xf32, #tpu.memory_space<vmem>>
      %dma_start3A_1658 = arith.constant 80 : i32
      %dma_start3A_1659 = arith.constant 0 : i32
      %dma_start3A_1660 = tpu.memref_slice %dma_start3A_1657[%dma_start3A_1658, %dma_start3A_1659] : memref<128x129xf32, #tpu.memory_space<vmem>> -> memref<8x128xf32, #tpu.memory_space<vmem>>
      tpu.enqueue_dma source(%dma_start3A_1660 : memref<8x128xf32, #tpu.memory_space<vmem>>) target(%dma_start3A_1653 : memref<8x128xf32, #tpu.memory_space<hbm>>) target_semaphore(%arg15 : memref<!tpu.dma_semaphore, #tpu.memory_space<semaphore_mem>>)
      %dma_start3A_1661 = arith.constant 0 : i32
      %dma_start3A_1662 = arith.constant 0 : i32
      %dma_start3A_1663 = arith.constant 0 : i32
      %dma_start3A_1664 = tpu.memref_slice %arg9[%dma_start3A_1661, %dma_start3A_1662, %dma_start3A_1663] : memref<2x128x129xf32, #tpu.memory_space<vmem>> -> memref<1x128x129xf32, #tpu.memory_space<vmem>>
      %dma_start3A_1665 = tpu.memref_squeeze %dma_start3A_1664 : memref<1x128x129xf32, #tpu.memory_space<vmem>> -> memref<128x129xf32, #tpu.memory_space<vmem>>
      %dma_start3A_1666 = arith.constant 24 : i32
      %dma_start3A_1667 = arith.constant 0 : i32
      %dma_start3A_1668 = tpu.memref_slice %dma_start3A_1665[%dma_start3A_1666, %dma_start3A_1667] : memref<128x129xf32, #tpu.memory_space<vmem>> -> memref<8x128xf32, #tpu.memory_space<vmem>>
      %dma_start3A_1669 = arith.constant 0 : i32
      %dma_start3A_1670 = tpu.memref_slice %arg5[%add3A_1510, %dma_start3A_1669] : memref<409600x128xf32, #tpu.memory_space<hbm>> -> memref<8x128xf32, #tpu.memory_space<hbm>>
      %dma_start3A_1671 = arith.constant 0 : i32
      %dma_start3A_1672 = tpu.memref_slice %arg5[%add3A_1510, %dma_start3A_1671] : memref<409600x128xf32, #tpu.memory_space<hbm>> -> memref<8x128xf32, #tpu.memory_space<hbm>>
      %dma_start3A_1673 = arith.constant 0 : i32
      %dma_start3A_1674 = arith.constant 0 : i32
      %dma_start3A_1675 = tpu.memref_slice %arg9[%dma_start3A_1661, %dma_start3A_1673, %dma_start3A_1674] : memref<2x128x129xf32, #tpu.memory_space<vmem>> -> memref<1x128x129xf32, #tpu.memory_space<vmem>>
      %dma_start3A_1676 = tpu.memref_squeeze %dma_start3A_1675 : memref<1x128x129xf32, #tpu.memory_space<vmem>> -> memref<128x129xf32, #tpu.memory_space<vmem>>
      %dma_start3A_1677 = arith.constant 24 : i32
      %dma_start3A_1678 = arith.constant 0 : i32
      %dma_start3A_1679 = tpu.memref_slice %dma_start3A_1676[%dma_start3A_1677, %dma_start3A_1678] : memref<128x129xf32, #tpu.memory_space<vmem>> -> memref<8x128xf32, #tpu.memory_space<vmem>>
      tpu.enqueue_dma source(%dma_start3A_1679 : memref<8x128xf32, #tpu.memory_space<vmem>>) target(%dma_start3A_1672 : memref<8x128xf32, #tpu.memory_space<hbm>>) target_semaphore(%arg15 : memref<!tpu.dma_semaphore, #tpu.memory_space<semaphore_mem>>)
      %dma_start3A_1680 = arith.constant 0 : i32
      %dma_start3A_1681 = arith.constant 0 : i32
      %dma_start3A_1682 = arith.constant 0 : i32
      %dma_start3A_1683 = tpu.memref_slice %arg9[%dma_start3A_1680, %dma_start3A_1681, %dma_start3A_1682] : memref<2x128x129xf32, #tpu.memory_space<vmem>> -> memref<1x128x129xf32, #tpu.memory_space<vmem>>
      %dma_start3A_1684 = tpu.memref_squeeze %dma_start3A_1683 : memref<1x128x129xf32, #tpu.memory_space<vmem>> -> memref<128x129xf32, #tpu.memory_space<vmem>>
      %dma_start3A_1685 = arith.constant 88 : i32
      %dma_start3A_1686 = arith.constant 0 : i32
      %dma_start3A_1687 = tpu.memref_slice %dma_start3A_1684[%dma_start3A_1685, %dma_start3A_1686] : memref<128x129xf32, #tpu.memory_space<vmem>> -> memref<8x128xf32, #tpu.memory_space<vmem>>
      %dma_start3A_1688 = arith.constant 0 : i32
      %dma_start3A_1689 = tpu.memref_slice %arg5[%add3A_1514, %dma_start3A_1688] : memref<409600x128xf32, #tpu.memory_space<hbm>> -> memref<8x128xf32, #tpu.memory_space<hbm>>
      %dma_start3A_1690 = arith.constant 0 : i32
      %dma_start3A_1691 = tpu.memref_slice %arg5[%add3A_1514, %dma_start3A_1690] : memref<409600x128xf32, #tpu.memory_space<hbm>> -> memref<8x128xf32, #tpu.memory_space<hbm>>
      %dma_start3A_1692 = arith.constant 0 : i32
      %dma_start3A_1693 = arith.constant 0 : i32
      %dma_start3A_1694 = tpu.memref_slice %arg9[%dma_start3A_1680, %dma_start3A_1692, %dma_start3A_1693] : memref<2x128x129xf32, #tpu.memory_space<vmem>> -> memref<1x128x129xf32, #tpu.memory_space<vmem>>
      %dma_start3A_1695 = tpu.memref_squeeze %dma_start3A_1694 : memref<1x128x129xf32, #tpu.memory_space<vmem>> -> memref<128x129xf32, #tpu.memory_space<vmem>>
      %dma_start3A_1696 = arith.constant 88 : i32
      %dma_start3A_1697 = arith.constant 0 : i32
      %dma_start3A_1698 = tpu.memref_slice %dma_start3A_1695[%dma_start3A_1696, %dma_start3A_1697] : memref<128x129xf32, #tpu.memory_space<vmem>> -> memref<8x128xf32, #tpu.memory_space<vmem>>
      tpu.enqueue_dma source(%dma_start3A_1698 : memref<8x128xf32, #tpu.memory_space<vmem>>) target(%dma_start3A_1691 : memref<8x128xf32, #tpu.memory_space<hbm>>) target_semaphore(%arg15 : memref<!tpu.dma_semaphore, #tpu.memory_space<semaphore_mem>>)
      %dma_start3A_1699 = arith.constant 0 : i32
      %dma_start3A_1700 = arith.constant 0 : i32
      %dma_start3A_1701 = arith.constant 0 : i32
      %dma_start3A_1702 = tpu.memref_slice %arg9[%dma_start3A_1699, %dma_start3A_1700, %dma_start3A_1701] : memref<2x128x129xf32, #tpu.memory_space<vmem>> -> memref<1x128x129xf32, #tpu.memory_space<vmem>>
      %dma_start3A_1703 = tpu.memref_squeeze %dma_start3A_1702 : memref<1x128x129xf32, #tpu.memory_space<vmem>> -> memref<128x129xf32, #tpu.memory_space<vmem>>
      %dma_start3A_1704 = arith.constant 32 : i32
      %dma_start3A_1705 = arith.constant 0 : i32
      %dma_start3A_1706 = tpu.memref_slice %dma_start3A_1703[%dma_start3A_1704, %dma_start3A_1705] : memref<128x129xf32, #tpu.memory_space<vmem>> -> memref<8x128xf32, #tpu.memory_space<vmem>>
      %dma_start3A_1707 = arith.constant 0 : i32
      %dma_start3A_1708 = tpu.memref_slice %arg5[%add3A_1518, %dma_start3A_1707] : memref<409600x128xf32, #tpu.memory_space<hbm>> -> memref<8x128xf32, #tpu.memory_space<hbm>>
      %dma_start3A_1709 = arith.constant 0 : i32
      %dma_start3A_1710 = tpu.memref_slice %arg5[%add3A_1518, %dma_start3A_1709] : memref<409600x128xf32, #tpu.memory_space<hbm>> -> memref<8x128xf32, #tpu.memory_space<hbm>>
      %dma_start3A_1711 = arith.constant 0 : i32
      %dma_start3A_1712 = arith.constant 0 : i32
      %dma_start3A_1713 = tpu.memref_slice %arg9[%dma_start3A_1699, %dma_start3A_1711, %dma_start3A_1712] : memref<2x128x129xf32, #tpu.memory_space<vmem>> -> memref<1x128x129xf32, #tpu.memory_space<vmem>>
      %dma_start3A_1714 = tpu.memref_squeeze %dma_start3A_1713 : memref<1x128x129xf32, #tpu.memory_space<vmem>> -> memref<128x129xf32, #tpu.memory_space<vmem>>
      %dma_start3A_1715 = arith.constant 32 : i32
      %dma_start3A_1716 = arith.constant 0 : i32
      %dma_start3A_1717 = tpu.memref_slice %dma_start3A_1714[%dma_start3A_1715, %dma_start3A_1716] : memref<128x129xf32, #tpu.memory_space<vmem>> -> memref<8x128xf32, #tpu.memory_space<vmem>>
      tpu.enqueue_dma source(%dma_start3A_1717 : memref<8x128xf32, #tpu.memory_space<vmem>>) target(%dma_start3A_1710 : memref<8x128xf32, #tpu.memory_space<hbm>>) target_semaphore(%arg15 : memref<!tpu.dma_semaphore, #tpu.memory_space<semaphore_mem>>)
      %dma_start3A_1718 = arith.constant 0 : i32
      %dma_start3A_1719 = arith.constant 0 : i32
      %dma_start3A_1720 = arith.constant 0 : i32
      %dma_start3A_1721 = tpu.memref_slice %arg9[%dma_start3A_1718, %dma_start3A_1719, %dma_start3A_1720] : memref<2x128x129xf32, #tpu.memory_space<vmem>> -> memref<1x128x129xf32, #tpu.memory_space<vmem>>
      %dma_start3A_1722 = tpu.memref_squeeze %dma_start3A_1721 : memref<1x128x129xf32, #tpu.memory_space<vmem>> -> memref<128x129xf32, #tpu.memory_space<vmem>>
      %dma_start3A_1723 = arith.constant 96 : i32
      %dma_start3A_1724 = arith.constant 0 : i32
      %dma_start3A_1725 = tpu.memref_slice %dma_start3A_1722[%dma_start3A_1723, %dma_start3A_1724] : memref<128x129xf32, #tpu.memory_space<vmem>> -> memref<8x128xf32, #tpu.memory_space<vmem>>
      %dma_start3A_1726 = arith.constant 0 : i32
      %dma_start3A_1727 = tpu.memref_slice %arg5[%add3A_1522, %dma_start3A_1726] : memref<409600x128xf32, #tpu.memory_space<hbm>> -> memref<8x128xf32, #tpu.memory_space<hbm>>
      %dma_start3A_1728 = arith.constant 0 : i32
      %dma_start3A_1729 = tpu.memref_slice %arg5[%add3A_1522, %dma_start3A_1728] : memref<409600x128xf32, #tpu.memory_space<hbm>> -> memref<8x128xf32, #tpu.memory_space<hbm>>
      %dma_start3A_1730 = arith.constant 0 : i32
      %dma_start3A_1731 = arith.constant 0 : i32
      %dma_start3A_1732 = tpu.memref_slice %arg9[%dma_start3A_1718, %dma_start3A_1730, %dma_start3A_1731] : memref<2x128x129xf32, #tpu.memory_space<vmem>> -> memref<1x128x129xf32, #tpu.memory_space<vmem>>
      %dma_start3A_1733 = tpu.memref_squeeze %dma_start3A_1732 : memref<1x128x129xf32, #tpu.memory_space<vmem>> -> memref<128x129xf32, #tpu.memory_space<vmem>>
      %dma_start3A_1734 = arith.constant 96 : i32
      %dma_start3A_1735 = arith.constant 0 : i32
      %dma_start3A_1736 = tpu.memref_slice %dma_start3A_1733[%dma_start3A_1734, %dma_start3A_1735] : memref<128x129xf32, #tpu.memory_space<vmem>> -> memref<8x128xf32, #tpu.memory_space<vmem>>
      tpu.enqueue_dma source(%dma_start3A_1736 : memref<8x128xf32, #tpu.memory_space<vmem>>) target(%dma_start3A_1729 : memref<8x128xf32, #tpu.memory_space<hbm>>) target_semaphore(%arg15 : memref<!tpu.dma_semaphore, #tpu.memory_space<semaphore_mem>>)
      %dma_start3A_1737 = arith.constant 0 : i32
      %dma_start3A_1738 = arith.constant 0 : i32
      %dma_start3A_1739 = arith.constant 0 : i32
      %dma_start3A_1740 = tpu.memref_slice %arg9[%dma_start3A_1737, %dma_start3A_1738, %dma_start3A_1739] : memref<2x128x129xf32, #tpu.memory_space<vmem>> -> memref<1x128x129xf32, #tpu.memory_space<vmem>>
      %dma_start3A_1741 = tpu.memref_squeeze %dma_start3A_1740 : memref<1x128x129xf32, #tpu.memory_space<vmem>> -> memref<128x129xf32, #tpu.memory_space<vmem>>
      %dma_start3A_1742 = arith.constant 40 : i32
      %dma_start3A_1743 = arith.constant 0 : i32
      %dma_start3A_1744 = tpu.memref_slice %dma_start3A_1741[%dma_start3A_1742, %dma_start3A_1743] : memref<128x129xf32, #tpu.memory_space<vmem>> -> memref<8x128xf32, #tpu.memory_space<vmem>>
      %dma_start3A_1745 = arith.constant 0 : i32
      %dma_start3A_1746 = tpu.memref_slice %arg5[%add3A_1526, %dma_start3A_1745] : memref<409600x128xf32, #tpu.memory_space<hbm>> -> memref<8x128xf32, #tpu.memory_space<hbm>>
      %dma_start3A_1747 = arith.constant 0 : i32
      %dma_start3A_1748 = tpu.memref_slice %arg5[%add3A_1526, %dma_start3A_1747] : memref<409600x128xf32, #tpu.memory_space<hbm>> -> memref<8x128xf32, #tpu.memory_space<hbm>>
      %dma_start3A_1749 = arith.constant 0 : i32
      %dma_start3A_1750 = arith.constant 0 : i32
      %dma_start3A_1751 = tpu.memref_slice %arg9[%dma_start3A_1737, %dma_start3A_1749, %dma_start3A_1750] : memref<2x128x129xf32, #tpu.memory_space<vmem>> -> memref<1x128x129xf32, #tpu.memory_space<vmem>>
      %dma_start3A_1752 = tpu.memref_squeeze %dma_start3A_1751 : memref<1x128x129xf32, #tpu.memory_space<vmem>> -> memref<128x129xf32, #tpu.memory_space<vmem>>
      %dma_start3A_1753 = arith.constant 40 : i32
      %dma_start3A_1754 = arith.constant 0 : i32
      %dma_start3A_1755 = tpu.memref_slice %dma_start3A_1752[%dma_start3A_1753, %dma_start3A_1754] : memref<128x129xf32, #tpu.memory_space<vmem>> -> memref<8x128xf32, #tpu.memory_space<vmem>>
      tpu.enqueue_dma source(%dma_start3A_1755 : memref<8x128xf32, #tpu.memory_space<vmem>>) target(%dma_start3A_1748 : memref<8x128xf32, #tpu.memory_space<hbm>>) target_semaphore(%arg15 : memref<!tpu.dma_semaphore, #tpu.memory_space<semaphore_mem>>)
      %dma_start3A_1756 = arith.constant 0 : i32
      %dma_start3A_1757 = arith.constant 0 : i32
      %dma_start3A_1758 = arith.constant 0 : i32
      %dma_start3A_1759 = tpu.memref_slice %arg9[%dma_start3A_1756, %dma_start3A_1757, %dma_start3A_1758] : memref<2x128x129xf32, #tpu.memory_space<vmem>> -> memref<1x128x129xf32, #tpu.memory_space<vmem>>
      %dma_start3A_1760 = tpu.memref_squeeze %dma_start3A_1759 : memref<1x128x129xf32, #tpu.memory_space<vmem>> -> memref<128x129xf32, #tpu.memory_space<vmem>>
      %dma_start3A_1761 = arith.constant 104 : i32
      %dma_start3A_1762 = arith.constant 0 : i32
      %dma_start3A_1763 = tpu.memref_slice %dma_start3A_1760[%dma_start3A_1761, %dma_start3A_1762] : memref<128x129xf32, #tpu.memory_space<vmem>> -> memref<8x128xf32, #tpu.memory_space<vmem>>
      %dma_start3A_1764 = arith.constant 0 : i32
      %dma_start3A_1765 = tpu.memref_slice %arg5[%add3A_1530, %dma_start3A_1764] : memref<409600x128xf32, #tpu.memory_space<hbm>> -> memref<8x128xf32, #tpu.memory_space<hbm>>
      %dma_start3A_1766 = arith.constant 0 : i32
      %dma_start3A_1767 = tpu.memref_slice %arg5[%add3A_1530, %dma_start3A_1766] : memref<409600x128xf32, #tpu.memory_space<hbm>> -> memref<8x128xf32, #tpu.memory_space<hbm>>
      %dma_start3A_1768 = arith.constant 0 : i32
      %dma_start3A_1769 = arith.constant 0 : i32
      %dma_start3A_1770 = tpu.memref_slice %arg9[%dma_start3A_1756, %dma_start3A_1768, %dma_start3A_1769] : memref<2x128x129xf32, #tpu.memory_space<vmem>> -> memref<1x128x129xf32, #tpu.memory_space<vmem>>
      %dma_start3A_1771 = tpu.memref_squeeze %dma_start3A_1770 : memref<1x128x129xf32, #tpu.memory_space<vmem>> -> memref<128x129xf32, #tpu.memory_space<vmem>>
      %dma_start3A_1772 = arith.constant 104 : i32
      %dma_start3A_1773 = arith.constant 0 : i32
      %dma_start3A_1774 = tpu.memref_slice %dma_start3A_1771[%dma_start3A_1772, %dma_start3A_1773] : memref<128x129xf32, #tpu.memory_space<vmem>> -> memref<8x128xf32, #tpu.memory_space<vmem>>
      tpu.enqueue_dma source(%dma_start3A_1774 : memref<8x128xf32, #tpu.memory_space<vmem>>) target(%dma_start3A_1767 : memref<8x128xf32, #tpu.memory_space<hbm>>) target_semaphore(%arg15 : memref<!tpu.dma_semaphore, #tpu.memory_space<semaphore_mem>>)
      %dma_start3A_1775 = arith.constant 0 : i32
      %dma_start3A_1776 = arith.constant 0 : i32
      %dma_start3A_1777 = arith.constant 0 : i32
      %dma_start3A_1778 = tpu.memref_slice %arg9[%dma_start3A_1775, %dma_start3A_1776, %dma_start3A_1777] : memref<2x128x129xf32, #tpu.memory_space<vmem>> -> memref<1x128x129xf32, #tpu.memory_space<vmem>>
      %dma_start3A_1779 = tpu.memref_squeeze %dma_start3A_1778 : memref<1x128x129xf32, #tpu.memory_space<vmem>> -> memref<128x129xf32, #tpu.memory_space<vmem>>
      %dma_start3A_1780 = arith.constant 48 : i32
      %dma_start3A_1781 = arith.constant 0 : i32
      %dma_start3A_1782 = tpu.memref_slice %dma_start3A_1779[%dma_start3A_1780, %dma_start3A_1781] : memref<128x129xf32, #tpu.memory_space<vmem>> -> memref<8x128xf32, #tpu.memory_space<vmem>>
      %dma_start3A_1783 = arith.constant 0 : i32
      %dma_start3A_1784 = tpu.memref_slice %arg5[%add3A_1534, %dma_start3A_1783] : memref<409600x128xf32, #tpu.memory_space<hbm>> -> memref<8x128xf32, #tpu.memory_space<hbm>>
      %dma_start3A_1785 = arith.constant 0 : i32
      %dma_start3A_1786 = tpu.memref_slice %arg5[%add3A_1534, %dma_start3A_1785] : memref<409600x128xf32, #tpu.memory_space<hbm>> -> memref<8x128xf32, #tpu.memory_space<hbm>>
      %dma_start3A_1787 = arith.constant 0 : i32
      %dma_start3A_1788 = arith.constant 0 : i32
      %dma_start3A_1789 = tpu.memref_slice %arg9[%dma_start3A_1775, %dma_start3A_1787, %dma_start3A_1788] : memref<2x128x129xf32, #tpu.memory_space<vmem>> -> memref<1x128x129xf32, #tpu.memory_space<vmem>>
      %dma_start3A_1790 = tpu.memref_squeeze %dma_start3A_1789 : memref<1x128x129xf32, #tpu.memory_space<vmem>> -> memref<128x129xf32, #tpu.memory_space<vmem>>
      %dma_start3A_1791 = arith.constant 48 : i32
      %dma_start3A_1792 = arith.constant 0 : i32
      %dma_start3A_1793 = tpu.memref_slice %dma_start3A_1790[%dma_start3A_1791, %dma_start3A_1792] : memref<128x129xf32, #tpu.memory_space<vmem>> -> memref<8x128xf32, #tpu.memory_space<vmem>>
      tpu.enqueue_dma source(%dma_start3A_1793 : memref<8x128xf32, #tpu.memory_space<vmem>>) target(%dma_start3A_1786 : memref<8x128xf32, #tpu.memory_space<hbm>>) target_semaphore(%arg15 : memref<!tpu.dma_semaphore, #tpu.memory_space<semaphore_mem>>)
      %dma_start3A_1794 = arith.constant 0 : i32
      %dma_start3A_1795 = arith.constant 0 : i32
      %dma_start3A_1796 = arith.constant 0 : i32
      %dma_start3A_1797 = tpu.memref_slice %arg9[%dma_start3A_1794, %dma_start3A_1795, %dma_start3A_1796] : memref<2x128x129xf32, #tpu.memory_space<vmem>> -> memref<1x128x129xf32, #tpu.memory_space<vmem>>
      %dma_start3A_1798 = tpu.memref_squeeze %dma_start3A_1797 : memref<1x128x129xf32, #tpu.memory_space<vmem>> -> memref<128x129xf32, #tpu.memory_space<vmem>>
      %dma_start3A_1799 = arith.constant 112 : i32
      %dma_start3A_1800 = arith.constant 0 : i32
      %dma_start3A_1801 = tpu.memref_slice %dma_start3A_1798[%dma_start3A_1799, %dma_start3A_1800] : memref<128x129xf32, #tpu.memory_space<vmem>> -> memref<8x128xf32, #tpu.memory_space<vmem>>
      %dma_start3A_1802 = arith.constant 0 : i32
      %dma_start3A_1803 = tpu.memref_slice %arg5[%add3A_1538, %dma_start3A_1802] : memref<409600x128xf32, #tpu.memory_space<hbm>> -> memref<8x128xf32, #tpu.memory_space<hbm>>
      %dma_start3A_1804 = arith.constant 0 : i32
      %dma_start3A_1805 = tpu.memref_slice %arg5[%add3A_1538, %dma_start3A_1804] : memref<409600x128xf32, #tpu.memory_space<hbm>> -> memref<8x128xf32, #tpu.memory_space<hbm>>
      %dma_start3A_1806 = arith.constant 0 : i32
      %dma_start3A_1807 = arith.constant 0 : i32
      %dma_start3A_1808 = tpu.memref_slice %arg9[%dma_start3A_1794, %dma_start3A_1806, %dma_start3A_1807] : memref<2x128x129xf32, #tpu.memory_space<vmem>> -> memref<1x128x129xf32, #tpu.memory_space<vmem>>
      %dma_start3A_1809 = tpu.memref_squeeze %dma_start3A_1808 : memref<1x128x129xf32, #tpu.memory_space<vmem>> -> memref<128x129xf32, #tpu.memory_space<vmem>>
      %dma_start3A_1810 = arith.constant 112 : i32
      %dma_start3A_1811 = arith.constant 0 : i32
      %dma_start3A_1812 = tpu.memref_slice %dma_start3A_1809[%dma_start3A_1810, %dma_start3A_1811] : memref<128x129xf32, #tpu.memory_space<vmem>> -> memref<8x128xf32, #tpu.memory_space<vmem>>
      tpu.enqueue_dma source(%dma_start3A_1812 : memref<8x128xf32, #tpu.memory_space<vmem>>) target(%dma_start3A_1805 : memref<8x128xf32, #tpu.memory_space<hbm>>) target_semaphore(%arg15 : memref<!tpu.dma_semaphore, #tpu.memory_space<semaphore_mem>>)
      %dma_start3A_1813 = arith.constant 0 : i32
      %dma_start3A_1814 = arith.constant 0 : i32
      %dma_start3A_1815 = arith.constant 0 : i32
      %dma_start3A_1816 = tpu.memref_slice %arg9[%dma_start3A_1813, %dma_start3A_1814, %dma_start3A_1815] : memref<2x128x129xf32, #tpu.memory_space<vmem>> -> memref<1x128x129xf32, #tpu.memory_space<vmem>>
      %dma_start3A_1817 = tpu.memref_squeeze %dma_start3A_1816 : memref<1x128x129xf32, #tpu.memory_space<vmem>> -> memref<128x129xf32, #tpu.memory_space<vmem>>
      %dma_start3A_1818 = arith.constant 56 : i32
      %dma_start3A_1819 = arith.constant 0 : i32
      %dma_start3A_1820 = tpu.memref_slice %dma_start3A_1817[%dma_start3A_1818, %dma_start3A_1819] : memref<128x129xf32, #tpu.memory_space<vmem>> -> memref<8x128xf32, #tpu.memory_space<vmem>>
      %dma_start3A_1821 = arith.constant 0 : i32
      %dma_start3A_1822 = tpu.memref_slice %arg5[%add3A_1542, %dma_start3A_1821] : memref<409600x128xf32, #tpu.memory_space<hbm>> -> memref<8x128xf32, #tpu.memory_space<hbm>>
      %dma_start3A_1823 = arith.constant 0 : i32
      %dma_start3A_1824 = tpu.memref_slice %arg5[%add3A_1542, %dma_start3A_1823] : memref<409600x128xf32, #tpu.memory_space<hbm>> -> memref<8x128xf32, #tpu.memory_space<hbm>>
      %dma_start3A_1825 = arith.constant 0 : i32
      %dma_start3A_1826 = arith.constant 0 : i32
      %dma_start3A_1827 = tpu.memref_slice %arg9[%dma_start3A_1813, %dma_start3A_1825, %dma_start3A_1826] : memref<2x128x129xf32, #tpu.memory_space<vmem>> -> memref<1x128x129xf32, #tpu.memory_space<vmem>>
      %dma_start3A_1828 = tpu.memref_squeeze %dma_start3A_1827 : memref<1x128x129xf32, #tpu.memory_space<vmem>> -> memref<128x129xf32, #tpu.memory_space<vmem>>
      %dma_start3A_1829 = arith.constant 56 : i32
      %dma_start3A_1830 = arith.constant 0 : i32
      %dma_start3A_1831 = tpu.memref_slice %dma_start3A_1828[%dma_start3A_1829, %dma_start3A_1830] : memref<128x129xf32, #tpu.memory_space<vmem>> -> memref<8x128xf32, #tpu.memory_space<vmem>>
      tpu.enqueue_dma source(%dma_start3A_1831 : memref<8x128xf32, #tpu.memory_space<vmem>>) target(%dma_start3A_1824 : memref<8x128xf32, #tpu.memory_space<hbm>>) target_semaphore(%arg15 : memref<!tpu.dma_semaphore, #tpu.memory_space<semaphore_mem>>)
      %dma_start3A_1832 = arith.constant 0 : i32
      %dma_start3A_1833 = arith.constant 0 : i32
      %dma_start3A_1834 = arith.constant 0 : i32
      %dma_start3A_1835 = tpu.memref_slice %arg9[%dma_start3A_1832, %dma_start3A_1833, %dma_start3A_1834] : memref<2x128x129xf32, #tpu.memory_space<vmem>> -> memref<1x128x129xf32, #tpu.memory_space<vmem>>
      %dma_start3A_1836 = tpu.memref_squeeze %dma_start3A_1835 : memref<1x128x129xf32, #tpu.memory_space<vmem>> -> memref<128x129xf32, #tpu.memory_space<vmem>>
      %dma_start3A_1837 = arith.constant 120 : i32
      %dma_start3A_1838 = arith.constant 0 : i32
      %dma_start3A_1839 = tpu.memref_slice %dma_start3A_1836[%dma_start3A_1837, %dma_start3A_1838] : memref<128x129xf32, #tpu.memory_space<vmem>> -> memref<8x128xf32, #tpu.memory_space<vmem>>
      %dma_start3A_1840 = arith.constant 0 : i32
      %dma_start3A_1841 = tpu.memref_slice %arg5[%add3A_1546, %dma_start3A_1840] : memref<409600x128xf32, #tpu.memory_space<hbm>> -> memref<8x128xf32, #tpu.memory_space<hbm>>
      %dma_start3A_1842 = arith.constant 0 : i32
      %dma_start3A_1843 = tpu.memref_slice %arg5[%add3A_1546, %dma_start3A_1842] : memref<409600x128xf32, #tpu.memory_space<hbm>> -> memref<8x128xf32, #tpu.memory_space<hbm>>
      %dma_start3A_1844 = arith.constant 0 : i32
      %dma_start3A_1845 = arith.constant 0 : i32
      %dma_start3A_1846 = tpu.memref_slice %arg9[%dma_start3A_1832, %dma_start3A_1844, %dma_start3A_1845] : memref<2x128x129xf32, #tpu.memory_space<vmem>> -> memref<1x128x129xf32, #tpu.memory_space<vmem>>
      %dma_start3A_1847 = tpu.memref_squeeze %dma_start3A_1846 : memref<1x128x129xf32, #tpu.memory_space<vmem>> -> memref<128x129xf32, #tpu.memory_space<vmem>>
      %dma_start3A_1848 = arith.constant 120 : i32
      %dma_start3A_1849 = arith.constant 0 : i32
      %dma_start3A_1850 = tpu.memref_slice %dma_start3A_1847[%dma_start3A_1848, %dma_start3A_1849] : memref<128x129xf32, #tpu.memory_space<vmem>> -> memref<8x128xf32, #tpu.memory_space<vmem>>
      tpu.enqueue_dma source(%dma_start3A_1850 : memref<8x128xf32, #tpu.memory_space<vmem>>) target(%dma_start3A_1843 : memref<8x128xf32, #tpu.memory_space<hbm>>) target_semaphore(%arg15 : memref<!tpu.dma_semaphore, #tpu.memory_space<semaphore_mem>>)
      %add3A_1851 = arith.constant 1 : i32
      %add3A_1852 = arith.addi %mul3A_1200, %add3A_1851 : i32
      %lt3A_1853 = arith.constant 1 : i32
      %lt3A_1854 = arith.cmpi slt, %scan3A_1197, %lt3A_1853 : i32
      %dma_wait3A_1855 = arith.constant 1 : i32
      %dma_wait3A_1856 = arith.constant 1 : i32
      %dma_wait3A_1857 = arith.constant 0 : i32
      %dma_wait3A_1858 = arith.constant 0 : i32
      %dma_wait3A_1859 = tpu.memref_slice %arg8[%dma_wait3A_1856, %dma_wait3A_1857, %dma_wait3A_1858] : memref<2x256x64xf32, #tpu.memory_space<vmem>> -> memref<1x256x64xf32, #tpu.memory_space<vmem>>
      %dma_wait3A_1860 = tpu.memref_squeeze %dma_wait3A_1859 : memref<1x256x64xf32, #tpu.memory_space<vmem>> -> memref<256x64xf32, #tpu.memory_space<vmem>>
      %dma_wait3A_1861 = arith.constant 0 : i32
      %dma_wait3A_1862 = arith.constant 0 : i32
      %dma_wait3A_1863 = tpu.memref_slice %dma_wait3A_1860[%dma_wait3A_1861, %dma_wait3A_1862] : memref<256x64xf32, #tpu.memory_space<vmem>> -> memref<128x64xf32, #tpu.memory_space<vmem>>
      %dma_wait3A_1864 = arith.constant 0 : i32
      %dma_wait3A_1865 = tpu.memref_slice %arg7[%dma_wait3A_1855, %dma_wait3A_1864] : memref<2x256xi32, #tpu.memory_space<vmem>> -> memref<1x256xi32, #tpu.memory_space<vmem>>
      %dma_wait3A_1866 = tpu.memref_squeeze %dma_wait3A_1865 : memref<1x256xi32, #tpu.memory_space<vmem>> -> memref<256xi32, #tpu.memory_space<vmem>>
      %dma_wait3A_1867 = arith.constant 0 : i32
      %dma_wait3A_1868 = tpu.memref_slice %dma_wait3A_1866[%dma_wait3A_1867] : memref<256xi32, #tpu.memory_space<vmem>> -> memref<128xi32, #tpu.memory_space<vmem>>
      %dma_wait3A_1869 = arith.constant 0 : i32
      %dma_wait3A_1870 = arith.constant 0 : i32
      %dma_wait3A_1871 = tpu.memref_slice %arg2[%dma_wait3A_1869, %dma_wait3A_1870] : memref<100000x64xf32, #tpu.memory_space<hbm>> -> memref<100000x64xf32, #tpu.memory_space<hbm>>
      tpu.wait_indirect_dma semaphore(%arg14 : memref<!tpu.dma_semaphore, #tpu.memory_space<semaphore_mem>>) src(%dma_wait3A_1871 : memref<100000x64xf32, #tpu.memory_space<hbm>>) dst(%dma_wait3A_1863 : memref<128x64xf32, #tpu.memory_space<vmem>>)
      %dma_wait3A_1872 = arith.constant 1 : i32
      %dma_wait3A_1873 = arith.constant 1 : i32
      %dma_wait3A_1874 = arith.constant 0 : i32
      %dma_wait3A_1875 = arith.constant 0 : i32
      %dma_wait3A_1876 = tpu.memref_slice %arg8[%dma_wait3A_1873, %dma_wait3A_1874, %dma_wait3A_1875] : memref<2x256x64xf32, #tpu.memory_space<vmem>> -> memref<1x256x64xf32, #tpu.memory_space<vmem>>
      %dma_wait3A_1877 = tpu.memref_squeeze %dma_wait3A_1876 : memref<1x256x64xf32, #tpu.memory_space<vmem>> -> memref<256x64xf32, #tpu.memory_space<vmem>>
      %dma_wait3A_1878 = arith.constant 128 : i32
      %dma_wait3A_1879 = arith.constant 0 : i32
      %dma_wait3A_1880 = tpu.memref_slice %dma_wait3A_1877[%dma_wait3A_1878, %dma_wait3A_1879] : memref<256x64xf32, #tpu.memory_space<vmem>> -> memref<128x64xf32, #tpu.memory_space<vmem>>
      %dma_wait3A_1881 = arith.constant 0 : i32
      %dma_wait3A_1882 = tpu.memref_slice %arg7[%dma_wait3A_1872, %dma_wait3A_1881] : memref<2x256xi32, #tpu.memory_space<vmem>> -> memref<1x256xi32, #tpu.memory_space<vmem>>
      %dma_wait3A_1883 = tpu.memref_squeeze %dma_wait3A_1882 : memref<1x256xi32, #tpu.memory_space<vmem>> -> memref<256xi32, #tpu.memory_space<vmem>>
      %dma_wait3A_1884 = arith.constant 128 : i32
      %dma_wait3A_1885 = tpu.memref_slice %dma_wait3A_1883[%dma_wait3A_1884] : memref<256xi32, #tpu.memory_space<vmem>> -> memref<128xi32, #tpu.memory_space<vmem>>
      %dma_wait3A_1886 = arith.constant 0 : i32
      %dma_wait3A_1887 = arith.constant 0 : i32
      %dma_wait3A_1888 = tpu.memref_slice %arg2[%dma_wait3A_1886, %dma_wait3A_1887] : memref<100000x64xf32, #tpu.memory_space<hbm>> -> memref<100000x64xf32, #tpu.memory_space<hbm>>
      tpu.wait_indirect_dma semaphore(%arg14 : memref<!tpu.dma_semaphore, #tpu.memory_space<semaphore_mem>>) src(%dma_wait3A_1888 : memref<100000x64xf32, #tpu.memory_space<hbm>>) dst(%dma_wait3A_1880 : memref<128x64xf32, #tpu.memory_space<vmem>>)
      %convert_element_type3A_1889 = arith.extui %parallel_loop3A_1382 : i1 to i32
      %cond3A_1890 = arith.constant 1 : i32
      %cond3A_1891 = arith.constant 1 : i32
      %cond3A_1892 = arith.constant 0 : i32
      %cond3A_1893 = arith.cmpi ne, %convert_element_type3A_1889, %cond3A_1892 : i32
      scf.if %cond3A_1893 {
        %scan3A_2506 = arith.constant 0 : i32
        %scan3A_2507 = arith.constant 0 : i32
        %scan3A_2508 = arith.constant 16 : i32
        %scan3A_2509 = arith.addi %scan3A_2507, %scan3A_2508 : i32
        %scan3A_2510 = arith.constant 1 : i32
        scf.for %scan3A_2512 = %scan3A_2507 to %scan3A_2509 step %scan3A_2510  : i32 {
          %mul3A_2513 = arith.constant 16 : i32
          %mul3A_2514 = arith.muli %scan3A_2512, %mul3A_2513 : i32
          %get3A = arith.constant 0 : i32
          %get3A_2515 = tpu.memref_slice %arg6[%cond3A_1890, %get3A] : memref<2x256xi32, #tpu.memory_space<vmem>> -> memref<1x256xi32, #tpu.memory_space<vmem>>
          %get3A_2516 = tpu.memref_squeeze %get3A_2515 : memref<1x256xi32, #tpu.memory_space<vmem>> -> memref<256xi32, #tpu.memory_space<vmem>>
          %get3A_2517 = arith.index_cast %mul3A_2514 : i32 to index
          %get3A_2518 = tpu.vector_load %get3A_2516[%get3A_2517] {strides = array<i32>} : memref<256xi32, #tpu.memory_space<vmem>>, vector<16xi32>,
          %ge3A = arith.constant 100000 : i32
          %ge3A_2519 = vector.broadcast %ge3A : i32 to vector<16xi32>
          %ge3A_2520 = arith.cmpi sge, %get3A_2518, %ge3A_2519 : vector<16xi32>
          %reduce_or3A = arith.constant 1.000000e+00 : f32
          %reduce_or3A_2521 = arith.constant 0.000000e+00 : f32
          %reduce_or3A_2522 = vector.broadcast %reduce_or3A : f32 to vector<16xf32>
          %reduce_or3A_2523 = vector.broadcast %reduce_or3A_2521 : f32 to vector<16xf32>
          %reduce_or3A_2524 = arith.select %ge3A_2520, %reduce_or3A_2522, %reduce_or3A_2523 : vector<16xi1>, vector<16xf32>
          %reduce_or3A_2525 = arith.constant true
          %reduce_or3A_2526 = vector.broadcast %reduce_or3A_2525 : i1 to vector<16xi1>
          %reduce_or3A_2527 = tpu.scan <max>, %reduce_or3A_2524 masked %reduce_or3A_2526 : vector<16xf32>, vector<16xi1> -> vector<16xf32>
          %reduce_or3A_2528 = vector.extract %reduce_or3A_2527[15] : f32 from vector<16xf32>
          %reduce_or3A_2529 = arith.constant 0.000000e+00 : f32
          %reduce_or3A_2530 = arith.cmpf ogt, %reduce_or3A_2528, %reduce_or3A_2529 : f32
          %convert_element_type3A_2531 = arith.extui %reduce_or3A_2530 : i1 to i32
          %cond3A_2532 = arith.constant 0 : i32
          %cond3A_2533 = arith.cmpi ne, %convert_element_type3A_2531, %cond3A_2532 : i32
          scf.if %cond3A_2533 {
            %sub3A_2534 = arith.constant 100000 : i32
            %sub3A_2535 = vector.broadcast %sub3A_2534 : i32 to vector<16xi32>
            %sub3A_2536 = arith.subi %get3A_2518, %sub3A_2535 : vector<16xi32>
            %jit3A_2537 = arith.constant 0 : i32
            %broadcast_in_dim3A = vector.broadcast %jit3A_2537 : i32 to vector<16xi32>
            %select_n3A_2538 = arith.select %ge3A_2520, %sub3A_2536, %broadcast_in_dim3A : vector<16xi1>, vector<16xi32>
            %mul3A_2539 = arith.constant 16 : i32
            %mul3A_2540 = arith.muli %scan3A_2512, %mul3A_2539 : i32
            %add3A_2541 = vector.broadcast %mul3A_2540 : i32 to vector<16xi32>
            %add3A_2542 = arith.addi %add3A_2541, %iota3A : vector<16xi32>
            %scan3A_2543 = arith.constant 0 : i32
            %scan3A_2544 = arith.constant 0 : i32
            %scan3A_2545 = arith.constant 64 : i32
            %scan3A_2546 = arith.addi %scan3A_2544, %scan3A_2545 : i32
            %scan3A_2547 = arith.constant 1 : i32
            scf.for %scan3A_2549 = %scan3A_2544 to %scan3A_2546 step %scan3A_2547  : i32 {
              %broadcast_in_dim3A_2550 = vector.broadcast %scan3A_2549 : i32 to vector<16xi32>
              %gather3A = tpu.vector_load_idx %arg10[%select_n3A_2538, %broadcast_in_dim3A_2550] masked %ge3A_2520 : memref<100x64xf32, #tpu.memory_space<vmem>>[vector<16xi32>, vector<16xi32>], vector<16xf32>, vector<16xi1>
              %scatter3A = arith.constant 0 : i32
              %scatter3A_2551 = arith.constant 0 : i32
              %scatter3A_2552 = tpu.memref_slice %arg8[%cond3A_1891, %scatter3A, %scatter3A_2551] : memref<2x256x64xf32, #tpu.memory_space<vmem>> -> memref<1x256x64xf32, #tpu.memory_space<vmem>>
              %scatter3A_2553 = tpu.memref_squeeze %scatter3A_2552 : memref<1x256x64xf32, #tpu.memory_space<vmem>> -> memref<256x64xf32, #tpu.memory_space<vmem>>
              tpu.vector_store_idx %scatter3A_2553[%add3A_2542, %broadcast_in_dim3A_2550], %gather3A masked %ge3A_2520 : memref<256x64xf32, #tpu.memory_space<vmem>>[vector<16xi32>, vector<16xi32>], vector<16xf32>, vector<16xi1>
            }
            %scan3A_2548 = arith.constant 64 : i32
          } else {
          }
        }
        %scan3A_2511 = arith.constant 16 : i32
      } else {
      }
      %add3A_1894 = arith.constant 2 : i32
      %add3A_1895 = arith.addi %add3A_1852, %add3A_1894 : i32
      %min3A_1896 = arith.constant 99 : i32
      %min3A_1897 = arith.minsi %add3A_1895, %min3A_1896 : i32
      %add3A_1898 = arith.addi %mul3A_14, %min3A_1897 : i32
      %jit3A_1899 = arith.constant 64 : i32
      %div3A_1900 = arith.divsi %add3A_1898, %jit3A_1899 : i32
      %sign3A_1901 = arith.constant 0 : i32
      %sign3A_1902 = arith.cmpi sgt, %add3A_1898, %sign3A_1901 : i32
      %sign3A_1903 = arith.extui %sign3A_1902 : i1 to i32
      %sign3A_1904 = arith.constant 0 : i32
      %sign3A_1905 = arith.cmpi slt, %add3A_1898, %sign3A_1904 : i32
      %sign3A_1906 = arith.extui %sign3A_1905 : i1 to i32
      %sign3A_1907 = arith.subi %sign3A_1903, %sign3A_1906 : i32
      %sign3A_1908 = arith.constant 0 : i32
      %sign3A_1909 = arith.cmpi sgt, %jit3A_1899, %sign3A_1908 : i32
      %sign3A_1910 = arith.extui %sign3A_1909 : i1 to i32
      %sign3A_1911 = arith.constant 0 : i32
      %sign3A_1912 = arith.cmpi slt, %jit3A_1899, %sign3A_1911 : i32
      %sign3A_1913 = arith.extui %sign3A_1912 : i1 to i32
      %sign3A_1914 = arith.subi %sign3A_1910, %sign3A_1913 : i32
      %ne3A_1915 = arith.cmpi ne, %sign3A_1907, %sign3A_1914 : i32
      %rem3A_1916 = arith.remsi %add3A_1898, %jit3A_1899 : i32
      %ne3A_1917 = arith.constant 0 : i32
      %ne3A_1918 = arith.cmpi ne, %rem3A_1916, %ne3A_1917 : i32
      %and3A_1919 = arith.andi %ne3A_1915, %ne3A_1918 : i1
      %sub3A_1920 = arith.constant 1 : i32
      %sub3A_1921 = arith.subi %div3A_1900, %sub3A_1920 : i32
      %select_n3A_1922 = arith.select %and3A_1919, %sub3A_1921, %div3A_1900 : i32
      %jit3A_1923 = arith.constant 64 : i32
      %eq3A_1924 = arith.constant 0 : i32
      %eq3A_1925 = arith.cmpi eq, %jit3A_1923, %eq3A_1924 : i32
      %jit3A_1926 = arith.constant 1 : i32
      %select_n3A_1927 = arith.select %eq3A_1925, %jit3A_1926, %jit3A_1923 : i32
      %rem3A_1928 = arith.remsi %add3A_1898, %select_n3A_1927 : i32
      %ne3A_1929 = arith.constant 0 : i32
      %ne3A_1930 = arith.cmpi ne, %rem3A_1928, %ne3A_1929 : i32
      %lt3A_1931 = arith.constant 0 : i32
      %lt3A_1932 = arith.cmpi slt, %rem3A_1928, %lt3A_1931 : i32
      %lt3A_1933 = arith.constant 0 : i32
      %lt3A_1934 = arith.cmpi slt, %select_n3A_1927, %lt3A_1933 : i32
      %ne3A_1935 = arith.xori %lt3A_1932, %lt3A_1934 : i1
      %and3A_1936 = arith.andi %ne3A_1935, %ne3A_1930 : i1
      %add3A_1937 = arith.addi %rem3A_1928, %select_n3A_1927 : i32
      %select_n3A_1938 = arith.select %and3A_1936, %add3A_1937, %rem3A_1928 : i32
      %mul3A_1939 = arith.constant 16384 : i32
      %mul3A_1940 = arith.muli %select_n3A_1922, %mul3A_1939 : i32
      %mul3A_1941 = arith.constant 256 : i32
      %mul3A_1942 = arith.muli %select_n3A_1938, %mul3A_1941 : i32
      %add3A_1943 = arith.addi %mul3A_1940, %mul3A_1942 : i32
      %mul3A_1944 = arith.constant 8 : i32
      %mul3A_1945 = arith.muli %select_n3A_1922, %mul3A_1944 : i32
      %mul3A_1946 = arith.constant 128 : i32
      %mul3A_1947 = arith.muli %mul3A_1945, %mul3A_1946 : i32
      %mul3A_1948 = arith.constant 2 : i32
      %mul3A_1949 = arith.muli %select_n3A_1938, %mul3A_1948 : i32
      %add3A_1950 = arith.addi %mul3A_1947, %mul3A_1949 : i32
      %mul3A_1951 = arith.constant 8 : i32
      %mul3A_1952 = arith.muli %add3A_1950, %mul3A_1951 : i32
      %dma_start3A_1953 = arith.constant 1 : i32
      %dma_start3A_1954 = arith.constant 0 : i32
      %dma_start3A_1955 = tpu.memref_slice %arg6[%dma_start3A_1953, %dma_start3A_1954] : memref<2x256xi32, #tpu.memory_space<vmem>> -> memref<1x256xi32, #tpu.memory_space<vmem>>
      %dma_start3A_1956 = tpu.memref_squeeze %dma_start3A_1955 : memref<1x256xi32, #tpu.memory_space<vmem>> -> memref<256xi32, #tpu.memory_space<vmem>>
      %dma_start3A_1957 = tpu.memref_slice %arg4[%add3A_1943] : memref<819200xi32, #tpu.memory_space<hbm>> -> memref<256xi32, #tpu.memory_space<hbm>>
      %dma_start3A_1958 = arith.constant 0 : i32
      %dma_start3A_1959 = tpu.memref_slice %arg6[%dma_start3A_1953, %dma_start3A_1958] : memref<2x256xi32, #tpu.memory_space<vmem>> -> memref<1x256xi32, #tpu.memory_space<vmem>>
      %dma_start3A_1960 = tpu.memref_squeeze %dma_start3A_1959 : memref<1x256xi32, #tpu.memory_space<vmem>> -> memref<256xi32, #tpu.memory_space<vmem>>
      %dma_start3A_1961 = tpu.memref_slice %arg4[%add3A_1943] : memref<819200xi32, #tpu.memory_space<hbm>> -> memref<256xi32, #tpu.memory_space<hbm>>
      tpu.enqueue_dma source(%dma_start3A_1961 : memref<256xi32, #tpu.memory_space<hbm>>) target(%dma_start3A_1960 : memref<256xi32, #tpu.memory_space<vmem>>) target_semaphore(%arg12 : memref<!tpu.dma_semaphore, #tpu.memory_space<semaphore_mem>>)
      %add3A_1962 = arith.constant 1 : i32
      %add3A_1963 = arith.addi %add3A_1852, %add3A_1962 : i32
      %min3A_1964 = arith.constant 99 : i32
      %min3A_1965 = arith.minsi %add3A_1963, %min3A_1964 : i32
      %add3A_1966 = arith.addi %mul3A_14, %min3A_1965 : i32
      %jit3A_1967 = arith.constant 64 : i32
      %div3A_1968 = arith.divsi %add3A_1966, %jit3A_1967 : i32
      %sign3A_1969 = arith.constant 0 : i32
      %sign3A_1970 = arith.cmpi sgt, %add3A_1966, %sign3A_1969 : i32
      %sign3A_1971 = arith.extui %sign3A_1970 : i1 to i32
      %sign3A_1972 = arith.constant 0 : i32
      %sign3A_1973 = arith.cmpi slt, %add3A_1966, %sign3A_1972 : i32
      %sign3A_1974 = arith.extui %sign3A_1973 : i1 to i32
      %sign3A_1975 = arith.subi %sign3A_1971, %sign3A_1974 : i32
      %sign3A_1976 = arith.constant 0 : i32
      %sign3A_1977 = arith.cmpi sgt, %jit3A_1967, %sign3A_1976 : i32
      %sign3A_1978 = arith.extui %sign3A_1977 : i1 to i32
      %sign3A_1979 = arith.constant 0 : i32
      %sign3A_1980 = arith.cmpi slt, %jit3A_1967, %sign3A_1979 : i32
      %sign3A_1981 = arith.extui %sign3A_1980 : i1 to i32
      %sign3A_1982 = arith.subi %sign3A_1978, %sign3A_1981 : i32
      %ne3A_1983 = arith.cmpi ne, %sign3A_1975, %sign3A_1982 : i32
      %rem3A_1984 = arith.remsi %add3A_1966, %jit3A_1967 : i32
      %ne3A_1985 = arith.constant 0 : i32
      %ne3A_1986 = arith.cmpi ne, %rem3A_1984, %ne3A_1985 : i32
      %and3A_1987 = arith.andi %ne3A_1983, %ne3A_1986 : i1
      %sub3A_1988 = arith.constant 1 : i32
      %sub3A_1989 = arith.subi %div3A_1968, %sub3A_1988 : i32
      %select_n3A_1990 = arith.select %and3A_1987, %sub3A_1989, %div3A_1968 : i32
      %jit3A_1991 = arith.constant 64 : i32
      %eq3A_1992 = arith.constant 0 : i32
      %eq3A_1993 = arith.cmpi eq, %jit3A_1991, %eq3A_1992 : i32
      %jit3A_1994 = arith.constant 1 : i32
      %select_n3A_1995 = arith.select %eq3A_1993, %jit3A_1994, %jit3A_1991 : i32
      %rem3A_1996 = arith.remsi %add3A_1966, %select_n3A_1995 : i32
      %ne3A_1997 = arith.constant 0 : i32
      %ne3A_1998 = arith.cmpi ne, %rem3A_1996, %ne3A_1997 : i32
      %lt3A_1999 = arith.constant 0 : i32
      %lt3A_2000 = arith.cmpi slt, %rem3A_1996, %lt3A_1999 : i32
      %lt3A_2001 = arith.constant 0 : i32
      %lt3A_2002 = arith.cmpi slt, %select_n3A_1995, %lt3A_2001 : i32
      %ne3A_2003 = arith.xori %lt3A_2000, %lt3A_2002 : i1
      %and3A_2004 = arith.andi %ne3A_2003, %ne3A_1998 : i1
      %add3A_2005 = arith.addi %rem3A_1996, %select_n3A_1995 : i32
      %select_n3A_2006 = arith.select %and3A_2004, %add3A_2005, %rem3A_1996 : i32
      %mul3A_2007 = arith.constant 16384 : i32
      %mul3A_2008 = arith.muli %select_n3A_1990, %mul3A_2007 : i32
      %mul3A_2009 = arith.constant 256 : i32
      %mul3A_2010 = arith.muli %select_n3A_2006, %mul3A_2009 : i32
      %add3A_2011 = arith.addi %mul3A_2008, %mul3A_2010 : i32
      %mul3A_2012 = arith.constant 8 : i32
      %mul3A_2013 = arith.muli %select_n3A_1990, %mul3A_2012 : i32
      %mul3A_2014 = arith.constant 128 : i32
      %mul3A_2015 = arith.muli %mul3A_2013, %mul3A_2014 : i32
      %mul3A_2016 = arith.constant 2 : i32
      %mul3A_2017 = arith.muli %select_n3A_2006, %mul3A_2016 : i32
      %add3A_2018 = arith.addi %mul3A_2015, %mul3A_2017 : i32
      %mul3A_2019 = arith.constant 8 : i32
      %mul3A_2020 = arith.muli %add3A_2018, %mul3A_2019 : i32
      %dma_wait3A_2021 = arith.constant 0 : i32
      %dma_wait3A_2022 = arith.constant 0 : i32
      %dma_wait3A_2023 = tpu.memref_slice %arg6[%dma_wait3A_2021, %dma_wait3A_2022] : memref<2x256xi32, #tpu.memory_space<vmem>> -> memref<1x256xi32, #tpu.memory_space<vmem>>
      %dma_wait3A_2024 = tpu.memref_squeeze %dma_wait3A_2023 : memref<1x256xi32, #tpu.memory_space<vmem>> -> memref<256xi32, #tpu.memory_space<vmem>>
      %dma_wait3A_2025 = tpu.memref_slice %arg4[%add3A_2011] : memref<819200xi32, #tpu.memory_space<hbm>> -> memref<256xi32, #tpu.memory_space<hbm>>
      %dma_wait3A_2026 = arith.constant 0 : i32
      %dma_wait3A_2027 = tpu.memref_slice %arg6[%dma_wait3A_2021, %dma_wait3A_2026] : memref<2x256xi32, #tpu.memory_space<vmem>> -> memref<1x256xi32, #tpu.memory_space<vmem>>
      %dma_wait3A_2028 = tpu.memref_squeeze %dma_wait3A_2027 : memref<1x256xi32, #tpu.memory_space<vmem>> -> memref<256xi32, #tpu.memory_space<vmem>>
      %dma_wait3A_2029 = tpu.memref_slice %arg4[%add3A_2011] : memref<819200xi32, #tpu.memory_space<hbm>> -> memref<256xi32, #tpu.memory_space<hbm>>
      tpu.wait_dma2 semaphore(%arg11 : memref<!tpu.dma_semaphore, #tpu.memory_space<semaphore_mem>>) src(%dma_wait3A_2029 : memref<256xi32, #tpu.memory_space<hbm>>) dst(%dma_wait3A_2028 : memref<256xi32, #tpu.memory_space<vmem>>)
      %parallel_loop3A_2030 = arith.constant 0 : i32
      %parallel_loop3A_2031 = arith.constant 16 : i32
      %parallel_loop3A_2032 = arith.constant 1 : i32
      %parallel_loop3A_2033 = arith.constant 0 : i32
      %parallel_loop3A_2034 = arith.constant 0 : i32
      %parallel_loop3A_2035 = arith.constant false
      %parallel_loop3A_2036 = scf.for %parallel_loop3A_2506 = %parallel_loop3A_2030 to %parallel_loop3A_2031 step %parallel_loop3A_2032 iter_args(%parallel_loop3A_2507 = %parallel_loop3A_2035) -> (i1)  : i32 {
        %parallel_loop3A_2508 = arith.constant 16 : i32
        %parallel_loop3A_2509 = arith.muli %parallel_loop3A_2506, %parallel_loop3A_2508 : i32
        %parallel_loop3A_2510 = arith.constant 0 : i32
        %parallel_loop3A_2511 = tpu.memref_slice %arg6[%parallel_loop3A_2033, %parallel_loop3A_2510] : memref<2x256xi32, #tpu.memory_space<vmem>> -> memref<1x256xi32, #tpu.memory_space<vmem>>
        %parallel_loop3A_2512 = tpu.memref_squeeze %parallel_loop3A_2511 : memref<1x256xi32, #tpu.memory_space<vmem>> -> memref<256xi32, #tpu.memory_space<vmem>>
        %parallel_loop3A_2513 = arith.index_cast %parallel_loop3A_2509 : i32 to index
        %parallel_loop3A_2514 = tpu.vector_load %parallel_loop3A_2512[%parallel_loop3A_2513] {strides = array<i32>} : memref<256xi32, #tpu.memory_space<vmem>>, vector<16xi32>,
        %parallel_loop3A_2515 = arith.constant 100000 : i32
        %parallel_loop3A_2516 = vector.broadcast %parallel_loop3A_2515 : i32 to vector<16xi32>
        %parallel_loop3A_2517 = arith.cmpi sge, %parallel_loop3A_2514, %parallel_loop3A_2516 : vector<16xi32>
        %parallel_loop3A_2518 = arith.constant 99999 : i32
        %parallel_loop3A_2519 = vector.broadcast %parallel_loop3A_2518 : i32 to vector<16xi32>
        %parallel_loop3A_2520 = arith.select %parallel_loop3A_2517, %parallel_loop3A_2519, %parallel_loop3A_2514 : vector<16xi1>, vector<16xi32>
        %parallel_loop3A_2521 = arith.constant 16 : i32
        %parallel_loop3A_2522 = arith.muli %parallel_loop3A_2506, %parallel_loop3A_2521 : i32
        %parallel_loop3A_2523 = arith.constant 0 : i32
        %parallel_loop3A_2524 = tpu.memref_slice %arg7[%parallel_loop3A_2034, %parallel_loop3A_2523] : memref<2x256xi32, #tpu.memory_space<vmem>> -> memref<1x256xi32, #tpu.memory_space<vmem>>
        %parallel_loop3A_2525 = tpu.memref_squeeze %parallel_loop3A_2524 : memref<1x256xi32, #tpu.memory_space<vmem>> -> memref<256xi32, #tpu.memory_space<vmem>>
        %parallel_loop3A_2526 = arith.index_cast %parallel_loop3A_2522 : i32 to index
        %parallel_loop3A_2527 = tpu.vector_load %parallel_loop3A_2525[%parallel_loop3A_2526] {strides = array<i32>} : memref<256xi32, #tpu.memory_space<vmem>>, vector<16xi32>,
        tpu.vector_store %parallel_loop3A_2525[%parallel_loop3A_2526], %parallel_loop3A_2520 {strides = array<i32>} : memref<256xi32, #tpu.memory_space<vmem>>, vector<16xi32>,
        %parallel_loop3A_2528 = arith.constant 1.000000e+00 : f32
        %parallel_loop3A_2529 = arith.constant 0.000000e+00 : f32
        %parallel_loop3A_2530 = vector.broadcast %parallel_loop3A_2528 : f32 to vector<16xf32>
        %parallel_loop3A_2531 = vector.broadcast %parallel_loop3A_2529 : f32 to vector<16xf32>
        %parallel_loop3A_2532 = arith.select %parallel_loop3A_2517, %parallel_loop3A_2530, %parallel_loop3A_2531 : vector<16xi1>, vector<16xf32>
        %parallel_loop3A_2533 = arith.constant true
        %parallel_loop3A_2534 = vector.broadcast %parallel_loop3A_2533 : i1 to vector<16xi1>
        %parallel_loop3A_2535 = tpu.scan <max>, %parallel_loop3A_2532 masked %parallel_loop3A_2534 : vector<16xf32>, vector<16xi1> -> vector<16xf32>
        %parallel_loop3A_2536 = vector.extract %parallel_loop3A_2535[15] : f32 from vector<16xf32>
        %parallel_loop3A_2537 = arith.constant 0.000000e+00 : f32
        %parallel_loop3A_2538 = arith.cmpf ogt, %parallel_loop3A_2536, %parallel_loop3A_2537 : f32
        %parallel_loop3A_2539 = arith.ori %parallel_loop3A_2507, %parallel_loop3A_2538 : i1
        scf.yield %parallel_loop3A_2539 : i1
      } {sc.loop_unroll_factor = 4 : i64, sc.parallel_access}
      %add3A_2037 = arith.constant 1 : i32
      %add3A_2038 = arith.addi %add3A_1852, %add3A_2037 : i32
      %dma_start3A_2039 = arith.constant 0 : i32
      %dma_start3A_2040 = arith.constant 0 : i32
      %dma_start3A_2041 = arith.constant 0 : i32
      %dma_start3A_2042 = arith.constant 0 : i32
      %dma_start3A_2043 = tpu.memref_slice %arg8[%dma_start3A_2040, %dma_start3A_2041, %dma_start3A_2042] : memref<2x256x64xf32, #tpu.memory_space<vmem>> -> memref<1x256x64xf32, #tpu.memory_space<vmem>>
      %dma_start3A_2044 = tpu.memref_squeeze %dma_start3A_2043 : memref<1x256x64xf32, #tpu.memory_space<vmem>> -> memref<256x64xf32, #tpu.memory_space<vmem>>
      %dma_start3A_2045 = arith.constant 0 : i32
      %dma_start3A_2046 = arith.constant 0 : i32
      %dma_start3A_2047 = tpu.memref_slice %dma_start3A_2044[%dma_start3A_2045, %dma_start3A_2046] : memref<256x64xf32, #tpu.memory_space<vmem>> -> memref<128x64xf32, #tpu.memory_space<vmem>>
      %dma_start3A_2048 = arith.constant 0 : i32
      %dma_start3A_2049 = tpu.memref_slice %arg7[%dma_start3A_2039, %dma_start3A_2048] : memref<2x256xi32, #tpu.memory_space<vmem>> -> memref<1x256xi32, #tpu.memory_space<vmem>>
      %dma_start3A_2050 = tpu.memref_squeeze %dma_start3A_2049 : memref<1x256xi32, #tpu.memory_space<vmem>> -> memref<256xi32, #tpu.memory_space<vmem>>
      %dma_start3A_2051 = arith.constant 0 : i32
      %dma_start3A_2052 = tpu.memref_slice %dma_start3A_2050[%dma_start3A_2051] : memref<256xi32, #tpu.memory_space<vmem>> -> memref<128xi32, #tpu.memory_space<vmem>>
      %dma_start3A_2053 = arith.constant 0 : i32
      %dma_start3A_2054 = arith.constant 0 : i32
      %dma_start3A_2055 = tpu.memref_slice %arg2[%dma_start3A_2053, %dma_start3A_2054] : memref<100000x64xf32, #tpu.memory_space<hbm>> -> memref<100000x64xf32, #tpu.memory_space<hbm>>
      tpu.enqueue_indirect_dma source(%dma_start3A_2055 : memref<100000x64xf32, #tpu.memory_space<hbm>>) target(%dma_start3A_2047 : memref<128x64xf32, #tpu.memory_space<vmem>>) offsets(%dma_start3A_2052 : memref<128xi32, #tpu.memory_space<vmem>>) semaphore(%arg13 : memref<!tpu.dma_semaphore, #tpu.memory_space<semaphore_mem>>)
      %dma_start3A_2056 = arith.constant 0 : i32
      %dma_start3A_2057 = arith.constant 0 : i32
      %dma_start3A_2058 = arith.constant 0 : i32
      %dma_start3A_2059 = arith.constant 0 : i32
      %dma_start3A_2060 = tpu.memref_slice %arg8[%dma_start3A_2057, %dma_start3A_2058, %dma_start3A_2059] : memref<2x256x64xf32, #tpu.memory_space<vmem>> -> memref<1x256x64xf32, #tpu.memory_space<vmem>>
      %dma_start3A_2061 = tpu.memref_squeeze %dma_start3A_2060 : memref<1x256x64xf32, #tpu.memory_space<vmem>> -> memref<256x64xf32, #tpu.memory_space<vmem>>
      %dma_start3A_2062 = arith.constant 128 : i32
      %dma_start3A_2063 = arith.constant 0 : i32
      %dma_start3A_2064 = tpu.memref_slice %dma_start3A_2061[%dma_start3A_2062, %dma_start3A_2063] : memref<256x64xf32, #tpu.memory_space<vmem>> -> memref<128x64xf32, #tpu.memory_space<vmem>>
      %dma_start3A_2065 = arith.constant 0 : i32
      %dma_start3A_2066 = tpu.memref_slice %arg7[%dma_start3A_2056, %dma_start3A_2065] : memref<2x256xi32, #tpu.memory_space<vmem>> -> memref<1x256xi32, #tpu.memory_space<vmem>>
      %dma_start3A_2067 = tpu.memref_squeeze %dma_start3A_2066 : memref<1x256xi32, #tpu.memory_space<vmem>> -> memref<256xi32, #tpu.memory_space<vmem>>
      %dma_start3A_2068 = arith.constant 128 : i32
      %dma_start3A_2069 = tpu.memref_slice %dma_start3A_2067[%dma_start3A_2068] : memref<256xi32, #tpu.memory_space<vmem>> -> memref<128xi32, #tpu.memory_space<vmem>>
      %dma_start3A_2070 = arith.constant 0 : i32
      %dma_start3A_2071 = arith.constant 0 : i32
      %dma_start3A_2072 = tpu.memref_slice %arg2[%dma_start3A_2070, %dma_start3A_2071] : memref<100000x64xf32, #tpu.memory_space<hbm>> -> memref<100000x64xf32, #tpu.memory_space<hbm>>
      tpu.enqueue_indirect_dma source(%dma_start3A_2072 : memref<100000x64xf32, #tpu.memory_space<hbm>>) target(%dma_start3A_2064 : memref<128x64xf32, #tpu.memory_space<vmem>>) offsets(%dma_start3A_2069 : memref<128xi32, #tpu.memory_space<vmem>>) semaphore(%arg13 : memref<!tpu.dma_semaphore, #tpu.memory_space<semaphore_mem>>)
      %add3A_2073 = arith.addi %mul3A_14, %add3A_1852 : i32
      %jit3A_2074 = arith.constant 64 : i32
      %div3A_2075 = arith.divsi %add3A_2073, %jit3A_2074 : i32
      %sign3A_2076 = arith.constant 0 : i32
      %sign3A_2077 = arith.cmpi sgt, %add3A_2073, %sign3A_2076 : i32
      %sign3A_2078 = arith.extui %sign3A_2077 : i1 to i32
      %sign3A_2079 = arith.constant 0 : i32
      %sign3A_2080 = arith.cmpi slt, %add3A_2073, %sign3A_2079 : i32
      %sign3A_2081 = arith.extui %sign3A_2080 : i1 to i32
      %sign3A_2082 = arith.subi %sign3A_2078, %sign3A_2081 : i32
      %sign3A_2083 = arith.constant 0 : i32
      %sign3A_2084 = arith.cmpi sgt, %jit3A_2074, %sign3A_2083 : i32
      %sign3A_2085 = arith.extui %sign3A_2084 : i1 to i32
      %sign3A_2086 = arith.constant 0 : i32
      %sign3A_2087 = arith.cmpi slt, %jit3A_2074, %sign3A_2086 : i32
      %sign3A_2088 = arith.extui %sign3A_2087 : i1 to i32
      %sign3A_2089 = arith.subi %sign3A_2085, %sign3A_2088 : i32
      %ne3A_2090 = arith.cmpi ne, %sign3A_2082, %sign3A_2089 : i32
      %rem3A_2091 = arith.remsi %add3A_2073, %jit3A_2074 : i32
      %ne3A_2092 = arith.constant 0 : i32
      %ne3A_2093 = arith.cmpi ne, %rem3A_2091, %ne3A_2092 : i32
      %and3A_2094 = arith.andi %ne3A_2090, %ne3A_2093 : i1
      %sub3A_2095 = arith.constant 1 : i32
      %sub3A_2096 = arith.subi %div3A_2075, %sub3A_2095 : i32
      %select_n3A_2097 = arith.select %and3A_2094, %sub3A_2096, %div3A_2075 : i32
      %jit3A_2098 = arith.constant 64 : i32
      %eq3A_2099 = arith.constant 0 : i32
      %eq3A_2100 = arith.cmpi eq, %jit3A_2098, %eq3A_2099 : i32
      %jit3A_2101 = arith.constant 1 : i32
      %select_n3A_2102 = arith.select %eq3A_2100, %jit3A_2101, %jit3A_2098 : i32
      %rem3A_2103 = arith.remsi %add3A_2073, %select_n3A_2102 : i32
      %ne3A_2104 = arith.constant 0 : i32
      %ne3A_2105 = arith.cmpi ne, %rem3A_2103, %ne3A_2104 : i32
      %lt3A_2106 = arith.constant 0 : i32
      %lt3A_2107 = arith.cmpi slt, %rem3A_2103, %lt3A_2106 : i32
      %lt3A_2108 = arith.constant 0 : i32
      %lt3A_2109 = arith.cmpi slt, %select_n3A_2102, %lt3A_2108 : i32
      %ne3A_2110 = arith.xori %lt3A_2107, %lt3A_2109 : i1
      %and3A_2111 = arith.andi %ne3A_2110, %ne3A_2105 : i1
      %add3A_2112 = arith.addi %rem3A_2103, %select_n3A_2102 : i32
      %select_n3A_2113 = arith.select %and3A_2111, %add3A_2112, %rem3A_2103 : i32
      %mul3A_2114 = arith.constant 16384 : i32
      %mul3A_2115 = arith.muli %select_n3A_2097, %mul3A_2114 : i32
      %mul3A_2116 = arith.constant 256 : i32
      %mul3A_2117 = arith.muli %select_n3A_2113, %mul3A_2116 : i32
      %add3A_2118 = arith.addi %mul3A_2115, %mul3A_2117 : i32
      %mul3A_2119 = arith.constant 8 : i32
      %mul3A_2120 = arith.muli %select_n3A_2097, %mul3A_2119 : i32
      %mul3A_2121 = arith.constant 128 : i32
      %mul3A_2122 = arith.muli %mul3A_2120, %mul3A_2121 : i32
      %mul3A_2123 = arith.constant 2 : i32
      %mul3A_2124 = arith.muli %select_n3A_2113, %mul3A_2123 : i32
      %add3A_2125 = arith.addi %mul3A_2122, %mul3A_2124 : i32
      %mul3A_2126 = arith.constant 8 : i32
      %mul3A_2127 = arith.muli %add3A_2125, %mul3A_2126 : i32
      %not3A_2128 = arith.constant true
      %not3A_2129 = arith.xori %lt3A_1854, %not3A_2128 : i1
      %convert_element_type3A_2130 = arith.extui %not3A_2129 : i1 to i32
      %cond3A_2131 = arith.constant 0 : i32
      %cond3A_2132 = arith.cmpi ne, %convert_element_type3A_2130, %cond3A_2131 : i32
      scf.if %cond3A_2132 {
        %add3A_2506 = arith.constant 0 : i32
        %add3A_2507 = arith.addi %mul3A_2127, %add3A_2506 : i32
        %add3A_2508 = arith.constant 0 : i32
        %add3A_2509 = arith.addi %add3A_2507, %add3A_2508 : i32
        %add3A_2510 = arith.constant 0 : i32
        %add3A_2511 = arith.addi %mul3A_2127, %add3A_2510 : i32
        %add3A_2512 = arith.constant 8 : i32
        %add3A_2513 = arith.addi %add3A_2511, %add3A_2512 : i32
        %add3A_2514 = arith.constant 1024 : i32
        %add3A_2515 = arith.addi %mul3A_2127, %add3A_2514 : i32
        %add3A_2516 = arith.constant 0 : i32
        %add3A_2517 = arith.addi %add3A_2515, %add3A_2516 : i32
        %add3A_2518 = arith.constant 1024 : i32
        %add3A_2519 = arith.addi %mul3A_2127, %add3A_2518 : i32
        %add3A_2520 = arith.constant 8 : i32
        %add3A_2521 = arith.addi %add3A_2519, %add3A_2520 : i32
        %add3A_2522 = arith.constant 2048 : i32
        %add3A_2523 = arith.addi %mul3A_2127, %add3A_2522 : i32
        %add3A_2524 = arith.constant 0 : i32
        %add3A_2525 = arith.addi %add3A_2523, %add3A_2524 : i32
        %add3A_2526 = arith.constant 2048 : i32
        %add3A_2527 = arith.addi %mul3A_2127, %add3A_2526 : i32
        %add3A_2528 = arith.constant 8 : i32
        %add3A_2529 = arith.addi %add3A_2527, %add3A_2528 : i32
        %add3A_2530 = arith.constant 3072 : i32
        %add3A_2531 = arith.addi %mul3A_2127, %add3A_2530 : i32
        %add3A_2532 = arith.constant 0 : i32
        %add3A_2533 = arith.addi %add3A_2531, %add3A_2532 : i32
        %add3A_2534 = arith.constant 3072 : i32
        %add3A_2535 = arith.addi %mul3A_2127, %add3A_2534 : i32
        %add3A_2536 = arith.constant 8 : i32
        %add3A_2537 = arith.addi %add3A_2535, %add3A_2536 : i32
        %add3A_2538 = arith.constant 4096 : i32
        %add3A_2539 = arith.addi %mul3A_2127, %add3A_2538 : i32
        %add3A_2540 = arith.constant 0 : i32
        %add3A_2541 = arith.addi %add3A_2539, %add3A_2540 : i32
        %add3A_2542 = arith.constant 4096 : i32
        %add3A_2543 = arith.addi %mul3A_2127, %add3A_2542 : i32
        %add3A_2544 = arith.constant 8 : i32
        %add3A_2545 = arith.addi %add3A_2543, %add3A_2544 : i32
        %add3A_2546 = arith.constant 5120 : i32
        %add3A_2547 = arith.addi %mul3A_2127, %add3A_2546 : i32
        %add3A_2548 = arith.constant 0 : i32
        %add3A_2549 = arith.addi %add3A_2547, %add3A_2548 : i32
        %add3A_2550 = arith.constant 5120 : i32
        %add3A_2551 = arith.addi %mul3A_2127, %add3A_2550 : i32
        %add3A_2552 = arith.constant 8 : i32
        %add3A_2553 = arith.addi %add3A_2551, %add3A_2552 : i32
        %add3A_2554 = arith.constant 6144 : i32
        %add3A_2555 = arith.addi %mul3A_2127, %add3A_2554 : i32
        %add3A_2556 = arith.constant 0 : i32
        %add3A_2557 = arith.addi %add3A_2555, %add3A_2556 : i32
        %add3A_2558 = arith.constant 6144 : i32
        %add3A_2559 = arith.addi %mul3A_2127, %add3A_2558 : i32
        %add3A_2560 = arith.constant 8 : i32
        %add3A_2561 = arith.addi %add3A_2559, %add3A_2560 : i32
        %add3A_2562 = arith.constant 7168 : i32
        %add3A_2563 = arith.addi %mul3A_2127, %add3A_2562 : i32
        %add3A_2564 = arith.constant 0 : i32
        %add3A_2565 = arith.addi %add3A_2563, %add3A_2564 : i32
        %add3A_2566 = arith.constant 7168 : i32
        %add3A_2567 = arith.addi %mul3A_2127, %add3A_2566 : i32
        %add3A_2568 = arith.constant 8 : i32
        %add3A_2569 = arith.addi %add3A_2567, %add3A_2568 : i32
        %dma_wait3A_2570 = arith.constant 1 : i32
        %dma_wait3A_2571 = arith.constant 0 : i32
        %dma_wait3A_2572 = arith.constant 0 : i32
        %dma_wait3A_2573 = tpu.memref_slice %arg9[%dma_wait3A_2570, %dma_wait3A_2571, %dma_wait3A_2572] : memref<2x128x129xf32, #tpu.memory_space<vmem>> -> memref<1x128x129xf32, #tpu.memory_space<vmem>>
        %dma_wait3A_2574 = tpu.memref_squeeze %dma_wait3A_2573 : memref<1x128x129xf32, #tpu.memory_space<vmem>> -> memref<128x129xf32, #tpu.memory_space<vmem>>
        %dma_wait3A_2575 = arith.constant 0 : i32
        %dma_wait3A_2576 = arith.constant 0 : i32
        %dma_wait3A_2577 = tpu.memref_slice %dma_wait3A_2574[%dma_wait3A_2575, %dma_wait3A_2576] : memref<128x129xf32, #tpu.memory_space<vmem>> -> memref<8x128xf32, #tpu.memory_space<vmem>>
        %dma_wait3A_2578 = arith.constant 0 : i32
        %dma_wait3A_2579 = tpu.memref_slice %arg5[%add3A_2509, %dma_wait3A_2578] : memref<409600x128xf32, #tpu.memory_space<hbm>> -> memref<8x128xf32, #tpu.memory_space<hbm>>
        %dma_wait3A_2580 = arith.constant 0 : i32
        %dma_wait3A_2581 = tpu.memref_slice %arg5[%add3A_2509, %dma_wait3A_2580] : memref<409600x128xf32, #tpu.memory_space<hbm>> -> memref<8x128xf32, #tpu.memory_space<hbm>>
        %dma_wait3A_2582 = arith.constant 0 : i32
        %dma_wait3A_2583 = arith.constant 0 : i32
        %dma_wait3A_2584 = tpu.memref_slice %arg9[%dma_wait3A_2570, %dma_wait3A_2582, %dma_wait3A_2583] : memref<2x128x129xf32, #tpu.memory_space<vmem>> -> memref<1x128x129xf32, #tpu.memory_space<vmem>>
        %dma_wait3A_2585 = tpu.memref_squeeze %dma_wait3A_2584 : memref<1x128x129xf32, #tpu.memory_space<vmem>> -> memref<128x129xf32, #tpu.memory_space<vmem>>
        %dma_wait3A_2586 = arith.constant 0 : i32
        %dma_wait3A_2587 = arith.constant 0 : i32
        %dma_wait3A_2588 = tpu.memref_slice %dma_wait3A_2585[%dma_wait3A_2586, %dma_wait3A_2587] : memref<128x129xf32, #tpu.memory_space<vmem>> -> memref<8x128xf32, #tpu.memory_space<vmem>>
        tpu.wait_dma2 semaphore(%arg16 : memref<!tpu.dma_semaphore, #tpu.memory_space<semaphore_mem>>) src(%dma_wait3A_2588 : memref<8x128xf32, #tpu.memory_space<vmem>>) dst(%dma_wait3A_2581 : memref<8x128xf32, #tpu.memory_space<hbm>>)
        %dma_wait3A_2589 = arith.constant 1 : i32
        %dma_wait3A_2590 = arith.constant 0 : i32
        %dma_wait3A_2591 = arith.constant 0 : i32
        %dma_wait3A_2592 = tpu.memref_slice %arg9[%dma_wait3A_2589, %dma_wait3A_2590, %dma_wait3A_2591] : memref<2x128x129xf32, #tpu.memory_space<vmem>> -> memref<1x128x129xf32, #tpu.memory_space<vmem>>
        %dma_wait3A_2593 = tpu.memref_squeeze %dma_wait3A_2592 : memref<1x128x129xf32, #tpu.memory_space<vmem>> -> memref<128x129xf32, #tpu.memory_space<vmem>>
        %dma_wait3A_2594 = arith.constant 64 : i32
        %dma_wait3A_2595 = arith.constant 0 : i32
        %dma_wait3A_2596 = tpu.memref_slice %dma_wait3A_2593[%dma_wait3A_2594, %dma_wait3A_2595] : memref<128x129xf32, #tpu.memory_space<vmem>> -> memref<8x128xf32, #tpu.memory_space<vmem>>
        %dma_wait3A_2597 = arith.constant 0 : i32
        %dma_wait3A_2598 = tpu.memref_slice %arg5[%add3A_2513, %dma_wait3A_2597] : memref<409600x128xf32, #tpu.memory_space<hbm>> -> memref<8x128xf32, #tpu.memory_space<hbm>>
        %dma_wait3A_2599 = arith.constant 0 : i32
        %dma_wait3A_2600 = tpu.memref_slice %arg5[%add3A_2513, %dma_wait3A_2599] : memref<409600x128xf32, #tpu.memory_space<hbm>> -> memref<8x128xf32, #tpu.memory_space<hbm>>
        %dma_wait3A_2601 = arith.constant 0 : i32
        %dma_wait3A_2602 = arith.constant 0 : i32
        %dma_wait3A_2603 = tpu.memref_slice %arg9[%dma_wait3A_2589, %dma_wait3A_2601, %dma_wait3A_2602] : memref<2x128x129xf32, #tpu.memory_space<vmem>> -> memref<1x128x129xf32, #tpu.memory_space<vmem>>
        %dma_wait3A_2604 = tpu.memref_squeeze %dma_wait3A_2603 : memref<1x128x129xf32, #tpu.memory_space<vmem>> -> memref<128x129xf32, #tpu.memory_space<vmem>>
        %dma_wait3A_2605 = arith.constant 64 : i32
        %dma_wait3A_2606 = arith.constant 0 : i32
        %dma_wait3A_2607 = tpu.memref_slice %dma_wait3A_2604[%dma_wait3A_2605, %dma_wait3A_2606] : memref<128x129xf32, #tpu.memory_space<vmem>> -> memref<8x128xf32, #tpu.memory_space<vmem>>
        tpu.wait_dma2 semaphore(%arg16 : memref<!tpu.dma_semaphore, #tpu.memory_space<semaphore_mem>>) src(%dma_wait3A_2607 : memref<8x128xf32, #tpu.memory_space<vmem>>) dst(%dma_wait3A_2600 : memref<8x128xf32, #tpu.memory_space<hbm>>)
        %dma_wait3A_2608 = arith.constant 1 : i32
        %dma_wait3A_2609 = arith.constant 0 : i32
        %dma_wait3A_2610 = arith.constant 0 : i32
        %dma_wait3A_2611 = tpu.memref_slice %arg9[%dma_wait3A_2608, %dma_wait3A_2609, %dma_wait3A_2610] : memref<2x128x129xf32, #tpu.memory_space<vmem>> -> memref<1x128x129xf32, #tpu.memory_space<vmem>>
        %dma_wait3A_2612 = tpu.memref_squeeze %dma_wait3A_2611 : memref<1x128x129xf32, #tpu.memory_space<vmem>> -> memref<128x129xf32, #tpu.memory_space<vmem>>
        %dma_wait3A_2613 = arith.constant 8 : i32
        %dma_wait3A_2614 = arith.constant 0 : i32
        %dma_wait3A_2615 = tpu.memref_slice %dma_wait3A_2612[%dma_wait3A_2613, %dma_wait3A_2614] : memref<128x129xf32, #tpu.memory_space<vmem>> -> memref<8x128xf32, #tpu.memory_space<vmem>>
        %dma_wait3A_2616 = arith.constant 0 : i32
        %dma_wait3A_2617 = tpu.memref_slice %arg5[%add3A_2517, %dma_wait3A_2616] : memref<409600x128xf32, #tpu.memory_space<hbm>> -> memref<8x128xf32, #tpu.memory_space<hbm>>
        %dma_wait3A_2618 = arith.constant 0 : i32
        %dma_wait3A_2619 = tpu.memref_slice %arg5[%add3A_2517, %dma_wait3A_2618] : memref<409600x128xf32, #tpu.memory_space<hbm>> -> memref<8x128xf32, #tpu.memory_space<hbm>>
        %dma_wait3A_2620 = arith.constant 0 : i32
        %dma_wait3A_2621 = arith.constant 0 : i32
        %dma_wait3A_2622 = tpu.memref_slice %arg9[%dma_wait3A_2608, %dma_wait3A_2620, %dma_wait3A_2621] : memref<2x128x129xf32, #tpu.memory_space<vmem>> -> memref<1x128x129xf32, #tpu.memory_space<vmem>>
        %dma_wait3A_2623 = tpu.memref_squeeze %dma_wait3A_2622 : memref<1x128x129xf32, #tpu.memory_space<vmem>> -> memref<128x129xf32, #tpu.memory_space<vmem>>
        %dma_wait3A_2624 = arith.constant 8 : i32
        %dma_wait3A_2625 = arith.constant 0 : i32
        %dma_wait3A_2626 = tpu.memref_slice %dma_wait3A_2623[%dma_wait3A_2624, %dma_wait3A_2625] : memref<128x129xf32, #tpu.memory_space<vmem>> -> memref<8x128xf32, #tpu.memory_space<vmem>>
        tpu.wait_dma2 semaphore(%arg16 : memref<!tpu.dma_semaphore, #tpu.memory_space<semaphore_mem>>) src(%dma_wait3A_2626 : memref<8x128xf32, #tpu.memory_space<vmem>>) dst(%dma_wait3A_2619 : memref<8x128xf32, #tpu.memory_space<hbm>>)
        %dma_wait3A_2627 = arith.constant 1 : i32
        %dma_wait3A_2628 = arith.constant 0 : i32
        %dma_wait3A_2629 = arith.constant 0 : i32
        %dma_wait3A_2630 = tpu.memref_slice %arg9[%dma_wait3A_2627, %dma_wait3A_2628, %dma_wait3A_2629] : memref<2x128x129xf32, #tpu.memory_space<vmem>> -> memref<1x128x129xf32, #tpu.memory_space<vmem>>
        %dma_wait3A_2631 = tpu.memref_squeeze %dma_wait3A_2630 : memref<1x128x129xf32, #tpu.memory_space<vmem>> -> memref<128x129xf32, #tpu.memory_space<vmem>>
        %dma_wait3A_2632 = arith.constant 72 : i32
        %dma_wait3A_2633 = arith.constant 0 : i32
        %dma_wait3A_2634 = tpu.memref_slice %dma_wait3A_2631[%dma_wait3A_2632, %dma_wait3A_2633] : memref<128x129xf32, #tpu.memory_space<vmem>> -> memref<8x128xf32, #tpu.memory_space<vmem>>
        %dma_wait3A_2635 = arith.constant 0 : i32
        %dma_wait3A_2636 = tpu.memref_slice %arg5[%add3A_2521, %dma_wait3A_2635] : memref<409600x128xf32, #tpu.memory_space<hbm>> -> memref<8x128xf32, #tpu.memory_space<hbm>>
        %dma_wait3A_2637 = arith.constant 0 : i32
        %dma_wait3A_2638 = tpu.memref_slice %arg5[%add3A_2521, %dma_wait3A_2637] : memref<409600x128xf32, #tpu.memory_space<hbm>> -> memref<8x128xf32, #tpu.memory_space<hbm>>
        %dma_wait3A_2639 = arith.constant 0 : i32
        %dma_wait3A_2640 = arith.constant 0 : i32
        %dma_wait3A_2641 = tpu.memref_slice %arg9[%dma_wait3A_2627, %dma_wait3A_2639, %dma_wait3A_2640] : memref<2x128x129xf32, #tpu.memory_space<vmem>> -> memref<1x128x129xf32, #tpu.memory_space<vmem>>
        %dma_wait3A_2642 = tpu.memref_squeeze %dma_wait3A_2641 : memref<1x128x129xf32, #tpu.memory_space<vmem>> -> memref<128x129xf32, #tpu.memory_space<vmem>>
        %dma_wait3A_2643 = arith.constant 72 : i32
        %dma_wait3A_2644 = arith.constant 0 : i32
        %dma_wait3A_2645 = tpu.memref_slice %dma_wait3A_2642[%dma_wait3A_2643, %dma_wait3A_2644] : memref<128x129xf32, #tpu.memory_space<vmem>> -> memref<8x128xf32, #tpu.memory_space<vmem>>
        tpu.wait_dma2 semaphore(%arg16 : memref<!tpu.dma_semaphore, #tpu.memory_space<semaphore_mem>>) src(%dma_wait3A_2645 : memref<8x128xf32, #tpu.memory_space<vmem>>) dst(%dma_wait3A_2638 : memref<8x128xf32, #tpu.memory_space<hbm>>)
        %dma_wait3A_2646 = arith.constant 1 : i32
        %dma_wait3A_2647 = arith.constant 0 : i32
        %dma_wait3A_2648 = arith.constant 0 : i32
        %dma_wait3A_2649 = tpu.memref_slice %arg9[%dma_wait3A_2646, %dma_wait3A_2647, %dma_wait3A_2648] : memref<2x128x129xf32, #tpu.memory_space<vmem>> -> memref<1x128x129xf32, #tpu.memory_space<vmem>>
        %dma_wait3A_2650 = tpu.memref_squeeze %dma_wait3A_2649 : memref<1x128x129xf32, #tpu.memory_space<vmem>> -> memref<128x129xf32, #tpu.memory_space<vmem>>
        %dma_wait3A_2651 = arith.constant 16 : i32
        %dma_wait3A_2652 = arith.constant 0 : i32
        %dma_wait3A_2653 = tpu.memref_slice %dma_wait3A_2650[%dma_wait3A_2651, %dma_wait3A_2652] : memref<128x129xf32, #tpu.memory_space<vmem>> -> memref<8x128xf32, #tpu.memory_space<vmem>>
        %dma_wait3A_2654 = arith.constant 0 : i32
        %dma_wait3A_2655 = tpu.memref_slice %arg5[%add3A_2525, %dma_wait3A_2654] : memref<409600x128xf32, #tpu.memory_space<hbm>> -> memref<8x128xf32, #tpu.memory_space<hbm>>
        %dma_wait3A_2656 = arith.constant 0 : i32
        %dma_wait3A_2657 = tpu.memref_slice %arg5[%add3A_2525, %dma_wait3A_2656] : memref<409600x128xf32, #tpu.memory_space<hbm>> -> memref<8x128xf32, #tpu.memory_space<hbm>>
        %dma_wait3A_2658 = arith.constant 0 : i32
        %dma_wait3A_2659 = arith.constant 0 : i32
        %dma_wait3A_2660 = tpu.memref_slice %arg9[%dma_wait3A_2646, %dma_wait3A_2658, %dma_wait3A_2659] : memref<2x128x129xf32, #tpu.memory_space<vmem>> -> memref<1x128x129xf32, #tpu.memory_space<vmem>>
        %dma_wait3A_2661 = tpu.memref_squeeze %dma_wait3A_2660 : memref<1x128x129xf32, #tpu.memory_space<vmem>> -> memref<128x129xf32, #tpu.memory_space<vmem>>
        %dma_wait3A_2662 = arith.constant 16 : i32
        %dma_wait3A_2663 = arith.constant 0 : i32
        %dma_wait3A_2664 = tpu.memref_slice %dma_wait3A_2661[%dma_wait3A_2662, %dma_wait3A_2663] : memref<128x129xf32, #tpu.memory_space<vmem>> -> memref<8x128xf32, #tpu.memory_space<vmem>>
        tpu.wait_dma2 semaphore(%arg16 : memref<!tpu.dma_semaphore, #tpu.memory_space<semaphore_mem>>) src(%dma_wait3A_2664 : memref<8x128xf32, #tpu.memory_space<vmem>>) dst(%dma_wait3A_2657 : memref<8x128xf32, #tpu.memory_space<hbm>>)
        %dma_wait3A_2665 = arith.constant 1 : i32
        %dma_wait3A_2666 = arith.constant 0 : i32
        %dma_wait3A_2667 = arith.constant 0 : i32
        %dma_wait3A_2668 = tpu.memref_slice %arg9[%dma_wait3A_2665, %dma_wait3A_2666, %dma_wait3A_2667] : memref<2x128x129xf32, #tpu.memory_space<vmem>> -> memref<1x128x129xf32, #tpu.memory_space<vmem>>
        %dma_wait3A_2669 = tpu.memref_squeeze %dma_wait3A_2668 : memref<1x128x129xf32, #tpu.memory_space<vmem>> -> memref<128x129xf32, #tpu.memory_space<vmem>>
        %dma_wait3A_2670 = arith.constant 80 : i32
        %dma_wait3A_2671 = arith.constant 0 : i32
        %dma_wait3A_2672 = tpu.memref_slice %dma_wait3A_2669[%dma_wait3A_2670, %dma_wait3A_2671] : memref<128x129xf32, #tpu.memory_space<vmem>> -> memref<8x128xf32, #tpu.memory_space<vmem>>
        %dma_wait3A_2673 = arith.constant 0 : i32
        %dma_wait3A_2674 = tpu.memref_slice %arg5[%add3A_2529, %dma_wait3A_2673] : memref<409600x128xf32, #tpu.memory_space<hbm>> -> memref<8x128xf32, #tpu.memory_space<hbm>>
        %dma_wait3A_2675 = arith.constant 0 : i32
        %dma_wait3A_2676 = tpu.memref_slice %arg5[%add3A_2529, %dma_wait3A_2675] : memref<409600x128xf32, #tpu.memory_space<hbm>> -> memref<8x128xf32, #tpu.memory_space<hbm>>
        %dma_wait3A_2677 = arith.constant 0 : i32
        %dma_wait3A_2678 = arith.constant 0 : i32
        %dma_wait3A_2679 = tpu.memref_slice %arg9[%dma_wait3A_2665, %dma_wait3A_2677, %dma_wait3A_2678] : memref<2x128x129xf32, #tpu.memory_space<vmem>> -> memref<1x128x129xf32, #tpu.memory_space<vmem>>
        %dma_wait3A_2680 = tpu.memref_squeeze %dma_wait3A_2679 : memref<1x128x129xf32, #tpu.memory_space<vmem>> -> memref<128x129xf32, #tpu.memory_space<vmem>>
        %dma_wait3A_2681 = arith.constant 80 : i32
        %dma_wait3A_2682 = arith.constant 0 : i32
        %dma_wait3A_2683 = tpu.memref_slice %dma_wait3A_2680[%dma_wait3A_2681, %dma_wait3A_2682] : memref<128x129xf32, #tpu.memory_space<vmem>> -> memref<8x128xf32, #tpu.memory_space<vmem>>
        tpu.wait_dma2 semaphore(%arg16 : memref<!tpu.dma_semaphore, #tpu.memory_space<semaphore_mem>>) src(%dma_wait3A_2683 : memref<8x128xf32, #tpu.memory_space<vmem>>) dst(%dma_wait3A_2676 : memref<8x128xf32, #tpu.memory_space<hbm>>)
        %dma_wait3A_2684 = arith.constant 1 : i32
        %dma_wait3A_2685 = arith.constant 0 : i32
        %dma_wait3A_2686 = arith.constant 0 : i32
        %dma_wait3A_2687 = tpu.memref_slice %arg9[%dma_wait3A_2684, %dma_wait3A_2685, %dma_wait3A_2686] : memref<2x128x129xf32, #tpu.memory_space<vmem>> -> memref<1x128x129xf32, #tpu.memory_space<vmem>>
        %dma_wait3A_2688 = tpu.memref_squeeze %dma_wait3A_2687 : memref<1x128x129xf32, #tpu.memory_space<vmem>> -> memref<128x129xf32, #tpu.memory_space<vmem>>
        %dma_wait3A_2689 = arith.constant 24 : i32
        %dma_wait3A_2690 = arith.constant 0 : i32
        %dma_wait3A_2691 = tpu.memref_slice %dma_wait3A_2688[%dma_wait3A_2689, %dma_wait3A_2690] : memref<128x129xf32, #tpu.memory_space<vmem>> -> memref<8x128xf32, #tpu.memory_space<vmem>>
        %dma_wait3A_2692 = arith.constant 0 : i32
        %dma_wait3A_2693 = tpu.memref_slice %arg5[%add3A_2533, %dma_wait3A_2692] : memref<409600x128xf32, #tpu.memory_space<hbm>> -> memref<8x128xf32, #tpu.memory_space<hbm>>
        %dma_wait3A_2694 = arith.constant 0 : i32
        %dma_wait3A_2695 = tpu.memref_slice %arg5[%add3A_2533, %dma_wait3A_2694] : memref<409600x128xf32, #tpu.memory_space<hbm>> -> memref<8x128xf32, #tpu.memory_space<hbm>>
        %dma_wait3A_2696 = arith.constant 0 : i32
        %dma_wait3A_2697 = arith.constant 0 : i32
        %dma_wait3A_2698 = tpu.memref_slice %arg9[%dma_wait3A_2684, %dma_wait3A_2696, %dma_wait3A_2697] : memref<2x128x129xf32, #tpu.memory_space<vmem>> -> memref<1x128x129xf32, #tpu.memory_space<vmem>>
        %dma_wait3A_2699 = tpu.memref_squeeze %dma_wait3A_2698 : memref<1x128x129xf32, #tpu.memory_space<vmem>> -> memref<128x129xf32, #tpu.memory_space<vmem>>
        %dma_wait3A_2700 = arith.constant 24 : i32
        %dma_wait3A_2701 = arith.constant 0 : i32
        %dma_wait3A_2702 = tpu.memref_slice %dma_wait3A_2699[%dma_wait3A_2700, %dma_wait3A_2701] : memref<128x129xf32, #tpu.memory_space<vmem>> -> memref<8x128xf32, #tpu.memory_space<vmem>>
        tpu.wait_dma2 semaphore(%arg16 : memref<!tpu.dma_semaphore, #tpu.memory_space<semaphore_mem>>) src(%dma_wait3A_2702 : memref<8x128xf32, #tpu.memory_space<vmem>>) dst(%dma_wait3A_2695 : memref<8x128xf32, #tpu.memory_space<hbm>>)
        %dma_wait3A_2703 = arith.constant 1 : i32
        %dma_wait3A_2704 = arith.constant 0 : i32
        %dma_wait3A_2705 = arith.constant 0 : i32
        %dma_wait3A_2706 = tpu.memref_slice %arg9[%dma_wait3A_2703, %dma_wait3A_2704, %dma_wait3A_2705] : memref<2x128x129xf32, #tpu.memory_space<vmem>> -> memref<1x128x129xf32, #tpu.memory_space<vmem>>
        %dma_wait3A_2707 = tpu.memref_squeeze %dma_wait3A_2706 : memref<1x128x129xf32, #tpu.memory_space<vmem>> -> memref<128x129xf32, #tpu.memory_space<vmem>>
        %dma_wait3A_2708 = arith.constant 88 : i32
        %dma_wait3A_2709 = arith.constant 0 : i32
        %dma_wait3A_2710 = tpu.memref_slice %dma_wait3A_2707[%dma_wait3A_2708, %dma_wait3A_2709] : memref<128x129xf32, #tpu.memory_space<vmem>> -> memref<8x128xf32, #tpu.memory_space<vmem>>
        %dma_wait3A_2711 = arith.constant 0 : i32
        %dma_wait3A_2712 = tpu.memref_slice %arg5[%add3A_2537, %dma_wait3A_2711] : memref<409600x128xf32, #tpu.memory_space<hbm>> -> memref<8x128xf32, #tpu.memory_space<hbm>>
        %dma_wait3A_2713 = arith.constant 0 : i32
        %dma_wait3A_2714 = tpu.memref_slice %arg5[%add3A_2537, %dma_wait3A_2713] : memref<409600x128xf32, #tpu.memory_space<hbm>> -> memref<8x128xf32, #tpu.memory_space<hbm>>
        %dma_wait3A_2715 = arith.constant 0 : i32
        %dma_wait3A_2716 = arith.constant 0 : i32
        %dma_wait3A_2717 = tpu.memref_slice %arg9[%dma_wait3A_2703, %dma_wait3A_2715, %dma_wait3A_2716] : memref<2x128x129xf32, #tpu.memory_space<vmem>> -> memref<1x128x129xf32, #tpu.memory_space<vmem>>
        %dma_wait3A_2718 = tpu.memref_squeeze %dma_wait3A_2717 : memref<1x128x129xf32, #tpu.memory_space<vmem>> -> memref<128x129xf32, #tpu.memory_space<vmem>>
        %dma_wait3A_2719 = arith.constant 88 : i32
        %dma_wait3A_2720 = arith.constant 0 : i32
        %dma_wait3A_2721 = tpu.memref_slice %dma_wait3A_2718[%dma_wait3A_2719, %dma_wait3A_2720] : memref<128x129xf32, #tpu.memory_space<vmem>> -> memref<8x128xf32, #tpu.memory_space<vmem>>
        tpu.wait_dma2 semaphore(%arg16 : memref<!tpu.dma_semaphore, #tpu.memory_space<semaphore_mem>>) src(%dma_wait3A_2721 : memref<8x128xf32, #tpu.memory_space<vmem>>) dst(%dma_wait3A_2714 : memref<8x128xf32, #tpu.memory_space<hbm>>)
        %dma_wait3A_2722 = arith.constant 1 : i32
        %dma_wait3A_2723 = arith.constant 0 : i32
        %dma_wait3A_2724 = arith.constant 0 : i32
        %dma_wait3A_2725 = tpu.memref_slice %arg9[%dma_wait3A_2722, %dma_wait3A_2723, %dma_wait3A_2724] : memref<2x128x129xf32, #tpu.memory_space<vmem>> -> memref<1x128x129xf32, #tpu.memory_space<vmem>>
        %dma_wait3A_2726 = tpu.memref_squeeze %dma_wait3A_2725 : memref<1x128x129xf32, #tpu.memory_space<vmem>> -> memref<128x129xf32, #tpu.memory_space<vmem>>
        %dma_wait3A_2727 = arith.constant 32 : i32
        %dma_wait3A_2728 = arith.constant 0 : i32
        %dma_wait3A_2729 = tpu.memref_slice %dma_wait3A_2726[%dma_wait3A_2727, %dma_wait3A_2728] : memref<128x129xf32, #tpu.memory_space<vmem>> -> memref<8x128xf32, #tpu.memory_space<vmem>>
        %dma_wait3A_2730 = arith.constant 0 : i32
        %dma_wait3A_2731 = tpu.memref_slice %arg5[%add3A_2541, %dma_wait3A_2730] : memref<409600x128xf32, #tpu.memory_space<hbm>> -> memref<8x128xf32, #tpu.memory_space<hbm>>
        %dma_wait3A_2732 = arith.constant 0 : i32
        %dma_wait3A_2733 = tpu.memref_slice %arg5[%add3A_2541, %dma_wait3A_2732] : memref<409600x128xf32, #tpu.memory_space<hbm>> -> memref<8x128xf32, #tpu.memory_space<hbm>>
        %dma_wait3A_2734 = arith.constant 0 : i32
        %dma_wait3A_2735 = arith.constant 0 : i32
        %dma_wait3A_2736 = tpu.memref_slice %arg9[%dma_wait3A_2722, %dma_wait3A_2734, %dma_wait3A_2735] : memref<2x128x129xf32, #tpu.memory_space<vmem>> -> memref<1x128x129xf32, #tpu.memory_space<vmem>>
        %dma_wait3A_2737 = tpu.memref_squeeze %dma_wait3A_2736 : memref<1x128x129xf32, #tpu.memory_space<vmem>> -> memref<128x129xf32, #tpu.memory_space<vmem>>
        %dma_wait3A_2738 = arith.constant 32 : i32
        %dma_wait3A_2739 = arith.constant 0 : i32
        %dma_wait3A_2740 = tpu.memref_slice %dma_wait3A_2737[%dma_wait3A_2738, %dma_wait3A_2739] : memref<128x129xf32, #tpu.memory_space<vmem>> -> memref<8x128xf32, #tpu.memory_space<vmem>>
        tpu.wait_dma2 semaphore(%arg16 : memref<!tpu.dma_semaphore, #tpu.memory_space<semaphore_mem>>) src(%dma_wait3A_2740 : memref<8x128xf32, #tpu.memory_space<vmem>>) dst(%dma_wait3A_2733 : memref<8x128xf32, #tpu.memory_space<hbm>>)
        %dma_wait3A_2741 = arith.constant 1 : i32
        %dma_wait3A_2742 = arith.constant 0 : i32
        %dma_wait3A_2743 = arith.constant 0 : i32
        %dma_wait3A_2744 = tpu.memref_slice %arg9[%dma_wait3A_2741, %dma_wait3A_2742, %dma_wait3A_2743] : memref<2x128x129xf32, #tpu.memory_space<vmem>> -> memref<1x128x129xf32, #tpu.memory_space<vmem>>
        %dma_wait3A_2745 = tpu.memref_squeeze %dma_wait3A_2744 : memref<1x128x129xf32, #tpu.memory_space<vmem>> -> memref<128x129xf32, #tpu.memory_space<vmem>>
        %dma_wait3A_2746 = arith.constant 96 : i32
        %dma_wait3A_2747 = arith.constant 0 : i32
        %dma_wait3A_2748 = tpu.memref_slice %dma_wait3A_2745[%dma_wait3A_2746, %dma_wait3A_2747] : memref<128x129xf32, #tpu.memory_space<vmem>> -> memref<8x128xf32, #tpu.memory_space<vmem>>
        %dma_wait3A_2749 = arith.constant 0 : i32
        %dma_wait3A_2750 = tpu.memref_slice %arg5[%add3A_2545, %dma_wait3A_2749] : memref<409600x128xf32, #tpu.memory_space<hbm>> -> memref<8x128xf32, #tpu.memory_space<hbm>>
        %dma_wait3A_2751 = arith.constant 0 : i32
        %dma_wait3A_2752 = tpu.memref_slice %arg5[%add3A_2545, %dma_wait3A_2751] : memref<409600x128xf32, #tpu.memory_space<hbm>> -> memref<8x128xf32, #tpu.memory_space<hbm>>
        %dma_wait3A_2753 = arith.constant 0 : i32
        %dma_wait3A_2754 = arith.constant 0 : i32
        %dma_wait3A_2755 = tpu.memref_slice %arg9[%dma_wait3A_2741, %dma_wait3A_2753, %dma_wait3A_2754] : memref<2x128x129xf32, #tpu.memory_space<vmem>> -> memref<1x128x129xf32, #tpu.memory_space<vmem>>
        %dma_wait3A_2756 = tpu.memref_squeeze %dma_wait3A_2755 : memref<1x128x129xf32, #tpu.memory_space<vmem>> -> memref<128x129xf32, #tpu.memory_space<vmem>>
        %dma_wait3A_2757 = arith.constant 96 : i32
        %dma_wait3A_2758 = arith.constant 0 : i32
        %dma_wait3A_2759 = tpu.memref_slice %dma_wait3A_2756[%dma_wait3A_2757, %dma_wait3A_2758] : memref<128x129xf32, #tpu.memory_space<vmem>> -> memref<8x128xf32, #tpu.memory_space<vmem>>
        tpu.wait_dma2 semaphore(%arg16 : memref<!tpu.dma_semaphore, #tpu.memory_space<semaphore_mem>>) src(%dma_wait3A_2759 : memref<8x128xf32, #tpu.memory_space<vmem>>) dst(%dma_wait3A_2752 : memref<8x128xf32, #tpu.memory_space<hbm>>)
        %dma_wait3A_2760 = arith.constant 1 : i32
        %dma_wait3A_2761 = arith.constant 0 : i32
        %dma_wait3A_2762 = arith.constant 0 : i32
        %dma_wait3A_2763 = tpu.memref_slice %arg9[%dma_wait3A_2760, %dma_wait3A_2761, %dma_wait3A_2762] : memref<2x128x129xf32, #tpu.memory_space<vmem>> -> memref<1x128x129xf32, #tpu.memory_space<vmem>>
        %dma_wait3A_2764 = tpu.memref_squeeze %dma_wait3A_2763 : memref<1x128x129xf32, #tpu.memory_space<vmem>> -> memref<128x129xf32, #tpu.memory_space<vmem>>
        %dma_wait3A_2765 = arith.constant 40 : i32
        %dma_wait3A_2766 = arith.constant 0 : i32
        %dma_wait3A_2767 = tpu.memref_slice %dma_wait3A_2764[%dma_wait3A_2765, %dma_wait3A_2766] : memref<128x129xf32, #tpu.memory_space<vmem>> -> memref<8x128xf32, #tpu.memory_space<vmem>>
        %dma_wait3A_2768 = arith.constant 0 : i32
        %dma_wait3A_2769 = tpu.memref_slice %arg5[%add3A_2549, %dma_wait3A_2768] : memref<409600x128xf32, #tpu.memory_space<hbm>> -> memref<8x128xf32, #tpu.memory_space<hbm>>
        %dma_wait3A_2770 = arith.constant 0 : i32
        %dma_wait3A_2771 = tpu.memref_slice %arg5[%add3A_2549, %dma_wait3A_2770] : memref<409600x128xf32, #tpu.memory_space<hbm>> -> memref<8x128xf32, #tpu.memory_space<hbm>>
        %dma_wait3A_2772 = arith.constant 0 : i32
        %dma_wait3A_2773 = arith.constant 0 : i32
        %dma_wait3A_2774 = tpu.memref_slice %arg9[%dma_wait3A_2760, %dma_wait3A_2772, %dma_wait3A_2773] : memref<2x128x129xf32, #tpu.memory_space<vmem>> -> memref<1x128x129xf32, #tpu.memory_space<vmem>>
        %dma_wait3A_2775 = tpu.memref_squeeze %dma_wait3A_2774 : memref<1x128x129xf32, #tpu.memory_space<vmem>> -> memref<128x129xf32, #tpu.memory_space<vmem>>
        %dma_wait3A_2776 = arith.constant 40 : i32
        %dma_wait3A_2777 = arith.constant 0 : i32
        %dma_wait3A_2778 = tpu.memref_slice %dma_wait3A_2775[%dma_wait3A_2776, %dma_wait3A_2777] : memref<128x129xf32, #tpu.memory_space<vmem>> -> memref<8x128xf32, #tpu.memory_space<vmem>>
        tpu.wait_dma2 semaphore(%arg16 : memref<!tpu.dma_semaphore, #tpu.memory_space<semaphore_mem>>) src(%dma_wait3A_2778 : memref<8x128xf32, #tpu.memory_space<vmem>>) dst(%dma_wait3A_2771 : memref<8x128xf32, #tpu.memory_space<hbm>>)
        %dma_wait3A_2779 = arith.constant 1 : i32
        %dma_wait3A_2780 = arith.constant 0 : i32
        %dma_wait3A_2781 = arith.constant 0 : i32
        %dma_wait3A_2782 = tpu.memref_slice %arg9[%dma_wait3A_2779, %dma_wait3A_2780, %dma_wait3A_2781] : memref<2x128x129xf32, #tpu.memory_space<vmem>> -> memref<1x128x129xf32, #tpu.memory_space<vmem>>
        %dma_wait3A_2783 = tpu.memref_squeeze %dma_wait3A_2782 : memref<1x128x129xf32, #tpu.memory_space<vmem>> -> memref<128x129xf32, #tpu.memory_space<vmem>>
        %dma_wait3A_2784 = arith.constant 104 : i32
        %dma_wait3A_2785 = arith.constant 0 : i32
        %dma_wait3A_2786 = tpu.memref_slice %dma_wait3A_2783[%dma_wait3A_2784, %dma_wait3A_2785] : memref<128x129xf32, #tpu.memory_space<vmem>> -> memref<8x128xf32, #tpu.memory_space<vmem>>
        %dma_wait3A_2787 = arith.constant 0 : i32
        %dma_wait3A_2788 = tpu.memref_slice %arg5[%add3A_2553, %dma_wait3A_2787] : memref<409600x128xf32, #tpu.memory_space<hbm>> -> memref<8x128xf32, #tpu.memory_space<hbm>>
        %dma_wait3A_2789 = arith.constant 0 : i32
        %dma_wait3A_2790 = tpu.memref_slice %arg5[%add3A_2553, %dma_wait3A_2789] : memref<409600x128xf32, #tpu.memory_space<hbm>> -> memref<8x128xf32, #tpu.memory_space<hbm>>
        %dma_wait3A_2791 = arith.constant 0 : i32
        %dma_wait3A_2792 = arith.constant 0 : i32
        %dma_wait3A_2793 = tpu.memref_slice %arg9[%dma_wait3A_2779, %dma_wait3A_2791, %dma_wait3A_2792] : memref<2x128x129xf32, #tpu.memory_space<vmem>> -> memref<1x128x129xf32, #tpu.memory_space<vmem>>
        %dma_wait3A_2794 = tpu.memref_squeeze %dma_wait3A_2793 : memref<1x128x129xf32, #tpu.memory_space<vmem>> -> memref<128x129xf32, #tpu.memory_space<vmem>>
        %dma_wait3A_2795 = arith.constant 104 : i32
        %dma_wait3A_2796 = arith.constant 0 : i32
        %dma_wait3A_2797 = tpu.memref_slice %dma_wait3A_2794[%dma_wait3A_2795, %dma_wait3A_2796] : memref<128x129xf32, #tpu.memory_space<vmem>> -> memref<8x128xf32, #tpu.memory_space<vmem>>
        tpu.wait_dma2 semaphore(%arg16 : memref<!tpu.dma_semaphore, #tpu.memory_space<semaphore_mem>>) src(%dma_wait3A_2797 : memref<8x128xf32, #tpu.memory_space<vmem>>) dst(%dma_wait3A_2790 : memref<8x128xf32, #tpu.memory_space<hbm>>)
        %dma_wait3A_2798 = arith.constant 1 : i32
        %dma_wait3A_2799 = arith.constant 0 : i32
        %dma_wait3A_2800 = arith.constant 0 : i32
        %dma_wait3A_2801 = tpu.memref_slice %arg9[%dma_wait3A_2798, %dma_wait3A_2799, %dma_wait3A_2800] : memref<2x128x129xf32, #tpu.memory_space<vmem>> -> memref<1x128x129xf32, #tpu.memory_space<vmem>>
        %dma_wait3A_2802 = tpu.memref_squeeze %dma_wait3A_2801 : memref<1x128x129xf32, #tpu.memory_space<vmem>> -> memref<128x129xf32, #tpu.memory_space<vmem>>
        %dma_wait3A_2803 = arith.constant 48 : i32
        %dma_wait3A_2804 = arith.constant 0 : i32
        %dma_wait3A_2805 = tpu.memref_slice %dma_wait3A_2802[%dma_wait3A_2803, %dma_wait3A_2804] : memref<128x129xf32, #tpu.memory_space<vmem>> -> memref<8x128xf32, #tpu.memory_space<vmem>>
        %dma_wait3A_2806 = arith.constant 0 : i32
        %dma_wait3A_2807 = tpu.memref_slice %arg5[%add3A_2557, %dma_wait3A_2806] : memref<409600x128xf32, #tpu.memory_space<hbm>> -> memref<8x128xf32, #tpu.memory_space<hbm>>
        %dma_wait3A_2808 = arith.constant 0 : i32
        %dma_wait3A_2809 = tpu.memref_slice %arg5[%add3A_2557, %dma_wait3A_2808] : memref<409600x128xf32, #tpu.memory_space<hbm>> -> memref<8x128xf32, #tpu.memory_space<hbm>>
        %dma_wait3A_2810 = arith.constant 0 : i32
        %dma_wait3A_2811 = arith.constant 0 : i32
        %dma_wait3A_2812 = tpu.memref_slice %arg9[%dma_wait3A_2798, %dma_wait3A_2810, %dma_wait3A_2811] : memref<2x128x129xf32, #tpu.memory_space<vmem>> -> memref<1x128x129xf32, #tpu.memory_space<vmem>>
        %dma_wait3A_2813 = tpu.memref_squeeze %dma_wait3A_2812 : memref<1x128x129xf32, #tpu.memory_space<vmem>> -> memref<128x129xf32, #tpu.memory_space<vmem>>
        %dma_wait3A_2814 = arith.constant 48 : i32
        %dma_wait3A_2815 = arith.constant 0 : i32
        %dma_wait3A_2816 = tpu.memref_slice %dma_wait3A_2813[%dma_wait3A_2814, %dma_wait3A_2815] : memref<128x129xf32, #tpu.memory_space<vmem>> -> memref<8x128xf32, #tpu.memory_space<vmem>>
        tpu.wait_dma2 semaphore(%arg16 : memref<!tpu.dma_semaphore, #tpu.memory_space<semaphore_mem>>) src(%dma_wait3A_2816 : memref<8x128xf32, #tpu.memory_space<vmem>>) dst(%dma_wait3A_2809 : memref<8x128xf32, #tpu.memory_space<hbm>>)
        %dma_wait3A_2817 = arith.constant 1 : i32
        %dma_wait3A_2818 = arith.constant 0 : i32
        %dma_wait3A_2819 = arith.constant 0 : i32
        %dma_wait3A_2820 = tpu.memref_slice %arg9[%dma_wait3A_2817, %dma_wait3A_2818, %dma_wait3A_2819] : memref<2x128x129xf32, #tpu.memory_space<vmem>> -> memref<1x128x129xf32, #tpu.memory_space<vmem>>
        %dma_wait3A_2821 = tpu.memref_squeeze %dma_wait3A_2820 : memref<1x128x129xf32, #tpu.memory_space<vmem>> -> memref<128x129xf32, #tpu.memory_space<vmem>>
        %dma_wait3A_2822 = arith.constant 112 : i32
        %dma_wait3A_2823 = arith.constant 0 : i32
        %dma_wait3A_2824 = tpu.memref_slice %dma_wait3A_2821[%dma_wait3A_2822, %dma_wait3A_2823] : memref<128x129xf32, #tpu.memory_space<vmem>> -> memref<8x128xf32, #tpu.memory_space<vmem>>
        %dma_wait3A_2825 = arith.constant 0 : i32
        %dma_wait3A_2826 = tpu.memref_slice %arg5[%add3A_2561, %dma_wait3A_2825] : memref<409600x128xf32, #tpu.memory_space<hbm>> -> memref<8x128xf32, #tpu.memory_space<hbm>>
        %dma_wait3A_2827 = arith.constant 0 : i32
        %dma_wait3A_2828 = tpu.memref_slice %arg5[%add3A_2561, %dma_wait3A_2827] : memref<409600x128xf32, #tpu.memory_space<hbm>> -> memref<8x128xf32, #tpu.memory_space<hbm>>
        %dma_wait3A_2829 = arith.constant 0 : i32
        %dma_wait3A_2830 = arith.constant 0 : i32
        %dma_wait3A_2831 = tpu.memref_slice %arg9[%dma_wait3A_2817, %dma_wait3A_2829, %dma_wait3A_2830] : memref<2x128x129xf32, #tpu.memory_space<vmem>> -> memref<1x128x129xf32, #tpu.memory_space<vmem>>
        %dma_wait3A_2832 = tpu.memref_squeeze %dma_wait3A_2831 : memref<1x128x129xf32, #tpu.memory_space<vmem>> -> memref<128x129xf32, #tpu.memory_space<vmem>>
        %dma_wait3A_2833 = arith.constant 112 : i32
        %dma_wait3A_2834 = arith.constant 0 : i32
        %dma_wait3A_2835 = tpu.memref_slice %dma_wait3A_2832[%dma_wait3A_2833, %dma_wait3A_2834] : memref<128x129xf32, #tpu.memory_space<vmem>> -> memref<8x128xf32, #tpu.memory_space<vmem>>
        tpu.wait_dma2 semaphore(%arg16 : memref<!tpu.dma_semaphore, #tpu.memory_space<semaphore_mem>>) src(%dma_wait3A_2835 : memref<8x128xf32, #tpu.memory_space<vmem>>) dst(%dma_wait3A_2828 : memref<8x128xf32, #tpu.memory_space<hbm>>)
        %dma_wait3A_2836 = arith.constant 1 : i32
        %dma_wait3A_2837 = arith.constant 0 : i32
        %dma_wait3A_2838 = arith.constant 0 : i32
        %dma_wait3A_2839 = tpu.memref_slice %arg9[%dma_wait3A_2836, %dma_wait3A_2837, %dma_wait3A_2838] : memref<2x128x129xf32, #tpu.memory_space<vmem>> -> memref<1x128x129xf32, #tpu.memory_space<vmem>>
        %dma_wait3A_2840 = tpu.memref_squeeze %dma_wait3A_2839 : memref<1x128x129xf32, #tpu.memory_space<vmem>> -> memref<128x129xf32, #tpu.memory_space<vmem>>
        %dma_wait3A_2841 = arith.constant 56 : i32
        %dma_wait3A_2842 = arith.constant 0 : i32
        %dma_wait3A_2843 = tpu.memref_slice %dma_wait3A_2840[%dma_wait3A_2841, %dma_wait3A_2842] : memref<128x129xf32, #tpu.memory_space<vmem>> -> memref<8x128xf32, #tpu.memory_space<vmem>>
        %dma_wait3A_2844 = arith.constant 0 : i32
        %dma_wait3A_2845 = tpu.memref_slice %arg5[%add3A_2565, %dma_wait3A_2844] : memref<409600x128xf32, #tpu.memory_space<hbm>> -> memref<8x128xf32, #tpu.memory_space<hbm>>
        %dma_wait3A_2846 = arith.constant 0 : i32
        %dma_wait3A_2847 = tpu.memref_slice %arg5[%add3A_2565, %dma_wait3A_2846] : memref<409600x128xf32, #tpu.memory_space<hbm>> -> memref<8x128xf32, #tpu.memory_space<hbm>>
        %dma_wait3A_2848 = arith.constant 0 : i32
        %dma_wait3A_2849 = arith.constant 0 : i32
        %dma_wait3A_2850 = tpu.memref_slice %arg9[%dma_wait3A_2836, %dma_wait3A_2848, %dma_wait3A_2849] : memref<2x128x129xf32, #tpu.memory_space<vmem>> -> memref<1x128x129xf32, #tpu.memory_space<vmem>>
        %dma_wait3A_2851 = tpu.memref_squeeze %dma_wait3A_2850 : memref<1x128x129xf32, #tpu.memory_space<vmem>> -> memref<128x129xf32, #tpu.memory_space<vmem>>
        %dma_wait3A_2852 = arith.constant 56 : i32
        %dma_wait3A_2853 = arith.constant 0 : i32
        %dma_wait3A_2854 = tpu.memref_slice %dma_wait3A_2851[%dma_wait3A_2852, %dma_wait3A_2853] : memref<128x129xf32, #tpu.memory_space<vmem>> -> memref<8x128xf32, #tpu.memory_space<vmem>>
        tpu.wait_dma2 semaphore(%arg16 : memref<!tpu.dma_semaphore, #tpu.memory_space<semaphore_mem>>) src(%dma_wait3A_2854 : memref<8x128xf32, #tpu.memory_space<vmem>>) dst(%dma_wait3A_2847 : memref<8x128xf32, #tpu.memory_space<hbm>>)
        %dma_wait3A_2855 = arith.constant 1 : i32
        %dma_wait3A_2856 = arith.constant 0 : i32
        %dma_wait3A_2857 = arith.constant 0 : i32
        %dma_wait3A_2858 = tpu.memref_slice %arg9[%dma_wait3A_2855, %dma_wait3A_2856, %dma_wait3A_2857] : memref<2x128x129xf32, #tpu.memory_space<vmem>> -> memref<1x128x129xf32, #tpu.memory_space<vmem>>
        %dma_wait3A_2859 = tpu.memref_squeeze %dma_wait3A_2858 : memref<1x128x129xf32, #tpu.memory_space<vmem>> -> memref<128x129xf32, #tpu.memory_space<vmem>>
        %dma_wait3A_2860 = arith.constant 120 : i32
        %dma_wait3A_2861 = arith.constant 0 : i32
        %dma_wait3A_2862 = tpu.memref_slice %dma_wait3A_2859[%dma_wait3A_2860, %dma_wait3A_2861] : memref<128x129xf32, #tpu.memory_space<vmem>> -> memref<8x128xf32, #tpu.memory_space<vmem>>
        %dma_wait3A_2863 = arith.constant 0 : i32
        %dma_wait3A_2864 = tpu.memref_slice %arg5[%add3A_2569, %dma_wait3A_2863] : memref<409600x128xf32, #tpu.memory_space<hbm>> -> memref<8x128xf32, #tpu.memory_space<hbm>>
        %dma_wait3A_2865 = arith.constant 0 : i32
        %dma_wait3A_2866 = tpu.memref_slice %arg5[%add3A_2569, %dma_wait3A_2865] : memref<409600x128xf32, #tpu.memory_space<hbm>> -> memref<8x128xf32, #tpu.memory_space<hbm>>
        %dma_wait3A_2867 = arith.constant 0 : i32
        %dma_wait3A_2868 = arith.constant 0 : i32
        %dma_wait3A_2869 = tpu.memref_slice %arg9[%dma_wait3A_2855, %dma_wait3A_2867, %dma_wait3A_2868] : memref<2x128x129xf32, #tpu.memory_space<vmem>> -> memref<1x128x129xf32, #tpu.memory_space<vmem>>
        %dma_wait3A_2870 = tpu.memref_squeeze %dma_wait3A_2869 : memref<1x128x129xf32, #tpu.memory_space<vmem>> -> memref<128x129xf32, #tpu.memory_space<vmem>>
        %dma_wait3A_2871 = arith.constant 120 : i32
        %dma_wait3A_2872 = arith.constant 0 : i32
        %dma_wait3A_2873 = tpu.memref_slice %dma_wait3A_2870[%dma_wait3A_2871, %dma_wait3A_2872] : memref<128x129xf32, #tpu.memory_space<vmem>> -> memref<8x128xf32, #tpu.memory_space<vmem>>
        tpu.wait_dma2 semaphore(%arg16 : memref<!tpu.dma_semaphore, #tpu.memory_space<semaphore_mem>>) src(%dma_wait3A_2873 : memref<8x128xf32, #tpu.memory_space<vmem>>) dst(%dma_wait3A_2866 : memref<8x128xf32, #tpu.memory_space<hbm>>)
      } else {
      }
      %parallel_loop3A_2133 = arith.constant 0 : i32
      %parallel_loop3A_2134 = arith.constant 256 : i32
      %parallel_loop3A_2135 = arith.constant 1 : i32
      %parallel_loop3A_2136 = arith.constant 1 : i32
      %parallel_loop3A_2137 = arith.constant 1 : i32
      scf.for %parallel_loop3A_2506 = %parallel_loop3A_2133 to %parallel_loop3A_2134 step %parallel_loop3A_2135  : i32 {
        %parallel_loop3A_2507 = arith.constant 7 : i32
        %parallel_loop3A_2508 = arith.shrui %parallel_loop3A_2506, %parallel_loop3A_2507 : i32
        %parallel_loop3A_2509 = arith.constant 127 : i32
        %parallel_loop3A_2510 = arith.andi %parallel_loop3A_2506, %parallel_loop3A_2509 : i32
        %parallel_loop3A_2511 = vector.broadcast %parallel_loop3A_2510 : i32 to vector<16xi32>
        %parallel_loop3A_2512 = arith.constant 64 : i32
        %parallel_loop3A_2513 = arith.muli %parallel_loop3A_2508, %parallel_loop3A_2512 : i32
        %parallel_loop3A_2514 = vector.broadcast %parallel_loop3A_2513 : i32 to vector<16xi32>
        %parallel_loop3A_2515 = arith.addi %parallel_loop3A_2514, %add3A_3 : vector<16xi32>
        %parallel_loop3A_2516 = arith.constant 0 : i32
        %parallel_loop3A_2517 = arith.constant 0 : i32
        %parallel_loop3A_2518 = tpu.memref_slice %arg8[%parallel_loop3A_2136, %parallel_loop3A_2516, %parallel_loop3A_2517] : memref<2x256x64xf32, #tpu.memory_space<vmem>> -> memref<1x256x64xf32, #tpu.memory_space<vmem>>
        %parallel_loop3A_2519 = tpu.memref_squeeze %parallel_loop3A_2518 : memref<1x256x64xf32, #tpu.memory_space<vmem>> -> memref<256x64xf32, #tpu.memory_space<vmem>>
        %parallel_loop3A_2520 = arith.index_cast %parallel_loop3A_2506 : i32 to index
        %parallel_loop3A_2521 = arith.constant 0 : index
        %parallel_loop3A_2522 = tpu.vector_load %parallel_loop3A_2519[%parallel_loop3A_2520, %parallel_loop3A_2521] {strides = array<i32>} : memref<256x64xf32, #tpu.memory_space<vmem>>, vector<16xf32>,
        %parallel_loop3A_2523 = arith.constant 0 : i32
        %parallel_loop3A_2524 = arith.constant 0 : i32
        %parallel_loop3A_2525 = tpu.memref_slice %arg9[%parallel_loop3A_2137, %parallel_loop3A_2523, %parallel_loop3A_2524] : memref<2x128x129xf32, #tpu.memory_space<vmem>> -> memref<1x128x129xf32, #tpu.memory_space<vmem>>
        %parallel_loop3A_2526 = tpu.memref_squeeze %parallel_loop3A_2525 : memref<1x128x129xf32, #tpu.memory_space<vmem>> -> memref<128x129xf32, #tpu.memory_space<vmem>>
        tpu.vector_store_idx %parallel_loop3A_2526[%parallel_loop3A_2515, %parallel_loop3A_2511], %parallel_loop3A_2522 : memref<128x129xf32, #tpu.memory_space<vmem>>[vector<16xi32>, vector<16xi32>], vector<16xf32>,
        %parallel_loop3A_2527 = vector.broadcast %parallel_loop3A_2513 : i32 to vector<16xi32>
        %parallel_loop3A_2528 = arith.addi %parallel_loop3A_2527, %add3A_6 : vector<16xi32>
        %parallel_loop3A_2529 = arith.constant 0 : i32
        %parallel_loop3A_2530 = arith.constant 0 : i32
        %parallel_loop3A_2531 = tpu.memref_slice %arg8[%parallel_loop3A_2136, %parallel_loop3A_2529, %parallel_loop3A_2530] : memref<2x256x64xf32, #tpu.memory_space<vmem>> -> memref<1x256x64xf32, #tpu.memory_space<vmem>>
        %parallel_loop3A_2532 = tpu.memref_squeeze %parallel_loop3A_2531 : memref<1x256x64xf32, #tpu.memory_space<vmem>> -> memref<256x64xf32, #tpu.memory_space<vmem>>
        %parallel_loop3A_2533 = arith.index_cast %parallel_loop3A_2506 : i32 to index
        %parallel_loop3A_2534 = arith.constant 16 : index
        %parallel_loop3A_2535 = tpu.vector_load %parallel_loop3A_2532[%parallel_loop3A_2533, %parallel_loop3A_2534] {strides = array<i32>} : memref<256x64xf32, #tpu.memory_space<vmem>>, vector<16xf32>,
        %parallel_loop3A_2536 = arith.constant 0 : i32
        %parallel_loop3A_2537 = arith.constant 0 : i32
        %parallel_loop3A_2538 = tpu.memref_slice %arg9[%parallel_loop3A_2137, %parallel_loop3A_2536, %parallel_loop3A_2537] : memref<2x128x129xf32, #tpu.memory_space<vmem>> -> memref<1x128x129xf32, #tpu.memory_space<vmem>>
        %parallel_loop3A_2539 = tpu.memref_squeeze %parallel_loop3A_2538 : memref<1x128x129xf32, #tpu.memory_space<vmem>> -> memref<128x129xf32, #tpu.memory_space<vmem>>
        tpu.vector_store_idx %parallel_loop3A_2539[%parallel_loop3A_2528, %parallel_loop3A_2511], %parallel_loop3A_2535 : memref<128x129xf32, #tpu.memory_space<vmem>>[vector<16xi32>, vector<16xi32>], vector<16xf32>,
        %parallel_loop3A_2540 = vector.broadcast %parallel_loop3A_2513 : i32 to vector<16xi32>
        %parallel_loop3A_2541 = arith.addi %parallel_loop3A_2540, %add3A_9 : vector<16xi32>
        %parallel_loop3A_2542 = arith.constant 0 : i32
        %parallel_loop3A_2543 = arith.constant 0 : i32
        %parallel_loop3A_2544 = tpu.memref_slice %arg8[%parallel_loop3A_2136, %parallel_loop3A_2542, %parallel_loop3A_2543] : memref<2x256x64xf32, #tpu.memory_space<vmem>> -> memref<1x256x64xf32, #tpu.memory_space<vmem>>
        %parallel_loop3A_2545 = tpu.memref_squeeze %parallel_loop3A_2544 : memref<1x256x64xf32, #tpu.memory_space<vmem>> -> memref<256x64xf32, #tpu.memory_space<vmem>>
        %parallel_loop3A_2546 = arith.index_cast %parallel_loop3A_2506 : i32 to index
        %parallel_loop3A_2547 = arith.constant 32 : index
        %parallel_loop3A_2548 = tpu.vector_load %parallel_loop3A_2545[%parallel_loop3A_2546, %parallel_loop3A_2547] {strides = array<i32>} : memref<256x64xf32, #tpu.memory_space<vmem>>, vector<16xf32>,
        %parallel_loop3A_2549 = arith.constant 0 : i32
        %parallel_loop3A_2550 = arith.constant 0 : i32
        %parallel_loop3A_2551 = tpu.memref_slice %arg9[%parallel_loop3A_2137, %parallel_loop3A_2549, %parallel_loop3A_2550] : memref<2x128x129xf32, #tpu.memory_space<vmem>> -> memref<1x128x129xf32, #tpu.memory_space<vmem>>
        %parallel_loop3A_2552 = tpu.memref_squeeze %parallel_loop3A_2551 : memref<1x128x129xf32, #tpu.memory_space<vmem>> -> memref<128x129xf32, #tpu.memory_space<vmem>>
        tpu.vector_store_idx %parallel_loop3A_2552[%parallel_loop3A_2541, %parallel_loop3A_2511], %parallel_loop3A_2548 : memref<128x129xf32, #tpu.memory_space<vmem>>[vector<16xi32>, vector<16xi32>], vector<16xf32>,
        %parallel_loop3A_2553 = vector.broadcast %parallel_loop3A_2513 : i32 to vector<16xi32>
        %parallel_loop3A_2554 = arith.addi %parallel_loop3A_2553, %add3A_12 : vector<16xi32>
        %parallel_loop3A_2555 = arith.constant 0 : i32
        %parallel_loop3A_2556 = arith.constant 0 : i32
        %parallel_loop3A_2557 = tpu.memref_slice %arg8[%parallel_loop3A_2136, %parallel_loop3A_2555, %parallel_loop3A_2556] : memref<2x256x64xf32, #tpu.memory_space<vmem>> -> memref<1x256x64xf32, #tpu.memory_space<vmem>>
        %parallel_loop3A_2558 = tpu.memref_squeeze %parallel_loop3A_2557 : memref<1x256x64xf32, #tpu.memory_space<vmem>> -> memref<256x64xf32, #tpu.memory_space<vmem>>
        %parallel_loop3A_2559 = arith.index_cast %parallel_loop3A_2506 : i32 to index
        %parallel_loop3A_2560 = arith.constant 48 : index
        %parallel_loop3A_2561 = tpu.vector_load %parallel_loop3A_2558[%parallel_loop3A_2559, %parallel_loop3A_2560] {strides = array<i32>} : memref<256x64xf32, #tpu.memory_space<vmem>>, vector<16xf32>,
        %parallel_loop3A_2562 = arith.constant 0 : i32
        %parallel_loop3A_2563 = arith.constant 0 : i32
        %parallel_loop3A_2564 = tpu.memref_slice %arg9[%parallel_loop3A_2137, %parallel_loop3A_2562, %parallel_loop3A_2563] : memref<2x128x129xf32, #tpu.memory_space<vmem>> -> memref<1x128x129xf32, #tpu.memory_space<vmem>>
        %parallel_loop3A_2565 = tpu.memref_squeeze %parallel_loop3A_2564 : memref<1x128x129xf32, #tpu.memory_space<vmem>> -> memref<128x129xf32, #tpu.memory_space<vmem>>
        tpu.vector_store_idx %parallel_loop3A_2565[%parallel_loop3A_2554, %parallel_loop3A_2511], %parallel_loop3A_2561 : memref<128x129xf32, #tpu.memory_space<vmem>>[vector<16xi32>, vector<16xi32>], vector<16xf32>,
      } {sc.loop_unroll_factor = 8 : i64, sc.parallel_access}
      %add3A_2138 = arith.constant 0 : i32
      %add3A_2139 = arith.addi %mul3A_2127, %add3A_2138 : i32
      %add3A_2140 = arith.constant 0 : i32
      %add3A_2141 = arith.addi %add3A_2139, %add3A_2140 : i32
      %add3A_2142 = arith.constant 0 : i32
      %add3A_2143 = arith.addi %mul3A_2127, %add3A_2142 : i32
      %add3A_2144 = arith.constant 8 : i32
      %add3A_2145 = arith.addi %add3A_2143, %add3A_2144 : i32
      %add3A_2146 = arith.constant 1024 : i32
      %add3A_2147 = arith.addi %mul3A_2127, %add3A_2146 : i32
      %add3A_2148 = arith.constant 0 : i32
      %add3A_2149 = arith.addi %add3A_2147, %add3A_2148 : i32
      %add3A_2150 = arith.constant 1024 : i32
      %add3A_2151 = arith.addi %mul3A_2127, %add3A_2150 : i32
      %add3A_2152 = arith.constant 8 : i32
      %add3A_2153 = arith.addi %add3A_2151, %add3A_2152 : i32
      %add3A_2154 = arith.constant 2048 : i32
      %add3A_2155 = arith.addi %mul3A_2127, %add3A_2154 : i32
      %add3A_2156 = arith.constant 0 : i32
      %add3A_2157 = arith.addi %add3A_2155, %add3A_2156 : i32
      %add3A_2158 = arith.constant 2048 : i32
      %add3A_2159 = arith.addi %mul3A_2127, %add3A_2158 : i32
      %add3A_2160 = arith.constant 8 : i32
      %add3A_2161 = arith.addi %add3A_2159, %add3A_2160 : i32
      %add3A_2162 = arith.constant 3072 : i32
      %add3A_2163 = arith.addi %mul3A_2127, %add3A_2162 : i32
      %add3A_2164 = arith.constant 0 : i32
      %add3A_2165 = arith.addi %add3A_2163, %add3A_2164 : i32
      %add3A_2166 = arith.constant 3072 : i32
      %add3A_2167 = arith.addi %mul3A_2127, %add3A_2166 : i32
      %add3A_2168 = arith.constant 8 : i32
      %add3A_2169 = arith.addi %add3A_2167, %add3A_2168 : i32
      %add3A_2170 = arith.constant 4096 : i32
      %add3A_2171 = arith.addi %mul3A_2127, %add3A_2170 : i32
      %add3A_2172 = arith.constant 0 : i32
      %add3A_2173 = arith.addi %add3A_2171, %add3A_2172 : i32
      %add3A_2174 = arith.constant 4096 : i32
      %add3A_2175 = arith.addi %mul3A_2127, %add3A_2174 : i32
      %add3A_2176 = arith.constant 8 : i32
      %add3A_2177 = arith.addi %add3A_2175, %add3A_2176 : i32
      %add3A_2178 = arith.constant 5120 : i32
      %add3A_2179 = arith.addi %mul3A_2127, %add3A_2178 : i32
      %add3A_2180 = arith.constant 0 : i32
      %add3A_2181 = arith.addi %add3A_2179, %add3A_2180 : i32
      %add3A_2182 = arith.constant 5120 : i32
      %add3A_2183 = arith.addi %mul3A_2127, %add3A_2182 : i32
      %add3A_2184 = arith.constant 8 : i32
      %add3A_2185 = arith.addi %add3A_2183, %add3A_2184 : i32
      %add3A_2186 = arith.constant 6144 : i32
      %add3A_2187 = arith.addi %mul3A_2127, %add3A_2186 : i32
      %add3A_2188 = arith.constant 0 : i32
      %add3A_2189 = arith.addi %add3A_2187, %add3A_2188 : i32
      %add3A_2190 = arith.constant 6144 : i32
      %add3A_2191 = arith.addi %mul3A_2127, %add3A_2190 : i32
      %add3A_2192 = arith.constant 8 : i32
      %add3A_2193 = arith.addi %add3A_2191, %add3A_2192 : i32
      %add3A_2194 = arith.constant 7168 : i32
      %add3A_2195 = arith.addi %mul3A_2127, %add3A_2194 : i32
      %add3A_2196 = arith.constant 0 : i32
      %add3A_2197 = arith.addi %add3A_2195, %add3A_2196 : i32
      %add3A_2198 = arith.constant 7168 : i32
      %add3A_2199 = arith.addi %mul3A_2127, %add3A_2198 : i32
      %add3A_2200 = arith.constant 8 : i32
      %add3A_2201 = arith.addi %add3A_2199, %add3A_2200 : i32
      %dma_start3A_2202 = arith.constant 1 : i32
      %dma_start3A_2203 = arith.constant 0 : i32
      %dma_start3A_2204 = arith.constant 0 : i32
      %dma_start3A_2205 = tpu.memref_slice %arg9[%dma_start3A_2202, %dma_start3A_2203, %dma_start3A_2204] : memref<2x128x129xf32, #tpu.memory_space<vmem>> -> memref<1x128x129xf32, #tpu.memory_space<vmem>>
      %dma_start3A_2206 = tpu.memref_squeeze %dma_start3A_2205 : memref<1x128x129xf32, #tpu.memory_space<vmem>> -> memref<128x129xf32, #tpu.memory_space<vmem>>
      %dma_start3A_2207 = arith.constant 0 : i32
      %dma_start3A_2208 = arith.constant 0 : i32
      %dma_start3A_2209 = tpu.memref_slice %dma_start3A_2206[%dma_start3A_2207, %dma_start3A_2208] : memref<128x129xf32, #tpu.memory_space<vmem>> -> memref<8x128xf32, #tpu.memory_space<vmem>>
      %dma_start3A_2210 = arith.constant 0 : i32
      %dma_start3A_2211 = tpu.memref_slice %arg5[%add3A_2141, %dma_start3A_2210] : memref<409600x128xf32, #tpu.memory_space<hbm>> -> memref<8x128xf32, #tpu.memory_space<hbm>>
      %dma_start3A_2212 = arith.constant 0 : i32
      %dma_start3A_2213 = tpu.memref_slice %arg5[%add3A_2141, %dma_start3A_2212] : memref<409600x128xf32, #tpu.memory_space<hbm>> -> memref<8x128xf32, #tpu.memory_space<hbm>>
      %dma_start3A_2214 = arith.constant 0 : i32
      %dma_start3A_2215 = arith.constant 0 : i32
      %dma_start3A_2216 = tpu.memref_slice %arg9[%dma_start3A_2202, %dma_start3A_2214, %dma_start3A_2215] : memref<2x128x129xf32, #tpu.memory_space<vmem>> -> memref<1x128x129xf32, #tpu.memory_space<vmem>>
      %dma_start3A_2217 = tpu.memref_squeeze %dma_start3A_2216 : memref<1x128x129xf32, #tpu.memory_space<vmem>> -> memref<128x129xf32, #tpu.memory_space<vmem>>
      %dma_start3A_2218 = arith.constant 0 : i32
      %dma_start3A_2219 = arith.constant 0 : i32
      %dma_start3A_2220 = tpu.memref_slice %dma_start3A_2217[%dma_start3A_2218, %dma_start3A_2219] : memref<128x129xf32, #tpu.memory_space<vmem>> -> memref<8x128xf32, #tpu.memory_space<vmem>>
      tpu.enqueue_dma source(%dma_start3A_2220 : memref<8x128xf32, #tpu.memory_space<vmem>>) target(%dma_start3A_2213 : memref<8x128xf32, #tpu.memory_space<hbm>>) target_semaphore(%arg16 : memref<!tpu.dma_semaphore, #tpu.memory_space<semaphore_mem>>)
      %dma_start3A_2221 = arith.constant 1 : i32
      %dma_start3A_2222 = arith.constant 0 : i32
      %dma_start3A_2223 = arith.constant 0 : i32
      %dma_start3A_2224 = tpu.memref_slice %arg9[%dma_start3A_2221, %dma_start3A_2222, %dma_start3A_2223] : memref<2x128x129xf32, #tpu.memory_space<vmem>> -> memref<1x128x129xf32, #tpu.memory_space<vmem>>
      %dma_start3A_2225 = tpu.memref_squeeze %dma_start3A_2224 : memref<1x128x129xf32, #tpu.memory_space<vmem>> -> memref<128x129xf32, #tpu.memory_space<vmem>>
      %dma_start3A_2226 = arith.constant 64 : i32
      %dma_start3A_2227 = arith.constant 0 : i32
      %dma_start3A_2228 = tpu.memref_slice %dma_start3A_2225[%dma_start3A_2226, %dma_start3A_2227] : memref<128x129xf32, #tpu.memory_space<vmem>> -> memref<8x128xf32, #tpu.memory_space<vmem>>
      %dma_start3A_2229 = arith.constant 0 : i32
      %dma_start3A_2230 = tpu.memref_slice %arg5[%add3A_2145, %dma_start3A_2229] : memref<409600x128xf32, #tpu.memory_space<hbm>> -> memref<8x128xf32, #tpu.memory_space<hbm>>
      %dma_start3A_2231 = arith.constant 0 : i32
      %dma_start3A_2232 = tpu.memref_slice %arg5[%add3A_2145, %dma_start3A_2231] : memref<409600x128xf32, #tpu.memory_space<hbm>> -> memref<8x128xf32, #tpu.memory_space<hbm>>
      %dma_start3A_2233 = arith.constant 0 : i32
      %dma_start3A_2234 = arith.constant 0 : i32
      %dma_start3A_2235 = tpu.memref_slice %arg9[%dma_start3A_2221, %dma_start3A_2233, %dma_start3A_2234] : memref<2x128x129xf32, #tpu.memory_space<vmem>> -> memref<1x128x129xf32, #tpu.memory_space<vmem>>
      %dma_start3A_2236 = tpu.memref_squeeze %dma_start3A_2235 : memref<1x128x129xf32, #tpu.memory_space<vmem>> -> memref<128x129xf32, #tpu.memory_space<vmem>>
      %dma_start3A_2237 = arith.constant 64 : i32
      %dma_start3A_2238 = arith.constant 0 : i32
      %dma_start3A_2239 = tpu.memref_slice %dma_start3A_2236[%dma_start3A_2237, %dma_start3A_2238] : memref<128x129xf32, #tpu.memory_space<vmem>> -> memref<8x128xf32, #tpu.memory_space<vmem>>
      tpu.enqueue_dma source(%dma_start3A_2239 : memref<8x128xf32, #tpu.memory_space<vmem>>) target(%dma_start3A_2232 : memref<8x128xf32, #tpu.memory_space<hbm>>) target_semaphore(%arg16 : memref<!tpu.dma_semaphore, #tpu.memory_space<semaphore_mem>>)
      %dma_start3A_2240 = arith.constant 1 : i32
      %dma_start3A_2241 = arith.constant 0 : i32
      %dma_start3A_2242 = arith.constant 0 : i32
      %dma_start3A_2243 = tpu.memref_slice %arg9[%dma_start3A_2240, %dma_start3A_2241, %dma_start3A_2242] : memref<2x128x129xf32, #tpu.memory_space<vmem>> -> memref<1x128x129xf32, #tpu.memory_space<vmem>>
      %dma_start3A_2244 = tpu.memref_squeeze %dma_start3A_2243 : memref<1x128x129xf32, #tpu.memory_space<vmem>> -> memref<128x129xf32, #tpu.memory_space<vmem>>
      %dma_start3A_2245 = arith.constant 8 : i32
      %dma_start3A_2246 = arith.constant 0 : i32
      %dma_start3A_2247 = tpu.memref_slice %dma_start3A_2244[%dma_start3A_2245, %dma_start3A_2246] : memref<128x129xf32, #tpu.memory_space<vmem>> -> memref<8x128xf32, #tpu.memory_space<vmem>>
      %dma_start3A_2248 = arith.constant 0 : i32
      %dma_start3A_2249 = tpu.memref_slice %arg5[%add3A_2149, %dma_start3A_2248] : memref<409600x128xf32, #tpu.memory_space<hbm>> -> memref<8x128xf32, #tpu.memory_space<hbm>>
      %dma_start3A_2250 = arith.constant 0 : i32
      %dma_start3A_2251 = tpu.memref_slice %arg5[%add3A_2149, %dma_start3A_2250] : memref<409600x128xf32, #tpu.memory_space<hbm>> -> memref<8x128xf32, #tpu.memory_space<hbm>>
      %dma_start3A_2252 = arith.constant 0 : i32
      %dma_start3A_2253 = arith.constant 0 : i32
      %dma_start3A_2254 = tpu.memref_slice %arg9[%dma_start3A_2240, %dma_start3A_2252, %dma_start3A_2253] : memref<2x128x129xf32, #tpu.memory_space<vmem>> -> memref<1x128x129xf32, #tpu.memory_space<vmem>>
      %dma_start3A_2255 = tpu.memref_squeeze %dma_start3A_2254 : memref<1x128x129xf32, #tpu.memory_space<vmem>> -> memref<128x129xf32, #tpu.memory_space<vmem>>
      %dma_start3A_2256 = arith.constant 8 : i32
      %dma_start3A_2257 = arith.constant 0 : i32
      %dma_start3A_2258 = tpu.memref_slice %dma_start3A_2255[%dma_start3A_2256, %dma_start3A_2257] : memref<128x129xf32, #tpu.memory_space<vmem>> -> memref<8x128xf32, #tpu.memory_space<vmem>>
      tpu.enqueue_dma source(%dma_start3A_2258 : memref<8x128xf32, #tpu.memory_space<vmem>>) target(%dma_start3A_2251 : memref<8x128xf32, #tpu.memory_space<hbm>>) target_semaphore(%arg16 : memref<!tpu.dma_semaphore, #tpu.memory_space<semaphore_mem>>)
      %dma_start3A_2259 = arith.constant 1 : i32
      %dma_start3A_2260 = arith.constant 0 : i32
      %dma_start3A_2261 = arith.constant 0 : i32
      %dma_start3A_2262 = tpu.memref_slice %arg9[%dma_start3A_2259, %dma_start3A_2260, %dma_start3A_2261] : memref<2x128x129xf32, #tpu.memory_space<vmem>> -> memref<1x128x129xf32, #tpu.memory_space<vmem>>
      %dma_start3A_2263 = tpu.memref_squeeze %dma_start3A_2262 : memref<1x128x129xf32, #tpu.memory_space<vmem>> -> memref<128x129xf32, #tpu.memory_space<vmem>>
      %dma_start3A_2264 = arith.constant 72 : i32
      %dma_start3A_2265 = arith.constant 0 : i32
      %dma_start3A_2266 = tpu.memref_slice %dma_start3A_2263[%dma_start3A_2264, %dma_start3A_2265] : memref<128x129xf32, #tpu.memory_space<vmem>> -> memref<8x128xf32, #tpu.memory_space<vmem>>
      %dma_start3A_2267 = arith.constant 0 : i32
      %dma_start3A_2268 = tpu.memref_slice %arg5[%add3A_2153, %dma_start3A_2267] : memref<409600x128xf32, #tpu.memory_space<hbm>> -> memref<8x128xf32, #tpu.memory_space<hbm>>
      %dma_start3A_2269 = arith.constant 0 : i32
      %dma_start3A_2270 = tpu.memref_slice %arg5[%add3A_2153, %dma_start3A_2269] : memref<409600x128xf32, #tpu.memory_space<hbm>> -> memref<8x128xf32, #tpu.memory_space<hbm>>
      %dma_start3A_2271 = arith.constant 0 : i32
      %dma_start3A_2272 = arith.constant 0 : i32
      %dma_start3A_2273 = tpu.memref_slice %arg9[%dma_start3A_2259, %dma_start3A_2271, %dma_start3A_2272] : memref<2x128x129xf32, #tpu.memory_space<vmem>> -> memref<1x128x129xf32, #tpu.memory_space<vmem>>
      %dma_start3A_2274 = tpu.memref_squeeze %dma_start3A_2273 : memref<1x128x129xf32, #tpu.memory_space<vmem>> -> memref<128x129xf32, #tpu.memory_space<vmem>>
      %dma_start3A_2275 = arith.constant 72 : i32
      %dma_start3A_2276 = arith.constant 0 : i32
      %dma_start3A_2277 = tpu.memref_slice %dma_start3A_2274[%dma_start3A_2275, %dma_start3A_2276] : memref<128x129xf32, #tpu.memory_space<vmem>> -> memref<8x128xf32, #tpu.memory_space<vmem>>
      tpu.enqueue_dma source(%dma_start3A_2277 : memref<8x128xf32, #tpu.memory_space<vmem>>) target(%dma_start3A_2270 : memref<8x128xf32, #tpu.memory_space<hbm>>) target_semaphore(%arg16 : memref<!tpu.dma_semaphore, #tpu.memory_space<semaphore_mem>>)
      %dma_start3A_2278 = arith.constant 1 : i32
      %dma_start3A_2279 = arith.constant 0 : i32
      %dma_start3A_2280 = arith.constant 0 : i32
      %dma_start3A_2281 = tpu.memref_slice %arg9[%dma_start3A_2278, %dma_start3A_2279, %dma_start3A_2280] : memref<2x128x129xf32, #tpu.memory_space<vmem>> -> memref<1x128x129xf32, #tpu.memory_space<vmem>>
      %dma_start3A_2282 = tpu.memref_squeeze %dma_start3A_2281 : memref<1x128x129xf32, #tpu.memory_space<vmem>> -> memref<128x129xf32, #tpu.memory_space<vmem>>
      %dma_start3A_2283 = arith.constant 16 : i32
      %dma_start3A_2284 = arith.constant 0 : i32
      %dma_start3A_2285 = tpu.memref_slice %dma_start3A_2282[%dma_start3A_2283, %dma_start3A_2284] : memref<128x129xf32, #tpu.memory_space<vmem>> -> memref<8x128xf32, #tpu.memory_space<vmem>>
      %dma_start3A_2286 = arith.constant 0 : i32
      %dma_start3A_2287 = tpu.memref_slice %arg5[%add3A_2157, %dma_start3A_2286] : memref<409600x128xf32, #tpu.memory_space<hbm>> -> memref<8x128xf32, #tpu.memory_space<hbm>>
      %dma_start3A_2288 = arith.constant 0 : i32
      %dma_start3A_2289 = tpu.memref_slice %arg5[%add3A_2157, %dma_start3A_2288] : memref<409600x128xf32, #tpu.memory_space<hbm>> -> memref<8x128xf32, #tpu.memory_space<hbm>>
      %dma_start3A_2290 = arith.constant 0 : i32
      %dma_start3A_2291 = arith.constant 0 : i32
      %dma_start3A_2292 = tpu.memref_slice %arg9[%dma_start3A_2278, %dma_start3A_2290, %dma_start3A_2291] : memref<2x128x129xf32, #tpu.memory_space<vmem>> -> memref<1x128x129xf32, #tpu.memory_space<vmem>>
      %dma_start3A_2293 = tpu.memref_squeeze %dma_start3A_2292 : memref<1x128x129xf32, #tpu.memory_space<vmem>> -> memref<128x129xf32, #tpu.memory_space<vmem>>
      %dma_start3A_2294 = arith.constant 16 : i32
      %dma_start3A_2295 = arith.constant 0 : i32
      %dma_start3A_2296 = tpu.memref_slice %dma_start3A_2293[%dma_start3A_2294, %dma_start3A_2295] : memref<128x129xf32, #tpu.memory_space<vmem>> -> memref<8x128xf32, #tpu.memory_space<vmem>>
      tpu.enqueue_dma source(%dma_start3A_2296 : memref<8x128xf32, #tpu.memory_space<vmem>>) target(%dma_start3A_2289 : memref<8x128xf32, #tpu.memory_space<hbm>>) target_semaphore(%arg16 : memref<!tpu.dma_semaphore, #tpu.memory_space<semaphore_mem>>)
      %dma_start3A_2297 = arith.constant 1 : i32
      %dma_start3A_2298 = arith.constant 0 : i32
      %dma_start3A_2299 = arith.constant 0 : i32
      %dma_start3A_2300 = tpu.memref_slice %arg9[%dma_start3A_2297, %dma_start3A_2298, %dma_start3A_2299] : memref<2x128x129xf32, #tpu.memory_space<vmem>> -> memref<1x128x129xf32, #tpu.memory_space<vmem>>
      %dma_start3A_2301 = tpu.memref_squeeze %dma_start3A_2300 : memref<1x128x129xf32, #tpu.memory_space<vmem>> -> memref<128x129xf32, #tpu.memory_space<vmem>>
      %dma_start3A_2302 = arith.constant 80 : i32
      %dma_start3A_2303 = arith.constant 0 : i32
      %dma_start3A_2304 = tpu.memref_slice %dma_start3A_2301[%dma_start3A_2302, %dma_start3A_2303] : memref<128x129xf32, #tpu.memory_space<vmem>> -> memref<8x128xf32, #tpu.memory_space<vmem>>
      %dma_start3A_2305 = arith.constant 0 : i32
      %dma_start3A_2306 = tpu.memref_slice %arg5[%add3A_2161, %dma_start3A_2305] : memref<409600x128xf32, #tpu.memory_space<hbm>> -> memref<8x128xf32, #tpu.memory_space<hbm>>
      %dma_start3A_2307 = arith.constant 0 : i32
      %dma_start3A_2308 = tpu.memref_slice %arg5[%add3A_2161, %dma_start3A_2307] : memref<409600x128xf32, #tpu.memory_space<hbm>> -> memref<8x128xf32, #tpu.memory_space<hbm>>
      %dma_start3A_2309 = arith.constant 0 : i32
      %dma_start3A_2310 = arith.constant 0 : i32
      %dma_start3A_2311 = tpu.memref_slice %arg9[%dma_start3A_2297, %dma_start3A_2309, %dma_start3A_2310] : memref<2x128x129xf32, #tpu.memory_space<vmem>> -> memref<1x128x129xf32, #tpu.memory_space<vmem>>
      %dma_start3A_2312 = tpu.memref_squeeze %dma_start3A_2311 : memref<1x128x129xf32, #tpu.memory_space<vmem>> -> memref<128x129xf32, #tpu.memory_space<vmem>>
      %dma_start3A_2313 = arith.constant 80 : i32
      %dma_start3A_2314 = arith.constant 0 : i32
      %dma_start3A_2315 = tpu.memref_slice %dma_start3A_2312[%dma_start3A_2313, %dma_start3A_2314] : memref<128x129xf32, #tpu.memory_space<vmem>> -> memref<8x128xf32, #tpu.memory_space<vmem>>
      tpu.enqueue_dma source(%dma_start3A_2315 : memref<8x128xf32, #tpu.memory_space<vmem>>) target(%dma_start3A_2308 : memref<8x128xf32, #tpu.memory_space<hbm>>) target_semaphore(%arg16 : memref<!tpu.dma_semaphore, #tpu.memory_space<semaphore_mem>>)
      %dma_start3A_2316 = arith.constant 1 : i32
      %dma_start3A_2317 = arith.constant 0 : i32
      %dma_start3A_2318 = arith.constant 0 : i32
      %dma_start3A_2319 = tpu.memref_slice %arg9[%dma_start3A_2316, %dma_start3A_2317, %dma_start3A_2318] : memref<2x128x129xf32, #tpu.memory_space<vmem>> -> memref<1x128x129xf32, #tpu.memory_space<vmem>>
      %dma_start3A_2320 = tpu.memref_squeeze %dma_start3A_2319 : memref<1x128x129xf32, #tpu.memory_space<vmem>> -> memref<128x129xf32, #tpu.memory_space<vmem>>
      %dma_start3A_2321 = arith.constant 24 : i32
      %dma_start3A_2322 = arith.constant 0 : i32
      %dma_start3A_2323 = tpu.memref_slice %dma_start3A_2320[%dma_start3A_2321, %dma_start3A_2322] : memref<128x129xf32, #tpu.memory_space<vmem>> -> memref<8x128xf32, #tpu.memory_space<vmem>>
      %dma_start3A_2324 = arith.constant 0 : i32
      %dma_start3A_2325 = tpu.memref_slice %arg5[%add3A_2165, %dma_start3A_2324] : memref<409600x128xf32, #tpu.memory_space<hbm>> -> memref<8x128xf32, #tpu.memory_space<hbm>>
      %dma_start3A_2326 = arith.constant 0 : i32
      %dma_start3A_2327 = tpu.memref_slice %arg5[%add3A_2165, %dma_start3A_2326] : memref<409600x128xf32, #tpu.memory_space<hbm>> -> memref<8x128xf32, #tpu.memory_space<hbm>>
      %dma_start3A_2328 = arith.constant 0 : i32
      %dma_start3A_2329 = arith.constant 0 : i32
      %dma_start3A_2330 = tpu.memref_slice %arg9[%dma_start3A_2316, %dma_start3A_2328, %dma_start3A_2329] : memref<2x128x129xf32, #tpu.memory_space<vmem>> -> memref<1x128x129xf32, #tpu.memory_space<vmem>>
      %dma_start3A_2331 = tpu.memref_squeeze %dma_start3A_2330 : memref<1x128x129xf32, #tpu.memory_space<vmem>> -> memref<128x129xf32, #tpu.memory_space<vmem>>
      %dma_start3A_2332 = arith.constant 24 : i32
      %dma_start3A_2333 = arith.constant 0 : i32
      %dma_start3A_2334 = tpu.memref_slice %dma_start3A_2331[%dma_start3A_2332, %dma_start3A_2333] : memref<128x129xf32, #tpu.memory_space<vmem>> -> memref<8x128xf32, #tpu.memory_space<vmem>>
      tpu.enqueue_dma source(%dma_start3A_2334 : memref<8x128xf32, #tpu.memory_space<vmem>>) target(%dma_start3A_2327 : memref<8x128xf32, #tpu.memory_space<hbm>>) target_semaphore(%arg16 : memref<!tpu.dma_semaphore, #tpu.memory_space<semaphore_mem>>)
      %dma_start3A_2335 = arith.constant 1 : i32
      %dma_start3A_2336 = arith.constant 0 : i32
      %dma_start3A_2337 = arith.constant 0 : i32
      %dma_start3A_2338 = tpu.memref_slice %arg9[%dma_start3A_2335, %dma_start3A_2336, %dma_start3A_2337] : memref<2x128x129xf32, #tpu.memory_space<vmem>> -> memref<1x128x129xf32, #tpu.memory_space<vmem>>
      %dma_start3A_2339 = tpu.memref_squeeze %dma_start3A_2338 : memref<1x128x129xf32, #tpu.memory_space<vmem>> -> memref<128x129xf32, #tpu.memory_space<vmem>>
      %dma_start3A_2340 = arith.constant 88 : i32
      %dma_start3A_2341 = arith.constant 0 : i32
      %dma_start3A_2342 = tpu.memref_slice %dma_start3A_2339[%dma_start3A_2340, %dma_start3A_2341] : memref<128x129xf32, #tpu.memory_space<vmem>> -> memref<8x128xf32, #tpu.memory_space<vmem>>
      %dma_start3A_2343 = arith.constant 0 : i32
      %dma_start3A_2344 = tpu.memref_slice %arg5[%add3A_2169, %dma_start3A_2343] : memref<409600x128xf32, #tpu.memory_space<hbm>> -> memref<8x128xf32, #tpu.memory_space<hbm>>
      %dma_start3A_2345 = arith.constant 0 : i32
      %dma_start3A_2346 = tpu.memref_slice %arg5[%add3A_2169, %dma_start3A_2345] : memref<409600x128xf32, #tpu.memory_space<hbm>> -> memref<8x128xf32, #tpu.memory_space<hbm>>
      %dma_start3A_2347 = arith.constant 0 : i32
      %dma_start3A_2348 = arith.constant 0 : i32
      %dma_start3A_2349 = tpu.memref_slice %arg9[%dma_start3A_2335, %dma_start3A_2347, %dma_start3A_2348] : memref<2x128x129xf32, #tpu.memory_space<vmem>> -> memref<1x128x129xf32, #tpu.memory_space<vmem>>
      %dma_start3A_2350 = tpu.memref_squeeze %dma_start3A_2349 : memref<1x128x129xf32, #tpu.memory_space<vmem>> -> memref<128x129xf32, #tpu.memory_space<vmem>>
      %dma_start3A_2351 = arith.constant 88 : i32
      %dma_start3A_2352 = arith.constant 0 : i32
      %dma_start3A_2353 = tpu.memref_slice %dma_start3A_2350[%dma_start3A_2351, %dma_start3A_2352] : memref<128x129xf32, #tpu.memory_space<vmem>> -> memref<8x128xf32, #tpu.memory_space<vmem>>
      tpu.enqueue_dma source(%dma_start3A_2353 : memref<8x128xf32, #tpu.memory_space<vmem>>) target(%dma_start3A_2346 : memref<8x128xf32, #tpu.memory_space<hbm>>) target_semaphore(%arg16 : memref<!tpu.dma_semaphore, #tpu.memory_space<semaphore_mem>>)
      %dma_start3A_2354 = arith.constant 1 : i32
      %dma_start3A_2355 = arith.constant 0 : i32
      %dma_start3A_2356 = arith.constant 0 : i32
      %dma_start3A_2357 = tpu.memref_slice %arg9[%dma_start3A_2354, %dma_start3A_2355, %dma_start3A_2356] : memref<2x128x129xf32, #tpu.memory_space<vmem>> -> memref<1x128x129xf32, #tpu.memory_space<vmem>>
      %dma_start3A_2358 = tpu.memref_squeeze %dma_start3A_2357 : memref<1x128x129xf32, #tpu.memory_space<vmem>> -> memref<128x129xf32, #tpu.memory_space<vmem>>
      %dma_start3A_2359 = arith.constant 32 : i32
      %dma_start3A_2360 = arith.constant 0 : i32
      %dma_start3A_2361 = tpu.memref_slice %dma_start3A_2358[%dma_start3A_2359, %dma_start3A_2360] : memref<128x129xf32, #tpu.memory_space<vmem>> -> memref<8x128xf32, #tpu.memory_space<vmem>>
      %dma_start3A_2362 = arith.constant 0 : i32
      %dma_start3A_2363 = tpu.memref_slice %arg5[%add3A_2173, %dma_start3A_2362] : memref<409600x128xf32, #tpu.memory_space<hbm>> -> memref<8x128xf32, #tpu.memory_space<hbm>>
      %dma_start3A_2364 = arith.constant 0 : i32
      %dma_start3A_2365 = tpu.memref_slice %arg5[%add3A_2173, %dma_start3A_2364] : memref<409600x128xf32, #tpu.memory_space<hbm>> -> memref<8x128xf32, #tpu.memory_space<hbm>>
      %dma_start3A_2366 = arith.constant 0 : i32
      %dma_start3A_2367 = arith.constant 0 : i32
      %dma_start3A_2368 = tpu.memref_slice %arg9[%dma_start3A_2354, %dma_start3A_2366, %dma_start3A_2367] : memref<2x128x129xf32, #tpu.memory_space<vmem>> -> memref<1x128x129xf32, #tpu.memory_space<vmem>>
      %dma_start3A_2369 = tpu.memref_squeeze %dma_start3A_2368 : memref<1x128x129xf32, #tpu.memory_space<vmem>> -> memref<128x129xf32, #tpu.memory_space<vmem>>
      %dma_start3A_2370 = arith.constant 32 : i32
      %dma_start3A_2371 = arith.constant 0 : i32
      %dma_start3A_2372 = tpu.memref_slice %dma_start3A_2369[%dma_start3A_2370, %dma_start3A_2371] : memref<128x129xf32, #tpu.memory_space<vmem>> -> memref<8x128xf32, #tpu.memory_space<vmem>>
      tpu.enqueue_dma source(%dma_start3A_2372 : memref<8x128xf32, #tpu.memory_space<vmem>>) target(%dma_start3A_2365 : memref<8x128xf32, #tpu.memory_space<hbm>>) target_semaphore(%arg16 : memref<!tpu.dma_semaphore, #tpu.memory_space<semaphore_mem>>)
      %dma_start3A_2373 = arith.constant 1 : i32
      %dma_start3A_2374 = arith.constant 0 : i32
      %dma_start3A_2375 = arith.constant 0 : i32
      %dma_start3A_2376 = tpu.memref_slice %arg9[%dma_start3A_2373, %dma_start3A_2374, %dma_start3A_2375] : memref<2x128x129xf32, #tpu.memory_space<vmem>> -> memref<1x128x129xf32, #tpu.memory_space<vmem>>
      %dma_start3A_2377 = tpu.memref_squeeze %dma_start3A_2376 : memref<1x128x129xf32, #tpu.memory_space<vmem>> -> memref<128x129xf32, #tpu.memory_space<vmem>>
      %dma_start3A_2378 = arith.constant 96 : i32
      %dma_start3A_2379 = arith.constant 0 : i32
      %dma_start3A_2380 = tpu.memref_slice %dma_start3A_2377[%dma_start3A_2378, %dma_start3A_2379] : memref<128x129xf32, #tpu.memory_space<vmem>> -> memref<8x128xf32, #tpu.memory_space<vmem>>
      %dma_start3A_2381 = arith.constant 0 : i32
      %dma_start3A_2382 = tpu.memref_slice %arg5[%add3A_2177, %dma_start3A_2381] : memref<409600x128xf32, #tpu.memory_space<hbm>> -> memref<8x128xf32, #tpu.memory_space<hbm>>
      %dma_start3A_2383 = arith.constant 0 : i32
      %dma_start3A_2384 = tpu.memref_slice %arg5[%add3A_2177, %dma_start3A_2383] : memref<409600x128xf32, #tpu.memory_space<hbm>> -> memref<8x128xf32, #tpu.memory_space<hbm>>
      %dma_start3A_2385 = arith.constant 0 : i32
      %dma_start3A_2386 = arith.constant 0 : i32
      %dma_start3A_2387 = tpu.memref_slice %arg9[%dma_start3A_2373, %dma_start3A_2385, %dma_start3A_2386] : memref<2x128x129xf32, #tpu.memory_space<vmem>> -> memref<1x128x129xf32, #tpu.memory_space<vmem>>
      %dma_start3A_2388 = tpu.memref_squeeze %dma_start3A_2387 : memref<1x128x129xf32, #tpu.memory_space<vmem>> -> memref<128x129xf32, #tpu.memory_space<vmem>>
      %dma_start3A_2389 = arith.constant 96 : i32
      %dma_start3A_2390 = arith.constant 0 : i32
      %dma_start3A_2391 = tpu.memref_slice %dma_start3A_2388[%dma_start3A_2389, %dma_start3A_2390] : memref<128x129xf32, #tpu.memory_space<vmem>> -> memref<8x128xf32, #tpu.memory_space<vmem>>
      tpu.enqueue_dma source(%dma_start3A_2391 : memref<8x128xf32, #tpu.memory_space<vmem>>) target(%dma_start3A_2384 : memref<8x128xf32, #tpu.memory_space<hbm>>) target_semaphore(%arg16 : memref<!tpu.dma_semaphore, #tpu.memory_space<semaphore_mem>>)
      %dma_start3A_2392 = arith.constant 1 : i32
      %dma_start3A_2393 = arith.constant 0 : i32
      %dma_start3A_2394 = arith.constant 0 : i32
      %dma_start3A_2395 = tpu.memref_slice %arg9[%dma_start3A_2392, %dma_start3A_2393, %dma_start3A_2394] : memref<2x128x129xf32, #tpu.memory_space<vmem>> -> memref<1x128x129xf32, #tpu.memory_space<vmem>>
      %dma_start3A_2396 = tpu.memref_squeeze %dma_start3A_2395 : memref<1x128x129xf32, #tpu.memory_space<vmem>> -> memref<128x129xf32, #tpu.memory_space<vmem>>
      %dma_start3A_2397 = arith.constant 40 : i32
      %dma_start3A_2398 = arith.constant 0 : i32
      %dma_start3A_2399 = tpu.memref_slice %dma_start3A_2396[%dma_start3A_2397, %dma_start3A_2398] : memref<128x129xf32, #tpu.memory_space<vmem>> -> memref<8x128xf32, #tpu.memory_space<vmem>>
      %dma_start3A_2400 = arith.constant 0 : i32
      %dma_start3A_2401 = tpu.memref_slice %arg5[%add3A_2181, %dma_start3A_2400] : memref<409600x128xf32, #tpu.memory_space<hbm>> -> memref<8x128xf32, #tpu.memory_space<hbm>>
      %dma_start3A_2402 = arith.constant 0 : i32
      %dma_start3A_2403 = tpu.memref_slice %arg5[%add3A_2181, %dma_start3A_2402] : memref<409600x128xf32, #tpu.memory_space<hbm>> -> memref<8x128xf32, #tpu.memory_space<hbm>>
      %dma_start3A_2404 = arith.constant 0 : i32
      %dma_start3A_2405 = arith.constant 0 : i32
      %dma_start3A_2406 = tpu.memref_slice %arg9[%dma_start3A_2392, %dma_start3A_2404, %dma_start3A_2405] : memref<2x128x129xf32, #tpu.memory_space<vmem>> -> memref<1x128x129xf32, #tpu.memory_space<vmem>>
      %dma_start3A_2407 = tpu.memref_squeeze %dma_start3A_2406 : memref<1x128x129xf32, #tpu.memory_space<vmem>> -> memref<128x129xf32, #tpu.memory_space<vmem>>
      %dma_start3A_2408 = arith.constant 40 : i32
      %dma_start3A_2409 = arith.constant 0 : i32
      %dma_start3A_2410 = tpu.memref_slice %dma_start3A_2407[%dma_start3A_2408, %dma_start3A_2409] : memref<128x129xf32, #tpu.memory_space<vmem>> -> memref<8x128xf32, #tpu.memory_space<vmem>>
      tpu.enqueue_dma source(%dma_start3A_2410 : memref<8x128xf32, #tpu.memory_space<vmem>>) target(%dma_start3A_2403 : memref<8x128xf32, #tpu.memory_space<hbm>>) target_semaphore(%arg16 : memref<!tpu.dma_semaphore, #tpu.memory_space<semaphore_mem>>)
      %dma_start3A_2411 = arith.constant 1 : i32
      %dma_start3A_2412 = arith.constant 0 : i32
      %dma_start3A_2413 = arith.constant 0 : i32
      %dma_start3A_2414 = tpu.memref_slice %arg9[%dma_start3A_2411, %dma_start3A_2412, %dma_start3A_2413] : memref<2x128x129xf32, #tpu.memory_space<vmem>> -> memref<1x128x129xf32, #tpu.memory_space<vmem>>
      %dma_start3A_2415 = tpu.memref_squeeze %dma_start3A_2414 : memref<1x128x129xf32, #tpu.memory_space<vmem>> -> memref<128x129xf32, #tpu.memory_space<vmem>>
      %dma_start3A_2416 = arith.constant 104 : i32
      %dma_start3A_2417 = arith.constant 0 : i32
      %dma_start3A_2418 = tpu.memref_slice %dma_start3A_2415[%dma_start3A_2416, %dma_start3A_2417] : memref<128x129xf32, #tpu.memory_space<vmem>> -> memref<8x128xf32, #tpu.memory_space<vmem>>
      %dma_start3A_2419 = arith.constant 0 : i32
      %dma_start3A_2420 = tpu.memref_slice %arg5[%add3A_2185, %dma_start3A_2419] : memref<409600x128xf32, #tpu.memory_space<hbm>> -> memref<8x128xf32, #tpu.memory_space<hbm>>
      %dma_start3A_2421 = arith.constant 0 : i32
      %dma_start3A_2422 = tpu.memref_slice %arg5[%add3A_2185, %dma_start3A_2421] : memref<409600x128xf32, #tpu.memory_space<hbm>> -> memref<8x128xf32, #tpu.memory_space<hbm>>
      %dma_start3A_2423 = arith.constant 0 : i32
      %dma_start3A_2424 = arith.constant 0 : i32
      %dma_start3A_2425 = tpu.memref_slice %arg9[%dma_start3A_2411, %dma_start3A_2423, %dma_start3A_2424] : memref<2x128x129xf32, #tpu.memory_space<vmem>> -> memref<1x128x129xf32, #tpu.memory_space<vmem>>
      %dma_start3A_2426 = tpu.memref_squeeze %dma_start3A_2425 : memref<1x128x129xf32, #tpu.memory_space<vmem>> -> memref<128x129xf32, #tpu.memory_space<vmem>>
      %dma_start3A_2427 = arith.constant 104 : i32
      %dma_start3A_2428 = arith.constant 0 : i32
      %dma_start3A_2429 = tpu.memref_slice %dma_start3A_2426[%dma_start3A_2427, %dma_start3A_2428] : memref<128x129xf32, #tpu.memory_space<vmem>> -> memref<8x128xf32, #tpu.memory_space<vmem>>
      tpu.enqueue_dma source(%dma_start3A_2429 : memref<8x128xf32, #tpu.memory_space<vmem>>) target(%dma_start3A_2422 : memref<8x128xf32, #tpu.memory_space<hbm>>) target_semaphore(%arg16 : memref<!tpu.dma_semaphore, #tpu.memory_space<semaphore_mem>>)
      %dma_start3A_2430 = arith.constant 1 : i32
      %dma_start3A_2431 = arith.constant 0 : i32
      %dma_start3A_2432 = arith.constant 0 : i32
      %dma_start3A_2433 = tpu.memref_slice %arg9[%dma_start3A_2430, %dma_start3A_2431, %dma_start3A_2432] : memref<2x128x129xf32, #tpu.memory_space<vmem>> -> memref<1x128x129xf32, #tpu.memory_space<vmem>>
      %dma_start3A_2434 = tpu.memref_squeeze %dma_start3A_2433 : memref<1x128x129xf32, #tpu.memory_space<vmem>> -> memref<128x129xf32, #tpu.memory_space<vmem>>
      %dma_start3A_2435 = arith.constant 48 : i32
      %dma_start3A_2436 = arith.constant 0 : i32
      %dma_start3A_2437 = tpu.memref_slice %dma_start3A_2434[%dma_start3A_2435, %dma_start3A_2436] : memref<128x129xf32, #tpu.memory_space<vmem>> -> memref<8x128xf32, #tpu.memory_space<vmem>>
      %dma_start3A_2438 = arith.constant 0 : i32
      %dma_start3A_2439 = tpu.memref_slice %arg5[%add3A_2189, %dma_start3A_2438] : memref<409600x128xf32, #tpu.memory_space<hbm>> -> memref<8x128xf32, #tpu.memory_space<hbm>>
      %dma_start3A_2440 = arith.constant 0 : i32
      %dma_start3A_2441 = tpu.memref_slice %arg5[%add3A_2189, %dma_start3A_2440] : memref<409600x128xf32, #tpu.memory_space<hbm>> -> memref<8x128xf32, #tpu.memory_space<hbm>>
      %dma_start3A_2442 = arith.constant 0 : i32
      %dma_start3A_2443 = arith.constant 0 : i32
      %dma_start3A_2444 = tpu.memref_slice %arg9[%dma_start3A_2430, %dma_start3A_2442, %dma_start3A_2443] : memref<2x128x129xf32, #tpu.memory_space<vmem>> -> memref<1x128x129xf32, #tpu.memory_space<vmem>>
      %dma_start3A_2445 = tpu.memref_squeeze %dma_start3A_2444 : memref<1x128x129xf32, #tpu.memory_space<vmem>> -> memref<128x129xf32, #tpu.memory_space<vmem>>
      %dma_start3A_2446 = arith.constant 48 : i32
      %dma_start3A_2447 = arith.constant 0 : i32
      %dma_start3A_2448 = tpu.memref_slice %dma_start3A_2445[%dma_start3A_2446, %dma_start3A_2447] : memref<128x129xf32, #tpu.memory_space<vmem>> -> memref<8x128xf32, #tpu.memory_space<vmem>>
      tpu.enqueue_dma source(%dma_start3A_2448 : memref<8x128xf32, #tpu.memory_space<vmem>>) target(%dma_start3A_2441 : memref<8x128xf32, #tpu.memory_space<hbm>>) target_semaphore(%arg16 : memref<!tpu.dma_semaphore, #tpu.memory_space<semaphore_mem>>)
      %dma_start3A_2449 = arith.constant 1 : i32
      %dma_start3A_2450 = arith.constant 0 : i32
      %dma_start3A_2451 = arith.constant 0 : i32
      %dma_start3A_2452 = tpu.memref_slice %arg9[%dma_start3A_2449, %dma_start3A_2450, %dma_start3A_2451] : memref<2x128x129xf32, #tpu.memory_space<vmem>> -> memref<1x128x129xf32, #tpu.memory_space<vmem>>
      %dma_start3A_2453 = tpu.memref_squeeze %dma_start3A_2452 : memref<1x128x129xf32, #tpu.memory_space<vmem>> -> memref<128x129xf32, #tpu.memory_space<vmem>>
      %dma_start3A_2454 = arith.constant 112 : i32
      %dma_start3A_2455 = arith.constant 0 : i32
      %dma_start3A_2456 = tpu.memref_slice %dma_start3A_2453[%dma_start3A_2454, %dma_start3A_2455] : memref<128x129xf32, #tpu.memory_space<vmem>> -> memref<8x128xf32, #tpu.memory_space<vmem>>
      %dma_start3A_2457 = arith.constant 0 : i32
      %dma_start3A_2458 = tpu.memref_slice %arg5[%add3A_2193, %dma_start3A_2457] : memref<409600x128xf32, #tpu.memory_space<hbm>> -> memref<8x128xf32, #tpu.memory_space<hbm>>
      %dma_start3A_2459 = arith.constant 0 : i32
      %dma_start3A_2460 = tpu.memref_slice %arg5[%add3A_2193, %dma_start3A_2459] : memref<409600x128xf32, #tpu.memory_space<hbm>> -> memref<8x128xf32, #tpu.memory_space<hbm>>
      %dma_start3A_2461 = arith.constant 0 : i32
      %dma_start3A_2462 = arith.constant 0 : i32
      %dma_start3A_2463 = tpu.memref_slice %arg9[%dma_start3A_2449, %dma_start3A_2461, %dma_start3A_2462] : memref<2x128x129xf32, #tpu.memory_space<vmem>> -> memref<1x128x129xf32, #tpu.memory_space<vmem>>
      %dma_start3A_2464 = tpu.memref_squeeze %dma_start3A_2463 : memref<1x128x129xf32, #tpu.memory_space<vmem>> -> memref<128x129xf32, #tpu.memory_space<vmem>>
      %dma_start3A_2465 = arith.constant 112 : i32
      %dma_start3A_2466 = arith.constant 0 : i32
      %dma_start3A_2467 = tpu.memref_slice %dma_start3A_2464[%dma_start3A_2465, %dma_start3A_2466] : memref<128x129xf32, #tpu.memory_space<vmem>> -> memref<8x128xf32, #tpu.memory_space<vmem>>
      tpu.enqueue_dma source(%dma_start3A_2467 : memref<8x128xf32, #tpu.memory_space<vmem>>) target(%dma_start3A_2460 : memref<8x128xf32, #tpu.memory_space<hbm>>) target_semaphore(%arg16 : memref<!tpu.dma_semaphore, #tpu.memory_space<semaphore_mem>>)
      %dma_start3A_2468 = arith.constant 1 : i32
      %dma_start3A_2469 = arith.constant 0 : i32
      %dma_start3A_2470 = arith.constant 0 : i32
      %dma_start3A_2471 = tpu.memref_slice %arg9[%dma_start3A_2468, %dma_start3A_2469, %dma_start3A_2470] : memref<2x128x129xf32, #tpu.memory_space<vmem>> -> memref<1x128x129xf32, #tpu.memory_space<vmem>>
      %dma_start3A_2472 = tpu.memref_squeeze %dma_start3A_2471 : memref<1x128x129xf32, #tpu.memory_space<vmem>> -> memref<128x129xf32, #tpu.memory_space<vmem>>
      %dma_start3A_2473 = arith.constant 56 : i32
      %dma_start3A_2474 = arith.constant 0 : i32
      %dma_start3A_2475 = tpu.memref_slice %dma_start3A_2472[%dma_start3A_2473, %dma_start3A_2474] : memref<128x129xf32, #tpu.memory_space<vmem>> -> memref<8x128xf32, #tpu.memory_space<vmem>>
      %dma_start3A_2476 = arith.constant 0 : i32
      %dma_start3A_2477 = tpu.memref_slice %arg5[%add3A_2197, %dma_start3A_2476] : memref<409600x128xf32, #tpu.memory_space<hbm>> -> memref<8x128xf32, #tpu.memory_space<hbm>>
      %dma_start3A_2478 = arith.constant 0 : i32
      %dma_start3A_2479 = tpu.memref_slice %arg5[%add3A_2197, %dma_start3A_2478] : memref<409600x128xf32, #tpu.memory_space<hbm>> -> memref<8x128xf32, #tpu.memory_space<hbm>>
      %dma_start3A_2480 = arith.constant 0 : i32
      %dma_start3A_2481 = arith.constant 0 : i32
      %dma_start3A_2482 = tpu.memref_slice %arg9[%dma_start3A_2468, %dma_start3A_2480, %dma_start3A_2481] : memref<2x128x129xf32, #tpu.memory_space<vmem>> -> memref<1x128x129xf32, #tpu.memory_space<vmem>>
      %dma_start3A_2483 = tpu.memref_squeeze %dma_start3A_2482 : memref<1x128x129xf32, #tpu.memory_space<vmem>> -> memref<128x129xf32, #tpu.memory_space<vmem>>
      %dma_start3A_2484 = arith.constant 56 : i32
      %dma_start3A_2485 = arith.constant 0 : i32
      %dma_start3A_2486 = tpu.memref_slice %dma_start3A_2483[%dma_start3A_2484, %dma_start3A_2485] : memref<128x129xf32, #tpu.memory_space<vmem>> -> memref<8x128xf32, #tpu.memory_space<vmem>>
      tpu.enqueue_dma source(%dma_start3A_2486 : memref<8x128xf32, #tpu.memory_space<vmem>>) target(%dma_start3A_2479 : memref<8x128xf32, #tpu.memory_space<hbm>>) target_semaphore(%arg16 : memref<!tpu.dma_semaphore, #tpu.memory_space<semaphore_mem>>)
      %dma_start3A_2487 = arith.constant 1 : i32
      %dma_start3A_2488 = arith.constant 0 : i32
      %dma_start3A_2489 = arith.constant 0 : i32
      %dma_start3A_2490 = tpu.memref_slice %arg9[%dma_start3A_2487, %dma_start3A_2488, %dma_start3A_2489] : memref<2x128x129xf32, #tpu.memory_space<vmem>> -> memref<1x128x129xf32, #tpu.memory_space<vmem>>
      %dma_start3A_2491 = tpu.memref_squeeze %dma_start3A_2490 : memref<1x128x129xf32, #tpu.memory_space<vmem>> -> memref<128x129xf32, #tpu.memory_space<vmem>>
      %dma_start3A_2492 = arith.constant 120 : i32
      %dma_start3A_2493 = arith.constant 0 : i32
      %dma_start3A_2494 = tpu.memref_slice %dma_start3A_2491[%dma_start3A_2492, %dma_start3A_2493] : memref<128x129xf32, #tpu.memory_space<vmem>> -> memref<8x128xf32, #tpu.memory_space<vmem>>
      %dma_start3A_2495 = arith.constant 0 : i32
      %dma_start3A_2496 = tpu.memref_slice %arg5[%add3A_2201, %dma_start3A_2495] : memref<409600x128xf32, #tpu.memory_space<hbm>> -> memref<8x128xf32, #tpu.memory_space<hbm>>
      %dma_start3A_2497 = arith.constant 0 : i32
      %dma_start3A_2498 = tpu.memref_slice %arg5[%add3A_2201, %dma_start3A_2497] : memref<409600x128xf32, #tpu.memory_space<hbm>> -> memref<8x128xf32, #tpu.memory_space<hbm>>
      %dma_start3A_2499 = arith.constant 0 : i32
      %dma_start3A_2500 = arith.constant 0 : i32
      %dma_start3A_2501 = tpu.memref_slice %arg9[%dma_start3A_2487, %dma_start3A_2499, %dma_start3A_2500] : memref<2x128x129xf32, #tpu.memory_space<vmem>> -> memref<1x128x129xf32, #tpu.memory_space<vmem>>
      %dma_start3A_2502 = tpu.memref_squeeze %dma_start3A_2501 : memref<1x128x129xf32, #tpu.memory_space<vmem>> -> memref<128x129xf32, #tpu.memory_space<vmem>>
      %dma_start3A_2503 = arith.constant 120 : i32
      %dma_start3A_2504 = arith.constant 0 : i32
      %dma_start3A_2505 = tpu.memref_slice %dma_start3A_2502[%dma_start3A_2503, %dma_start3A_2504] : memref<128x129xf32, #tpu.memory_space<vmem>> -> memref<8x128xf32, #tpu.memory_space<vmem>>
      tpu.enqueue_dma source(%dma_start3A_2505 : memref<8x128xf32, #tpu.memory_space<vmem>>) target(%dma_start3A_2498 : memref<8x128xf32, #tpu.memory_space<hbm>>) target_semaphore(%arg16 : memref<!tpu.dma_semaphore, #tpu.memory_space<semaphore_mem>>)
      scf.yield %parallel_loop3A_2036 : i1
    }
    %scan3A_247 = arith.constant 50 : i32
    %min3A_248 = arith.constant 101 : i32
    %min3A_249 = arith.constant 99 : i32
    %min3A_250 = arith.minsi %min3A_248, %min3A_249 : i32
    %add3A_251 = arith.addi %mul3A_14, %min3A_250 : i32
    %jit3A_252 = arith.constant 64 : i32
    %div3A_253 = arith.divsi %add3A_251, %jit3A_252 : i32
    %sign3A_254 = arith.constant 0 : i32
    %sign3A_255 = arith.cmpi sgt, %add3A_251, %sign3A_254 : i32
    %sign3A_256 = arith.extui %sign3A_255 : i1 to i32
    %sign3A_257 = arith.constant 0 : i32
    %sign3A_258 = arith.cmpi slt, %add3A_251, %sign3A_257 : i32
    %sign3A_259 = arith.extui %sign3A_258 : i1 to i32
    %sign3A_260 = arith.subi %sign3A_256, %sign3A_259 : i32
    %sign3A_261 = arith.constant 0 : i32
    %sign3A_262 = arith.cmpi sgt, %jit3A_252, %sign3A_261 : i32
    %sign3A_263 = arith.extui %sign3A_262 : i1 to i32
    %sign3A_264 = arith.constant 0 : i32
    %sign3A_265 = arith.cmpi slt, %jit3A_252, %sign3A_264 : i32
    %sign3A_266 = arith.extui %sign3A_265 : i1 to i32
    %sign3A_267 = arith.subi %sign3A_263, %sign3A_266 : i32
    %ne3A_268 = arith.cmpi ne, %sign3A_260, %sign3A_267 : i32
    %rem3A_269 = arith.remsi %add3A_251, %jit3A_252 : i32
    %ne3A_270 = arith.constant 0 : i32
    %ne3A_271 = arith.cmpi ne, %rem3A_269, %ne3A_270 : i32
    %and3A_272 = arith.andi %ne3A_268, %ne3A_271 : i1
    %sub3A_273 = arith.constant 1 : i32
    %sub3A_274 = arith.subi %div3A_253, %sub3A_273 : i32
    %select_n3A_275 = arith.select %and3A_272, %sub3A_274, %div3A_253 : i32
    %jit3A_276 = arith.constant 64 : i32
    %eq3A_277 = arith.constant 0 : i32
    %eq3A_278 = arith.cmpi eq, %jit3A_276, %eq3A_277 : i32
    %jit3A_279 = arith.constant 1 : i32
    %select_n3A_280 = arith.select %eq3A_278, %jit3A_279, %jit3A_276 : i32
    %rem3A_281 = arith.remsi %add3A_251, %select_n3A_280 : i32
    %ne3A_282 = arith.constant 0 : i32
    %ne3A_283 = arith.cmpi ne, %rem3A_281, %ne3A_282 : i32
    %lt3A_284 = arith.constant 0 : i32
    %lt3A_285 = arith.cmpi slt, %rem3A_281, %lt3A_284 : i32
    %lt3A_286 = arith.constant 0 : i32
    %lt3A_287 = arith.cmpi slt, %select_n3A_280, %lt3A_286 : i32
    %ne3A_288 = arith.xori %lt3A_285, %lt3A_287 : i1
    %and3A_289 = arith.andi %ne3A_288, %ne3A_283 : i1
    %add3A_290 = arith.addi %rem3A_281, %select_n3A_280 : i32
    %select_n3A_291 = arith.select %and3A_289, %add3A_290, %rem3A_281 : i32
    %mul3A_292 = arith.constant 16384 : i32
    %mul3A_293 = arith.muli %select_n3A_275, %mul3A_292 : i32
    %mul3A_294 = arith.constant 256 : i32
    %mul3A_295 = arith.muli %select_n3A_291, %mul3A_294 : i32
    %add3A_296 = arith.addi %mul3A_293, %mul3A_295 : i32
    %mul3A_297 = arith.constant 8 : i32
    %mul3A_298 = arith.muli %select_n3A_275, %mul3A_297 : i32
    %mul3A_299 = arith.constant 128 : i32
    %mul3A_300 = arith.muli %mul3A_298, %mul3A_299 : i32
    %mul3A_301 = arith.constant 2 : i32
    %mul3A_302 = arith.muli %select_n3A_291, %mul3A_301 : i32
    %add3A_303 = arith.addi %mul3A_300, %mul3A_302 : i32
    %mul3A_304 = arith.constant 8 : i32
    %mul3A_305 = arith.muli %add3A_303, %mul3A_304 : i32
    %dma_wait3A_306 = arith.constant 1 : i32
    %dma_wait3A_307 = arith.constant 0 : i32
    %dma_wait3A_308 = tpu.memref_slice %arg6[%dma_wait3A_306, %dma_wait3A_307] : memref<2x256xi32, #tpu.memory_space<vmem>> -> memref<1x256xi32, #tpu.memory_space<vmem>>
    %dma_wait3A_309 = tpu.memref_squeeze %dma_wait3A_308 : memref<1x256xi32, #tpu.memory_space<vmem>> -> memref<256xi32, #tpu.memory_space<vmem>>
    %dma_wait3A_310 = tpu.memref_slice %arg4[%add3A_296] : memref<819200xi32, #tpu.memory_space<hbm>> -> memref<256xi32, #tpu.memory_space<hbm>>
    %dma_wait3A_311 = arith.constant 0 : i32
    %dma_wait3A_312 = tpu.memref_slice %arg6[%dma_wait3A_306, %dma_wait3A_311] : memref<2x256xi32, #tpu.memory_space<vmem>> -> memref<1x256xi32, #tpu.memory_space<vmem>>
    %dma_wait3A_313 = tpu.memref_squeeze %dma_wait3A_312 : memref<1x256xi32, #tpu.memory_space<vmem>> -> memref<256xi32, #tpu.memory_space<vmem>>
    %dma_wait3A_314 = tpu.memref_slice %arg4[%add3A_296] : memref<819200xi32, #tpu.memory_space<hbm>> -> memref<256xi32, #tpu.memory_space<hbm>>
    tpu.wait_dma2 semaphore(%arg12 : memref<!tpu.dma_semaphore, #tpu.memory_space<semaphore_mem>>) src(%dma_wait3A_314 : memref<256xi32, #tpu.memory_space<hbm>>) dst(%dma_wait3A_313 : memref<256xi32, #tpu.memory_space<vmem>>)
    %dma_wait3A_315 = arith.constant 0 : i32
    %dma_wait3A_316 = arith.constant 0 : i32
    %dma_wait3A_317 = arith.constant 0 : i32
    %dma_wait3A_318 = arith.constant 0 : i32
    %dma_wait3A_319 = tpu.memref_slice %arg8[%dma_wait3A_316, %dma_wait3A_317, %dma_wait3A_318] : memref<2x256x64xf32, #tpu.memory_space<vmem>> -> memref<1x256x64xf32, #tpu.memory_space<vmem>>
    %dma_wait3A_320 = tpu.memref_squeeze %dma_wait3A_319 : memref<1x256x64xf32, #tpu.memory_space<vmem>> -> memref<256x64xf32, #tpu.memory_space<vmem>>
    %dma_wait3A_321 = arith.constant 0 : i32
    %dma_wait3A_322 = arith.constant 0 : i32
    %dma_wait3A_323 = tpu.memref_slice %dma_wait3A_320[%dma_wait3A_321, %dma_wait3A_322] : memref<256x64xf32, #tpu.memory_space<vmem>> -> memref<128x64xf32, #tpu.memory_space<vmem>>
    %dma_wait3A_324 = arith.constant 0 : i32
    %dma_wait3A_325 = tpu.memref_slice %arg7[%dma_wait3A_315, %dma_wait3A_324] : memref<2x256xi32, #tpu.memory_space<vmem>> -> memref<1x256xi32, #tpu.memory_space<vmem>>
    %dma_wait3A_326 = tpu.memref_squeeze %dma_wait3A_325 : memref<1x256xi32, #tpu.memory_space<vmem>> -> memref<256xi32, #tpu.memory_space<vmem>>
    %dma_wait3A_327 = arith.constant 0 : i32
    %dma_wait3A_328 = tpu.memref_slice %dma_wait3A_326[%dma_wait3A_327] : memref<256xi32, #tpu.memory_space<vmem>> -> memref<128xi32, #tpu.memory_space<vmem>>
    %dma_wait3A_329 = arith.constant 0 : i32
    %dma_wait3A_330 = arith.constant 0 : i32
    %dma_wait3A_331 = tpu.memref_slice %arg2[%dma_wait3A_329, %dma_wait3A_330] : memref<100000x64xf32, #tpu.memory_space<hbm>> -> memref<100000x64xf32, #tpu.memory_space<hbm>>
    tpu.wait_indirect_dma semaphore(%arg13 : memref<!tpu.dma_semaphore, #tpu.memory_space<semaphore_mem>>) src(%dma_wait3A_331 : memref<100000x64xf32, #tpu.memory_space<hbm>>) dst(%dma_wait3A_323 : memref<128x64xf32, #tpu.memory_space<vmem>>)
    %dma_wait3A_332 = arith.constant 0 : i32
    %dma_wait3A_333 = arith.constant 0 : i32
    %dma_wait3A_334 = arith.constant 0 : i32
    %dma_wait3A_335 = arith.constant 0 : i32
    %dma_wait3A_336 = tpu.memref_slice %arg8[%dma_wait3A_333, %dma_wait3A_334, %dma_wait3A_335] : memref<2x256x64xf32, #tpu.memory_space<vmem>> -> memref<1x256x64xf32, #tpu.memory_space<vmem>>
    %dma_wait3A_337 = tpu.memref_squeeze %dma_wait3A_336 : memref<1x256x64xf32, #tpu.memory_space<vmem>> -> memref<256x64xf32, #tpu.memory_space<vmem>>
    %dma_wait3A_338 = arith.constant 128 : i32
    %dma_wait3A_339 = arith.constant 0 : i32
    %dma_wait3A_340 = tpu.memref_slice %dma_wait3A_337[%dma_wait3A_338, %dma_wait3A_339] : memref<256x64xf32, #tpu.memory_space<vmem>> -> memref<128x64xf32, #tpu.memory_space<vmem>>
    %dma_wait3A_341 = arith.constant 0 : i32
    %dma_wait3A_342 = tpu.memref_slice %arg7[%dma_wait3A_332, %dma_wait3A_341] : memref<2x256xi32, #tpu.memory_space<vmem>> -> memref<1x256xi32, #tpu.memory_space<vmem>>
    %dma_wait3A_343 = tpu.memref_squeeze %dma_wait3A_342 : memref<1x256xi32, #tpu.memory_space<vmem>> -> memref<256xi32, #tpu.memory_space<vmem>>
    %dma_wait3A_344 = arith.constant 128 : i32
    %dma_wait3A_345 = tpu.memref_slice %dma_wait3A_343[%dma_wait3A_344] : memref<256xi32, #tpu.memory_space<vmem>> -> memref<128xi32, #tpu.memory_space<vmem>>
    %dma_wait3A_346 = arith.constant 0 : i32
    %dma_wait3A_347 = arith.constant 0 : i32
    %dma_wait3A_348 = tpu.memref_slice %arg2[%dma_wait3A_346, %dma_wait3A_347] : memref<100000x64xf32, #tpu.memory_space<hbm>> -> memref<100000x64xf32, #tpu.memory_space<hbm>>
    tpu.wait_indirect_dma semaphore(%arg13 : memref<!tpu.dma_semaphore, #tpu.memory_space<semaphore_mem>>) src(%dma_wait3A_348 : memref<100000x64xf32, #tpu.memory_space<hbm>>) dst(%dma_wait3A_340 : memref<128x64xf32, #tpu.memory_space<vmem>>)
    %add3A_349 = arith.constant 98 : i32
    %add3A_350 = arith.addi %mul3A_14, %add3A_349 : i32
    %jit3A_351 = arith.constant 64 : i32
    %div3A_352 = arith.divsi %add3A_350, %jit3A_351 : i32
    %sign3A_353 = arith.constant 0 : i32
    %sign3A_354 = arith.cmpi sgt, %add3A_350, %sign3A_353 : i32
    %sign3A_355 = arith.extui %sign3A_354 : i1 to i32
    %sign3A_356 = arith.constant 0 : i32
    %sign3A_357 = arith.cmpi slt, %add3A_350, %sign3A_356 : i32
    %sign3A_358 = arith.extui %sign3A_357 : i1 to i32
    %sign3A_359 = arith.subi %sign3A_355, %sign3A_358 : i32
    %sign3A_360 = arith.constant 0 : i32
    %sign3A_361 = arith.cmpi sgt, %jit3A_351, %sign3A_360 : i32
    %sign3A_362 = arith.extui %sign3A_361 : i1 to i32
    %sign3A_363 = arith.constant 0 : i32
    %sign3A_364 = arith.cmpi slt, %jit3A_351, %sign3A_363 : i32
    %sign3A_365 = arith.extui %sign3A_364 : i1 to i32
    %sign3A_366 = arith.subi %sign3A_362, %sign3A_365 : i32
    %ne3A_367 = arith.cmpi ne, %sign3A_359, %sign3A_366 : i32
    %rem3A_368 = arith.remsi %add3A_350, %jit3A_351 : i32
    %ne3A_369 = arith.constant 0 : i32
    %ne3A_370 = arith.cmpi ne, %rem3A_368, %ne3A_369 : i32
    %and3A_371 = arith.andi %ne3A_367, %ne3A_370 : i1
    %sub3A_372 = arith.constant 1 : i32
    %sub3A_373 = arith.subi %div3A_352, %sub3A_372 : i32
    %select_n3A_374 = arith.select %and3A_371, %sub3A_373, %div3A_352 : i32
    %jit3A_375 = arith.constant 64 : i32
    %eq3A_376 = arith.constant 0 : i32
    %eq3A_377 = arith.cmpi eq, %jit3A_375, %eq3A_376 : i32
    %jit3A_378 = arith.constant 1 : i32
    %select_n3A_379 = arith.select %eq3A_377, %jit3A_378, %jit3A_375 : i32
    %rem3A_380 = arith.remsi %add3A_350, %select_n3A_379 : i32
    %ne3A_381 = arith.constant 0 : i32
    %ne3A_382 = arith.cmpi ne, %rem3A_380, %ne3A_381 : i32
    %lt3A_383 = arith.constant 0 : i32
    %lt3A_384 = arith.cmpi slt, %rem3A_380, %lt3A_383 : i32
    %lt3A_385 = arith.constant 0 : i32
    %lt3A_386 = arith.cmpi slt, %select_n3A_379, %lt3A_385 : i32
    %ne3A_387 = arith.xori %lt3A_384, %lt3A_386 : i1
    %and3A_388 = arith.andi %ne3A_387, %ne3A_382 : i1
    %add3A_389 = arith.addi %rem3A_380, %select_n3A_379 : i32
    %select_n3A_390 = arith.select %and3A_388, %add3A_389, %rem3A_380 : i32
    %mul3A_391 = arith.constant 16384 : i32
    %mul3A_392 = arith.muli %select_n3A_374, %mul3A_391 : i32
    %mul3A_393 = arith.constant 256 : i32
    %mul3A_394 = arith.muli %select_n3A_390, %mul3A_393 : i32
    %add3A_395 = arith.addi %mul3A_392, %mul3A_394 : i32
    %mul3A_396 = arith.constant 8 : i32
    %mul3A_397 = arith.muli %select_n3A_374, %mul3A_396 : i32
    %mul3A_398 = arith.constant 128 : i32
    %mul3A_399 = arith.muli %mul3A_397, %mul3A_398 : i32
    %mul3A_400 = arith.constant 2 : i32
    %mul3A_401 = arith.muli %select_n3A_390, %mul3A_400 : i32
    %add3A_402 = arith.addi %mul3A_399, %mul3A_401 : i32
    %mul3A_403 = arith.constant 8 : i32
    %mul3A_404 = arith.muli %add3A_402, %mul3A_403 : i32
    %add3A_405 = arith.constant 0 : i32
    %add3A_406 = arith.addi %mul3A_404, %add3A_405 : i32
    %add3A_407 = arith.constant 0 : i32
    %add3A_408 = arith.addi %add3A_406, %add3A_407 : i32
    %add3A_409 = arith.constant 0 : i32
    %add3A_410 = arith.addi %mul3A_404, %add3A_409 : i32
    %add3A_411 = arith.constant 8 : i32
    %add3A_412 = arith.addi %add3A_410, %add3A_411 : i32
    %add3A_413 = arith.constant 1024 : i32
    %add3A_414 = arith.addi %mul3A_404, %add3A_413 : i32
    %add3A_415 = arith.constant 0 : i32
    %add3A_416 = arith.addi %add3A_414, %add3A_415 : i32
    %add3A_417 = arith.constant 1024 : i32
    %add3A_418 = arith.addi %mul3A_404, %add3A_417 : i32
    %add3A_419 = arith.constant 8 : i32
    %add3A_420 = arith.addi %add3A_418, %add3A_419 : i32
    %add3A_421 = arith.constant 2048 : i32
    %add3A_422 = arith.addi %mul3A_404, %add3A_421 : i32
    %add3A_423 = arith.constant 0 : i32
    %add3A_424 = arith.addi %add3A_422, %add3A_423 : i32
    %add3A_425 = arith.constant 2048 : i32
    %add3A_426 = arith.addi %mul3A_404, %add3A_425 : i32
    %add3A_427 = arith.constant 8 : i32
    %add3A_428 = arith.addi %add3A_426, %add3A_427 : i32
    %add3A_429 = arith.constant 3072 : i32
    %add3A_430 = arith.addi %mul3A_404, %add3A_429 : i32
    %add3A_431 = arith.constant 0 : i32
    %add3A_432 = arith.addi %add3A_430, %add3A_431 : i32
    %add3A_433 = arith.constant 3072 : i32
    %add3A_434 = arith.addi %mul3A_404, %add3A_433 : i32
    %add3A_435 = arith.constant 8 : i32
    %add3A_436 = arith.addi %add3A_434, %add3A_435 : i32
    %add3A_437 = arith.constant 4096 : i32
    %add3A_438 = arith.addi %mul3A_404, %add3A_437 : i32
    %add3A_439 = arith.constant 0 : i32
    %add3A_440 = arith.addi %add3A_438, %add3A_439 : i32
    %add3A_441 = arith.constant 4096 : i32
    %add3A_442 = arith.addi %mul3A_404, %add3A_441 : i32
    %add3A_443 = arith.constant 8 : i32
    %add3A_444 = arith.addi %add3A_442, %add3A_443 : i32
    %add3A_445 = arith.constant 5120 : i32
    %add3A_446 = arith.addi %mul3A_404, %add3A_445 : i32
    %add3A_447 = arith.constant 0 : i32
    %add3A_448 = arith.addi %add3A_446, %add3A_447 : i32
    %add3A_449 = arith.constant 5120 : i32
    %add3A_450 = arith.addi %mul3A_404, %add3A_449 : i32
    %add3A_451 = arith.constant 8 : i32
    %add3A_452 = arith.addi %add3A_450, %add3A_451 : i32
    %add3A_453 = arith.constant 6144 : i32
    %add3A_454 = arith.addi %mul3A_404, %add3A_453 : i32
    %add3A_455 = arith.constant 0 : i32
    %add3A_456 = arith.addi %add3A_454, %add3A_455 : i32
    %add3A_457 = arith.constant 6144 : i32
    %add3A_458 = arith.addi %mul3A_404, %add3A_457 : i32
    %add3A_459 = arith.constant 8 : i32
    %add3A_460 = arith.addi %add3A_458, %add3A_459 : i32
    %add3A_461 = arith.constant 7168 : i32
    %add3A_462 = arith.addi %mul3A_404, %add3A_461 : i32
    %add3A_463 = arith.constant 0 : i32
    %add3A_464 = arith.addi %add3A_462, %add3A_463 : i32
    %add3A_465 = arith.constant 7168 : i32
    %add3A_466 = arith.addi %mul3A_404, %add3A_465 : i32
    %add3A_467 = arith.constant 8 : i32
    %add3A_468 = arith.addi %add3A_466, %add3A_467 : i32
    %dma_wait3A_469 = arith.constant 0 : i32
    %dma_wait3A_470 = arith.constant 0 : i32
    %dma_wait3A_471 = arith.constant 0 : i32
    %dma_wait3A_472 = tpu.memref_slice %arg9[%dma_wait3A_469, %dma_wait3A_470, %dma_wait3A_471] : memref<2x128x129xf32, #tpu.memory_space<vmem>> -> memref<1x128x129xf32, #tpu.memory_space<vmem>>
    %dma_wait3A_473 = tpu.memref_squeeze %dma_wait3A_472 : memref<1x128x129xf32, #tpu.memory_space<vmem>> -> memref<128x129xf32, #tpu.memory_space<vmem>>
    %dma_wait3A_474 = arith.constant 0 : i32
    %dma_wait3A_475 = arith.constant 0 : i32
    %dma_wait3A_476 = tpu.memref_slice %dma_wait3A_473[%dma_wait3A_474, %dma_wait3A_475] : memref<128x129xf32, #tpu.memory_space<vmem>> -> memref<8x128xf32, #tpu.memory_space<vmem>>
    %dma_wait3A_477 = arith.constant 0 : i32
    %dma_wait3A_478 = tpu.memref_slice %arg5[%add3A_408, %dma_wait3A_477] : memref<409600x128xf32, #tpu.memory_space<hbm>> -> memref<8x128xf32, #tpu.memory_space<hbm>>
    %dma_wait3A_479 = arith.constant 0 : i32
    %dma_wait3A_480 = tpu.memref_slice %arg5[%add3A_408, %dma_wait3A_479] : memref<409600x128xf32, #tpu.memory_space<hbm>> -> memref<8x128xf32, #tpu.memory_space<hbm>>
    %dma_wait3A_481 = arith.constant 0 : i32
    %dma_wait3A_482 = arith.constant 0 : i32
    %dma_wait3A_483 = tpu.memref_slice %arg9[%dma_wait3A_469, %dma_wait3A_481, %dma_wait3A_482] : memref<2x128x129xf32, #tpu.memory_space<vmem>> -> memref<1x128x129xf32, #tpu.memory_space<vmem>>
    %dma_wait3A_484 = tpu.memref_squeeze %dma_wait3A_483 : memref<1x128x129xf32, #tpu.memory_space<vmem>> -> memref<128x129xf32, #tpu.memory_space<vmem>>
    %dma_wait3A_485 = arith.constant 0 : i32
    %dma_wait3A_486 = arith.constant 0 : i32
    %dma_wait3A_487 = tpu.memref_slice %dma_wait3A_484[%dma_wait3A_485, %dma_wait3A_486] : memref<128x129xf32, #tpu.memory_space<vmem>> -> memref<8x128xf32, #tpu.memory_space<vmem>>
    tpu.wait_dma2 semaphore(%arg15 : memref<!tpu.dma_semaphore, #tpu.memory_space<semaphore_mem>>) src(%dma_wait3A_487 : memref<8x128xf32, #tpu.memory_space<vmem>>) dst(%dma_wait3A_480 : memref<8x128xf32, #tpu.memory_space<hbm>>)
    %dma_wait3A_488 = arith.constant 0 : i32
    %dma_wait3A_489 = arith.constant 0 : i32
    %dma_wait3A_490 = arith.constant 0 : i32
    %dma_wait3A_491 = tpu.memref_slice %arg9[%dma_wait3A_488, %dma_wait3A_489, %dma_wait3A_490] : memref<2x128x129xf32, #tpu.memory_space<vmem>> -> memref<1x128x129xf32, #tpu.memory_space<vmem>>
    %dma_wait3A_492 = tpu.memref_squeeze %dma_wait3A_491 : memref<1x128x129xf32, #tpu.memory_space<vmem>> -> memref<128x129xf32, #tpu.memory_space<vmem>>
    %dma_wait3A_493 = arith.constant 64 : i32
    %dma_wait3A_494 = arith.constant 0 : i32
    %dma_wait3A_495 = tpu.memref_slice %dma_wait3A_492[%dma_wait3A_493, %dma_wait3A_494] : memref<128x129xf32, #tpu.memory_space<vmem>> -> memref<8x128xf32, #tpu.memory_space<vmem>>
    %dma_wait3A_496 = arith.constant 0 : i32
    %dma_wait3A_497 = tpu.memref_slice %arg5[%add3A_412, %dma_wait3A_496] : memref<409600x128xf32, #tpu.memory_space<hbm>> -> memref<8x128xf32, #tpu.memory_space<hbm>>
    %dma_wait3A_498 = arith.constant 0 : i32
    %dma_wait3A_499 = tpu.memref_slice %arg5[%add3A_412, %dma_wait3A_498] : memref<409600x128xf32, #tpu.memory_space<hbm>> -> memref<8x128xf32, #tpu.memory_space<hbm>>
    %dma_wait3A_500 = arith.constant 0 : i32
    %dma_wait3A_501 = arith.constant 0 : i32
    %dma_wait3A_502 = tpu.memref_slice %arg9[%dma_wait3A_488, %dma_wait3A_500, %dma_wait3A_501] : memref<2x128x129xf32, #tpu.memory_space<vmem>> -> memref<1x128x129xf32, #tpu.memory_space<vmem>>
    %dma_wait3A_503 = tpu.memref_squeeze %dma_wait3A_502 : memref<1x128x129xf32, #tpu.memory_space<vmem>> -> memref<128x129xf32, #tpu.memory_space<vmem>>
    %dma_wait3A_504 = arith.constant 64 : i32
    %dma_wait3A_505 = arith.constant 0 : i32
    %dma_wait3A_506 = tpu.memref_slice %dma_wait3A_503[%dma_wait3A_504, %dma_wait3A_505] : memref<128x129xf32, #tpu.memory_space<vmem>> -> memref<8x128xf32, #tpu.memory_space<vmem>>
    tpu.wait_dma2 semaphore(%arg15 : memref<!tpu.dma_semaphore, #tpu.memory_space<semaphore_mem>>) src(%dma_wait3A_506 : memref<8x128xf32, #tpu.memory_space<vmem>>) dst(%dma_wait3A_499 : memref<8x128xf32, #tpu.memory_space<hbm>>)
    %dma_wait3A_507 = arith.constant 0 : i32
    %dma_wait3A_508 = arith.constant 0 : i32
    %dma_wait3A_509 = arith.constant 0 : i32
    %dma_wait3A_510 = tpu.memref_slice %arg9[%dma_wait3A_507, %dma_wait3A_508, %dma_wait3A_509] : memref<2x128x129xf32, #tpu.memory_space<vmem>> -> memref<1x128x129xf32, #tpu.memory_space<vmem>>
    %dma_wait3A_511 = tpu.memref_squeeze %dma_wait3A_510 : memref<1x128x129xf32, #tpu.memory_space<vmem>> -> memref<128x129xf32, #tpu.memory_space<vmem>>
    %dma_wait3A_512 = arith.constant 8 : i32
    %dma_wait3A_513 = arith.constant 0 : i32
    %dma_wait3A_514 = tpu.memref_slice %dma_wait3A_511[%dma_wait3A_512, %dma_wait3A_513] : memref<128x129xf32, #tpu.memory_space<vmem>> -> memref<8x128xf32, #tpu.memory_space<vmem>>
    %dma_wait3A_515 = arith.constant 0 : i32
    %dma_wait3A_516 = tpu.memref_slice %arg5[%add3A_416, %dma_wait3A_515] : memref<409600x128xf32, #tpu.memory_space<hbm>> -> memref<8x128xf32, #tpu.memory_space<hbm>>
    %dma_wait3A_517 = arith.constant 0 : i32
    %dma_wait3A_518 = tpu.memref_slice %arg5[%add3A_416, %dma_wait3A_517] : memref<409600x128xf32, #tpu.memory_space<hbm>> -> memref<8x128xf32, #tpu.memory_space<hbm>>
    %dma_wait3A_519 = arith.constant 0 : i32
    %dma_wait3A_520 = arith.constant 0 : i32
    %dma_wait3A_521 = tpu.memref_slice %arg9[%dma_wait3A_507, %dma_wait3A_519, %dma_wait3A_520] : memref<2x128x129xf32, #tpu.memory_space<vmem>> -> memref<1x128x129xf32, #tpu.memory_space<vmem>>
    %dma_wait3A_522 = tpu.memref_squeeze %dma_wait3A_521 : memref<1x128x129xf32, #tpu.memory_space<vmem>> -> memref<128x129xf32, #tpu.memory_space<vmem>>
    %dma_wait3A_523 = arith.constant 8 : i32
    %dma_wait3A_524 = arith.constant 0 : i32
    %dma_wait3A_525 = tpu.memref_slice %dma_wait3A_522[%dma_wait3A_523, %dma_wait3A_524] : memref<128x129xf32, #tpu.memory_space<vmem>> -> memref<8x128xf32, #tpu.memory_space<vmem>>
    tpu.wait_dma2 semaphore(%arg15 : memref<!tpu.dma_semaphore, #tpu.memory_space<semaphore_mem>>) src(%dma_wait3A_525 : memref<8x128xf32, #tpu.memory_space<vmem>>) dst(%dma_wait3A_518 : memref<8x128xf32, #tpu.memory_space<hbm>>)
    %dma_wait3A_526 = arith.constant 0 : i32
    %dma_wait3A_527 = arith.constant 0 : i32
    %dma_wait3A_528 = arith.constant 0 : i32
    %dma_wait3A_529 = tpu.memref_slice %arg9[%dma_wait3A_526, %dma_wait3A_527, %dma_wait3A_528] : memref<2x128x129xf32, #tpu.memory_space<vmem>> -> memref<1x128x129xf32, #tpu.memory_space<vmem>>
    %dma_wait3A_530 = tpu.memref_squeeze %dma_wait3A_529 : memref<1x128x129xf32, #tpu.memory_space<vmem>> -> memref<128x129xf32, #tpu.memory_space<vmem>>
    %dma_wait3A_531 = arith.constant 72 : i32
    %dma_wait3A_532 = arith.constant 0 : i32
    %dma_wait3A_533 = tpu.memref_slice %dma_wait3A_530[%dma_wait3A_531, %dma_wait3A_532] : memref<128x129xf32, #tpu.memory_space<vmem>> -> memref<8x128xf32, #tpu.memory_space<vmem>>
    %dma_wait3A_534 = arith.constant 0 : i32
    %dma_wait3A_535 = tpu.memref_slice %arg5[%add3A_420, %dma_wait3A_534] : memref<409600x128xf32, #tpu.memory_space<hbm>> -> memref<8x128xf32, #tpu.memory_space<hbm>>
    %dma_wait3A_536 = arith.constant 0 : i32
    %dma_wait3A_537 = tpu.memref_slice %arg5[%add3A_420, %dma_wait3A_536] : memref<409600x128xf32, #tpu.memory_space<hbm>> -> memref<8x128xf32, #tpu.memory_space<hbm>>
    %dma_wait3A_538 = arith.constant 0 : i32
    %dma_wait3A_539 = arith.constant 0 : i32
    %dma_wait3A_540 = tpu.memref_slice %arg9[%dma_wait3A_526, %dma_wait3A_538, %dma_wait3A_539] : memref<2x128x129xf32, #tpu.memory_space<vmem>> -> memref<1x128x129xf32, #tpu.memory_space<vmem>>
    %dma_wait3A_541 = tpu.memref_squeeze %dma_wait3A_540 : memref<1x128x129xf32, #tpu.memory_space<vmem>> -> memref<128x129xf32, #tpu.memory_space<vmem>>
    %dma_wait3A_542 = arith.constant 72 : i32
    %dma_wait3A_543 = arith.constant 0 : i32
    %dma_wait3A_544 = tpu.memref_slice %dma_wait3A_541[%dma_wait3A_542, %dma_wait3A_543] : memref<128x129xf32, #tpu.memory_space<vmem>> -> memref<8x128xf32, #tpu.memory_space<vmem>>
    tpu.wait_dma2 semaphore(%arg15 : memref<!tpu.dma_semaphore, #tpu.memory_space<semaphore_mem>>) src(%dma_wait3A_544 : memref<8x128xf32, #tpu.memory_space<vmem>>) dst(%dma_wait3A_537 : memref<8x128xf32, #tpu.memory_space<hbm>>)
    %dma_wait3A_545 = arith.constant 0 : i32
    %dma_wait3A_546 = arith.constant 0 : i32
    %dma_wait3A_547 = arith.constant 0 : i32
    %dma_wait3A_548 = tpu.memref_slice %arg9[%dma_wait3A_545, %dma_wait3A_546, %dma_wait3A_547] : memref<2x128x129xf32, #tpu.memory_space<vmem>> -> memref<1x128x129xf32, #tpu.memory_space<vmem>>
    %dma_wait3A_549 = tpu.memref_squeeze %dma_wait3A_548 : memref<1x128x129xf32, #tpu.memory_space<vmem>> -> memref<128x129xf32, #tpu.memory_space<vmem>>
    %dma_wait3A_550 = arith.constant 16 : i32
    %dma_wait3A_551 = arith.constant 0 : i32
    %dma_wait3A_552 = tpu.memref_slice %dma_wait3A_549[%dma_wait3A_550, %dma_wait3A_551] : memref<128x129xf32, #tpu.memory_space<vmem>> -> memref<8x128xf32, #tpu.memory_space<vmem>>
    %dma_wait3A_553 = arith.constant 0 : i32
    %dma_wait3A_554 = tpu.memref_slice %arg5[%add3A_424, %dma_wait3A_553] : memref<409600x128xf32, #tpu.memory_space<hbm>> -> memref<8x128xf32, #tpu.memory_space<hbm>>
    %dma_wait3A_555 = arith.constant 0 : i32
    %dma_wait3A_556 = tpu.memref_slice %arg5[%add3A_424, %dma_wait3A_555] : memref<409600x128xf32, #tpu.memory_space<hbm>> -> memref<8x128xf32, #tpu.memory_space<hbm>>
    %dma_wait3A_557 = arith.constant 0 : i32
    %dma_wait3A_558 = arith.constant 0 : i32
    %dma_wait3A_559 = tpu.memref_slice %arg9[%dma_wait3A_545, %dma_wait3A_557, %dma_wait3A_558] : memref<2x128x129xf32, #tpu.memory_space<vmem>> -> memref<1x128x129xf32, #tpu.memory_space<vmem>>
    %dma_wait3A_560 = tpu.memref_squeeze %dma_wait3A_559 : memref<1x128x129xf32, #tpu.memory_space<vmem>> -> memref<128x129xf32, #tpu.memory_space<vmem>>
    %dma_wait3A_561 = arith.constant 16 : i32
    %dma_wait3A_562 = arith.constant 0 : i32
    %dma_wait3A_563 = tpu.memref_slice %dma_wait3A_560[%dma_wait3A_561, %dma_wait3A_562] : memref<128x129xf32, #tpu.memory_space<vmem>> -> memref<8x128xf32, #tpu.memory_space<vmem>>
    tpu.wait_dma2 semaphore(%arg15 : memref<!tpu.dma_semaphore, #tpu.memory_space<semaphore_mem>>) src(%dma_wait3A_563 : memref<8x128xf32, #tpu.memory_space<vmem>>) dst(%dma_wait3A_556 : memref<8x128xf32, #tpu.memory_space<hbm>>)
    %dma_wait3A_564 = arith.constant 0 : i32
    %dma_wait3A_565 = arith.constant 0 : i32
    %dma_wait3A_566 = arith.constant 0 : i32
    %dma_wait3A_567 = tpu.memref_slice %arg9[%dma_wait3A_564, %dma_wait3A_565, %dma_wait3A_566] : memref<2x128x129xf32, #tpu.memory_space<vmem>> -> memref<1x128x129xf32, #tpu.memory_space<vmem>>
    %dma_wait3A_568 = tpu.memref_squeeze %dma_wait3A_567 : memref<1x128x129xf32, #tpu.memory_space<vmem>> -> memref<128x129xf32, #tpu.memory_space<vmem>>
    %dma_wait3A_569 = arith.constant 80 : i32
    %dma_wait3A_570 = arith.constant 0 : i32
    %dma_wait3A_571 = tpu.memref_slice %dma_wait3A_568[%dma_wait3A_569, %dma_wait3A_570] : memref<128x129xf32, #tpu.memory_space<vmem>> -> memref<8x128xf32, #tpu.memory_space<vmem>>
    %dma_wait3A_572 = arith.constant 0 : i32
    %dma_wait3A_573 = tpu.memref_slice %arg5[%add3A_428, %dma_wait3A_572] : memref<409600x128xf32, #tpu.memory_space<hbm>> -> memref<8x128xf32, #tpu.memory_space<hbm>>
    %dma_wait3A_574 = arith.constant 0 : i32
    %dma_wait3A_575 = tpu.memref_slice %arg5[%add3A_428, %dma_wait3A_574] : memref<409600x128xf32, #tpu.memory_space<hbm>> -> memref<8x128xf32, #tpu.memory_space<hbm>>
    %dma_wait3A_576 = arith.constant 0 : i32
    %dma_wait3A_577 = arith.constant 0 : i32
    %dma_wait3A_578 = tpu.memref_slice %arg9[%dma_wait3A_564, %dma_wait3A_576, %dma_wait3A_577] : memref<2x128x129xf32, #tpu.memory_space<vmem>> -> memref<1x128x129xf32, #tpu.memory_space<vmem>>
    %dma_wait3A_579 = tpu.memref_squeeze %dma_wait3A_578 : memref<1x128x129xf32, #tpu.memory_space<vmem>> -> memref<128x129xf32, #tpu.memory_space<vmem>>
    %dma_wait3A_580 = arith.constant 80 : i32
    %dma_wait3A_581 = arith.constant 0 : i32
    %dma_wait3A_582 = tpu.memref_slice %dma_wait3A_579[%dma_wait3A_580, %dma_wait3A_581] : memref<128x129xf32, #tpu.memory_space<vmem>> -> memref<8x128xf32, #tpu.memory_space<vmem>>
    tpu.wait_dma2 semaphore(%arg15 : memref<!tpu.dma_semaphore, #tpu.memory_space<semaphore_mem>>) src(%dma_wait3A_582 : memref<8x128xf32, #tpu.memory_space<vmem>>) dst(%dma_wait3A_575 : memref<8x128xf32, #tpu.memory_space<hbm>>)
    %dma_wait3A_583 = arith.constant 0 : i32
    %dma_wait3A_584 = arith.constant 0 : i32
    %dma_wait3A_585 = arith.constant 0 : i32
    %dma_wait3A_586 = tpu.memref_slice %arg9[%dma_wait3A_583, %dma_wait3A_584, %dma_wait3A_585] : memref<2x128x129xf32, #tpu.memory_space<vmem>> -> memref<1x128x129xf32, #tpu.memory_space<vmem>>
    %dma_wait3A_587 = tpu.memref_squeeze %dma_wait3A_586 : memref<1x128x129xf32, #tpu.memory_space<vmem>> -> memref<128x129xf32, #tpu.memory_space<vmem>>
    %dma_wait3A_588 = arith.constant 24 : i32
    %dma_wait3A_589 = arith.constant 0 : i32
    %dma_wait3A_590 = tpu.memref_slice %dma_wait3A_587[%dma_wait3A_588, %dma_wait3A_589] : memref<128x129xf32, #tpu.memory_space<vmem>> -> memref<8x128xf32, #tpu.memory_space<vmem>>
    %dma_wait3A_591 = arith.constant 0 : i32
    %dma_wait3A_592 = tpu.memref_slice %arg5[%add3A_432, %dma_wait3A_591] : memref<409600x128xf32, #tpu.memory_space<hbm>> -> memref<8x128xf32, #tpu.memory_space<hbm>>
    %dma_wait3A_593 = arith.constant 0 : i32
    %dma_wait3A_594 = tpu.memref_slice %arg5[%add3A_432, %dma_wait3A_593] : memref<409600x128xf32, #tpu.memory_space<hbm>> -> memref<8x128xf32, #tpu.memory_space<hbm>>
    %dma_wait3A_595 = arith.constant 0 : i32
    %dma_wait3A_596 = arith.constant 0 : i32
    %dma_wait3A_597 = tpu.memref_slice %arg9[%dma_wait3A_583, %dma_wait3A_595, %dma_wait3A_596] : memref<2x128x129xf32, #tpu.memory_space<vmem>> -> memref<1x128x129xf32, #tpu.memory_space<vmem>>
    %dma_wait3A_598 = tpu.memref_squeeze %dma_wait3A_597 : memref<1x128x129xf32, #tpu.memory_space<vmem>> -> memref<128x129xf32, #tpu.memory_space<vmem>>
    %dma_wait3A_599 = arith.constant 24 : i32
    %dma_wait3A_600 = arith.constant 0 : i32
    %dma_wait3A_601 = tpu.memref_slice %dma_wait3A_598[%dma_wait3A_599, %dma_wait3A_600] : memref<128x129xf32, #tpu.memory_space<vmem>> -> memref<8x128xf32, #tpu.memory_space<vmem>>
    tpu.wait_dma2 semaphore(%arg15 : memref<!tpu.dma_semaphore, #tpu.memory_space<semaphore_mem>>) src(%dma_wait3A_601 : memref<8x128xf32, #tpu.memory_space<vmem>>) dst(%dma_wait3A_594 : memref<8x128xf32, #tpu.memory_space<hbm>>)
    %dma_wait3A_602 = arith.constant 0 : i32
    %dma_wait3A_603 = arith.constant 0 : i32
    %dma_wait3A_604 = arith.constant 0 : i32
    %dma_wait3A_605 = tpu.memref_slice %arg9[%dma_wait3A_602, %dma_wait3A_603, %dma_wait3A_604] : memref<2x128x129xf32, #tpu.memory_space<vmem>> -> memref<1x128x129xf32, #tpu.memory_space<vmem>>
    %dma_wait3A_606 = tpu.memref_squeeze %dma_wait3A_605 : memref<1x128x129xf32, #tpu.memory_space<vmem>> -> memref<128x129xf32, #tpu.memory_space<vmem>>
    %dma_wait3A_607 = arith.constant 88 : i32
    %dma_wait3A_608 = arith.constant 0 : i32
    %dma_wait3A_609 = tpu.memref_slice %dma_wait3A_606[%dma_wait3A_607, %dma_wait3A_608] : memref<128x129xf32, #tpu.memory_space<vmem>> -> memref<8x128xf32, #tpu.memory_space<vmem>>
    %dma_wait3A_610 = arith.constant 0 : i32
    %dma_wait3A_611 = tpu.memref_slice %arg5[%add3A_436, %dma_wait3A_610] : memref<409600x128xf32, #tpu.memory_space<hbm>> -> memref<8x128xf32, #tpu.memory_space<hbm>>
    %dma_wait3A_612 = arith.constant 0 : i32
    %dma_wait3A_613 = tpu.memref_slice %arg5[%add3A_436, %dma_wait3A_612] : memref<409600x128xf32, #tpu.memory_space<hbm>> -> memref<8x128xf32, #tpu.memory_space<hbm>>
    %dma_wait3A_614 = arith.constant 0 : i32
    %dma_wait3A_615 = arith.constant 0 : i32
    %dma_wait3A_616 = tpu.memref_slice %arg9[%dma_wait3A_602, %dma_wait3A_614, %dma_wait3A_615] : memref<2x128x129xf32, #tpu.memory_space<vmem>> -> memref<1x128x129xf32, #tpu.memory_space<vmem>>
    %dma_wait3A_617 = tpu.memref_squeeze %dma_wait3A_616 : memref<1x128x129xf32, #tpu.memory_space<vmem>> -> memref<128x129xf32, #tpu.memory_space<vmem>>
    %dma_wait3A_618 = arith.constant 88 : i32
    %dma_wait3A_619 = arith.constant 0 : i32
    %dma_wait3A_620 = tpu.memref_slice %dma_wait3A_617[%dma_wait3A_618, %dma_wait3A_619] : memref<128x129xf32, #tpu.memory_space<vmem>> -> memref<8x128xf32, #tpu.memory_space<vmem>>
    tpu.wait_dma2 semaphore(%arg15 : memref<!tpu.dma_semaphore, #tpu.memory_space<semaphore_mem>>) src(%dma_wait3A_620 : memref<8x128xf32, #tpu.memory_space<vmem>>) dst(%dma_wait3A_613 : memref<8x128xf32, #tpu.memory_space<hbm>>)
    %dma_wait3A_621 = arith.constant 0 : i32
    %dma_wait3A_622 = arith.constant 0 : i32
    %dma_wait3A_623 = arith.constant 0 : i32
    %dma_wait3A_624 = tpu.memref_slice %arg9[%dma_wait3A_621, %dma_wait3A_622, %dma_wait3A_623] : memref<2x128x129xf32, #tpu.memory_space<vmem>> -> memref<1x128x129xf32, #tpu.memory_space<vmem>>
    %dma_wait3A_625 = tpu.memref_squeeze %dma_wait3A_624 : memref<1x128x129xf32, #tpu.memory_space<vmem>> -> memref<128x129xf32, #tpu.memory_space<vmem>>
    %dma_wait3A_626 = arith.constant 32 : i32
    %dma_wait3A_627 = arith.constant 0 : i32
    %dma_wait3A_628 = tpu.memref_slice %dma_wait3A_625[%dma_wait3A_626, %dma_wait3A_627] : memref<128x129xf32, #tpu.memory_space<vmem>> -> memref<8x128xf32, #tpu.memory_space<vmem>>
    %dma_wait3A_629 = arith.constant 0 : i32
    %dma_wait3A_630 = tpu.memref_slice %arg5[%add3A_440, %dma_wait3A_629] : memref<409600x128xf32, #tpu.memory_space<hbm>> -> memref<8x128xf32, #tpu.memory_space<hbm>>
    %dma_wait3A_631 = arith.constant 0 : i32
    %dma_wait3A_632 = tpu.memref_slice %arg5[%add3A_440, %dma_wait3A_631] : memref<409600x128xf32, #tpu.memory_space<hbm>> -> memref<8x128xf32, #tpu.memory_space<hbm>>
    %dma_wait3A_633 = arith.constant 0 : i32
    %dma_wait3A_634 = arith.constant 0 : i32
    %dma_wait3A_635 = tpu.memref_slice %arg9[%dma_wait3A_621, %dma_wait3A_633, %dma_wait3A_634] : memref<2x128x129xf32, #tpu.memory_space<vmem>> -> memref<1x128x129xf32, #tpu.memory_space<vmem>>
    %dma_wait3A_636 = tpu.memref_squeeze %dma_wait3A_635 : memref<1x128x129xf32, #tpu.memory_space<vmem>> -> memref<128x129xf32, #tpu.memory_space<vmem>>
    %dma_wait3A_637 = arith.constant 32 : i32
    %dma_wait3A_638 = arith.constant 0 : i32
    %dma_wait3A_639 = tpu.memref_slice %dma_wait3A_636[%dma_wait3A_637, %dma_wait3A_638] : memref<128x129xf32, #tpu.memory_space<vmem>> -> memref<8x128xf32, #tpu.memory_space<vmem>>
    tpu.wait_dma2 semaphore(%arg15 : memref<!tpu.dma_semaphore, #tpu.memory_space<semaphore_mem>>) src(%dma_wait3A_639 : memref<8x128xf32, #tpu.memory_space<vmem>>) dst(%dma_wait3A_632 : memref<8x128xf32, #tpu.memory_space<hbm>>)
    %dma_wait3A_640 = arith.constant 0 : i32
    %dma_wait3A_641 = arith.constant 0 : i32
    %dma_wait3A_642 = arith.constant 0 : i32
    %dma_wait3A_643 = tpu.memref_slice %arg9[%dma_wait3A_640, %dma_wait3A_641, %dma_wait3A_642] : memref<2x128x129xf32, #tpu.memory_space<vmem>> -> memref<1x128x129xf32, #tpu.memory_space<vmem>>
    %dma_wait3A_644 = tpu.memref_squeeze %dma_wait3A_643 : memref<1x128x129xf32, #tpu.memory_space<vmem>> -> memref<128x129xf32, #tpu.memory_space<vmem>>
    %dma_wait3A_645 = arith.constant 96 : i32
    %dma_wait3A_646 = arith.constant 0 : i32
    %dma_wait3A_647 = tpu.memref_slice %dma_wait3A_644[%dma_wait3A_645, %dma_wait3A_646] : memref<128x129xf32, #tpu.memory_space<vmem>> -> memref<8x128xf32, #tpu.memory_space<vmem>>
    %dma_wait3A_648 = arith.constant 0 : i32
    %dma_wait3A_649 = tpu.memref_slice %arg5[%add3A_444, %dma_wait3A_648] : memref<409600x128xf32, #tpu.memory_space<hbm>> -> memref<8x128xf32, #tpu.memory_space<hbm>>
    %dma_wait3A_650 = arith.constant 0 : i32
    %dma_wait3A_651 = tpu.memref_slice %arg5[%add3A_444, %dma_wait3A_650] : memref<409600x128xf32, #tpu.memory_space<hbm>> -> memref<8x128xf32, #tpu.memory_space<hbm>>
    %dma_wait3A_652 = arith.constant 0 : i32
    %dma_wait3A_653 = arith.constant 0 : i32
    %dma_wait3A_654 = tpu.memref_slice %arg9[%dma_wait3A_640, %dma_wait3A_652, %dma_wait3A_653] : memref<2x128x129xf32, #tpu.memory_space<vmem>> -> memref<1x128x129xf32, #tpu.memory_space<vmem>>
    %dma_wait3A_655 = tpu.memref_squeeze %dma_wait3A_654 : memref<1x128x129xf32, #tpu.memory_space<vmem>> -> memref<128x129xf32, #tpu.memory_space<vmem>>
    %dma_wait3A_656 = arith.constant 96 : i32
    %dma_wait3A_657 = arith.constant 0 : i32
    %dma_wait3A_658 = tpu.memref_slice %dma_wait3A_655[%dma_wait3A_656, %dma_wait3A_657] : memref<128x129xf32, #tpu.memory_space<vmem>> -> memref<8x128xf32, #tpu.memory_space<vmem>>
    tpu.wait_dma2 semaphore(%arg15 : memref<!tpu.dma_semaphore, #tpu.memory_space<semaphore_mem>>) src(%dma_wait3A_658 : memref<8x128xf32, #tpu.memory_space<vmem>>) dst(%dma_wait3A_651 : memref<8x128xf32, #tpu.memory_space<hbm>>)
    %dma_wait3A_659 = arith.constant 0 : i32
    %dma_wait3A_660 = arith.constant 0 : i32
    %dma_wait3A_661 = arith.constant 0 : i32
    %dma_wait3A_662 = tpu.memref_slice %arg9[%dma_wait3A_659, %dma_wait3A_660, %dma_wait3A_661] : memref<2x128x129xf32, #tpu.memory_space<vmem>> -> memref<1x128x129xf32, #tpu.memory_space<vmem>>
    %dma_wait3A_663 = tpu.memref_squeeze %dma_wait3A_662 : memref<1x128x129xf32, #tpu.memory_space<vmem>> -> memref<128x129xf32, #tpu.memory_space<vmem>>
    %dma_wait3A_664 = arith.constant 40 : i32
    %dma_wait3A_665 = arith.constant 0 : i32
    %dma_wait3A_666 = tpu.memref_slice %dma_wait3A_663[%dma_wait3A_664, %dma_wait3A_665] : memref<128x129xf32, #tpu.memory_space<vmem>> -> memref<8x128xf32, #tpu.memory_space<vmem>>
    %dma_wait3A_667 = arith.constant 0 : i32
    %dma_wait3A_668 = tpu.memref_slice %arg5[%add3A_448, %dma_wait3A_667] : memref<409600x128xf32, #tpu.memory_space<hbm>> -> memref<8x128xf32, #tpu.memory_space<hbm>>
    %dma_wait3A_669 = arith.constant 0 : i32
    %dma_wait3A_670 = tpu.memref_slice %arg5[%add3A_448, %dma_wait3A_669] : memref<409600x128xf32, #tpu.memory_space<hbm>> -> memref<8x128xf32, #tpu.memory_space<hbm>>
    %dma_wait3A_671 = arith.constant 0 : i32
    %dma_wait3A_672 = arith.constant 0 : i32
    %dma_wait3A_673 = tpu.memref_slice %arg9[%dma_wait3A_659, %dma_wait3A_671, %dma_wait3A_672] : memref<2x128x129xf32, #tpu.memory_space<vmem>> -> memref<1x128x129xf32, #tpu.memory_space<vmem>>
    %dma_wait3A_674 = tpu.memref_squeeze %dma_wait3A_673 : memref<1x128x129xf32, #tpu.memory_space<vmem>> -> memref<128x129xf32, #tpu.memory_space<vmem>>
    %dma_wait3A_675 = arith.constant 40 : i32
    %dma_wait3A_676 = arith.constant 0 : i32
    %dma_wait3A_677 = tpu.memref_slice %dma_wait3A_674[%dma_wait3A_675, %dma_wait3A_676] : memref<128x129xf32, #tpu.memory_space<vmem>> -> memref<8x128xf32, #tpu.memory_space<vmem>>
    tpu.wait_dma2 semaphore(%arg15 : memref<!tpu.dma_semaphore, #tpu.memory_space<semaphore_mem>>) src(%dma_wait3A_677 : memref<8x128xf32, #tpu.memory_space<vmem>>) dst(%dma_wait3A_670 : memref<8x128xf32, #tpu.memory_space<hbm>>)
    %dma_wait3A_678 = arith.constant 0 : i32
    %dma_wait3A_679 = arith.constant 0 : i32
    %dma_wait3A_680 = arith.constant 0 : i32
    %dma_wait3A_681 = tpu.memref_slice %arg9[%dma_wait3A_678, %dma_wait3A_679, %dma_wait3A_680] : memref<2x128x129xf32, #tpu.memory_space<vmem>> -> memref<1x128x129xf32, #tpu.memory_space<vmem>>
    %dma_wait3A_682 = tpu.memref_squeeze %dma_wait3A_681 : memref<1x128x129xf32, #tpu.memory_space<vmem>> -> memref<128x129xf32, #tpu.memory_space<vmem>>
    %dma_wait3A_683 = arith.constant 104 : i32
    %dma_wait3A_684 = arith.constant 0 : i32
    %dma_wait3A_685 = tpu.memref_slice %dma_wait3A_682[%dma_wait3A_683, %dma_wait3A_684] : memref<128x129xf32, #tpu.memory_space<vmem>> -> memref<8x128xf32, #tpu.memory_space<vmem>>
    %dma_wait3A_686 = arith.constant 0 : i32
    %dma_wait3A_687 = tpu.memref_slice %arg5[%add3A_452, %dma_wait3A_686] : memref<409600x128xf32, #tpu.memory_space<hbm>> -> memref<8x128xf32, #tpu.memory_space<hbm>>
    %dma_wait3A_688 = arith.constant 0 : i32
    %dma_wait3A_689 = tpu.memref_slice %arg5[%add3A_452, %dma_wait3A_688] : memref<409600x128xf32, #tpu.memory_space<hbm>> -> memref<8x128xf32, #tpu.memory_space<hbm>>
    %dma_wait3A_690 = arith.constant 0 : i32
    %dma_wait3A_691 = arith.constant 0 : i32
    %dma_wait3A_692 = tpu.memref_slice %arg9[%dma_wait3A_678, %dma_wait3A_690, %dma_wait3A_691] : memref<2x128x129xf32, #tpu.memory_space<vmem>> -> memref<1x128x129xf32, #tpu.memory_space<vmem>>
    %dma_wait3A_693 = tpu.memref_squeeze %dma_wait3A_692 : memref<1x128x129xf32, #tpu.memory_space<vmem>> -> memref<128x129xf32, #tpu.memory_space<vmem>>
    %dma_wait3A_694 = arith.constant 104 : i32
    %dma_wait3A_695 = arith.constant 0 : i32
    %dma_wait3A_696 = tpu.memref_slice %dma_wait3A_693[%dma_wait3A_694, %dma_wait3A_695] : memref<128x129xf32, #tpu.memory_space<vmem>> -> memref<8x128xf32, #tpu.memory_space<vmem>>
    tpu.wait_dma2 semaphore(%arg15 : memref<!tpu.dma_semaphore, #tpu.memory_space<semaphore_mem>>) src(%dma_wait3A_696 : memref<8x128xf32, #tpu.memory_space<vmem>>) dst(%dma_wait3A_689 : memref<8x128xf32, #tpu.memory_space<hbm>>)
    %dma_wait3A_697 = arith.constant 0 : i32
    %dma_wait3A_698 = arith.constant 0 : i32
    %dma_wait3A_699 = arith.constant 0 : i32
    %dma_wait3A_700 = tpu.memref_slice %arg9[%dma_wait3A_697, %dma_wait3A_698, %dma_wait3A_699] : memref<2x128x129xf32, #tpu.memory_space<vmem>> -> memref<1x128x129xf32, #tpu.memory_space<vmem>>
    %dma_wait3A_701 = tpu.memref_squeeze %dma_wait3A_700 : memref<1x128x129xf32, #tpu.memory_space<vmem>> -> memref<128x129xf32, #tpu.memory_space<vmem>>
    %dma_wait3A_702 = arith.constant 48 : i32
    %dma_wait3A_703 = arith.constant 0 : i32
    %dma_wait3A_704 = tpu.memref_slice %dma_wait3A_701[%dma_wait3A_702, %dma_wait3A_703] : memref<128x129xf32, #tpu.memory_space<vmem>> -> memref<8x128xf32, #tpu.memory_space<vmem>>
    %dma_wait3A_705 = arith.constant 0 : i32
    %dma_wait3A_706 = tpu.memref_slice %arg5[%add3A_456, %dma_wait3A_705] : memref<409600x128xf32, #tpu.memory_space<hbm>> -> memref<8x128xf32, #tpu.memory_space<hbm>>
    %dma_wait3A_707 = arith.constant 0 : i32
    %dma_wait3A_708 = tpu.memref_slice %arg5[%add3A_456, %dma_wait3A_707] : memref<409600x128xf32, #tpu.memory_space<hbm>> -> memref<8x128xf32, #tpu.memory_space<hbm>>
    %dma_wait3A_709 = arith.constant 0 : i32
    %dma_wait3A_710 = arith.constant 0 : i32
    %dma_wait3A_711 = tpu.memref_slice %arg9[%dma_wait3A_697, %dma_wait3A_709, %dma_wait3A_710] : memref<2x128x129xf32, #tpu.memory_space<vmem>> -> memref<1x128x129xf32, #tpu.memory_space<vmem>>
    %dma_wait3A_712 = tpu.memref_squeeze %dma_wait3A_711 : memref<1x128x129xf32, #tpu.memory_space<vmem>> -> memref<128x129xf32, #tpu.memory_space<vmem>>
    %dma_wait3A_713 = arith.constant 48 : i32
    %dma_wait3A_714 = arith.constant 0 : i32
    %dma_wait3A_715 = tpu.memref_slice %dma_wait3A_712[%dma_wait3A_713, %dma_wait3A_714] : memref<128x129xf32, #tpu.memory_space<vmem>> -> memref<8x128xf32, #tpu.memory_space<vmem>>
    tpu.wait_dma2 semaphore(%arg15 : memref<!tpu.dma_semaphore, #tpu.memory_space<semaphore_mem>>) src(%dma_wait3A_715 : memref<8x128xf32, #tpu.memory_space<vmem>>) dst(%dma_wait3A_708 : memref<8x128xf32, #tpu.memory_space<hbm>>)
    %dma_wait3A_716 = arith.constant 0 : i32
    %dma_wait3A_717 = arith.constant 0 : i32
    %dma_wait3A_718 = arith.constant 0 : i32
    %dma_wait3A_719 = tpu.memref_slice %arg9[%dma_wait3A_716, %dma_wait3A_717, %dma_wait3A_718] : memref<2x128x129xf32, #tpu.memory_space<vmem>> -> memref<1x128x129xf32, #tpu.memory_space<vmem>>
    %dma_wait3A_720 = tpu.memref_squeeze %dma_wait3A_719 : memref<1x128x129xf32, #tpu.memory_space<vmem>> -> memref<128x129xf32, #tpu.memory_space<vmem>>
    %dma_wait3A_721 = arith.constant 112 : i32
    %dma_wait3A_722 = arith.constant 0 : i32
    %dma_wait3A_723 = tpu.memref_slice %dma_wait3A_720[%dma_wait3A_721, %dma_wait3A_722] : memref<128x129xf32, #tpu.memory_space<vmem>> -> memref<8x128xf32, #tpu.memory_space<vmem>>
    %dma_wait3A_724 = arith.constant 0 : i32
    %dma_wait3A_725 = tpu.memref_slice %arg5[%add3A_460, %dma_wait3A_724] : memref<409600x128xf32, #tpu.memory_space<hbm>> -> memref<8x128xf32, #tpu.memory_space<hbm>>
    %dma_wait3A_726 = arith.constant 0 : i32
    %dma_wait3A_727 = tpu.memref_slice %arg5[%add3A_460, %dma_wait3A_726] : memref<409600x128xf32, #tpu.memory_space<hbm>> -> memref<8x128xf32, #tpu.memory_space<hbm>>
    %dma_wait3A_728 = arith.constant 0 : i32
    %dma_wait3A_729 = arith.constant 0 : i32
    %dma_wait3A_730 = tpu.memref_slice %arg9[%dma_wait3A_716, %dma_wait3A_728, %dma_wait3A_729] : memref<2x128x129xf32, #tpu.memory_space<vmem>> -> memref<1x128x129xf32, #tpu.memory_space<vmem>>
    %dma_wait3A_731 = tpu.memref_squeeze %dma_wait3A_730 : memref<1x128x129xf32, #tpu.memory_space<vmem>> -> memref<128x129xf32, #tpu.memory_space<vmem>>
    %dma_wait3A_732 = arith.constant 112 : i32
    %dma_wait3A_733 = arith.constant 0 : i32
    %dma_wait3A_734 = tpu.memref_slice %dma_wait3A_731[%dma_wait3A_732, %dma_wait3A_733] : memref<128x129xf32, #tpu.memory_space<vmem>> -> memref<8x128xf32, #tpu.memory_space<vmem>>
    tpu.wait_dma2 semaphore(%arg15 : memref<!tpu.dma_semaphore, #tpu.memory_space<semaphore_mem>>) src(%dma_wait3A_734 : memref<8x128xf32, #tpu.memory_space<vmem>>) dst(%dma_wait3A_727 : memref<8x128xf32, #tpu.memory_space<hbm>>)
    %dma_wait3A_735 = arith.constant 0 : i32
    %dma_wait3A_736 = arith.constant 0 : i32
    %dma_wait3A_737 = arith.constant 0 : i32
    %dma_wait3A_738 = tpu.memref_slice %arg9[%dma_wait3A_735, %dma_wait3A_736, %dma_wait3A_737] : memref<2x128x129xf32, #tpu.memory_space<vmem>> -> memref<1x128x129xf32, #tpu.memory_space<vmem>>
    %dma_wait3A_739 = tpu.memref_squeeze %dma_wait3A_738 : memref<1x128x129xf32, #tpu.memory_space<vmem>> -> memref<128x129xf32, #tpu.memory_space<vmem>>
    %dma_wait3A_740 = arith.constant 56 : i32
    %dma_wait3A_741 = arith.constant 0 : i32
    %dma_wait3A_742 = tpu.memref_slice %dma_wait3A_739[%dma_wait3A_740, %dma_wait3A_741] : memref<128x129xf32, #tpu.memory_space<vmem>> -> memref<8x128xf32, #tpu.memory_space<vmem>>
    %dma_wait3A_743 = arith.constant 0 : i32
    %dma_wait3A_744 = tpu.memref_slice %arg5[%add3A_464, %dma_wait3A_743] : memref<409600x128xf32, #tpu.memory_space<hbm>> -> memref<8x128xf32, #tpu.memory_space<hbm>>
    %dma_wait3A_745 = arith.constant 0 : i32
    %dma_wait3A_746 = tpu.memref_slice %arg5[%add3A_464, %dma_wait3A_745] : memref<409600x128xf32, #tpu.memory_space<hbm>> -> memref<8x128xf32, #tpu.memory_space<hbm>>
    %dma_wait3A_747 = arith.constant 0 : i32
    %dma_wait3A_748 = arith.constant 0 : i32
    %dma_wait3A_749 = tpu.memref_slice %arg9[%dma_wait3A_735, %dma_wait3A_747, %dma_wait3A_748] : memref<2x128x129xf32, #tpu.memory_space<vmem>> -> memref<1x128x129xf32, #tpu.memory_space<vmem>>
    %dma_wait3A_750 = tpu.memref_squeeze %dma_wait3A_749 : memref<1x128x129xf32, #tpu.memory_space<vmem>> -> memref<128x129xf32, #tpu.memory_space<vmem>>
    %dma_wait3A_751 = arith.constant 56 : i32
    %dma_wait3A_752 = arith.constant 0 : i32
    %dma_wait3A_753 = tpu.memref_slice %dma_wait3A_750[%dma_wait3A_751, %dma_wait3A_752] : memref<128x129xf32, #tpu.memory_space<vmem>> -> memref<8x128xf32, #tpu.memory_space<vmem>>
    tpu.wait_dma2 semaphore(%arg15 : memref<!tpu.dma_semaphore, #tpu.memory_space<semaphore_mem>>) src(%dma_wait3A_753 : memref<8x128xf32, #tpu.memory_space<vmem>>) dst(%dma_wait3A_746 : memref<8x128xf32, #tpu.memory_space<hbm>>)
    %dma_wait3A_754 = arith.constant 0 : i32
    %dma_wait3A_755 = arith.constant 0 : i32
    %dma_wait3A_756 = arith.constant 0 : i32
    %dma_wait3A_757 = tpu.memref_slice %arg9[%dma_wait3A_754, %dma_wait3A_755, %dma_wait3A_756] : memref<2x128x129xf32, #tpu.memory_space<vmem>> -> memref<1x128x129xf32, #tpu.memory_space<vmem>>
    %dma_wait3A_758 = tpu.memref_squeeze %dma_wait3A_757 : memref<1x128x129xf32, #tpu.memory_space<vmem>> -> memref<128x129xf32, #tpu.memory_space<vmem>>
    %dma_wait3A_759 = arith.constant 120 : i32
    %dma_wait3A_760 = arith.constant 0 : i32
    %dma_wait3A_761 = tpu.memref_slice %dma_wait3A_758[%dma_wait3A_759, %dma_wait3A_760] : memref<128x129xf32, #tpu.memory_space<vmem>> -> memref<8x128xf32, #tpu.memory_space<vmem>>
    %dma_wait3A_762 = arith.constant 0 : i32
    %dma_wait3A_763 = tpu.memref_slice %arg5[%add3A_468, %dma_wait3A_762] : memref<409600x128xf32, #tpu.memory_space<hbm>> -> memref<8x128xf32, #tpu.memory_space<hbm>>
    %dma_wait3A_764 = arith.constant 0 : i32
    %dma_wait3A_765 = tpu.memref_slice %arg5[%add3A_468, %dma_wait3A_764] : memref<409600x128xf32, #tpu.memory_space<hbm>> -> memref<8x128xf32, #tpu.memory_space<hbm>>
    %dma_wait3A_766 = arith.constant 0 : i32
    %dma_wait3A_767 = arith.constant 0 : i32
    %dma_wait3A_768 = tpu.memref_slice %arg9[%dma_wait3A_754, %dma_wait3A_766, %dma_wait3A_767] : memref<2x128x129xf32, #tpu.memory_space<vmem>> -> memref<1x128x129xf32, #tpu.memory_space<vmem>>
    %dma_wait3A_769 = tpu.memref_squeeze %dma_wait3A_768 : memref<1x128x129xf32, #tpu.memory_space<vmem>> -> memref<128x129xf32, #tpu.memory_space<vmem>>
    %dma_wait3A_770 = arith.constant 120 : i32
    %dma_wait3A_771 = arith.constant 0 : i32
    %dma_wait3A_772 = tpu.memref_slice %dma_wait3A_769[%dma_wait3A_770, %dma_wait3A_771] : memref<128x129xf32, #tpu.memory_space<vmem>> -> memref<8x128xf32, #tpu.memory_space<vmem>>
    tpu.wait_dma2 semaphore(%arg15 : memref<!tpu.dma_semaphore, #tpu.memory_space<semaphore_mem>>) src(%dma_wait3A_772 : memref<8x128xf32, #tpu.memory_space<vmem>>) dst(%dma_wait3A_765 : memref<8x128xf32, #tpu.memory_space<hbm>>)
    %add3A_773 = arith.constant 99 : i32
    %add3A_774 = arith.addi %mul3A_14, %add3A_773 : i32
    %jit3A_775 = arith.constant 64 : i32
    %div3A_776 = arith.divsi %add3A_774, %jit3A_775 : i32
    %sign3A_777 = arith.constant 0 : i32
    %sign3A_778 = arith.cmpi sgt, %add3A_774, %sign3A_777 : i32
    %sign3A_779 = arith.extui %sign3A_778 : i1 to i32
    %sign3A_780 = arith.constant 0 : i32
    %sign3A_781 = arith.cmpi slt, %add3A_774, %sign3A_780 : i32
    %sign3A_782 = arith.extui %sign3A_781 : i1 to i32
    %sign3A_783 = arith.subi %sign3A_779, %sign3A_782 : i32
    %sign3A_784 = arith.constant 0 : i32
    %sign3A_785 = arith.cmpi sgt, %jit3A_775, %sign3A_784 : i32
    %sign3A_786 = arith.extui %sign3A_785 : i1 to i32
    %sign3A_787 = arith.constant 0 : i32
    %sign3A_788 = arith.cmpi slt, %jit3A_775, %sign3A_787 : i32
    %sign3A_789 = arith.extui %sign3A_788 : i1 to i32
    %sign3A_790 = arith.subi %sign3A_786, %sign3A_789 : i32
    %ne3A_791 = arith.cmpi ne, %sign3A_783, %sign3A_790 : i32
    %rem3A_792 = arith.remsi %add3A_774, %jit3A_775 : i32
    %ne3A_793 = arith.constant 0 : i32
    %ne3A_794 = arith.cmpi ne, %rem3A_792, %ne3A_793 : i32
    %and3A_795 = arith.andi %ne3A_791, %ne3A_794 : i1
    %sub3A_796 = arith.constant 1 : i32
    %sub3A_797 = arith.subi %div3A_776, %sub3A_796 : i32
    %select_n3A_798 = arith.select %and3A_795, %sub3A_797, %div3A_776 : i32
    %jit3A_799 = arith.constant 64 : i32
    %eq3A_800 = arith.constant 0 : i32
    %eq3A_801 = arith.cmpi eq, %jit3A_799, %eq3A_800 : i32
    %jit3A_802 = arith.constant 1 : i32
    %select_n3A_803 = arith.select %eq3A_801, %jit3A_802, %jit3A_799 : i32
    %rem3A_804 = arith.remsi %add3A_774, %select_n3A_803 : i32
    %ne3A_805 = arith.constant 0 : i32
    %ne3A_806 = arith.cmpi ne, %rem3A_804, %ne3A_805 : i32
    %lt3A_807 = arith.constant 0 : i32
    %lt3A_808 = arith.cmpi slt, %rem3A_804, %lt3A_807 : i32
    %lt3A_809 = arith.constant 0 : i32
    %lt3A_810 = arith.cmpi slt, %select_n3A_803, %lt3A_809 : i32
    %ne3A_811 = arith.xori %lt3A_808, %lt3A_810 : i1
    %and3A_812 = arith.andi %ne3A_811, %ne3A_806 : i1
    %add3A_813 = arith.addi %rem3A_804, %select_n3A_803 : i32
    %select_n3A_814 = arith.select %and3A_812, %add3A_813, %rem3A_804 : i32
    %mul3A_815 = arith.constant 16384 : i32
    %mul3A_816 = arith.muli %select_n3A_798, %mul3A_815 : i32
    %mul3A_817 = arith.constant 256 : i32
    %mul3A_818 = arith.muli %select_n3A_814, %mul3A_817 : i32
    %add3A_819 = arith.addi %mul3A_816, %mul3A_818 : i32
    %mul3A_820 = arith.constant 8 : i32
    %mul3A_821 = arith.muli %select_n3A_798, %mul3A_820 : i32
    %mul3A_822 = arith.constant 128 : i32
    %mul3A_823 = arith.muli %mul3A_821, %mul3A_822 : i32
    %mul3A_824 = arith.constant 2 : i32
    %mul3A_825 = arith.muli %select_n3A_814, %mul3A_824 : i32
    %add3A_826 = arith.addi %mul3A_823, %mul3A_825 : i32
    %mul3A_827 = arith.constant 8 : i32
    %mul3A_828 = arith.muli %add3A_826, %mul3A_827 : i32
    %add3A_829 = arith.constant 0 : i32
    %add3A_830 = arith.addi %mul3A_828, %add3A_829 : i32
    %add3A_831 = arith.constant 0 : i32
    %add3A_832 = arith.addi %add3A_830, %add3A_831 : i32
    %add3A_833 = arith.constant 0 : i32
    %add3A_834 = arith.addi %mul3A_828, %add3A_833 : i32
    %add3A_835 = arith.constant 8 : i32
    %add3A_836 = arith.addi %add3A_834, %add3A_835 : i32
    %add3A_837 = arith.constant 1024 : i32
    %add3A_838 = arith.addi %mul3A_828, %add3A_837 : i32
    %add3A_839 = arith.constant 0 : i32
    %add3A_840 = arith.addi %add3A_838, %add3A_839 : i32
    %add3A_841 = arith.constant 1024 : i32
    %add3A_842 = arith.addi %mul3A_828, %add3A_841 : i32
    %add3A_843 = arith.constant 8 : i32
    %add3A_844 = arith.addi %add3A_842, %add3A_843 : i32
    %add3A_845 = arith.constant 2048 : i32
    %add3A_846 = arith.addi %mul3A_828, %add3A_845 : i32
    %add3A_847 = arith.constant 0 : i32
    %add3A_848 = arith.addi %add3A_846, %add3A_847 : i32
    %add3A_849 = arith.constant 2048 : i32
    %add3A_850 = arith.addi %mul3A_828, %add3A_849 : i32
    %add3A_851 = arith.constant 8 : i32
    %add3A_852 = arith.addi %add3A_850, %add3A_851 : i32
    %add3A_853 = arith.constant 3072 : i32
    %add3A_854 = arith.addi %mul3A_828, %add3A_853 : i32
    %add3A_855 = arith.constant 0 : i32
    %add3A_856 = arith.addi %add3A_854, %add3A_855 : i32
    %add3A_857 = arith.constant 3072 : i32
    %add3A_858 = arith.addi %mul3A_828, %add3A_857 : i32
    %add3A_859 = arith.constant 8 : i32
    %add3A_860 = arith.addi %add3A_858, %add3A_859 : i32
    %add3A_861 = arith.constant 4096 : i32
    %add3A_862 = arith.addi %mul3A_828, %add3A_861 : i32
    %add3A_863 = arith.constant 0 : i32
    %add3A_864 = arith.addi %add3A_862, %add3A_863 : i32
    %add3A_865 = arith.constant 4096 : i32
    %add3A_866 = arith.addi %mul3A_828, %add3A_865 : i32
    %add3A_867 = arith.constant 8 : i32
    %add3A_868 = arith.addi %add3A_866, %add3A_867 : i32
    %add3A_869 = arith.constant 5120 : i32
    %add3A_870 = arith.addi %mul3A_828, %add3A_869 : i32
    %add3A_871 = arith.constant 0 : i32
    %add3A_872 = arith.addi %add3A_870, %add3A_871 : i32
    %add3A_873 = arith.constant 5120 : i32
    %add3A_874 = arith.addi %mul3A_828, %add3A_873 : i32
    %add3A_875 = arith.constant 8 : i32
    %add3A_876 = arith.addi %add3A_874, %add3A_875 : i32
    %add3A_877 = arith.constant 6144 : i32
    %add3A_878 = arith.addi %mul3A_828, %add3A_877 : i32
    %add3A_879 = arith.constant 0 : i32
    %add3A_880 = arith.addi %add3A_878, %add3A_879 : i32
    %add3A_881 = arith.constant 6144 : i32
    %add3A_882 = arith.addi %mul3A_828, %add3A_881 : i32
    %add3A_883 = arith.constant 8 : i32
    %add3A_884 = arith.addi %add3A_882, %add3A_883 : i32
    %add3A_885 = arith.constant 7168 : i32
    %add3A_886 = arith.addi %mul3A_828, %add3A_885 : i32
    %add3A_887 = arith.constant 0 : i32
    %add3A_888 = arith.addi %add3A_886, %add3A_887 : i32
    %add3A_889 = arith.constant 7168 : i32
    %add3A_890 = arith.addi %mul3A_828, %add3A_889 : i32
    %add3A_891 = arith.constant 8 : i32
    %add3A_892 = arith.addi %add3A_890, %add3A_891 : i32
    %dma_wait3A_893 = arith.constant 1 : i32
    %dma_wait3A_894 = arith.constant 0 : i32
    %dma_wait3A_895 = arith.constant 0 : i32
    %dma_wait3A_896 = tpu.memref_slice %arg9[%dma_wait3A_893, %dma_wait3A_894, %dma_wait3A_895] : memref<2x128x129xf32, #tpu.memory_space<vmem>> -> memref<1x128x129xf32, #tpu.memory_space<vmem>>
    %dma_wait3A_897 = tpu.memref_squeeze %dma_wait3A_896 : memref<1x128x129xf32, #tpu.memory_space<vmem>> -> memref<128x129xf32, #tpu.memory_space<vmem>>
    %dma_wait3A_898 = arith.constant 0 : i32
    %dma_wait3A_899 = arith.constant 0 : i32
    %dma_wait3A_900 = tpu.memref_slice %dma_wait3A_897[%dma_wait3A_898, %dma_wait3A_899] : memref<128x129xf32, #tpu.memory_space<vmem>> -> memref<8x128xf32, #tpu.memory_space<vmem>>
    %dma_wait3A_901 = arith.constant 0 : i32
    %dma_wait3A_902 = tpu.memref_slice %arg5[%add3A_832, %dma_wait3A_901] : memref<409600x128xf32, #tpu.memory_space<hbm>> -> memref<8x128xf32, #tpu.memory_space<hbm>>
    %dma_wait3A_903 = arith.constant 0 : i32
    %dma_wait3A_904 = tpu.memref_slice %arg5[%add3A_832, %dma_wait3A_903] : memref<409600x128xf32, #tpu.memory_space<hbm>> -> memref<8x128xf32, #tpu.memory_space<hbm>>
    %dma_wait3A_905 = arith.constant 0 : i32
    %dma_wait3A_906 = arith.constant 0 : i32
    %dma_wait3A_907 = tpu.memref_slice %arg9[%dma_wait3A_893, %dma_wait3A_905, %dma_wait3A_906] : memref<2x128x129xf32, #tpu.memory_space<vmem>> -> memref<1x128x129xf32, #tpu.memory_space<vmem>>
    %dma_wait3A_908 = tpu.memref_squeeze %dma_wait3A_907 : memref<1x128x129xf32, #tpu.memory_space<vmem>> -> memref<128x129xf32, #tpu.memory_space<vmem>>
    %dma_wait3A_909 = arith.constant 0 : i32
    %dma_wait3A_910 = arith.constant 0 : i32
    %dma_wait3A_911 = tpu.memref_slice %dma_wait3A_908[%dma_wait3A_909, %dma_wait3A_910] : memref<128x129xf32, #tpu.memory_space<vmem>> -> memref<8x128xf32, #tpu.memory_space<vmem>>
    tpu.wait_dma2 semaphore(%arg16 : memref<!tpu.dma_semaphore, #tpu.memory_space<semaphore_mem>>) src(%dma_wait3A_911 : memref<8x128xf32, #tpu.memory_space<vmem>>) dst(%dma_wait3A_904 : memref<8x128xf32, #tpu.memory_space<hbm>>)
    %dma_wait3A_912 = arith.constant 1 : i32
    %dma_wait3A_913 = arith.constant 0 : i32
    %dma_wait3A_914 = arith.constant 0 : i32
    %dma_wait3A_915 = tpu.memref_slice %arg9[%dma_wait3A_912, %dma_wait3A_913, %dma_wait3A_914] : memref<2x128x129xf32, #tpu.memory_space<vmem>> -> memref<1x128x129xf32, #tpu.memory_space<vmem>>
    %dma_wait3A_916 = tpu.memref_squeeze %dma_wait3A_915 : memref<1x128x129xf32, #tpu.memory_space<vmem>> -> memref<128x129xf32, #tpu.memory_space<vmem>>
    %dma_wait3A_917 = arith.constant 64 : i32
    %dma_wait3A_918 = arith.constant 0 : i32
    %dma_wait3A_919 = tpu.memref_slice %dma_wait3A_916[%dma_wait3A_917, %dma_wait3A_918] : memref<128x129xf32, #tpu.memory_space<vmem>> -> memref<8x128xf32, #tpu.memory_space<vmem>>
    %dma_wait3A_920 = arith.constant 0 : i32
    %dma_wait3A_921 = tpu.memref_slice %arg5[%add3A_836, %dma_wait3A_920] : memref<409600x128xf32, #tpu.memory_space<hbm>> -> memref<8x128xf32, #tpu.memory_space<hbm>>
    %dma_wait3A_922 = arith.constant 0 : i32
    %dma_wait3A_923 = tpu.memref_slice %arg5[%add3A_836, %dma_wait3A_922] : memref<409600x128xf32, #tpu.memory_space<hbm>> -> memref<8x128xf32, #tpu.memory_space<hbm>>
    %dma_wait3A_924 = arith.constant 0 : i32
    %dma_wait3A_925 = arith.constant 0 : i32
    %dma_wait3A_926 = tpu.memref_slice %arg9[%dma_wait3A_912, %dma_wait3A_924, %dma_wait3A_925] : memref<2x128x129xf32, #tpu.memory_space<vmem>> -> memref<1x128x129xf32, #tpu.memory_space<vmem>>
    %dma_wait3A_927 = tpu.memref_squeeze %dma_wait3A_926 : memref<1x128x129xf32, #tpu.memory_space<vmem>> -> memref<128x129xf32, #tpu.memory_space<vmem>>
    %dma_wait3A_928 = arith.constant 64 : i32
    %dma_wait3A_929 = arith.constant 0 : i32
    %dma_wait3A_930 = tpu.memref_slice %dma_wait3A_927[%dma_wait3A_928, %dma_wait3A_929] : memref<128x129xf32, #tpu.memory_space<vmem>> -> memref<8x128xf32, #tpu.memory_space<vmem>>
    tpu.wait_dma2 semaphore(%arg16 : memref<!tpu.dma_semaphore, #tpu.memory_space<semaphore_mem>>) src(%dma_wait3A_930 : memref<8x128xf32, #tpu.memory_space<vmem>>) dst(%dma_wait3A_923 : memref<8x128xf32, #tpu.memory_space<hbm>>)
    %dma_wait3A_931 = arith.constant 1 : i32
    %dma_wait3A_932 = arith.constant 0 : i32
    %dma_wait3A_933 = arith.constant 0 : i32
    %dma_wait3A_934 = tpu.memref_slice %arg9[%dma_wait3A_931, %dma_wait3A_932, %dma_wait3A_933] : memref<2x128x129xf32, #tpu.memory_space<vmem>> -> memref<1x128x129xf32, #tpu.memory_space<vmem>>
    %dma_wait3A_935 = tpu.memref_squeeze %dma_wait3A_934 : memref<1x128x129xf32, #tpu.memory_space<vmem>> -> memref<128x129xf32, #tpu.memory_space<vmem>>
    %dma_wait3A_936 = arith.constant 8 : i32
    %dma_wait3A_937 = arith.constant 0 : i32
    %dma_wait3A_938 = tpu.memref_slice %dma_wait3A_935[%dma_wait3A_936, %dma_wait3A_937] : memref<128x129xf32, #tpu.memory_space<vmem>> -> memref<8x128xf32, #tpu.memory_space<vmem>>
    %dma_wait3A_939 = arith.constant 0 : i32
    %dma_wait3A_940 = tpu.memref_slice %arg5[%add3A_840, %dma_wait3A_939] : memref<409600x128xf32, #tpu.memory_space<hbm>> -> memref<8x128xf32, #tpu.memory_space<hbm>>
    %dma_wait3A_941 = arith.constant 0 : i32
    %dma_wait3A_942 = tpu.memref_slice %arg5[%add3A_840, %dma_wait3A_941] : memref<409600x128xf32, #tpu.memory_space<hbm>> -> memref<8x128xf32, #tpu.memory_space<hbm>>
    %dma_wait3A_943 = arith.constant 0 : i32
    %dma_wait3A_944 = arith.constant 0 : i32
    %dma_wait3A_945 = tpu.memref_slice %arg9[%dma_wait3A_931, %dma_wait3A_943, %dma_wait3A_944] : memref<2x128x129xf32, #tpu.memory_space<vmem>> -> memref<1x128x129xf32, #tpu.memory_space<vmem>>
    %dma_wait3A_946 = tpu.memref_squeeze %dma_wait3A_945 : memref<1x128x129xf32, #tpu.memory_space<vmem>> -> memref<128x129xf32, #tpu.memory_space<vmem>>
    %dma_wait3A_947 = arith.constant 8 : i32
    %dma_wait3A_948 = arith.constant 0 : i32
    %dma_wait3A_949 = tpu.memref_slice %dma_wait3A_946[%dma_wait3A_947, %dma_wait3A_948] : memref<128x129xf32, #tpu.memory_space<vmem>> -> memref<8x128xf32, #tpu.memory_space<vmem>>
    tpu.wait_dma2 semaphore(%arg16 : memref<!tpu.dma_semaphore, #tpu.memory_space<semaphore_mem>>) src(%dma_wait3A_949 : memref<8x128xf32, #tpu.memory_space<vmem>>) dst(%dma_wait3A_942 : memref<8x128xf32, #tpu.memory_space<hbm>>)
    %dma_wait3A_950 = arith.constant 1 : i32
    %dma_wait3A_951 = arith.constant 0 : i32
    %dma_wait3A_952 = arith.constant 0 : i32
    %dma_wait3A_953 = tpu.memref_slice %arg9[%dma_wait3A_950, %dma_wait3A_951, %dma_wait3A_952] : memref<2x128x129xf32, #tpu.memory_space<vmem>> -> memref<1x128x129xf32, #tpu.memory_space<vmem>>
    %dma_wait3A_954 = tpu.memref_squeeze %dma_wait3A_953 : memref<1x128x129xf32, #tpu.memory_space<vmem>> -> memref<128x129xf32, #tpu.memory_space<vmem>>
    %dma_wait3A_955 = arith.constant 72 : i32
    %dma_wait3A_956 = arith.constant 0 : i32
    %dma_wait3A_957 = tpu.memref_slice %dma_wait3A_954[%dma_wait3A_955, %dma_wait3A_956] : memref<128x129xf32, #tpu.memory_space<vmem>> -> memref<8x128xf32, #tpu.memory_space<vmem>>
    %dma_wait3A_958 = arith.constant 0 : i32
    %dma_wait3A_959 = tpu.memref_slice %arg5[%add3A_844, %dma_wait3A_958] : memref<409600x128xf32, #tpu.memory_space<hbm>> -> memref<8x128xf32, #tpu.memory_space<hbm>>
    %dma_wait3A_960 = arith.constant 0 : i32
    %dma_wait3A_961 = tpu.memref_slice %arg5[%add3A_844, %dma_wait3A_960] : memref<409600x128xf32, #tpu.memory_space<hbm>> -> memref<8x128xf32, #tpu.memory_space<hbm>>
    %dma_wait3A_962 = arith.constant 0 : i32
    %dma_wait3A_963 = arith.constant 0 : i32
    %dma_wait3A_964 = tpu.memref_slice %arg9[%dma_wait3A_950, %dma_wait3A_962, %dma_wait3A_963] : memref<2x128x129xf32, #tpu.memory_space<vmem>> -> memref<1x128x129xf32, #tpu.memory_space<vmem>>
    %dma_wait3A_965 = tpu.memref_squeeze %dma_wait3A_964 : memref<1x128x129xf32, #tpu.memory_space<vmem>> -> memref<128x129xf32, #tpu.memory_space<vmem>>
    %dma_wait3A_966 = arith.constant 72 : i32
    %dma_wait3A_967 = arith.constant 0 : i32
    %dma_wait3A_968 = tpu.memref_slice %dma_wait3A_965[%dma_wait3A_966, %dma_wait3A_967] : memref<128x129xf32, #tpu.memory_space<vmem>> -> memref<8x128xf32, #tpu.memory_space<vmem>>
    tpu.wait_dma2 semaphore(%arg16 : memref<!tpu.dma_semaphore, #tpu.memory_space<semaphore_mem>>) src(%dma_wait3A_968 : memref<8x128xf32, #tpu.memory_space<vmem>>) dst(%dma_wait3A_961 : memref<8x128xf32, #tpu.memory_space<hbm>>)
    %dma_wait3A_969 = arith.constant 1 : i32
    %dma_wait3A_970 = arith.constant 0 : i32
    %dma_wait3A_971 = arith.constant 0 : i32
    %dma_wait3A_972 = tpu.memref_slice %arg9[%dma_wait3A_969, %dma_wait3A_970, %dma_wait3A_971] : memref<2x128x129xf32, #tpu.memory_space<vmem>> -> memref<1x128x129xf32, #tpu.memory_space<vmem>>
    %dma_wait3A_973 = tpu.memref_squeeze %dma_wait3A_972 : memref<1x128x129xf32, #tpu.memory_space<vmem>> -> memref<128x129xf32, #tpu.memory_space<vmem>>
    %dma_wait3A_974 = arith.constant 16 : i32
    %dma_wait3A_975 = arith.constant 0 : i32
    %dma_wait3A_976 = tpu.memref_slice %dma_wait3A_973[%dma_wait3A_974, %dma_wait3A_975] : memref<128x129xf32, #tpu.memory_space<vmem>> -> memref<8x128xf32, #tpu.memory_space<vmem>>
    %dma_wait3A_977 = arith.constant 0 : i32
    %dma_wait3A_978 = tpu.memref_slice %arg5[%add3A_848, %dma_wait3A_977] : memref<409600x128xf32, #tpu.memory_space<hbm>> -> memref<8x128xf32, #tpu.memory_space<hbm>>
    %dma_wait3A_979 = arith.constant 0 : i32
    %dma_wait3A_980 = tpu.memref_slice %arg5[%add3A_848, %dma_wait3A_979] : memref<409600x128xf32, #tpu.memory_space<hbm>> -> memref<8x128xf32, #tpu.memory_space<hbm>>
    %dma_wait3A_981 = arith.constant 0 : i32
    %dma_wait3A_982 = arith.constant 0 : i32
    %dma_wait3A_983 = tpu.memref_slice %arg9[%dma_wait3A_969, %dma_wait3A_981, %dma_wait3A_982] : memref<2x128x129xf32, #tpu.memory_space<vmem>> -> memref<1x128x129xf32, #tpu.memory_space<vmem>>
    %dma_wait3A_984 = tpu.memref_squeeze %dma_wait3A_983 : memref<1x128x129xf32, #tpu.memory_space<vmem>> -> memref<128x129xf32, #tpu.memory_space<vmem>>
    %dma_wait3A_985 = arith.constant 16 : i32
    %dma_wait3A_986 = arith.constant 0 : i32
    %dma_wait3A_987 = tpu.memref_slice %dma_wait3A_984[%dma_wait3A_985, %dma_wait3A_986] : memref<128x129xf32, #tpu.memory_space<vmem>> -> memref<8x128xf32, #tpu.memory_space<vmem>>
    tpu.wait_dma2 semaphore(%arg16 : memref<!tpu.dma_semaphore, #tpu.memory_space<semaphore_mem>>) src(%dma_wait3A_987 : memref<8x128xf32, #tpu.memory_space<vmem>>) dst(%dma_wait3A_980 : memref<8x128xf32, #tpu.memory_space<hbm>>)
    %dma_wait3A_988 = arith.constant 1 : i32
    %dma_wait3A_989 = arith.constant 0 : i32
    %dma_wait3A_990 = arith.constant 0 : i32
    %dma_wait3A_991 = tpu.memref_slice %arg9[%dma_wait3A_988, %dma_wait3A_989, %dma_wait3A_990] : memref<2x128x129xf32, #tpu.memory_space<vmem>> -> memref<1x128x129xf32, #tpu.memory_space<vmem>>
    %dma_wait3A_992 = tpu.memref_squeeze %dma_wait3A_991 : memref<1x128x129xf32, #tpu.memory_space<vmem>> -> memref<128x129xf32, #tpu.memory_space<vmem>>
    %dma_wait3A_993 = arith.constant 80 : i32
    %dma_wait3A_994 = arith.constant 0 : i32
    %dma_wait3A_995 = tpu.memref_slice %dma_wait3A_992[%dma_wait3A_993, %dma_wait3A_994] : memref<128x129xf32, #tpu.memory_space<vmem>> -> memref<8x128xf32, #tpu.memory_space<vmem>>
    %dma_wait3A_996 = arith.constant 0 : i32
    %dma_wait3A_997 = tpu.memref_slice %arg5[%add3A_852, %dma_wait3A_996] : memref<409600x128xf32, #tpu.memory_space<hbm>> -> memref<8x128xf32, #tpu.memory_space<hbm>>
    %dma_wait3A_998 = arith.constant 0 : i32
    %dma_wait3A_999 = tpu.memref_slice %arg5[%add3A_852, %dma_wait3A_998] : memref<409600x128xf32, #tpu.memory_space<hbm>> -> memref<8x128xf32, #tpu.memory_space<hbm>>
    %dma_wait3A_1000 = arith.constant 0 : i32
    %dma_wait3A_1001 = arith.constant 0 : i32
    %dma_wait3A_1002 = tpu.memref_slice %arg9[%dma_wait3A_988, %dma_wait3A_1000, %dma_wait3A_1001] : memref<2x128x129xf32, #tpu.memory_space<vmem>> -> memref<1x128x129xf32, #tpu.memory_space<vmem>>
    %dma_wait3A_1003 = tpu.memref_squeeze %dma_wait3A_1002 : memref<1x128x129xf32, #tpu.memory_space<vmem>> -> memref<128x129xf32, #tpu.memory_space<vmem>>
    %dma_wait3A_1004 = arith.constant 80 : i32
    %dma_wait3A_1005 = arith.constant 0 : i32
    %dma_wait3A_1006 = tpu.memref_slice %dma_wait3A_1003[%dma_wait3A_1004, %dma_wait3A_1005] : memref<128x129xf32, #tpu.memory_space<vmem>> -> memref<8x128xf32, #tpu.memory_space<vmem>>
    tpu.wait_dma2 semaphore(%arg16 : memref<!tpu.dma_semaphore, #tpu.memory_space<semaphore_mem>>) src(%dma_wait3A_1006 : memref<8x128xf32, #tpu.memory_space<vmem>>) dst(%dma_wait3A_999 : memref<8x128xf32, #tpu.memory_space<hbm>>)
    %dma_wait3A_1007 = arith.constant 1 : i32
    %dma_wait3A_1008 = arith.constant 0 : i32
    %dma_wait3A_1009 = arith.constant 0 : i32
    %dma_wait3A_1010 = tpu.memref_slice %arg9[%dma_wait3A_1007, %dma_wait3A_1008, %dma_wait3A_1009] : memref<2x128x129xf32, #tpu.memory_space<vmem>> -> memref<1x128x129xf32, #tpu.memory_space<vmem>>
    %dma_wait3A_1011 = tpu.memref_squeeze %dma_wait3A_1010 : memref<1x128x129xf32, #tpu.memory_space<vmem>> -> memref<128x129xf32, #tpu.memory_space<vmem>>
    %dma_wait3A_1012 = arith.constant 24 : i32
    %dma_wait3A_1013 = arith.constant 0 : i32
    %dma_wait3A_1014 = tpu.memref_slice %dma_wait3A_1011[%dma_wait3A_1012, %dma_wait3A_1013] : memref<128x129xf32, #tpu.memory_space<vmem>> -> memref<8x128xf32, #tpu.memory_space<vmem>>
    %dma_wait3A_1015 = arith.constant 0 : i32
    %dma_wait3A_1016 = tpu.memref_slice %arg5[%add3A_856, %dma_wait3A_1015] : memref<409600x128xf32, #tpu.memory_space<hbm>> -> memref<8x128xf32, #tpu.memory_space<hbm>>
    %dma_wait3A_1017 = arith.constant 0 : i32
    %dma_wait3A_1018 = tpu.memref_slice %arg5[%add3A_856, %dma_wait3A_1017] : memref<409600x128xf32, #tpu.memory_space<hbm>> -> memref<8x128xf32, #tpu.memory_space<hbm>>
    %dma_wait3A_1019 = arith.constant 0 : i32
    %dma_wait3A_1020 = arith.constant 0 : i32
    %dma_wait3A_1021 = tpu.memref_slice %arg9[%dma_wait3A_1007, %dma_wait3A_1019, %dma_wait3A_1020] : memref<2x128x129xf32, #tpu.memory_space<vmem>> -> memref<1x128x129xf32, #tpu.memory_space<vmem>>
    %dma_wait3A_1022 = tpu.memref_squeeze %dma_wait3A_1021 : memref<1x128x129xf32, #tpu.memory_space<vmem>> -> memref<128x129xf32, #tpu.memory_space<vmem>>
    %dma_wait3A_1023 = arith.constant 24 : i32
    %dma_wait3A_1024 = arith.constant 0 : i32
    %dma_wait3A_1025 = tpu.memref_slice %dma_wait3A_1022[%dma_wait3A_1023, %dma_wait3A_1024] : memref<128x129xf32, #tpu.memory_space<vmem>> -> memref<8x128xf32, #tpu.memory_space<vmem>>
    tpu.wait_dma2 semaphore(%arg16 : memref<!tpu.dma_semaphore, #tpu.memory_space<semaphore_mem>>) src(%dma_wait3A_1025 : memref<8x128xf32, #tpu.memory_space<vmem>>) dst(%dma_wait3A_1018 : memref<8x128xf32, #tpu.memory_space<hbm>>)
    %dma_wait3A_1026 = arith.constant 1 : i32
    %dma_wait3A_1027 = arith.constant 0 : i32
    %dma_wait3A_1028 = arith.constant 0 : i32
    %dma_wait3A_1029 = tpu.memref_slice %arg9[%dma_wait3A_1026, %dma_wait3A_1027, %dma_wait3A_1028] : memref<2x128x129xf32, #tpu.memory_space<vmem>> -> memref<1x128x129xf32, #tpu.memory_space<vmem>>
    %dma_wait3A_1030 = tpu.memref_squeeze %dma_wait3A_1029 : memref<1x128x129xf32, #tpu.memory_space<vmem>> -> memref<128x129xf32, #tpu.memory_space<vmem>>
    %dma_wait3A_1031 = arith.constant 88 : i32
    %dma_wait3A_1032 = arith.constant 0 : i32
    %dma_wait3A_1033 = tpu.memref_slice %dma_wait3A_1030[%dma_wait3A_1031, %dma_wait3A_1032] : memref<128x129xf32, #tpu.memory_space<vmem>> -> memref<8x128xf32, #tpu.memory_space<vmem>>
    %dma_wait3A_1034 = arith.constant 0 : i32
    %dma_wait3A_1035 = tpu.memref_slice %arg5[%add3A_860, %dma_wait3A_1034] : memref<409600x128xf32, #tpu.memory_space<hbm>> -> memref<8x128xf32, #tpu.memory_space<hbm>>
    %dma_wait3A_1036 = arith.constant 0 : i32
    %dma_wait3A_1037 = tpu.memref_slice %arg5[%add3A_860, %dma_wait3A_1036] : memref<409600x128xf32, #tpu.memory_space<hbm>> -> memref<8x128xf32, #tpu.memory_space<hbm>>
    %dma_wait3A_1038 = arith.constant 0 : i32
    %dma_wait3A_1039 = arith.constant 0 : i32
    %dma_wait3A_1040 = tpu.memref_slice %arg9[%dma_wait3A_1026, %dma_wait3A_1038, %dma_wait3A_1039] : memref<2x128x129xf32, #tpu.memory_space<vmem>> -> memref<1x128x129xf32, #tpu.memory_space<vmem>>
    %dma_wait3A_1041 = tpu.memref_squeeze %dma_wait3A_1040 : memref<1x128x129xf32, #tpu.memory_space<vmem>> -> memref<128x129xf32, #tpu.memory_space<vmem>>
    %dma_wait3A_1042 = arith.constant 88 : i32
    %dma_wait3A_1043 = arith.constant 0 : i32
    %dma_wait3A_1044 = tpu.memref_slice %dma_wait3A_1041[%dma_wait3A_1042, %dma_wait3A_1043] : memref<128x129xf32, #tpu.memory_space<vmem>> -> memref<8x128xf32, #tpu.memory_space<vmem>>
    tpu.wait_dma2 semaphore(%arg16 : memref<!tpu.dma_semaphore, #tpu.memory_space<semaphore_mem>>) src(%dma_wait3A_1044 : memref<8x128xf32, #tpu.memory_space<vmem>>) dst(%dma_wait3A_1037 : memref<8x128xf32, #tpu.memory_space<hbm>>)
    %dma_wait3A_1045 = arith.constant 1 : i32
    %dma_wait3A_1046 = arith.constant 0 : i32
    %dma_wait3A_1047 = arith.constant 0 : i32
    %dma_wait3A_1048 = tpu.memref_slice %arg9[%dma_wait3A_1045, %dma_wait3A_1046, %dma_wait3A_1047] : memref<2x128x129xf32, #tpu.memory_space<vmem>> -> memref<1x128x129xf32, #tpu.memory_space<vmem>>
    %dma_wait3A_1049 = tpu.memref_squeeze %dma_wait3A_1048 : memref<1x128x129xf32, #tpu.memory_space<vmem>> -> memref<128x129xf32, #tpu.memory_space<vmem>>
    %dma_wait3A_1050 = arith.constant 32 : i32
    %dma_wait3A_1051 = arith.constant 0 : i32
    %dma_wait3A_1052 = tpu.memref_slice %dma_wait3A_1049[%dma_wait3A_1050, %dma_wait3A_1051] : memref<128x129xf32, #tpu.memory_space<vmem>> -> memref<8x128xf32, #tpu.memory_space<vmem>>
    %dma_wait3A_1053 = arith.constant 0 : i32
    %dma_wait3A_1054 = tpu.memref_slice %arg5[%add3A_864, %dma_wait3A_1053] : memref<409600x128xf32, #tpu.memory_space<hbm>> -> memref<8x128xf32, #tpu.memory_space<hbm>>
    %dma_wait3A_1055 = arith.constant 0 : i32
    %dma_wait3A_1056 = tpu.memref_slice %arg5[%add3A_864, %dma_wait3A_1055] : memref<409600x128xf32, #tpu.memory_space<hbm>> -> memref<8x128xf32, #tpu.memory_space<hbm>>
    %dma_wait3A_1057 = arith.constant 0 : i32
    %dma_wait3A_1058 = arith.constant 0 : i32
    %dma_wait3A_1059 = tpu.memref_slice %arg9[%dma_wait3A_1045, %dma_wait3A_1057, %dma_wait3A_1058] : memref<2x128x129xf32, #tpu.memory_space<vmem>> -> memref<1x128x129xf32, #tpu.memory_space<vmem>>
    %dma_wait3A_1060 = tpu.memref_squeeze %dma_wait3A_1059 : memref<1x128x129xf32, #tpu.memory_space<vmem>> -> memref<128x129xf32, #tpu.memory_space<vmem>>
    %dma_wait3A_1061 = arith.constant 32 : i32
    %dma_wait3A_1062 = arith.constant 0 : i32
    %dma_wait3A_1063 = tpu.memref_slice %dma_wait3A_1060[%dma_wait3A_1061, %dma_wait3A_1062] : memref<128x129xf32, #tpu.memory_space<vmem>> -> memref<8x128xf32, #tpu.memory_space<vmem>>
    tpu.wait_dma2 semaphore(%arg16 : memref<!tpu.dma_semaphore, #tpu.memory_space<semaphore_mem>>) src(%dma_wait3A_1063 : memref<8x128xf32, #tpu.memory_space<vmem>>) dst(%dma_wait3A_1056 : memref<8x128xf32, #tpu.memory_space<hbm>>)
    %dma_wait3A_1064 = arith.constant 1 : i32
    %dma_wait3A_1065 = arith.constant 0 : i32
    %dma_wait3A_1066 = arith.constant 0 : i32
    %dma_wait3A_1067 = tpu.memref_slice %arg9[%dma_wait3A_1064, %dma_wait3A_1065, %dma_wait3A_1066] : memref<2x128x129xf32, #tpu.memory_space<vmem>> -> memref<1x128x129xf32, #tpu.memory_space<vmem>>
    %dma_wait3A_1068 = tpu.memref_squeeze %dma_wait3A_1067 : memref<1x128x129xf32, #tpu.memory_space<vmem>> -> memref<128x129xf32, #tpu.memory_space<vmem>>
    %dma_wait3A_1069 = arith.constant 96 : i32
    %dma_wait3A_1070 = arith.constant 0 : i32
    %dma_wait3A_1071 = tpu.memref_slice %dma_wait3A_1068[%dma_wait3A_1069, %dma_wait3A_1070] : memref<128x129xf32, #tpu.memory_space<vmem>> -> memref<8x128xf32, #tpu.memory_space<vmem>>
    %dma_wait3A_1072 = arith.constant 0 : i32
    %dma_wait3A_1073 = tpu.memref_slice %arg5[%add3A_868, %dma_wait3A_1072] : memref<409600x128xf32, #tpu.memory_space<hbm>> -> memref<8x128xf32, #tpu.memory_space<hbm>>
    %dma_wait3A_1074 = arith.constant 0 : i32
    %dma_wait3A_1075 = tpu.memref_slice %arg5[%add3A_868, %dma_wait3A_1074] : memref<409600x128xf32, #tpu.memory_space<hbm>> -> memref<8x128xf32, #tpu.memory_space<hbm>>
    %dma_wait3A_1076 = arith.constant 0 : i32
    %dma_wait3A_1077 = arith.constant 0 : i32
    %dma_wait3A_1078 = tpu.memref_slice %arg9[%dma_wait3A_1064, %dma_wait3A_1076, %dma_wait3A_1077] : memref<2x128x129xf32, #tpu.memory_space<vmem>> -> memref<1x128x129xf32, #tpu.memory_space<vmem>>
    %dma_wait3A_1079 = tpu.memref_squeeze %dma_wait3A_1078 : memref<1x128x129xf32, #tpu.memory_space<vmem>> -> memref<128x129xf32, #tpu.memory_space<vmem>>
    %dma_wait3A_1080 = arith.constant 96 : i32
    %dma_wait3A_1081 = arith.constant 0 : i32
    %dma_wait3A_1082 = tpu.memref_slice %dma_wait3A_1079[%dma_wait3A_1080, %dma_wait3A_1081] : memref<128x129xf32, #tpu.memory_space<vmem>> -> memref<8x128xf32, #tpu.memory_space<vmem>>
    tpu.wait_dma2 semaphore(%arg16 : memref<!tpu.dma_semaphore, #tpu.memory_space<semaphore_mem>>) src(%dma_wait3A_1082 : memref<8x128xf32, #tpu.memory_space<vmem>>) dst(%dma_wait3A_1075 : memref<8x128xf32, #tpu.memory_space<hbm>>)
    %dma_wait3A_1083 = arith.constant 1 : i32
    %dma_wait3A_1084 = arith.constant 0 : i32
    %dma_wait3A_1085 = arith.constant 0 : i32
    %dma_wait3A_1086 = tpu.memref_slice %arg9[%dma_wait3A_1083, %dma_wait3A_1084, %dma_wait3A_1085] : memref<2x128x129xf32, #tpu.memory_space<vmem>> -> memref<1x128x129xf32, #tpu.memory_space<vmem>>
    %dma_wait3A_1087 = tpu.memref_squeeze %dma_wait3A_1086 : memref<1x128x129xf32, #tpu.memory_space<vmem>> -> memref<128x129xf32, #tpu.memory_space<vmem>>
    %dma_wait3A_1088 = arith.constant 40 : i32
    %dma_wait3A_1089 = arith.constant 0 : i32
    %dma_wait3A_1090 = tpu.memref_slice %dma_wait3A_1087[%dma_wait3A_1088, %dma_wait3A_1089] : memref<128x129xf32, #tpu.memory_space<vmem>> -> memref<8x128xf32, #tpu.memory_space<vmem>>
    %dma_wait3A_1091 = arith.constant 0 : i32
    %dma_wait3A_1092 = tpu.memref_slice %arg5[%add3A_872, %dma_wait3A_1091] : memref<409600x128xf32, #tpu.memory_space<hbm>> -> memref<8x128xf32, #tpu.memory_space<hbm>>
    %dma_wait3A_1093 = arith.constant 0 : i32
    %dma_wait3A_1094 = tpu.memref_slice %arg5[%add3A_872, %dma_wait3A_1093] : memref<409600x128xf32, #tpu.memory_space<hbm>> -> memref<8x128xf32, #tpu.memory_space<hbm>>
    %dma_wait3A_1095 = arith.constant 0 : i32
    %dma_wait3A_1096 = arith.constant 0 : i32
    %dma_wait3A_1097 = tpu.memref_slice %arg9[%dma_wait3A_1083, %dma_wait3A_1095, %dma_wait3A_1096] : memref<2x128x129xf32, #tpu.memory_space<vmem>> -> memref<1x128x129xf32, #tpu.memory_space<vmem>>
    %dma_wait3A_1098 = tpu.memref_squeeze %dma_wait3A_1097 : memref<1x128x129xf32, #tpu.memory_space<vmem>> -> memref<128x129xf32, #tpu.memory_space<vmem>>
    %dma_wait3A_1099 = arith.constant 40 : i32
    %dma_wait3A_1100 = arith.constant 0 : i32
    %dma_wait3A_1101 = tpu.memref_slice %dma_wait3A_1098[%dma_wait3A_1099, %dma_wait3A_1100] : memref<128x129xf32, #tpu.memory_space<vmem>> -> memref<8x128xf32, #tpu.memory_space<vmem>>
    tpu.wait_dma2 semaphore(%arg16 : memref<!tpu.dma_semaphore, #tpu.memory_space<semaphore_mem>>) src(%dma_wait3A_1101 : memref<8x128xf32, #tpu.memory_space<vmem>>) dst(%dma_wait3A_1094 : memref<8x128xf32, #tpu.memory_space<hbm>>)
    %dma_wait3A_1102 = arith.constant 1 : i32
    %dma_wait3A_1103 = arith.constant 0 : i32
    %dma_wait3A_1104 = arith.constant 0 : i32
    %dma_wait3A_1105 = tpu.memref_slice %arg9[%dma_wait3A_1102, %dma_wait3A_1103, %dma_wait3A_1104] : memref<2x128x129xf32, #tpu.memory_space<vmem>> -> memref<1x128x129xf32, #tpu.memory_space<vmem>>
    %dma_wait3A_1106 = tpu.memref_squeeze %dma_wait3A_1105 : memref<1x128x129xf32, #tpu.memory_space<vmem>> -> memref<128x129xf32, #tpu.memory_space<vmem>>
    %dma_wait3A_1107 = arith.constant 104 : i32
    %dma_wait3A_1108 = arith.constant 0 : i32
    %dma_wait3A_1109 = tpu.memref_slice %dma_wait3A_1106[%dma_wait3A_1107, %dma_wait3A_1108] : memref<128x129xf32, #tpu.memory_space<vmem>> -> memref<8x128xf32, #tpu.memory_space<vmem>>
    %dma_wait3A_1110 = arith.constant 0 : i32
    %dma_wait3A_1111 = tpu.memref_slice %arg5[%add3A_876, %dma_wait3A_1110] : memref<409600x128xf32, #tpu.memory_space<hbm>> -> memref<8x128xf32, #tpu.memory_space<hbm>>
    %dma_wait3A_1112 = arith.constant 0 : i32
    %dma_wait3A_1113 = tpu.memref_slice %arg5[%add3A_876, %dma_wait3A_1112] : memref<409600x128xf32, #tpu.memory_space<hbm>> -> memref<8x128xf32, #tpu.memory_space<hbm>>
    %dma_wait3A_1114 = arith.constant 0 : i32
    %dma_wait3A_1115 = arith.constant 0 : i32
    %dma_wait3A_1116 = tpu.memref_slice %arg9[%dma_wait3A_1102, %dma_wait3A_1114, %dma_wait3A_1115] : memref<2x128x129xf32, #tpu.memory_space<vmem>> -> memref<1x128x129xf32, #tpu.memory_space<vmem>>
    %dma_wait3A_1117 = tpu.memref_squeeze %dma_wait3A_1116 : memref<1x128x129xf32, #tpu.memory_space<vmem>> -> memref<128x129xf32, #tpu.memory_space<vmem>>
    %dma_wait3A_1118 = arith.constant 104 : i32
    %dma_wait3A_1119 = arith.constant 0 : i32
    %dma_wait3A_1120 = tpu.memref_slice %dma_wait3A_1117[%dma_wait3A_1118, %dma_wait3A_1119] : memref<128x129xf32, #tpu.memory_space<vmem>> -> memref<8x128xf32, #tpu.memory_space<vmem>>
    tpu.wait_dma2 semaphore(%arg16 : memref<!tpu.dma_semaphore, #tpu.memory_space<semaphore_mem>>) src(%dma_wait3A_1120 : memref<8x128xf32, #tpu.memory_space<vmem>>) dst(%dma_wait3A_1113 : memref<8x128xf32, #tpu.memory_space<hbm>>)
    %dma_wait3A_1121 = arith.constant 1 : i32
    %dma_wait3A_1122 = arith.constant 0 : i32
    %dma_wait3A_1123 = arith.constant 0 : i32
    %dma_wait3A_1124 = tpu.memref_slice %arg9[%dma_wait3A_1121, %dma_wait3A_1122, %dma_wait3A_1123] : memref<2x128x129xf32, #tpu.memory_space<vmem>> -> memref<1x128x129xf32, #tpu.memory_space<vmem>>
    %dma_wait3A_1125 = tpu.memref_squeeze %dma_wait3A_1124 : memref<1x128x129xf32, #tpu.memory_space<vmem>> -> memref<128x129xf32, #tpu.memory_space<vmem>>
    %dma_wait3A_1126 = arith.constant 48 : i32
    %dma_wait3A_1127 = arith.constant 0 : i32
    %dma_wait3A_1128 = tpu.memref_slice %dma_wait3A_1125[%dma_wait3A_1126, %dma_wait3A_1127] : memref<128x129xf32, #tpu.memory_space<vmem>> -> memref<8x128xf32, #tpu.memory_space<vmem>>
    %dma_wait3A_1129 = arith.constant 0 : i32
    %dma_wait3A_1130 = tpu.memref_slice %arg5[%add3A_880, %dma_wait3A_1129] : memref<409600x128xf32, #tpu.memory_space<hbm>> -> memref<8x128xf32, #tpu.memory_space<hbm>>
    %dma_wait3A_1131 = arith.constant 0 : i32
    %dma_wait3A_1132 = tpu.memref_slice %arg5[%add3A_880, %dma_wait3A_1131] : memref<409600x128xf32, #tpu.memory_space<hbm>> -> memref<8x128xf32, #tpu.memory_space<hbm>>
    %dma_wait3A_1133 = arith.constant 0 : i32
    %dma_wait3A_1134 = arith.constant 0 : i32
    %dma_wait3A_1135 = tpu.memref_slice %arg9[%dma_wait3A_1121, %dma_wait3A_1133, %dma_wait3A_1134] : memref<2x128x129xf32, #tpu.memory_space<vmem>> -> memref<1x128x129xf32, #tpu.memory_space<vmem>>
    %dma_wait3A_1136 = tpu.memref_squeeze %dma_wait3A_1135 : memref<1x128x129xf32, #tpu.memory_space<vmem>> -> memref<128x129xf32, #tpu.memory_space<vmem>>
    %dma_wait3A_1137 = arith.constant 48 : i32
    %dma_wait3A_1138 = arith.constant 0 : i32
    %dma_wait3A_1139 = tpu.memref_slice %dma_wait3A_1136[%dma_wait3A_1137, %dma_wait3A_1138] : memref<128x129xf32, #tpu.memory_space<vmem>> -> memref<8x128xf32, #tpu.memory_space<vmem>>
    tpu.wait_dma2 semaphore(%arg16 : memref<!tpu.dma_semaphore, #tpu.memory_space<semaphore_mem>>) src(%dma_wait3A_1139 : memref<8x128xf32, #tpu.memory_space<vmem>>) dst(%dma_wait3A_1132 : memref<8x128xf32, #tpu.memory_space<hbm>>)
    %dma_wait3A_1140 = arith.constant 1 : i32
    %dma_wait3A_1141 = arith.constant 0 : i32
    %dma_wait3A_1142 = arith.constant 0 : i32
    %dma_wait3A_1143 = tpu.memref_slice %arg9[%dma_wait3A_1140, %dma_wait3A_1141, %dma_wait3A_1142] : memref<2x128x129xf32, #tpu.memory_space<vmem>> -> memref<1x128x129xf32, #tpu.memory_space<vmem>>
    %dma_wait3A_1144 = tpu.memref_squeeze %dma_wait3A_1143 : memref<1x128x129xf32, #tpu.memory_space<vmem>> -> memref<128x129xf32, #tpu.memory_space<vmem>>
    %dma_wait3A_1145 = arith.constant 112 : i32
    %dma_wait3A_1146 = arith.constant 0 : i32
    %dma_wait3A_1147 = tpu.memref_slice %dma_wait3A_1144[%dma_wait3A_1145, %dma_wait3A_1146] : memref<128x129xf32, #tpu.memory_space<vmem>> -> memref<8x128xf32, #tpu.memory_space<vmem>>
    %dma_wait3A_1148 = arith.constant 0 : i32
    %dma_wait3A_1149 = tpu.memref_slice %arg5[%add3A_884, %dma_wait3A_1148] : memref<409600x128xf32, #tpu.memory_space<hbm>> -> memref<8x128xf32, #tpu.memory_space<hbm>>
    %dma_wait3A_1150 = arith.constant 0 : i32
    %dma_wait3A_1151 = tpu.memref_slice %arg5[%add3A_884, %dma_wait3A_1150] : memref<409600x128xf32, #tpu.memory_space<hbm>> -> memref<8x128xf32, #tpu.memory_space<hbm>>
    %dma_wait3A_1152 = arith.constant 0 : i32
    %dma_wait3A_1153 = arith.constant 0 : i32
    %dma_wait3A_1154 = tpu.memref_slice %arg9[%dma_wait3A_1140, %dma_wait3A_1152, %dma_wait3A_1153] : memref<2x128x129xf32, #tpu.memory_space<vmem>> -> memref<1x128x129xf32, #tpu.memory_space<vmem>>
    %dma_wait3A_1155 = tpu.memref_squeeze %dma_wait3A_1154 : memref<1x128x129xf32, #tpu.memory_space<vmem>> -> memref<128x129xf32, #tpu.memory_space<vmem>>
    %dma_wait3A_1156 = arith.constant 112 : i32
    %dma_wait3A_1157 = arith.constant 0 : i32
    %dma_wait3A_1158 = tpu.memref_slice %dma_wait3A_1155[%dma_wait3A_1156, %dma_wait3A_1157] : memref<128x129xf32, #tpu.memory_space<vmem>> -> memref<8x128xf32, #tpu.memory_space<vmem>>
    tpu.wait_dma2 semaphore(%arg16 : memref<!tpu.dma_semaphore, #tpu.memory_space<semaphore_mem>>) src(%dma_wait3A_1158 : memref<8x128xf32, #tpu.memory_space<vmem>>) dst(%dma_wait3A_1151 : memref<8x128xf32, #tpu.memory_space<hbm>>)
    %dma_wait3A_1159 = arith.constant 1 : i32
    %dma_wait3A_1160 = arith.constant 0 : i32
    %dma_wait3A_1161 = arith.constant 0 : i32
    %dma_wait3A_1162 = tpu.memref_slice %arg9[%dma_wait3A_1159, %dma_wait3A_1160, %dma_wait3A_1161] : memref<2x128x129xf32, #tpu.memory_space<vmem>> -> memref<1x128x129xf32, #tpu.memory_space<vmem>>
    %dma_wait3A_1163 = tpu.memref_squeeze %dma_wait3A_1162 : memref<1x128x129xf32, #tpu.memory_space<vmem>> -> memref<128x129xf32, #tpu.memory_space<vmem>>
    %dma_wait3A_1164 = arith.constant 56 : i32
    %dma_wait3A_1165 = arith.constant 0 : i32
    %dma_wait3A_1166 = tpu.memref_slice %dma_wait3A_1163[%dma_wait3A_1164, %dma_wait3A_1165] : memref<128x129xf32, #tpu.memory_space<vmem>> -> memref<8x128xf32, #tpu.memory_space<vmem>>
    %dma_wait3A_1167 = arith.constant 0 : i32
    %dma_wait3A_1168 = tpu.memref_slice %arg5[%add3A_888, %dma_wait3A_1167] : memref<409600x128xf32, #tpu.memory_space<hbm>> -> memref<8x128xf32, #tpu.memory_space<hbm>>
    %dma_wait3A_1169 = arith.constant 0 : i32
    %dma_wait3A_1170 = tpu.memref_slice %arg5[%add3A_888, %dma_wait3A_1169] : memref<409600x128xf32, #tpu.memory_space<hbm>> -> memref<8x128xf32, #tpu.memory_space<hbm>>
    %dma_wait3A_1171 = arith.constant 0 : i32
    %dma_wait3A_1172 = arith.constant 0 : i32
    %dma_wait3A_1173 = tpu.memref_slice %arg9[%dma_wait3A_1159, %dma_wait3A_1171, %dma_wait3A_1172] : memref<2x128x129xf32, #tpu.memory_space<vmem>> -> memref<1x128x129xf32, #tpu.memory_space<vmem>>
    %dma_wait3A_1174 = tpu.memref_squeeze %dma_wait3A_1173 : memref<1x128x129xf32, #tpu.memory_space<vmem>> -> memref<128x129xf32, #tpu.memory_space<vmem>>
    %dma_wait3A_1175 = arith.constant 56 : i32
    %dma_wait3A_1176 = arith.constant 0 : i32
    %dma_wait3A_1177 = tpu.memref_slice %dma_wait3A_1174[%dma_wait3A_1175, %dma_wait3A_1176] : memref<128x129xf32, #tpu.memory_space<vmem>> -> memref<8x128xf32, #tpu.memory_space<vmem>>
    tpu.wait_dma2 semaphore(%arg16 : memref<!tpu.dma_semaphore, #tpu.memory_space<semaphore_mem>>) src(%dma_wait3A_1177 : memref<8x128xf32, #tpu.memory_space<vmem>>) dst(%dma_wait3A_1170 : memref<8x128xf32, #tpu.memory_space<hbm>>)
    %dma_wait3A_1178 = arith.constant 1 : i32
    %dma_wait3A_1179 = arith.constant 0 : i32
    %dma_wait3A_1180 = arith.constant 0 : i32
    %dma_wait3A_1181 = tpu.memref_slice %arg9[%dma_wait3A_1178, %dma_wait3A_1179, %dma_wait3A_1180] : memref<2x128x129xf32, #tpu.memory_space<vmem>> -> memref<1x128x129xf32, #tpu.memory_space<vmem>>
    %dma_wait3A_1182 = tpu.memref_squeeze %dma_wait3A_1181 : memref<1x128x129xf32, #tpu.memory_space<vmem>> -> memref<128x129xf32, #tpu.memory_space<vmem>>
    %dma_wait3A_1183 = arith.constant 120 : i32
    %dma_wait3A_1184 = arith.constant 0 : i32
    %dma_wait3A_1185 = tpu.memref_slice %dma_wait3A_1182[%dma_wait3A_1183, %dma_wait3A_1184] : memref<128x129xf32, #tpu.memory_space<vmem>> -> memref<8x128xf32, #tpu.memory_space<vmem>>
    %dma_wait3A_1186 = arith.constant 0 : i32
    %dma_wait3A_1187 = tpu.memref_slice %arg5[%add3A_892, %dma_wait3A_1186] : memref<409600x128xf32, #tpu.memory_space<hbm>> -> memref<8x128xf32, #tpu.memory_space<hbm>>
    %dma_wait3A_1188 = arith.constant 0 : i32
    %dma_wait3A_1189 = tpu.memref_slice %arg5[%add3A_892, %dma_wait3A_1188] : memref<409600x128xf32, #tpu.memory_space<hbm>> -> memref<8x128xf32, #tpu.memory_space<hbm>>
    %dma_wait3A_1190 = arith.constant 0 : i32
    %dma_wait3A_1191 = arith.constant 0 : i32
    %dma_wait3A_1192 = tpu.memref_slice %arg9[%dma_wait3A_1178, %dma_wait3A_1190, %dma_wait3A_1191] : memref<2x128x129xf32, #tpu.memory_space<vmem>> -> memref<1x128x129xf32, #tpu.memory_space<vmem>>
    %dma_wait3A_1193 = tpu.memref_squeeze %dma_wait3A_1192 : memref<1x128x129xf32, #tpu.memory_space<vmem>> -> memref<128x129xf32, #tpu.memory_space<vmem>>
    %dma_wait3A_1194 = arith.constant 120 : i32
    %dma_wait3A_1195 = arith.constant 0 : i32
    %dma_wait3A_1196 = tpu.memref_slice %dma_wait3A_1193[%dma_wait3A_1194, %dma_wait3A_1195] : memref<128x129xf32, #tpu.memory_space<vmem>> -> memref<8x128xf32, #tpu.memory_space<vmem>>
    tpu.wait_dma2 semaphore(%arg16 : memref<!tpu.dma_semaphore, #tpu.memory_space<semaphore_mem>>) src(%dma_wait3A_1196 : memref<8x128xf32, #tpu.memory_space<vmem>>) dst(%dma_wait3A_1189 : memref<8x128xf32, #tpu.memory_space<hbm>>)
    return
  }
}

</mosaic_0001>

<sc_bundles>
// kernel: kernel.3.cloned.1.call-start
scs
__scs_entry_jumppad:
0x0: {  	(pc) =	sbr.rel $0x88, $3  }
0x1: {  	(tag) =	ssettag $0x0;
	lr =	simm.s32 $0x1  }
0x2: {  	[smem:$0x3F9E] =	sst lr;
	_ =	strace $0xD0000000  }
0x3: {  	_ = 	snop  }
0x4: {  	_ = 	snop  }
0x5: {  	_ = 	snop  }
0x6: {  	_ = 	snop  }
0x7: {  	_ = 	snop  }
__scs_overlays_trampoline_lowered:
0x8: {  	[smem:$0x3FAD] =	sst s0  }
0x9: {  	[smem:$0x3FAE] =	sst s1  }
0xa: {  	[smem:$0x3FAF] =	sst s2  }
0xb: {  	[smem:$0x3FB0] =	sst s3  }
0xc: {  	[smem:$0x3FB1] =	sst s4  }
0xd: {  	[smem:$0x3FB2] =	sst s5  }
0xe: {  	[smem:$0x3FB3] =	sst s6  }
0xf: {  	[smem:$0x3FB4] =	sst s7  }
0x10: {  	[smem:$0x3FB5] =	sst s8  }
0x11: {  	[smem:$0x3FB6] =	sst s9;
	s0 =	simm.s32 @!p0 $0x0  }
0x12: {  	s1 =	sld [smem:$0x3F9C];
	s0 =	simm.s32 @p0 $0x1  }
0x13: {  	[smem:$0x3FB7] =	sst s0;
	s0 =	simm.s32 @!p1 $0x0  }
0x14: {  	s2 =	sld [smem:$0x3F9B];
	s0 =	simm.s32 @p1 $0x1  }
0x15: {  	[smem:$0x3FB8] =	sst s0;
	s0 =	simm.s32 @!p2 $0x0  }
0x16: {  	s3 =	sld [smem:$0x3FDB];
	s0 =	simm.s32 @p2 $0x1  }
0x17: {  	s4 =	simm.s32 $0x1BF5;
	[smem:$0x3FBA] =	sst s0  }
0x18: {  	s0 =	sld [smem:$0x3F9D];
	_ =	swait.ge [sflag:s4], $0x0  }
0x19: {  	s7 =	sld [smem:$0x3F9E]  }
0x1a: {  	s8 =	sadd.s32 $0xFFFFE003, lr  }
0x1b: {  	s9 =	sadd.s32 $0xFFFFFEF7, lr;
	s5 =	simm.s32 $0xFFFFFFFF;
	p2 =	slt.u32 s8, $0xFFFFF086  }
0x1c: {  	p1 =	slt.u32 s9, $0xF7A;
	s5 =	simm.s32 @!p2 $0x0  }
0x1d: {  	s5 =	simm.s32 @p1 $0x1;
	p0 =	seq.s32 s7, s2  }
0x1e: {  	s7 =	smul.u32 @!p0 $0xF7A, s2;
	p2 =	seq.s32 @!p0 s5, $0x0  }
0x1f: {  	s9 =	smul.u32 $0xF7A, s1;
	s8 =	simm.s32 @!p0 $0x1BF5;
	p2 =	por !p2, p0  }
0x20: {  	[sflag:s8] =	ssyncset.s32 @!p0 $0xFFFFF086;
	s6 =	sadd.s32 @!p0 s3, s7;
	s7 =	simm.s32 @!p0 $0x108  }
0x21: {  	s3 =	sadd.s32 s3, s9;
	s6 =	sadd.s32 @!p0 $0x88, s6;
	s7 =	simm.s32 @p2 $0x1082  }
0x22: {  	[simem:s7], [sflag:s8] =	dma.local @!p0 [hbm:s6], $0xF7A  }
0x23: {  	s9 =	sor.u32 $0xD0000000, s2;
	s6 =	simm.s32 $0x108;
	_ =	swait.ge @!p0 [sflag:s8], $0x0  }
0x24: {  	s3 =	sadd.s32 $0x88, s3;
	s6 =	simm.s32 @!p1 $0x1082;
	[sflag:s4] =	ssyncset.s32 $0xFFFFF086  }
0x25: {  	[simem:s6], [sflag:s4] =	dma.local [hbm:s3], $0xF7A  }
0x26: {  	[smem:$0x3F9E] =	sst s1;
	(tag) =	ssettag s2;
	_ =	strace s9  }
0x27: {  	s1 =	sld [smem:$0x3FAE]  }
0x28: {  	s2 =	sld [smem:$0x3FAF]  }
0x29: {  	s4 =	sld [smem:$0x3FB1]  }
0x2a: {  	p0 =	seq.s32 s5, $0x0;
	s5 =	sld [smem:$0x3FB2]  }
0x2b: {  	s6 =	sld [smem:$0x3FB3]  }
0x2c: {  	s7 =	sld [smem:$0x3FB4]  }
0x2d: {  	s3 =	simm.s32 $0x108;
	s8 =	sld [smem:$0x3FB5]  }
0x2e: {  	s3 =	simm.s32 @!p0 $0x1082;
	s9 =	sld [smem:$0x3FB6]  }
0x2f: {  	lr =	sadd.s32 s0, s3;
	s0 =	sld [smem:$0x3FAD]  }
0x30: {  	s3 =	sld [smem:$0x3FB0]  }
0x31: {  	[smem:$0x3FB9] =	sst s10  }
0x32: {  	s10 =	sld [smem:$0x3FB7];
	_ =	sdelay $0x3  }
0x33: {  	p0 =	seq.s32 s10, $0x1;
	s10 =	sld [smem:$0x3FB9];
	_ =	sdelay $0x3  }
0x34: {  	[smem:$0x3FB9] =	sst s10  }
0x35: {  	s10 =	sld [smem:$0x3FB8];
	_ =	sdelay $0x3  }
0x36: {  	p1 =	seq.s32 s10, $0x1;
	s10 =	sld [smem:$0x3FB9];
	_ =	sdelay $0x3  }
0x37: {  	[smem:$0x3FB9] =	sst s10  }
0x38: {  	s10 =	sld [smem:$0x3FBA]  }
0x39: {  	_ = 	snop;
	(pc) =	sbr.ind lr, $3  }
0x3a: {  	_ = 	snop  }
0x3b: {  	_ = 	snop  }
0x3c: {  	p2 =	seq.s32 s10, $0x1;
	s10 =	sld [smem:$0x3FB9]  }
0x3d: {  	_ =	shalt  }
0x3e: {  	_ =	shalt  }
0x3f: {  	_ =	shalt  }
0x40: {  	_ =	shalt  }
0x41: {  	_ =	shalt  }
0x42: {  	_ =	shalt  }
0x43: {  	_ =	shalt  }
0x44: {  	_ =	shalt  }
0x45: {  	_ =	shalt  }
0x46: {  	_ =	shalt  }
0x47: {  	_ =	shalt  }
0x48: {  	_ =	shalt  }
0x49: {  	_ =	shalt  }
0x4a: {  	_ =	shalt  }
0x4b: {  	_ =	shalt  }
0x4c: {  	_ =	shalt  }
0x4d: {  	_ =	shalt  }
0x4e: {  	_ =	shalt  }
0x4f: {  	_ =	shalt  }
0x50: {  	_ =	shalt  }
0x51: {  	_ =	shalt  }
0x52: {  	_ =	shalt  }
0x53: {  	_ =	shalt  }
0x54: {  	_ =	shalt  }
0x55: {  	_ =	shalt  }
0x56: {  	_ =	shalt  }
0x57: {  	_ =	shalt  }
0x58: {  	_ =	shalt  }
0x59: {  	_ =	shalt  }
0x5a: {  	_ =	shalt  }
0x5b: {  	_ =	shalt  }
0x5c: {  	_ =	shalt  }
0x5d: {  	_ =	shalt  }
0x5e: {  	_ =	shalt  }
0x5f: {  	_ =	shalt  }
0x60: {  	_ =	shalt  }
0x61: {  	_ =	shalt  }
0x62: {  	_ =	shalt  }
0x63: {  	_ =	shalt  }
0x64: {  	_ =	shalt  }
0x65: {  	_ =	shalt  }
0x66: {  	_ =	shalt  }
0x67: {  	_ =	shalt  }
0x68: {  	_ =	shalt  }
0x69: {  	_ =	shalt  }
0x6a: {  	_ =	shalt  }
0x6b: {  	_ =	shalt  }
0x6c: {  	_ =	shalt  }
0x6d: {  	_ =	shalt  }
0x6e: {  	_ =	shalt  }
0x6f: {  	_ =	shalt  }
0x70: {  	_ =	shalt  }
0x71: {  	_ =	shalt  }
0x72: {  	_ =	shalt  }
0x73: {  	_ =	shalt  }
0x74: {  	_ =	shalt  }
0x75: {  	_ =	shalt  }
0x76: {  	_ =	shalt  }
0x77: {  	_ =	shalt  }
0x78: {  	_ =	shalt  }
0x79: {  	_ =	shalt  }
0x7a: {  	_ =	shalt  }
0x7b: {  	_ =	shalt  }
0x7c: {  	_ =	shalt  }
0x7d: {  	_ =	shalt  }
0x7e: {  	_ =	shalt  }
0x7f: {  	_ =	shalt  }
0x80: {  	_ =	shalt  }
0x81: {  	_ =	shalt  }
0x82: {  	_ =	shalt  }
0x83: {  	_ =	shalt  }
0x84: {  	_ =	shalt  }
0x85: {  	_ =	shalt  }
0x86: {  	_ =	shalt  }
0x87: {  	_ =	shalt  }
.Lfunc_end0:
.L_simem_size_0:
called_computation_lowered:
.L_overlay_start_0:
0x88: {  	s2 =	sld [smem:$0x3FD9]  }
0x89: {  	s3 =	sld [smem:$0x3FFE];
	_ =	sdelay $0x1  }
0x8a: {  	s1 =	srdreg.scid  }
0x8b: {  	s0 =	sand.u32 $0x1, s1  }
0x8c: {  	s17 =	sshll.u32 s0, $0xA;
	s2 =	sadd.s32 s3, s2  }
0x8d: {  	s2 =	sadd.s32 s2, s17  }
0x8e: {  	[smem:$0x3FC5] =	sst s2  }
0x8f: {  	_ = 	snop  }
0x90: {  	s2 =	sld [smem:$0x3FD0];
	(tm) =	ssettm $0x1  }
0x91: {  	s18 =	sld [smem:$0x3FFB];
	_ =	sdelay $0x3  }
0x92: {  	_ =	strace s18  }
0x93: {  	s3 =	sld [smem:$0x3FFC];
	_ =	sdelay $0x3  }
0x94: {  	_ =	strace s3  }
0x95: {  	s3 =	sld [smem:$0x3FFD];
	_ =	sdelay $0x3  }
0x96: {  	_ =	strace s3  }
0x97: {  	_ =	strace $0x8FFFFFFF  }
0x98: {  	s19 =	sld [smem:$0x3FDB];
	_ =	sdelay $0x1  }
0x99: {  	s4 =	simm.s32 $_scs_section_size  }
0x9a: {  	s5 =	simm.s32 $_size__tile_overlayer_lowered;
	s6 =	simm.s32 $_tile_overlayer_lowered  }
0x9b: {  	s22 =	simm.s32 $0x1BFF;
	s21 =	sshll.u32 s6, $0x1;
	s3 =	sadd.s32 s4, s19  }
0x9c: {  	s7 =	simm.s32 $0x0;
	s20 =	sshll.u32 s5, $0x1;
	s5 =	sadd.s32 s21, s3  }
0x9d: {  	[timem:s7], [sflag:s22] =	dma.local [hbm:s5], s20  }
0x9e: {  	_ =	swait.ge [sflag:s22], s20  }
0x9f: {  	s4 =	ssub.s32 $0x0, s20;
	[sflag:s22] =	ssyncset.done $0x0  }
0xa0: {  	[sflag:s22] =	ssyncadd.s32 s4;
	_ =	sdelay $0x1  }
0xa1: {  	s23 =	simm.s32 $0x1B8B  }
0xa2: {  	_ =	swait.ge [sflag:s23], $0x1  }
0xa3: {  	[sflag:s23] =	ssyncset.done $0x0  }
0xa4: {  	s25 =	simm.s32 $0x1B8E;
	s24 =	sld [smem:$0x3FFE];
	[sflag:s23] =	ssyncadd.s32 $0xFFFFFFFF  }
0xa5: {  	s26 =	simm.s32 $execute0_lowered;
	[smem:$0x3FD2] =	sst s25  }
0xa6: {  	s5 =	sshll.u32 s26, $0x1;
	_ =	strace $0x80000046;
	[dreg:$0x1] =	wrdreg $0xFFFFFFFF  }
0xa7: {  	s28 =	simm.s32 $_size_execute0_lowered;
	s3 =	sadd.s32 s3, s5;
	[dreg:$0x0] =	wrdreg $0x0  }
0xa8: {  	s5 =	sshll.u32 s28, $0x1;
	[dreg:$0x2] =	wrdreg s3  }
0xa9: {  	[dreg:$0x3] =	wrdreg s5  }
0xaa: {  	[dreg:$0x4] =	wrdreg $0xC0  }
0xab: {  	_ =	task [dreg:s7], $0x5FFFF  }
0xac: {  	[dreg:$0x1] =	wrdreg $0xFFFFFFFF  }
0xad: {  	[dreg:$0x0] =	wrdreg $0x60  }
0xae: {  	[dreg:$0x2] =	wrdreg s24  }
0xaf: {  	[dreg:$0x3] =	wrdreg s2  }
0xb0: {  	[dreg:$0x4] =	wrdreg $0x9  }
0xb1: {  	_ =	task.clear_ibuf [dreg:s7], $0x5FFFF;
	_ =	strace $0x90000046  }
0xb2: {  	s29 =	simm.s32 $0x9;
	_ =	strace $0x80000048  }
0xb3: {  	_ =	swait.ge [sflag:s29], $0x1  }
0xb4: {  	[sflag:s29] =	ssyncadd.s32 $0xFFFFFFFF  }
0xb5: {  	_ =	strace $0x90000048  }
0xb6: {  	_ =	sfence  }
0xb7: {  	s30 =	sld [smem:$0x0];
	_ =	sdelay $0x2  }
0xb8: {  	s31 =	sshll.u32 s1, $0xD;
	s1 =	sshrl.u32 s1, $0x2  }
0xb9: {  	s3 =	sand.u32 $0x4000, s31;
	s1 =	sadd.s32 s1, s30  }
0xba: {  	s0 =	sor.u32 s3, s0;
	s1 =	sshll.u32 s1, $0x11  }
0xbb: {  	s0 =	sor.u32 s1, s0  }
0xbc: {  	s0 =	sadd.s32 $0x8F2B, s0  }
0xbd: {  	[sflag:s0] =	ssyncadd.remote.s32 $0x1  }
0xbe: {  	_ =	sfence.sel $0xFFFF  }
0xbf: {  	[dreg:$0x0] =	wrdreg $0xFFFFFFFF;
	(pc) =	sbr.abs _section_cstart, $3  }
0xc0: {  	[dreg:$0x1] =	wrdreg $0xFFFFFFFF  }
0xc1: {  	_ =	task.clear_ibuf [dreg:s7], $0x2FFFF;
	_ =	strace $0x9FFFFFFF  }
0xc2: {  	(tm) =	ssettm $0x7FFFFFFF  }
0xc3: {  	_ =	shalt  }
tec
execute0_lowered:
.L_overlay_start_1:
0x0: {  	(tag) =	ssettag $0x1  }
0x1: {  	s1 =	rddreg [dreg:$0x0]  }
0x2: {  	s4 =	rddreg [dreg:$0x1];
	s3 =	simm.s32 $0x0  }
0x3: {  	[smem:$0x7FF] =	sst s3;
	s7 =	sadd.s32 $0x19800, s1;
	s9 =	sadd.s32 $0x800, s1  }
0x4: {  	s1 =	sadd.s32 $0x400, s1;
	_ =	strace $0x80000047;
	[dreg:$0x3] =	wrdreg s7  }
0x5: {  	[dreg:$0x6] =	wrdreg s1  }
0x6: {  	s14 =	sadd.s32 $0x80, s4;
	[dreg:$0x4] =	wrdreg s9  }
0x7: {  	s15 =	sadd.s32 $0x4000, s4;
	[dreg:$0xa] =	wrdreg s14  }
0x8: {  	s16 =	sadd.s32 $0x4080, s4;
	[dreg:$0xb] =	wrdreg s15  }
0x9: {  	s17 =	sadd.s32 $0x8000, s4;
	[dreg:$0xc] =	wrdreg s16  }
0xa: {  	s18 =	sadd.s32 $0x8080, s4;
	[dreg:$0xd] =	wrdreg s17  }
0xb: {  	s0 =	srdreg.scid;
	s19 =	sadd.s32 $0xC000, s4;
	[dreg:$0xe] =	wrdreg s18  }
0xc: {  	s2 =	stileid.u32;
	s20 =	sadd.s32 $0xC080, s4;
	[dreg:$0xf] =	wrdreg s19  }
0xd: {  	s29 =	simm.s32 $0x10C00;
	s21 =	sadd.s32 $0x10000, s4;
	[dreg:$0x10] =	wrdreg s20  }
0xe: {  	s0 =	sand.u32 $0x1, s0;
	s22 =	sadd.s32 $0x10080, s4;
	[dreg:$0x11] =	wrdreg s21  }
0xf: {  	s2 =	sshll.u32 s2, $0x1;
	s23 =	sadd.s32 $0x14000, s4;
	[dreg:$0x12] =	wrdreg s22  }
0x10: {  	s24 =	sadd.s32 $0x14080, s4;
	s25 =	sadd.s32 $0x18000, s4;
	[dreg:$0x13] =	wrdreg s23  }
0x11: {  	s26 =	sadd.s32 $0x18080, s4;
	s28 =	sadd.s32 $0x1C000, s4;
	[dreg:$0x14] =	wrdreg s24  }
0x12: {  	s30 =	sadd.s32 $0x1C080, s4;
	s2 =	sor.u32 s0, s2;
	[dreg:$0x15] =	wrdreg s25  }
0x13: {  	s4 =	simm.s32 $0x0;
	[dreg:$0x16] =	wrdreg s26;
	s5 =	smul.u32 $0x6400, s2  }
0x14: {  	s0 =	ssub.s32 $0x2, s0;
	[dreg:$0x17] =	wrdreg s28;
	s6 =	smul.u32 $0x2400, s2  }
0x15: {  	[dreg:$0x19] =	wrdreg s30;
	s10 =	sshrl.u32 s0, $0x1;
	s8 =	smul.u32 $0x64, s2  }
0x16: {  	s0 =	ssub.s32 s0, s10;
	s5 =	sand.u32 $0xFC000, s5;
	s6 =	sand.u32 $0x3C00, s6  }
0x17: {  	s13 =	sor.u32 $0x2, s8;
	s0 =	smax.u32 s0, $0x1;
	[dreg:$0x5] =	wrdreg s8  }
.Ltmp0:
0x18: {  	s5 =	sor.u32 s6, s5;
	[dreg:$0x9] =	wrdreg s13;
	(pc) =	sbr.rel .LBB2_1-.Ltmp0, $4  }
0x19: {  	v2 =	vlaneseq.u32;
	s31 =	sor.u32 $0x3, s8;
	[dreg:$0x18] =	wrdreg s0;
	s11 =	sshrl.u32 s5, $0x3  }
0x1a: {  	v3 =	vimm.s32 $0x0;
	vm0 =	vcmask $0x300;
	v0 =	vmul.u32 $0x88, v2;
	s7 =	simm.s32 $0x4400;
	[dreg:$0x1a] =	wrdreg s31;
	s12 =	sadd.s32 s9, s11  }
0x1b: {  	v1 =	vimm.f32 $0.0e+00;
	v2 =	vmul.u32 $0x40, v2;
	v3 =	vsel vm0, $0x3, v3;
	s25 =	simm.s32 $0x8400;
	[dreg:$0x7] =	wrdreg s12;
	s1 =	sadd.s32 $0x20, s12  }
0x1c: {  	s2 =	simm.s32 $0xC800;
	v4 =	vadd.s32 $0x880, v0;
	v5 =	vadd.s32 $0x1100, v0;
	v6 =	vadd.s32 $0x1980, v0;
	s9 =	simm.s32 $0x400;
	[dreg:$0x8] =	wrdreg s1  }
.LBB2_25:
0x1d: {  	s0 =	simm.s32 $0x2  }
0x1e: {  	_ =	swait.ge [sflag:s0], $0x100  }
0x1f: {  	[sflag:s0] =	ssyncset.done $0x0  }
0x20: {  	s28 =	simm.s32 $0x3;
	[sflag:s0] =	ssyncadd.s32 $0xFFFFFF00  }
0x21: {  	_ =	swait.ge [sflag:s28], $0x2000  }
0x22: {  	[sflag:s28] =	ssyncset.done $0x0  }
0x23: {  	[sflag:s28] =	ssyncadd.s32 $0xFFFFE000  }
0x24: {  	_ =	swait.ge [sflag:s28], $0x2000  }
0x25: {  	[sflag:s28] =	ssyncset.done $0x0  }
0x26: {  	s30 =	simm.s32 $0x5;
	[sflag:s28] =	ssyncadd.s32 $0xFFFFE000  }
0x27: {  	_ =	swait.ge [sflag:s30], $0x400  }
0x28: {  	[sflag:s30] =	ssyncset.done $0x0  }
0x29: {  	[sflag:s30] =	ssyncadd.s32 $0xFFFFFC00  }
0x2a: {  	_ =	swait.ge [sflag:s30], $0x400  }
0x2b: {  	[sflag:s30] =	ssyncset.done $0x0  }
0x2c: {  	[sflag:s30] =	ssyncadd.s32 $0xFFFFFC00  }
0x2d: {  	_ =	swait.ge [sflag:s30], $0x400  }
0x2e: {  	[sflag:s30] =	ssyncset.done $0x0  }
0x2f: {  	[sflag:s30] =	ssyncadd.s32 $0xFFFFFC00  }
0x30: {  	_ =	swait.ge [sflag:s30], $0x400  }
0x31: {  	[sflag:s30] =	ssyncset.done $0x0  }
0x32: {  	[sflag:s30] =	ssyncadd.s32 $0xFFFFFC00  }
0x33: {  	_ =	swait.ge [sflag:s30], $0x400  }
0x34: {  	[sflag:s30] =	ssyncset.done $0x0  }
0x35: {  	[sflag:s30] =	ssyncadd.s32 $0xFFFFFC00  }
0x36: {  	_ =	swait.ge [sflag:s30], $0x400  }
0x37: {  	[sflag:s30] =	ssyncset.done $0x0  }
0x38: {  	[sflag:s30] =	ssyncadd.s32 $0xFFFFFC00  }
0x39: {  	_ =	swait.ge [sflag:s30], $0x400  }
0x3a: {  	[sflag:s30] =	ssyncset.done $0x0  }
0x3b: {  	[sflag:s30] =	ssyncadd.s32 $0xFFFFFC00  }
0x3c: {  	_ =	swait.ge [sflag:s30], $0x400  }
0x3d: {  	[sflag:s30] =	ssyncset.done $0x0  }
0x3e: {  	[sflag:s30] =	ssyncadd.s32 $0xFFFFFC00  }
0x3f: {  	_ =	swait.ge [sflag:s30], $0x400  }
0x40: {  	[sflag:s30] =	ssyncset.done $0x0  }
0x41: {  	[sflag:s30] =	ssyncadd.s32 $0xFFFFFC00  }
0x42: {  	_ =	swait.ge [sflag:s30], $0x400  }
0x43: {  	[sflag:s30] =	ssyncset.done $0x0  }
0x44: {  	[sflag:s30] =	ssyncadd.s32 $0xFFFFFC00  }
0x45: {  	_ =	swait.ge [sflag:s30], $0x400  }
0x46: {  	[sflag:s30] =	ssyncset.done $0x0  }
0x47: {  	[sflag:s30] =	ssyncadd.s32 $0xFFFFFC00  }
0x48: {  	_ =	swait.ge [sflag:s30], $0x400  }
0x49: {  	[sflag:s30] =	ssyncset.done $0x0  }
0x4a: {  	[sflag:s30] =	ssyncadd.s32 $0xFFFFFC00  }
0x4b: {  	_ =	swait.ge [sflag:s30], $0x400  }
0x4c: {  	[sflag:s30] =	ssyncset.done $0x0  }
0x4d: {  	[sflag:s30] =	ssyncadd.s32 $0xFFFFFC00  }
0x4e: {  	_ =	swait.ge [sflag:s30], $0x400  }
0x4f: {  	[sflag:s30] =	ssyncset.done $0x0  }
0x50: {  	[sflag:s30] =	ssyncadd.s32 $0xFFFFFC00  }
0x51: {  	_ =	swait.ge [sflag:s30], $0x400  }
0x52: {  	[sflag:s30] =	ssyncset.done $0x0  }
0x53: {  	[sflag:s30] =	ssyncadd.s32 $0xFFFFFC00  }
0x54: {  	_ =	swait.ge [sflag:s30], $0x400  }
0x55: {  	[sflag:s30] =	ssyncset.done $0x0  }
0x56: {  	s1 =	simm.s32 $0x6;
	[sflag:s30] =	ssyncadd.s32 $0xFFFFFC00  }
0x57: {  	_ =	swait.ge [sflag:s1], $0x400  }
0x58: {  	[sflag:s1] =	ssyncset.done $0x0  }
0x59: {  	[sflag:s1] =	ssyncadd.s32 $0xFFFFFC00  }
0x5a: {  	_ =	swait.ge [sflag:s1], $0x400  }
0x5b: {  	[sflag:s1] =	ssyncset.done $0x0  }
0x5c: {  	[sflag:s1] =	ssyncadd.s32 $0xFFFFFC00  }
0x5d: {  	_ =	swait.ge [sflag:s1], $0x400  }
0x5e: {  	[sflag:s1] =	ssyncset.done $0x0  }
0x5f: {  	[sflag:s1] =	ssyncadd.s32 $0xFFFFFC00  }
0x60: {  	_ =	swait.ge [sflag:s1], $0x400  }
0x61: {  	[sflag:s1] =	ssyncset.done $0x0  }
0x62: {  	[sflag:s1] =	ssyncadd.s32 $0xFFFFFC00  }
0x63: {  	_ =	swait.ge [sflag:s1], $0x400  }
0x64: {  	[sflag:s1] =	ssyncset.done $0x0  }
0x65: {  	[sflag:s1] =	ssyncadd.s32 $0xFFFFFC00  }
0x66: {  	_ =	swait.ge [sflag:s1], $0x400  }
0x67: {  	[sflag:s1] =	ssyncset.done $0x0  }
0x68: {  	[sflag:s1] =	ssyncadd.s32 $0xFFFFFC00  }
0x69: {  	_ =	swait.ge [sflag:s1], $0x400  }
0x6a: {  	[sflag:s1] =	ssyncset.done $0x0  }
0x6b: {  	[sflag:s1] =	ssyncadd.s32 $0xFFFFFC00  }
0x6c: {  	_ =	swait.ge [sflag:s1], $0x400  }
0x6d: {  	[sflag:s1] =	ssyncset.done $0x0  }
0x6e: {  	[sflag:s1] =	ssyncadd.s32 $0xFFFFFC00  }
0x6f: {  	_ =	swait.ge [sflag:s1], $0x400  }
0x70: {  	[sflag:s1] =	ssyncset.done $0x0  }
0x71: {  	[sflag:s1] =	ssyncadd.s32 $0xFFFFFC00  }
0x72: {  	_ =	swait.ge [sflag:s1], $0x400  }
0x73: {  	[sflag:s1] =	ssyncset.done $0x0  }
0x74: {  	[sflag:s1] =	ssyncadd.s32 $0xFFFFFC00  }
0x75: {  	_ =	swait.ge [sflag:s1], $0x400  }
0x76: {  	[sflag:s1] =	ssyncset.done $0x0  }
0x77: {  	[sflag:s1] =	ssyncadd.s32 $0xFFFFFC00  }
0x78: {  	_ =	swait.ge [sflag:s1], $0x400  }
0x79: {  	[sflag:s1] =	ssyncset.done $0x0  }
0x7a: {  	[sflag:s1] =	ssyncadd.s32 $0xFFFFFC00  }
0x7b: {  	_ =	swait.ge [sflag:s1], $0x400  }
0x7c: {  	[sflag:s1] =	ssyncset.done $0x0  }
0x7d: {  	[sflag:s1] =	ssyncadd.s32 $0xFFFFFC00  }
0x7e: {  	_ =	swait.ge [sflag:s1], $0x400  }
0x7f: {  	[sflag:s1] =	ssyncset.done $0x0  }
0x80: {  	[sflag:s1] =	ssyncadd.s32 $0xFFFFFC00  }
0x81: {  	_ =	swait.ge [sflag:s1], $0x400  }
0x82: {  	[sflag:s1] =	ssyncset.done $0x0  }
0x83: {  	[sflag:s1] =	ssyncadd.s32 $0xFFFFFC00  }
0x84: {  	_ =	swait.ge [sflag:s1], $0x400  }
0x85: {  	s4 =	rddreg [dreg:$0x1b]  }
0x86: {  	s31 =	rddreg [dreg:$0x18];
	s4 =	sadd.s32 $0x1, s4  }
0x87: {  	p0 =	sne.s32 s4, s31  }
.Ltmp1:
0x88: {  	_ = 	snop;
	(pc) =	sbr.rel @!p0 .LBB2_26-.Ltmp1, $3  }
0x89: {  	_ =	sdelay $0x1  }
0x8a: {  	[sflag:s1] =	ssyncset.done $0x0  }
0x8b: {  	[sflag:s1] =	ssyncadd.s32 $0xFFFFFC00  }
.LBB2_1:
0x8c: {  	[dreg:$0x1b] =	wrdreg s4  }
0x8d: {  	s0 =	rddreg [dreg:$0x6];
	s21 =	simm.s32 $0x7  }
0x8e: {  	[tilespmem:s29], [sflag:$0x7] =	stream.linear.gather [hbm4b:s0+s3], $0x1900, $0x38;
	[tilespmem:$0x12500] =	vst v63  }
0x8f: {  	_ =	swait.ge [sflag:s21], $0x1900  }
0x90: {  	[sflag:s21] =	ssyncset.done $0x0  }
0x91: {  	s22 =	rddreg [dreg:$0x7];
	[sflag:s21] =	ssyncadd.s32 $0xFFFFE700  }
0x92: {  	[tilespmem:s3], [sflag:$0x1] =	stream.linear.gather [hbm4b:s22+s3], $0x100, $0x38;
	[tilespmem:$0x12500] =	vst v63  }
0x93: {  	s1 =	simm.s32 $0x100;
	s24 =	simm.s32 $0x1;
	s23 =	rddreg [dreg:$0x8]  }
0x94: {  	[tilespmem:s1], [sflag:$0x2] =	stream.linear.gather [hbm4b:s23+s3], $0x100, $0x38;
	[tilespmem:$0x12500] =	vst v63  }
0x95: {  	_ =	swait.ge [sflag:s24], $0x100  }
0x96: {  	[sflag:s24] =	ssyncset.done $0x0  }
0x97: {  	s26 =	simm.s32 $0x20;
	[sflag:s24] =	ssyncadd.s32 $0xFFFFFF00  }
0x98: {  	v7 =	vld [tilespmem:s26+$0x0];
	_ =	sdelay $0x4  }
0x99: {  	vm0 =	vgt.s32 v7, $0x1869F  }
0x9a: {  	v9 =	vld [tilespmem:s26+$0xFFFFFFE0];
	v8 =	vsel vm0, $0x3F800000, v1  }
0x9b: {  	(xrf0) =	vmax.scan.msk.f32 $0xffff, v8;
	v8 =	vld [tilespmem:s26+$0xFFFFFFF0];
	_ =	sdelay $0x1  }
0x9c: {  	s28 =	simm.s32 $0x60;
	v10 =	vld [tilespmem:s26+$0x10]  }
0x9d: {  	v11 =	vld [tilespmem:s28+$0x0]  }
0x9e: {  	v12 =	vld [tilespmem:s28+$0xFFFFFFE0];
	vm2 =	vgt.s32 v9, $0x1869F  }
0x9f: {  	v13 =	vld [tilespmem:s28+$0xFFFFFFF0];
	v14 =	vsel vm2, $0x3F800000, v1;
	vm3 =	vgt.s32 v8, $0x1869F  }
0xa0: {  	v56 =	vld [tilespmem:s28+$0x10];
	v15, _, _ =	vpop (xrf0);
	(xrf0) =	vmax.scan.msk.f32 $0xffff, v14;
	v55 =	vsel vm3, $0x3F800000, v1  }
0xa1: {  	vm4 =	vgt.s32 v10, $0x1869F;
	(xrf0) =	vmax.scan.msk.f32 $0xffff, v55  }
0xa2: {  	v57 =	vsel vm4, $0x3F800000, v1  }
0xa3: {  	vm1 =	vgt.s32 v11, $0x1869F;
	vm5 =	vgt.s32 v12, $0x1869F;
	v9 =	vsel vm2, $0x1869F, v9;
	(xrf0) =	vmax.scan.msk.f32 $0xffff, v57  }
0xa4: {  	s30 =	simm.s32 $0x220;
	vm6 =	vgt.s32 v13, $0x1869F;
	v58 =	vsel vm1, $0x3F800000, v1;
	v7 =	vsel vm0, $0x1869F, v7  }
0xa5: {  	s5 =	simm.s32 $0xA0;
	v59 =	vsel vm5, $0x3F800000, v1;
	vm2 =	vgt.s32 v56, $0x1869F;
	[tilespmem:s30+$0xFFFFFFE0] =	vst v9;
	v8 =	vsel vm3, $0x1869F, v8  }
0xa6: {  	v61 =	vld [tilespmem:s5+$0x0];
	(v2sf) =	vpush v15, $0xF;
	[tilespmem:s30+$0xFFFFFFF0] =	vst v8;
	v8 =	vsel vm2, $0x3F800000, v1;
	(xrf0) =	vmax.scan.msk.f32 $0xffff, v58;
	v9, _, _ =	vpop (xrf0)  }
0xa7: {  	v60 =	vsel vm6, $0x3F800000, v1;
	[tilespmem:s30+$0x0] =	vst v7;
	(xrf0) =	vmax.scan.msk.f32 $0xffff, v59;
	(v2sf) =	vpush v9, $0xF;
	v7, _, _ =	vpop (xrf0)  }
0xa8: {  	(xrf0) =	vmax.scan.msk.f32 $0xffff, v60;
	(v2sf) =	vpush v7, $0xF  }
0xa9: {  	(xrf0) =	vmax.scan.msk.f32 $0xffff, v8;
	v8, _, _ =	vpop (xrf0)  }
0xaa: {  	(v2sf) =	vpush v8, $0xF  }
0xab: {  	s31 =	simm.s32 $0x260;
	v11 =	vsel vm1, $0x1869F, v11;
	vm0 =	vgt.s32 v61, $0x1869F  }
0xac: {  	[tilespmem:s31+$0x0] =	vst v11;
	v11 =	vsel vm0, $0x3F800000, v1;
	v8, _, _ =	vpop (xrf0)  }
0xad: {  	v10 =	vsel vm4, $0x1869F, v10;
	v9 =	vld [tilespmem:s5+$0xFFFFFFE0];
	(v2sf) =	vpush v8, $0xF;
	v8, _, _ =	vpop (xrf0)  }
0xae: {  	[tilespmem:s30+$0x10] =	vst v10;
	v10 =	vld [tilespmem:s5+$0xFFFFFFF0];
	(v2sf) =	vpush v8, $0xF;
	v8, _, _ =	vpop (xrf0)  }
0xaf: {  	v7 =	vsel vm6, $0x1869F, v13;
	(xrf0) =	vmax.scan.msk.f32 $0xffff, v11;
	(v2sf) =	vpush v8, $0xF;
	v11, _, _ =	vpop (xrf0)  }
0xb0: {  	[tilespmem:s31+$0xFFFFFFF0] =	vst v7;
	v7 =	vld [tilespmem:s5+$0x10];
	(v2sf) =	vpush v11, $0xF;
	_ =	sdelay $0x1  }
0xb1: {  	v12 =	vsel vm5, $0x1869F, v12;
	v62 =	vsel vm2, $0x1869F, v56;
	vm1 =	vgt.s32 v9, $0x1869F  }
0xb2: {  	[tilespmem:s31+$0xFFFFFFE0] =	vst v12;
	v9 =	vsel vm1, $0x1869F, v9;
	v63 =	vsel vm1, $0x3F800000, v1;
	vm1 =	vgt.s32 v10, $0x1869F  }
0xb3: {  	p0 =	por $0x0, $0x0;
	s1 =	simm.s32 $0x2A0;
	[tilespmem:s31+$0x10] =	vst v62;
	v8 =	vsel vm1, $0x1869F, v10;
	v10 =	vsel vm1, $0x3F800000, v1;
	(xrf0) =	vmax.scan.msk.f32 $0xffff, v63  }
0xb4: {  	s6 =	simm.s32 $0xE0;
	s5 =	simm.s32 $0x8;
	[tilespmem:s1+$0xFFFFFFE0] =	vst v9;
	v9 =	vsel vm0, $0x1869F, v61;
	vm0 =	vgt.s32 v7, $0x1869F;
	(xrf0) =	vmax.scan.msk.f32 $0xffff, v10;
	s10 =	spop (v2sf)  }
.LBB2_2:
0xb5: {  	v10 =	vld [tilespmem:s6+$0x0];
	[tilespmem:s1+$0xFFFFFFF0] =	vst v8;
	v7 =	vsel vm0, $0x1869F, v7;
	v8 =	vsel vm0, $0x3F800000, v1;
	s11 =	spop (v2sf)  }
0xb6: {  	v11 =	vld [tilespmem:s6+$0xFFFFFFE0];
	[tilespmem:s1+$0x0] =	vst v9;
	(xrf0) =	vmax.scan.msk.f32 $0xffff, v8;
	s12 =	spop (v2sf)  }
0xb7: {  	s5 =	sadd.s32 $0x4, s5;
	p2 =	sgt.f32 s11, $0.0e+00;
	v8 =	vld [tilespmem:s6+$0xFFFFFFF0];
	[tilespmem:s1+$0x10] =	vst v7;
	p3 =	sgt.f32 s12, $0.0e+00  }
0xb8: {  	p4 =	sgt.f32 s10, $0.0e+00;
	p1 =	slt.u32 s5, $0xC;
	v9, _, _ =	vpop (xrf0);
	s10 =	spop (v2sf)  }
0xb9: {  	v7 =	vld [tilespmem:s6+$0x10];
	v12, _, _ =	vpop (xrf0);
	(v2sf) =	vpush v9, $0xF;
	p2 =	por p2, p3;
	p3 =	sgt.f32 s10, $0.0e+00  }
.Ltmp2:
0xba: {  	vm0 =	vgt.s32 v10, $0x1869F;
	(v2sf) =	vpush v12, $0xF;
	v9, _, _ =	vpop (xrf0);
	p2 =	por p2, p4;
	(pc) =	sbr.rel @p1 .LBB2_2-.Ltmp2, $4  }
0xbb: {  	vm1 =	vgt.s32 v11, $0x1869F;
	v13 =	vsel vm0, $0x3F800000, v1;
	(v2sf) =	vpush v9, $0xF;
	p2 =	por p2, p3  }
0xbc: {  	v9 =	vsel vm1, $0x1869F, v11;
	v11 =	vsel vm1, $0x3F800000, v1;
	vm1 =	vgt.s32 v8, $0x1869F;
	(xrf0) =	vmax.scan.msk.f32 $0xffff, v13;
	v12, _, _ =	vpop (xrf0);
	p0 =	por p0, p2  }
0xbd: {  	s1 =	sadd.s32 $0x40, s1;
	v8 =	vsel vm1, $0x1869F, v8;
	v13 =	vsel vm1, $0x3F800000, v1;
	(xrf0) =	vmax.scan.msk.f32 $0xffff, v11;
	(v2sf) =	vpush v12, $0xF  }
0xbe: {  	s6 =	sadd.s32 $0x40, s6;
	[tilespmem:s1+$0xFFFFFFE0] =	vst v9;
	v9 =	vsel vm0, $0x1869F, v10;
	vm0 =	vgt.s32 v7, $0x1869F;
	(xrf0) =	vmax.scan.msk.f32 $0xffff, v13;
	s10 =	spop (v2sf)  }
0xbf: {  	_ = 	snop  }
0xc0: {  	v10 =	vsel vm0, $0x3F800000, v1  }
0xc1: {  	(xrf0) =	vmax.scan.msk.f32 $0xffff, v10  }
0xc2: {  	v60, _, _ =	vpop (xrf0)  }
0xc3: {  	(v2sf) =	vpush v60, $0xF;
	v61, _, _ =	vpop (xrf0)  }
0xc4: {  	(v2sf) =	vpush v61, $0xF;
	v62, _, _ =	vpop (xrf0)  }
0xc5: {  	(v2sf) =	vpush v62, $0xF;
	_ =	sdelay $0x1  }
0xc6: {  	[tilespmem:s1+$0xFFFFFFF0] =	vst v8;
	v63, _, _ =	vpop (xrf0)  }
0xc7: {  	v7 =	vsel vm0, $0x1869F, v7;
	[tilespmem:s1+$0x0] =	vst v9;
	(v2sf) =	vpush v63, $0xF  }
0xc8: {  	s5 =	spop (v2sf);
	s4 =	simm.s32 $0x80;
	[tilespmem:s1+$0x10] =	vst v7  }
0xc9: {  	s28 =	simm.s32 $0x200;
	s6 =	spop (v2sf);
	s0 =	rddreg [dreg:$0x3]  }
0xca: {  	[tilespmem:s9], [sflag:$0x3] =	stream.indirect.gather [hbm4b:s0+s4], $0x40, s28, s4, $0xb8;
	[tilespmem:$0x12500] =	vst v63  }
0xcb: {  	s30 =	simm.s32 $0x280;
	s31 =	simm.s32 $0x2400;
	s17 =	spop (v2sf)  }
0xcc: {  	[tilespmem:s31], [sflag:$0x3] =	stream.indirect.gather [hbm4b:s0+s4], $0x40, s30, s4, $0xb8;
	[tilespmem:$0x12500] =	vst v63  }
0xcd: {  	s18 =	spop (v2sf)  }
0xce: {  	p3 =	sgt.f32 s10, $0.0e+00;
	s19 =	spop (v2sf)  }
0xcf: {  	p1 =	sgt.f32 s5, $0.0e+00;
	s20 =	spop (v2sf)  }
0xd0: {  	p2 =	sgt.f32 s6, $0.0e+00;
	s21 =	spop (v2sf)  }
0xd1: {  	p5 =	sgt.f32 s19, $0.0e+00;
	s22 =	spop (v2sf)  }
0xd2: {  	p1 =	por p1, p2;
	p6 =	sgt.f32 s20, $0.0e+00;
	s23 =	spop (v2sf)  }
0xd3: {  	p4 =	sgt.f32 s17, $0.0e+00;
	p1 =	por p1, p3;
	s24 =	spop (v2sf)  }
0xd4: {  	p5 =	por p5, p6;
	p3 =	sgt.f32 s23, $0.0e+00;
	p6 =	sgt.f32 s24, $0.0e+00  }
0xd5: {  	p1 =	por p1, p4;
	p2 =	sgt.f32 s18, $0.0e+00;
	p4 =	sgt.f32 s21, $0.0e+00  }
0xd6: {  	s26 =	spop (v2sf);
	p3 =	por p3, p6;
	p6 =	sgt.f32 s22, $0.0e+00  }
0xd7: {  	p2 =	por p5, p2;
	p5 =	sgt.f32 s26, $0.0e+00  }
0xd8: {  	p0 =	por p0, p1;
	p1 =	por p2, p4;
	p4 =	por p3, p6  }
0xd9: {  	p0 =	por p0, p1;
	p6 =	por p4, p5  }
0xda: {  	s8 =	simm.s32 $0x0;
	p0 =	por p0, p6  }
.LBB2_4:
0xdb: {  	s0 =	simm.s32 $0x3  }
0xdc: {  	_ =	swait.ge [sflag:s0], $0x2000  }
.Ltmp3:
0xdd: {  	[sflag:s0] =	ssyncset.done $0x0;
	(pc) =	sbr.rel @p0 .LBB2_5-.Ltmp3, $4  }
0xde: {  	[sflag:s0] =	ssyncadd.s32 $0xFFFFE000  }
0xdf: {  	_ =	swait.ge [sflag:s0], $0x2000  }
0xe0: {  	[sflag:s0] =	ssyncset.done $0x0  }
0xe1: {  	s1 =	simm.s32 $0x0;
	[sflag:s0] =	ssyncadd.s32 $0xFFFFE000  }
.LBB2_10:
0xe2: {  	s0 =	sshll.u32 s8, $0x1  }
0xe3: {  	s22 =	rddreg [dreg:$0x9];
	s1 =	smin.u32 s0, $0x61  }
0xe4: {  	s1 =	sadd.s32 s1, s22  }
0xe5: {  	s23 =	rddreg [dreg:$0x4];
	s1 =	sshll.u32 s1, $0x5  }
0xe6: {  	s24 =	simm.s32 $0x2;
	[dreg:$0x1d] =	wrdreg s0;
	s1 =	sadd.s32 s23, s1  }
0xe7: {  	[tilespmem:s3], [sflag:$0x1] =	stream.linear.gather [hbm4b:s1+s3], $0x100, $0x38;
	[tilespmem:$0x12500] =	vst v63  }
0xe8: {  	_ =	swait.ge [sflag:s24], $0x100  }
0xe9: {  	[sflag:s24] =	ssyncset.done $0x0  }
0xea: {  	s26 =	simm.s32 $0x130;
	[sflag:s24] =	ssyncadd.s32 $0xFFFFFF00  }
0xeb: {  	v7 =	vld [tilespmem:s26+$0xFFFFFFF0];
	_ =	sdelay $0x4  }
0xec: {  	vm0 =	vgt.s32 v7, $0x1869F  }
0xed: {  	v9 =	vld [tilespmem:s26+$0xFFFFFFD0];
	v8 =	vsel vm0, $0x3F800000, v1  }
0xee: {  	(xrf0) =	vmax.scan.msk.f32 $0xffff, v8;
	v8 =	vld [tilespmem:s26+$0xFFFFFFE0];
	_ =	sdelay $0x1  }
0xef: {  	s28 =	simm.s32 $0x170;
	v10 =	vld [tilespmem:s26+$0x0]  }
0xf0: {  	v11 =	vld [tilespmem:s28+$0xFFFFFFF0]  }
0xf1: {  	v12 =	vld [tilespmem:s28+$0xFFFFFFD0];
	vm2 =	vgt.s32 v9, $0x1869F  }
0xf2: {  	v13 =	vld [tilespmem:s28+$0xFFFFFFE0];
	v14 =	vsel vm2, $0x3F800000, v1;
	vm3 =	vgt.s32 v8, $0x1869F  }
0xf3: {  	v56 =	vld [tilespmem:s28+$0x0];
	v15, _, _ =	vpop (xrf0);
	(xrf0) =	vmax.scan.msk.f32 $0xffff, v14;
	v55 =	vsel vm3, $0x3F800000, v1  }
0xf4: {  	vm4 =	vgt.s32 v10, $0x1869F;
	(xrf0) =	vmax.scan.msk.f32 $0xffff, v55  }
0xf5: {  	v57 =	vsel vm4, $0x3F800000, v1  }
0xf6: {  	vm1 =	vgt.s32 v11, $0x1869F;
	vm5 =	vgt.s32 v12, $0x1869F;
	v9 =	vsel vm2, $0x1869F, v9;
	(xrf0) =	vmax.scan.msk.f32 $0xffff, v57  }
0xf7: {  	s30 =	simm.s32 $0x330;
	vm6 =	vgt.s32 v13, $0x1869F;
	v58 =	vsel vm1, $0x3F800000, v1;
	v7 =	vsel vm0, $0x1869F, v7  }
0xf8: {  	s5 =	simm.s32 $0x1B0;
	v59 =	vsel vm5, $0x3F800000, v1;
	vm2 =	vgt.s32 v56, $0x1869F;
	[tilespmem:s30+$0xFFFFFFD0] =	vst v9;
	v8 =	vsel vm3, $0x1869F, v8  }
0xf9: {  	v61 =	vld [tilespmem:s5+$0xFFFFFFF0];
	(v2sf) =	vpush v15, $0xF;
	[tilespmem:s30+$0xFFFFFFE0] =	vst v8;
	v8 =	vsel vm2, $0x3F800000, v1;
	(xrf0) =	vmax.scan.msk.f32 $0xffff, v58;
	v9, _, _ =	vpop (xrf0)  }
0xfa: {  	v60 =	vsel vm6, $0x3F800000, v1;
	[tilespmem:s30+$0xFFFFFFF0] =	vst v7;
	(xrf0) =	vmax.scan.msk.f32 $0xffff, v59;
	(v2sf) =	vpush v9, $0xF;
	v7, _, _ =	vpop (xrf0)  }
0xfb: {  	(xrf0) =	vmax.scan.msk.f32 $0xffff, v60;
	(v2sf) =	vpush v7, $0xF  }
0xfc: {  	(xrf0) =	vmax.scan.msk.f32 $0xffff, v8;
	v8, _, _ =	vpop (xrf0)  }
0xfd: {  	(v2sf) =	vpush v8, $0xF  }
0xfe: {  	s31 =	simm.s32 $0x370;
	v11 =	vsel vm1, $0x1869F, v11;
	vm0 =	vgt.s32 v61, $0x1869F  }
0xff: {  	[tilespmem:s31+$0xFFFFFFF0] =	vst v11;
	v11 =	vsel vm0, $0x3F800000, v1;
	v8, _, _ =	vpop (xrf0)  }
0x100: {  	v10 =	vsel vm4, $0x1869F, v10;
	v9 =	vld [tilespmem:s5+$0xFFFFFFD0];
	(v2sf) =	vpush v8, $0xF;
	v8, _, _ =	vpop (xrf0)  }
0x101: {  	[tilespmem:s30+$0x0] =	vst v10;
	v10 =	vld [tilespmem:s5+$0xFFFFFFE0];
	(v2sf) =	vpush v8, $0xF;
	v8, _, _ =	vpop (xrf0)  }
0x102: {  	v7 =	vsel vm6, $0x1869F, v13;
	(xrf0) =	vmax.scan.msk.f32 $0xffff, v11;
	(v2sf) =	vpush v8, $0xF;
	v11, _, _ =	vpop (xrf0)  }
0x103: {  	[tilespmem:s31+$0xFFFFFFE0] =	vst v7;
	v7 =	vld [tilespmem:s5+$0x0];
	(v2sf) =	vpush v11, $0xF;
	_ =	sdelay $0x1  }
0x104: {  	v12 =	vsel vm5, $0x1869F, v12;
	v62 =	vsel vm2, $0x1869F, v56;
	vm1 =	vgt.s32 v9, $0x1869F  }
0x105: {  	[tilespmem:s31+$0xFFFFFFD0] =	vst v12;
	v9 =	vsel vm1, $0x1869F, v9;
	v63 =	vsel vm1, $0x3F800000, v1;
	vm1 =	vgt.s32 v10, $0x1869F  }
0x106: {  	p1 =	por $0x0, $0x0;
	[tilespmem:s31+$0x0] =	vst v62;
	s5 =	simm.s32 $0x3B0;
	v8 =	vsel vm1, $0x1869F, v10;
	v10 =	vsel vm1, $0x3F800000, v1;
	(xrf0) =	vmax.scan.msk.f32 $0xffff, v63  }
0x107: {  	s6 =	simm.s32 $0x8;
	s11 =	simm.s32 $0x1F0;
	[tilespmem:s5+$0xFFFFFFD0] =	vst v9;
	v9 =	vsel vm0, $0x1869F, v61;
	vm0 =	vgt.s32 v7, $0x1869F;
	(xrf0) =	vmax.scan.msk.f32 $0xffff, v10;
	s1 =	spop (v2sf)  }
.LBB2_11:
0x108: {  	v10 =	vld [tilespmem:s11+$0xFFFFFFF0];
	[tilespmem:s5+$0xFFFFFFE0] =	vst v8;
	v7 =	vsel vm0, $0x1869F, v7;
	v8 =	vsel vm0, $0x3F800000, v1;
	s12 =	spop (v2sf)  }
0x109: {  	v11 =	vld [tilespmem:s11+$0xFFFFFFD0];
	[tilespmem:s5+$0xFFFFFFF0] =	vst v9;
	(xrf0) =	vmax.scan.msk.f32 $0xffff, v8;
	s13 =	spop (v2sf)  }
0x10a: {  	s6 =	sadd.s32 $0x4, s6;
	p2 =	sgt.f32 s12, $0.0e+00;
	v8 =	vld [tilespmem:s11+$0xFFFFFFE0];
	[tilespmem:s5+$0x0] =	vst v7;
	p3 =	sgt.f32 s13, $0.0e+00  }
0x10b: {  	p4 =	sgt.f32 s1, $0.0e+00;
	p0 =	slt.u32 s6, $0xC;
	v9, _, _ =	vpop (xrf0);
	s1 =	spop (v2sf)  }
0x10c: {  	v7 =	vld [tilespmem:s11+$0x0];
	v12, _, _ =	vpop (xrf0);
	(v2sf) =	vpush v9, $0xF;
	p2 =	por p2, p3;
	p3 =	sgt.f32 s1, $0.0e+00  }
.Ltmp4:
0x10d: {  	vm0 =	vgt.s32 v10, $0x1869F;
	(v2sf) =	vpush v12, $0xF;
	v9, _, _ =	vpop (xrf0);
	p2 =	por p2, p4;
	(pc) =	sbr.rel @p0 .LBB2_11-.Ltmp4, $4  }
0x10e: {  	vm1 =	vgt.s32 v11, $0x1869F;
	v13 =	vsel vm0, $0x3F800000, v1;
	(v2sf) =	vpush v9, $0xF;
	p2 =	por p2, p3  }
0x10f: {  	v9 =	vsel vm1, $0x1869F, v11;
	v11 =	vsel vm1, $0x3F800000, v1;
	vm1 =	vgt.s32 v8, $0x1869F;
	(xrf0) =	vmax.scan.msk.f32 $0xffff, v13;
	v12, _, _ =	vpop (xrf0);
	p1 =	por p1, p2  }
0x110: {  	s5 =	sadd.s32 $0x40, s5;
	v8 =	vsel vm1, $0x1869F, v8;
	v13 =	vsel vm1, $0x3F800000, v1;
	(xrf0) =	vmax.scan.msk.f32 $0xffff, v11;
	(v2sf) =	vpush v12, $0xF  }
0x111: {  	s11 =	sadd.s32 $0x40, s11;
	[tilespmem:s5+$0xFFFFFFD0] =	vst v9;
	v9 =	vsel vm0, $0x1869F, v10;
	vm0 =	vgt.s32 v7, $0x1869F;
	(xrf0) =	vmax.scan.msk.f32 $0xffff, v13;
	s1 =	spop (v2sf)  }
0x112: {  	v10 =	vsel vm0, $0x3F800000, v1  }
0x113: {  	(xrf0) =	vmax.scan.msk.f32 $0xffff, v10;
	_ =	sdelay $0x2  }
0x114: {  	v10, _, _ =	vpop (xrf0)  }
0x115: {  	(v2sf) =	vpush v10, $0xF;
	v10, _, _ =	vpop (xrf0)  }
0x116: {  	(v2sf) =	vpush v10, $0xF;
	v10, _, _ =	vpop (xrf0)  }
0x117: {  	(v2sf) =	vpush v10, $0xF;
	v10, _, _ =	vpop (xrf0)  }
0x118: {  	(v2sf) =	vpush v10, $0xF  }
0x119: {  	[tilespmem:s5+$0xFFFFFFE0] =	vst v8  }
0x11a: {  	v7 =	vsel vm0, $0x1869F, v7;
	[tilespmem:s5+$0xFFFFFFF0] =	vst v9  }
0x11b: {  	s19 =	spop (v2sf);
	s4 =	simm.s32 $0x80;
	[tilespmem:s5+$0x0] =	vst v7  }
0x11c: {  	s24 =	simm.s32 $0x300;
	s20 =	spop (v2sf);
	s0 =	rddreg [dreg:$0x3]  }
0x11d: {  	[tilespmem:s7], [sflag:$0x4] =	stream.indirect.gather [hbm4b:s0+s4], $0x40, s24, s4, $0xb8;
	[tilespmem:$0x12500] =	vst v63  }
0x11e: {  	s26 =	simm.s32 $0x380;
	s6 =	simm.s32 $0x6400;
	s18 =	spop (v2sf)  }
0x11f: {  	[tilespmem:s6], [sflag:$0x4] =	stream.indirect.gather [hbm4b:s0+s4], $0x40, s26, s4, $0xb8;
	[tilespmem:$0x12500] =	vst v63  }
0x120: {  	s15 =	spop (v2sf)  }
0x121: {  	s16 =	spop (v2sf)  }
0x122: {  	s17 =	spop (v2sf)  }
0x123: {  	s14 =	spop (v2sf)  }
0x124: {  	s31 =	spop (v2sf)  }
0x125: {  	s12 =	spop (v2sf)  }
0x126: {  	p0 =	seq.s32 s8, $0x0;
	s13 =	spop (v2sf)  }
0x127: {  	s21 =	simm.s32 @!p0 $0x5;
	[dreg:$0x1c] =	wrdreg s8;
	s11 =	spop (v2sf)  }
0x128: {  	_ =	swait.ge @!p0 [sflag:s21], $0x400  }
0x129: {  	[sflag:s21] =	ssyncset.done @!p0 $0x0  }
0x12a: {  	[sflag:s21] =	ssyncadd.s32 @!p0 $0xFFFFFC00  }
0x12b: {  	_ =	swait.ge @!p0 [sflag:s21], $0x400  }
0x12c: {  	[sflag:s21] =	ssyncset.done @!p0 $0x0  }
0x12d: {  	[sflag:s21] =	ssyncadd.s32 @!p0 $0xFFFFFC00  }
0x12e: {  	_ =	swait.ge @!p0 [sflag:s21], $0x400  }
0x12f: {  	[sflag:s21] =	ssyncset.done @!p0 $0x0  }
0x130: {  	[sflag:s21] =	ssyncadd.s32 @!p0 $0xFFFFFC00  }
0x131: {  	_ =	swait.ge @!p0 [sflag:s21], $0x400  }
0x132: {  	[sflag:s21] =	ssyncset.done @!p0 $0x0  }
0x133: {  	[sflag:s21] =	ssyncadd.s32 @!p0 $0xFFFFFC00  }
0x134: {  	_ =	swait.ge @!p0 [sflag:s21], $0x400  }
0x135: {  	[sflag:s21] =	ssyncset.done @!p0 $0x0  }
0x136: {  	[sflag:s21] =	ssyncadd.s32 @!p0 $0xFFFFFC00  }
0x137: {  	_ =	swait.ge @!p0 [sflag:s21], $0x400  }
0x138: {  	[sflag:s21] =	ssyncset.done @!p0 $0x0  }
0x139: {  	[sflag:s21] =	ssyncadd.s32 @!p0 $0xFFFFFC00  }
0x13a: {  	_ =	swait.ge @!p0 [sflag:s21], $0x400  }
0x13b: {  	[sflag:s21] =	ssyncset.done @!p0 $0x0  }
0x13c: {  	[sflag:s21] =	ssyncadd.s32 @!p0 $0xFFFFFC00  }
0x13d: {  	_ =	swait.ge @!p0 [sflag:s21], $0x400  }
0x13e: {  	[sflag:s21] =	ssyncset.done @!p0 $0x0  }
0x13f: {  	[sflag:s21] =	ssyncadd.s32 @!p0 $0xFFFFFC00  }
0x140: {  	_ =	swait.ge @!p0 [sflag:s21], $0x400  }
0x141: {  	[sflag:s21] =	ssyncset.done @!p0 $0x0  }
0x142: {  	[sflag:s21] =	ssyncadd.s32 @!p0 $0xFFFFFC00  }
0x143: {  	_ =	swait.ge @!p0 [sflag:s21], $0x400  }
0x144: {  	[sflag:s21] =	ssyncset.done @!p0 $0x0  }
0x145: {  	[sflag:s21] =	ssyncadd.s32 @!p0 $0xFFFFFC00  }
0x146: {  	_ =	swait.ge @!p0 [sflag:s21], $0x400  }
0x147: {  	[sflag:s21] =	ssyncset.done @!p0 $0x0  }
0x148: {  	[sflag:s21] =	ssyncadd.s32 @!p0 $0xFFFFFC00  }
0x149: {  	_ =	swait.ge @!p0 [sflag:s21], $0x400  }
0x14a: {  	s28 =	simm.s32 $0x0;
	s22 =	simm.s32 $0x1;
	[sflag:s21] =	ssyncset.done @!p0 $0x0  }
0x14b: {  	s23 =	simm.s32 $0x2;
	s30 =	simm.s32 $0x6;
	[sflag:s21] =	ssyncadd.s32 @!p0 $0xFFFFFC00  }
0x14c: {  	s10 =	simm.s32 $0x7;
	s22 =	sand.u32 $0x78, s22;
	_ =	swait.ge @!p0 [sflag:s21], $0x400  }
0x14d: {  	s23 =	sand.u32 $0x78, s23;
	s30 =	sand.u32 $0x78, s30;
	[sflag:s21] =	ssyncset.done @!p0 $0x0  }
0x14e: {  	s8 =	simm.s32 $0x5;
	v17 =	vmov s22;
	v18 =	vmov s23;
	s24 =	simm.s32 $0x3;
	[sflag:s21] =	ssyncadd.s32 @!p0 $0xFFFFFC00  }
0x14f: {  	v22 =	vmov s30;
	v17 =	vshrl.u32 v17, $0x3;
	v18 =	vshrl.u32 v18, $0x3;
	s24 =	sand.u32 $0x78, s24;
	s4 =	simm.s32 $0x0;
	_ =	swait.ge @!p0 [sflag:s21], $0x400  }
0x150: {  	v22 =	vshrl.u32 v22, $0x3;
	v17 =	vshll.u32 v17, v3;
	v18 =	vshll.u32 v18, v3;
	s6 =	sand.u32 $0x78, s4;
	s4 =	sand.u32 $0x40, s28;
	[sflag:s21] =	ssyncset.done @!p0 $0x0  }
0x151: {  	v22 =	vshll.u32 v22, v3;
	s0 =	sand.u32 $0x78, s8;
	s8 =	sand.u32 $0x78, s10;
	v19 =	vmov s24;
	v23 =	vmov s4;
	[sflag:s21] =	ssyncadd.s32 @!p0 $0xFFFFFC00  }
0x152: {  	v17 =	vbroadcast v17, $0x0;
	v24 =	vmov s8;
	v23 =	vmul.u32 $0x88, v23;
	_ =	swait.ge @!p0 [sflag:s21], $0x400  }
0x153: {  	s26 =	simm.s32 $0x4;
	v18 =	vbroadcast v18, $0x0;
	v22 =	vbroadcast v22, $0x0;
	v24 =	vshrl.u32 v24, $0x3;
	[sflag:s21] =	ssyncset.done @!p0 $0x0  }
0x154: {  	s26 =	sand.u32 $0x78, s26;
	v21 =	vmov s0;
	v24 =	vshll.u32 v24, v3;
	v23 =	vbroadcast v23, $0x0;
	[sflag:s21] =	ssyncadd.s32 @!p0 $0xFFFFFC00  }
0x155: {  	v19 =	vshrl.u32 v19, $0x3;
	v20 =	vmov s26;
	s26 =	simm.s32 $0xC;
	v24 =	vbroadcast v24, $0x0;
	_ =	swait.ge @!p0 [sflag:s21], $0x400  }
0x156: {  	v16 =	vmov s6;
	v21 =	vshrl.u32 v21, $0x3;
	s23 =	sand.u32 $0x78, s26;
	v25 =	vadd.s32 v0, v23;
	[sflag:s21] =	ssyncset.done @!p0 $0x0  }
0x157: {  	v19 =	vshll.u32 v19, v3;
	v13 =	vmov s23;
	s23 =	simm.s32 $0x500;
	v26 =	vadd.s32 v24, v25;
	[sflag:s21] =	ssyncadd.s32 @!p0 $0xFFFFFC00  }
0x158: {  	v20 =	vshrl.u32 v20, $0x3;
	v21 =	vshll.u32 v21, v3;
	v26 =	vor.u32 $0x7, v26;
	v27 =	vld [tilespmem:s23+$0xC0]  }
0x159: {  	v19 =	vbroadcast v19, $0x0;
	v20 =	vshll.u32 v20, v3;
	v28 =	vadd.s32 v17, v25  }
0x15a: {  	v20 =	vbroadcast v20, $0x0;
	v29 =	vadd.s32 v18, v25;
	v28 =	vor.u32 $0x1, v28;
	v30 =	vld [tilespmem:s23+$0xFFFFFF40]  }
0x15b: {  	v21 =	vbroadcast v21, $0x0;
	v31 =	vadd.s32 v19, v25;
	v29 =	vor.u32 $0x2, v29;
	v32 =	vld [tilespmem:s23+$0xFFFFFF80]  }
0x15c: {  	v34 =	vadd.s32 v4, v23;
	v33 =	vadd.s32 v20, v25;
	v31 =	vor.u32 $0x3, v31;
	v35 =	vld [tilespmem:s23+$0xFFFFFFC0]  }
0x15d: {  	v16 =	vshrl.u32 v16, $0x3;
	v33 =	vor.u32 $0x4, v33;
	v36 =	vld [tilespmem:s23+$0x0];
	[tilespmem:v26+s25+$0x0] =	vst.idx.msk $0xffff, v27;
	v26 =	vadd.s32 v24, v34  }
0x15e: {  	v16 =	vshll.u32 v16, v3;
	v27 =	vadd.s32 v21, v25;
	v38 =	vld [tilespmem:s23+$0xD0];
	v26 =	vor.u32 $0x7, v26  }
0x15f: {  	v16 =	vbroadcast v16, $0x0;
	v37 =	vadd.s32 v22, v25;
	[tilespmem:v28+s25+$0x0] =	vst.idx.msk $0xffff, v30;
	v28 =	vld [tilespmem:s23+$0x40];
	v27 =	vor.u32 $0x5, v27  }
0x160: {  	v30 =	vor.u32 $0x6, v37;
	[tilespmem:v29+s25+$0x0] =	vst.idx.msk $0xffff, v32;
	v29 =	vld [tilespmem:s23+$0x80]  }
0x161: {  	v61 =	vadd.s32 v18, v34;
	v62 =	vld [tilespmem:s23+$0xFFFFFF00];
	v25 =	vadd.s32 v16, v25;
	[tilespmem:v31+s25+$0x0] =	vst.idx.msk $0xffff, v35  }
0x162: {  	v46 =	vadd.s32 v5, v23;
	v39 =	vadd.s32 v17, v34;
	v31 =	vor.u32 $0x2, v61;
	[tilespmem:v33+s25+$0x0] =	vst.idx.msk $0xffff, v36;
	v49 =	vld [tilespmem:s23+$0xFFFFFF90]  }
0x163: {  	s10 =	simm.s32 $0x9;
	v39 =	vor.u32 $0x1, v39;
	v45 =	vld [tilespmem:s23+$0xFFFFFF50];
	[tilespmem:v26+s25+$0x0] =	vst.idx.msk $0xffff, v38;
	v26 =	vadd.s32 v24, v46  }
0x164: {  	s24 =	simm.s32 $0xB;
	s10 =	sand.u32 $0x78, s10;
	v40 =	vadd.s32 v19, v34;
	[tilespmem:v27+s25+$0x0] =	vst.idx.msk $0xffff, v28;
	v27 =	vld [tilespmem:s23+$0xE0];
	v26 =	vor.u32 $0x7, v26  }
0x165: {  	s5 =	simm.s32 $0x8;
	s0 =	sand.u32 $0x78, s24;
	v14 =	vmov s10;
	v41 =	vadd.s32 v20, v34;
	v63 =	vor.u32 $0x3, v40;
	v52 =	vld [tilespmem:s23+$0xFFFFFFD0];
	[tilespmem:v30+s25+$0x0] =	vst.idx.msk $0xffff, v29  }
0x166: {  	s28 =	simm.s32 $0xA;
	s6 =	sand.u32 $0x78, s5;
	v12 =	vmov s0;
	v47 =	vadd.s32 v22, v34;
	v48 =	vor.u32 $0x4, v41;
	v53 =	vld [tilespmem:s23+$0x10];
	[tilespmem:v25+s25+$0x0] =	vst.idx.msk $0xffff, v62  }
0x167: {  	s22 =	sand.u32 $0x78, s28;
	v15 =	vmov s6;
	v23 =	vadd.s32 v6, v23;
	v28 =	vor.u32 $0x6, v47;
	[tilespmem:v31+s25+$0x0] =	vst.idx.msk $0xffff, v49;
	v31 =	vld [tilespmem:s23+$0x90]  }
0x168: {  	v11 =	vmov s22;
	v42 =	vadd.s32 v21, v34;
	v34 =	vadd.s32 v16, v34;
	[tilespmem:v39+s25+$0x0] =	vst.idx.msk $0xffff, v45;
	v57 =	vld [tilespmem:s23+$0xFFFFFF10]  }
0x169: {  	v14 =	vshrl.u32 v14, $0x3;
	v50 =	vor.u32 $0x5, v42;
	v24 =	vadd.s32 v24, v23;
	v55 =	vld [tilespmem:s23+$0x50];
	[tilespmem:v26+s25+$0x0] =	vst.idx.msk $0xffff, v27  }
0x16a: {  	v51 =	vadd.s32 v17, v46;
	v43 =	vadd.s32 v18, v46;
	[tilespmem:v63+s25+$0x0] =	vst.idx.msk $0xffff, v52;
	v24 =	vor.u32 $0x7, v24;
	v27 =	vld [tilespmem:s23+$0xF0]  }
0x16b: {  	v12 =	vshrl.u32 v12, $0x3;
	v54 =	vadd.s32 v21, v46;
	v56 =	vadd.s32 v22, v46;
	[tilespmem:v48+s25+$0x0] =	vst.idx.msk $0xffff, v53  }
0x16c: {  	p2 =	sgt.f32 s18, $0.0e+00;
	v17 =	vadd.s32 v17, v23;
	v43 =	vor.u32 $0x2, v43;
	v30 =	vor.u32 $0x1, v51;
	v58 =	vld [tilespmem:s23+$0xFFFFFF60];
	[tilespmem:v28+s25+$0x0] =	vst.idx.msk $0xffff, v31  }
0x16d: {  	s28 =	simm.s32 $0xD;
	v59 =	vor.u32 $0x1, v17;
	v17 =	vadd.s32 v20, v23;
	v29 =	vadd.s32 v19, v46;
	v60 =	vld [tilespmem:s23+$0xFFFFFFA0];
	[tilespmem:v34+s25+$0x0] =	vst.idx.msk $0xffff, v57  }
0x16e: {  	s0 =	simm.s32 @!p2 $0x0;
	s26 =	sand.u32 $0x78, s28;
	v25 =	vadd.s32 v20, v46;
	v20 =	vadd.s32 v21, v23;
	v29 =	vor.u32 $0x3, v29;
	v21 =	vld [tilespmem:s23+$0xFFFFFFE0];
	[tilespmem:v50+s25+$0x0] =	vst.idx.msk $0xffff, v55  }
0x16f: {  	p4 =	sgt.f32 s19, $0.0e+00;
	p6 =	sgt.f32 s20, $0.0e+00;
	s0 =	simm.s32 @p2 $0x1;
	v9 =	vmov s26;
	v18 =	vadd.s32 v18, v23;
	v22 =	vadd.s32 v22, v23;
	v28 =	vld [tilespmem:s23+$0x20];
	[tilespmem:v24+s25+$0x0] =	vst.idx.msk $0xffff, v27  }
0x170: {  	v61 =	vor.u32 $0x2, v18;
	v25 =	vor.u32 $0x4, v25;
	v18 =	vor.u32 $0x5, v20;
	v20 =	vld [tilespmem:s23+$0x60];
	[smem:$0x7FD] =	sst s0  }
0x171: {  	p5 =	sgt.f32 s1, $0.0e+00;
	s30 =	simm.s32 $0xF;
	p4 =	por p4, p6;
	v32 =	vor.u32 $0x5, v54;
	v19 =	vadd.s32 v19, v23;
	v39 =	vor.u32 $0x6, v56;
	[tilespmem:v30+s25+$0x0] =	vst.idx.msk $0xffff, v58  }
0x172: {  	s28 =	simm.s32 $0xE;
	s6 =	simm.s32 $0x4;
	s22 =	sand.u32 $0x78, s30;
	v62 =	vor.u32 $0x3, v19;
	v19 =	vor.u32 $0x4, v17;
	v17 =	vor.u32 $0x6, v22;
	v22 =	vld [tilespmem:s23+$0xA0];
	[tilespmem:v43+s25+$0x0] =	vst.idx.msk $0xffff, v60  }
0x173: {  	s8 =	sand.u32 $0x78, s28;
	v10 =	vmov s22;
	v15 =	vshrl.u32 v15, $0x3;
	p3 =	sgt.f32 s16, $0.0e+00;
	p6 =	sgt.f32 s17, $0.0e+00;
	v26 =	vadd.s32 v16, v46;
	v24 =	vld [tilespmem:s23+$0xFFFFFF20];
	[tilespmem:v29+s25+$0x0] =	vst.idx.msk $0xffff, v21  }
0x174: {  	s10 =	sand.u32 $0x40, s6;
	v11 =	vshrl.u32 v11, $0x3;
	v14 =	vshll.u32 v14, v3;
	v12 =	vshll.u32 v12, v3;
	p2 =	sgt.f32 s15, $0.0e+00;
	s0 =	sld [smem:$0x7FD]  }
0x175: {  	v8 =	vmov s8;
	v7 =	vmov s10;
	v13 =	vshrl.u32 v13, $0x3;
	p3 =	por p3, p6;
	[tilespmem:v25+s25+$0x0] =	vst.idx.msk $0xffff, v28  }
0x176: {  	p4 =	por p4, p5;
	v15 =	vshll.u32 v15, v3;
	v9 =	vshrl.u32 v9, $0x3;
	v11 =	vshll.u32 v11, v3;
	p6 =	por p3, p2;
	[tilespmem:v32+s25+$0x0] =	vst.idx.msk $0xffff, v20  }
0x177: {  	v13 =	vshll.u32 v13, v3;
	p2 =	sgt.f32 s12, $0.0e+00;
	p3 =	sgt.f32 s13, $0.0e+00;
	v16 =	vadd.s32 v16, v23;
	v29 =	vmul.u32 $0x88, v7;
	v30 =	vld [tilespmem:s23+$0xFFFFFF70];
	p5 =	seq.s32 s0, $0x1;
	[tilespmem:v39+s25+$0x0] =	vst.idx.msk $0xffff, v22  }
0x178: {  	v27 =	vshrl.u32 v8, $0x3;
	v8 =	vbroadcast v11, $0x0;
	v11 =	vshrl.u32 v10, $0x3;
	v31 =	vld [tilespmem:s23+$0xFFFFFFB0];
	p5 =	por p4, p5;
	p4 =	sgt.f32 s14, $0.0e+00;
	[tilespmem:v26+s25+$0x0] =	vst.idx.msk $0xffff, v24  }
0x179: {  	p2 =	por p2, p3;
	v21 =	vshll.u32 v9, v3;
	v9 =	vbroadcast v14, $0x0;
	v63 =	vld [tilespmem:s23+$0xFFFFFFF0];
	v14 =	vbroadcast v29, $0x0;
	p1 =	por p1, p5;
	s24 =	rddreg [dreg:$0x5]  }
0x17a: {  	v10 =	vbroadcast v12, $0x0;
	v12 =	vshll.u32 v11, v3;
	v11 =	vbroadcast v13, $0x0;
	v23 =	vld [tilespmem:s23+$0x30];
	s10 =	rddreg [dreg:$0x1d];
	p4 =	por p6, p4;
	p6 =	sgt.f32 s31, $0.0e+00  }
0x17b: {  	v7 =	vbroadcast v15, $0x0;
	v15 =	vbroadcast v12, $0x0;
	v25 =	vadd.s32 v0, v14;
	v22 =	vld [tilespmem:s23+$0x70];
	s0 =	sadd.s32 s24, s10;
	s30 =	sor.u32 $0x1, s10;
	p1 =	por p1, p4  }
0x17c: {  	v20 =	vshll.u32 v27, v3;
	v13 =	vbroadcast v21, $0x0;
	v26 =	vadd.s32 v9, v25;
	v24 =	vld [tilespmem:s23+$0xB0];
	[tilespmem:v59+s25+$0x0] =	vst.idx.msk $0xffff, v30;
	s26 =	sshll.u32 s0, $0xB;
	p2 =	por p2, p6;
	p6 =	sgt.f32 s11, $0.0e+00  }
0x17d: {  	v12 =	vbroadcast v20, $0x0;
	v29 =	vadd.s32 v8, v25;
	v20 =	vadd.s32 v15, v25;
	v21 =	vld [tilespmem:s23+$0xFFFFFF30];
	[tilespmem:v61+s25+$0x0] =	vst.idx.msk $0xffff, v31;
	s0 =	sshll.u32 s0, $0x8;
	s11 =	simm.s32 $0x700;
	s28 =	sand.u32 $0x1FFE0000, s26  }
0x17e: {  	v33 =	vadd.s32 v10, v25;
	v32 =	vadd.s32 v11, v25;
	v28 =	vor.u32 $0x7, v20;
	s0 =	sand.u32 $0x3E00, s0;
	v27 =	vld [tilespmem:s11+$0xC0];
	[dreg:$0x1e] =	wrdreg s30;
	p2 =	por p2, p6  }
0x17f: {  	v26 =	vor.u32 $0x1, v26;
	v31 =	vadd.s32 v13, v25;
	v30 =	vadd.s32 v12, v25;
	s31 =	sor.u32 s0, s28;
	v20 =	vld [tilespmem:s11+$0xFFFFFF00];
	[tilespmem:v62+s25+$0x0] =	vst.idx.msk $0xffff, v63;
	p1 =	por p1, p2  }
.LBB2_13:
0x180: {  	s0 =	sadd.s32 $0x9, s5;
	v34 =	vld [tilespmem:s11+$0xFFFFFF40];
	v29 =	vor.u32 $0x2, v29;
	v33 =	vor.u32 $0x3, v33;
	v32 =	vor.u32 $0x4, v32;
	[tilespmem:v19+s25+$0x0] =	vst.idx.msk $0xffff, v23;
	s12 =	smov.u32 s5;
	s5 =	sadd.s32 $0x8, s5  }
0x181: {  	v19 =	vadd.s32 v7, v25;
	v25 =	vor.u32 $0x5, v31;
	v30 =	vor.u32 $0x6, v30;
	s4 =	sand.u32 $0x78, s5;
	s0 =	sand.u32 $0x78, s0;
	s8 =	sadd.s32 $0xA, s12;
	v23 =	vld [tilespmem:s11+$0xFFFFFF80];
	[tilespmem:v18+s25+$0x0] =	vst.idx.msk $0xffff, v22  }
0x182: {  	p2 =	slt.u32 s5, $0xF8;
	v18 =	vadd.s32 v4, v14;
	v22 =	vmov s4;
	v31 =	vmov s0;
	s0 =	sand.u32 $0x78, s8;
	v35 =	vld [tilespmem:s11+$0xFFFFFFC0];
	[tilespmem:v17+s25+$0x0] =	vst.idx.msk $0xffff, v24  }
0x183: {  	v17 =	vadd.s32 v9, v18;
	v24 =	vmov s0;
	v36 =	vld [tilespmem:s11+$0x0];
	[tilespmem:v28+s25+$0x0] =	vst.idx.msk $0xffff, v27;
	v27 =	vadd.s32 v15, v18  }
0x184: {  	v37 =	vadd.s32 v10, v18;
	v28 =	vadd.s32 v8, v18;
	v38 =	vld [tilespmem:s11+$0xD0];
	v27 =	vor.u32 $0x7, v27;
	[tilespmem:v16+s25+$0x0] =	vst.idx.msk $0xffff, v21  }
0x185: {  	v16 =	vor.u32 $0x1, v17;
	v17 =	vadd.s32 v11, v18;
	[tilespmem:v26+s25+$0x0] =	vst.idx.msk $0xffff, v34;
	v21 =	vld [tilespmem:s11+$0x40];
	v26 =	vadd.s32 v13, v18  }
0x186: {  	s0 =	sadd.s32 $0xB, s12;
	v34 =	vadd.s32 v12, v18;
	[tilespmem:v29+s25+$0x0] =	vst.idx.msk $0xffff, v23;
	v23 =	vor.u32 $0x2, v28;
	v28 =	vor.u32 $0x3, v37;
	v29 =	vld [tilespmem:s11+$0x80]  }
0x187: {  	s4 =	sadd.s32 $0xC, s12;
	s0 =	sand.u32 $0x78, s0;
	v17 =	vor.u32 $0x4, v17;
	v26 =	vor.u32 $0x5, v26;
	v37 =	vld [tilespmem:s11+$0xFFFFFF50];
	[tilespmem:v33+s25+$0x0] =	vst.idx.msk $0xffff, v35;
	v33 =	vor.u32 $0x6, v34  }
0x188: {  	v34 =	vmov s0;
	s0 =	sand.u32 $0x78, s4;
	v35 =	vadd.s32 v7, v18;
	v18 =	vadd.s32 v5, v14;
	v39 =	vld [tilespmem:s11+$0xFFFFFF90];
	[tilespmem:v32+s25+$0x0] =	vst.idx.msk $0xffff, v36  }
0x189: {  	v32 =	vmov s0;
	v36 =	vadd.s32 v9, v18;
	v40 =	vld [tilespmem:s11+$0xFFFFFFD0];
	[tilespmem:v27+s25+$0x0] =	vst.idx.msk $0xffff, v38;
	v27 =	vadd.s32 v15, v18  }
0x18a: {  	v41 =	vadd.s32 v10, v18;
	v38 =	vadd.s32 v8, v18;
	[tilespmem:v25+s25+$0x0] =	vst.idx.msk $0xffff, v21;
	v21 =	vld [tilespmem:s11+$0xE0];
	v25 =	vor.u32 $0x7, v27  }
0x18b: {  	v42 =	vadd.s32 v11, v18;
	v43 =	vadd.s32 v13, v18;
	v27 =	vor.u32 $0x1, v36;
	v36 =	vld [tilespmem:s11+$0x10];
	[tilespmem:v30+s25+$0x0] =	vst.idx.msk $0xffff, v29  }
0x18c: {  	s0 =	sadd.s32 $0xD, s12;
	v29 =	vor.u32 $0x3, v41;
	v30 =	vadd.s32 v12, v18;
	[tilespmem:v19+s25+$0x0] =	vst.idx.msk $0xffff, v20;
	v20 =	vor.u32 $0x2, v38;
	v19 =	vld [tilespmem:s11+$0x50]  }
0x18d: {  	s4 =	sadd.s32 $0xE, s12;
	s0 =	sand.u32 $0x78, s0;
	v38 =	vor.u32 $0x5, v43;
	v30 =	vor.u32 $0x6, v30;
	[tilespmem:v16+s25+$0x0] =	vst.idx.msk $0xffff, v37;
	v37 =	vor.u32 $0x4, v42;
	v16 =	vld [tilespmem:s11+$0x90]  }
0x18e: {  	v14 =	vadd.s32 v6, v14;
	v41 =	vmov s0;
	s0 =	sand.u32 $0x78, s4;
	v43 =	vadd.s32 v7, v18;
	v42 =	vld [tilespmem:s11+$0xFFFFFF10];
	[tilespmem:v23+s25+$0x0] =	vst.idx.msk $0xffff, v39  }
0x18f: {  	v9 =	vadd.s32 v9, v14;
	v15 =	vadd.s32 v15, v14;
	v23 =	vmov s0;
	v39 =	vld [tilespmem:s11+$0xFFFFFF60];
	[tilespmem:v25+s25+$0x0] =	vst.idx.msk $0xffff, v21  }
0x190: {  	v10 =	vadd.s32 v10, v14;
	v8 =	vadd.s32 v8, v14;
	v15 =	vor.u32 $0x7, v15;
	[tilespmem:v28+s25+$0x0] =	vst.idx.msk $0xffff, v40;
	v21 =	vld [tilespmem:s11+$0xF0]  }
0x191: {  	v11 =	vadd.s32 v11, v14;
	v13 =	vadd.s32 v13, v14;
	v28 =	vor.u32 $0x1, v9;
	v9 =	vld [tilespmem:s11+$0xFFFFFFA0];
	[tilespmem:v17+s25+$0x0] =	vst.idx.msk $0xffff, v36  }
0x192: {  	v40 =	vor.u32 $0x3, v10;
	v10 =	vadd.s32 v12, v14;
	v36 =	vor.u32 $0x2, v8;
	v8 =	vld [tilespmem:s11+$0xFFFFFFE0];
	[tilespmem:v26+s25+$0x0] =	vst.idx.msk $0xffff, v19  }
0x193: {  	v18 =	vor.u32 $0x5, v13;
	v17 =	vor.u32 $0x6, v10;
	v19 =	vor.u32 $0x4, v11;
	v12 =	vld [tilespmem:s11+$0x20];
	[tilespmem:v33+s25+$0x0] =	vst.idx.msk $0xffff, v16  }
0x194: {  	v10 =	vshrl.u32 v22, $0x3;
	v11 =	vshrl.u32 v31, $0x3;
	v16 =	vadd.s32 v7, v14;
	[tilespmem:v35+s25+$0x0] =	vst.idx.msk $0xffff, v42;
	v13 =	vld [tilespmem:s11+$0x60]  }
0x195: {  	v22 =	vshrl.u32 v32, $0x3;
	v7 =	vshrl.u32 v24, $0x3;
	v14 =	vshrl.u32 v34, $0x3;
	v24 =	vld [tilespmem:s11+$0xA0];
	[tilespmem:v15+s25+$0x0] =	vst.idx.msk $0xffff, v21  }
0x196: {  	s6 =	sadd.s32 $0x4, s6;
	v10 =	vshll.u32 v10, v3;
	v11 =	vshll.u32 v11, v3;
	v15 =	vshrl.u32 v41, $0x3;
	v21 =	vld [tilespmem:s11+$0xFFFFFF20];
	[tilespmem:v27+s25+$0x0] =	vst.idx.msk $0xffff, v39  }
0x197: {  	s4 =	sadd.s32 $0xF, s12;
	s0 =	sand.u32 $0x40, s6;
	v25 =	vshll.u32 v7, v3;
	v26 =	vshll.u32 v14, v3;
	v27 =	vshrl.u32 v23, $0x3;
	v31 =	vld [tilespmem:s11+$0xFFFFFF70];
	[tilespmem:v20+s25+$0x0] =	vst.idx.msk $0xffff, v9  }
0x198: {  	v7 =	vmov s0;
	s0 =	sand.u32 $0x78, s4;
	v32 =	vshll.u32 v15, v3;
	v20 =	vshll.u32 v22, v3;
	v34 =	vld [tilespmem:s11+$0xFFFFFFB0];
	[tilespmem:v29+s25+$0x0] =	vst.idx.msk $0xffff, v8  }
0x199: {  	v14 =	vmul.u32 $0x88, v7;
	v7 =	vbroadcast v10, $0x0;
	v10 =	vmov s0;
	v35 =	vld [tilespmem:s11+$0xFFFFFFF0];
	[tilespmem:v37+s25+$0x0] =	vst.idx.msk $0xffff, v12  }
0x19a: {  	v9 =	vbroadcast v11, $0x0;
	v11 =	vshrl.u32 v10, $0x3;
	v8 =	vbroadcast v25, $0x0;
	v23 =	vld [tilespmem:s11+$0x30];
	[tilespmem:v38+s25+$0x0] =	vst.idx.msk $0xffff, v13  }
0x19b: {  	v14 =	vbroadcast v14, $0x0;
	v10 =	vbroadcast v26, $0x0;
	v12 =	vshll.u32 v11, v3;
	v22 =	vld [tilespmem:s11+$0x70];
	[tilespmem:v30+s25+$0x0] =	vst.idx.msk $0xffff, v24  }
.Ltmp5:
0x19c: {  	v11 =	vbroadcast v20, $0x0;
	v20 =	vshll.u32 v27, v3;
	v15 =	vbroadcast v12, $0x0;
	[tilespmem:v43+s25+$0x0] =	vst.idx.msk $0xffff, v21;
	v24 =	vld [tilespmem:s11+$0xB0];
	(pc) =	sbr.rel @p2 .LBB2_13-.Ltmp5, $4  }
0x19d: {  	v25 =	vadd.s32 v0, v14;
	v13 =	vbroadcast v32, $0x0;
	v12 =	vbroadcast v20, $0x0;
	v21 =	vld [tilespmem:s11+$0xFFFFFF30];
	[tilespmem:v28+s25+$0x0] =	vst.idx.msk $0xffff, v31  }
0x19e: {  	v26 =	vadd.s32 v9, v25;
	v29 =	vadd.s32 v8, v25;
	v20 =	vadd.s32 v15, v25;
	s11 =	sadd.s32 $0x200, s11  }
0x19f: {  	v33 =	vadd.s32 v10, v25;
	v32 =	vadd.s32 v11, v25;
	v28 =	vor.u32 $0x7, v20;
	v27 =	vld [tilespmem:s11+$0xC0];
	[tilespmem:v36+s25+$0x0] =	vst.idx.msk $0xffff, v34  }
0x1a0: {  	v26 =	vor.u32 $0x1, v26;
	v30 =	vadd.s32 v12, v25;
	v31 =	vadd.s32 v13, v25;
	v20 =	vld [tilespmem:s11+$0xFFFFFF00];
	[tilespmem:v40+s25+$0x0] =	vst.idx.msk $0xffff, v35  }
0x1a1: {  	_ =	sdelay $0x3  }
0x1a2: {  	v34 =	vld [tilespmem:s11+$0xFFFFFF40];
	[tilespmem:v19+s25+$0x0] =	vst.idx.msk $0xffff, v23  }
0x1a3: {  	v63 =	vor.u32 $0x2, v29;
	v35 =	vld [tilespmem:s11+$0xFFFFFF80];
	[tilespmem:v18+s25+$0x0] =	vst.idx.msk $0xffff, v22  }
0x1a4: {  	v36 =	vor.u32 $0x3, v33;
	v38 =	vld [tilespmem:s11+$0xFFFFFFC0];
	[tilespmem:v17+s25+$0x0] =	vst.idx.msk $0xffff, v24  }
0x1a5: {  	v39 =	vor.u32 $0x4, v32;
	v40 =	vld [tilespmem:s11+$0x0];
	[tilespmem:v16+s25+$0x0] =	vst.idx.msk $0xffff, v21  }
0x1a6: {  	v42 =	vor.u32 $0x5, v31;
	v43 =	vld [tilespmem:s11+$0x40];
	[tilespmem:v28+s25+$0x0] =	vst.idx.msk $0xffff, v27  }
0x1a7: {  	v37 =	vadd.s32 v4, v14;
	v44 =	vor.u32 $0x6, v30;
	v45 =	vld [tilespmem:s11+$0x80];
	[tilespmem:v26+s25+$0x0] =	vst.idx.msk $0xffff, v34  }
0x1a8: {  	v46 =	vadd.s32 v7, v25;
	v41 =	vadd.s32 v15, v37;
	[tilespmem:v63+s25+$0x0] =	vst.idx.msk $0xffff, v35  }
0x1a9: {  	v47 =	vadd.s32 v9, v37;
	v27 =	vor.u32 $0x7, v41;
	v28 =	vld [tilespmem:s11+$0xD0];
	[tilespmem:v36+s25+$0x0] =	vst.idx.msk $0xffff, v38  }
0x1aa: {  	v48 =	vadd.s32 v8, v37;
	v25 =	vor.u32 $0x1, v47;
	[tilespmem:v39+s25+$0x0] =	vst.idx.msk $0xffff, v40;
	v49 =	vld [tilespmem:s11+$0xFFFFFF50]  }
0x1ab: {  	v57 =	vadd.s32 v11, v37;
	v51 =	vor.u32 $0x2, v48;
	[tilespmem:v42+s25+$0x0] =	vst.idx.msk $0xffff, v43;
	v52 =	vld [tilespmem:s11+$0xFFFFFF90]  }
0x1ac: {  	v59 =	vadd.s32 v13, v37;
	v24 =	vor.u32 $0x4, v57;
	[tilespmem:v44+s25+$0x0] =	vst.idx.msk $0xffff, v45;
	v60 =	vld [tilespmem:s11+$0x10]  }
0x1ad: {  	v61 =	vadd.s32 v12, v37;
	v19 =	vor.u32 $0x5, v59;
	[tilespmem:v46+s25+$0x0] =	vst.idx.msk $0xffff, v20;
	v62 =	vld [tilespmem:s11+$0x50]  }
0x1ae: {  	v50 =	vadd.s32 v5, v14;
	v20 =	vor.u32 $0x6, v61;
	v63 =	vld [tilespmem:s11+$0x90];
	[tilespmem:v27+s25+$0x0] =	vst.idx.msk $0xffff, v28  }
0x1af: {  	v54 =	vadd.s32 v10, v37;
	v32 =	vadd.s32 v7, v37;
	v33 =	vld [tilespmem:s11+$0xFFFFFF10];
	[tilespmem:v25+s25+$0x0] =	vst.idx.msk $0xffff, v49  }
0x1b0: {  	v53 =	vadd.s32 v15, v50;
	v58 =	vld [tilespmem:s11+$0xFFFFFFD0];
	v27 =	vor.u32 $0x3, v54;
	[tilespmem:v51+s25+$0x0] =	vst.idx.msk $0xffff, v52  }
0x1b1: {  	v56 =	vor.u32 $0x7, v53;
	v35 =	vadd.s32 v9, v50;
	v55 =	vld [tilespmem:s11+$0xE0];
	[tilespmem:v24+s25+$0x0] =	vst.idx.msk $0xffff, v60  }
0x1b2: {  	v36 =	vadd.s32 v8, v50;
	v16 =	vor.u32 $0x1, v35;
	[tilespmem:v19+s25+$0x0] =	vst.idx.msk $0xffff, v62;
	v37 =	vld [tilespmem:s11+$0xFFFFFF60]  }
0x1b3: {  	v40 =	vadd.s32 v11, v50;
	v22 =	vor.u32 $0x2, v36;
	[tilespmem:v20+s25+$0x0] =	vst.idx.msk $0xffff, v63;
	v39 =	vld [tilespmem:s11+$0xFFFFFFA0]  }
0x1b4: {  	v43 =	vadd.s32 v13, v50;
	v19 =	vor.u32 $0x4, v40;
	[tilespmem:v32+s25+$0x0] =	vst.idx.msk $0xffff, v33;
	v44 =	vld [tilespmem:s11+$0x20]  }
0x1b5: {  	v45 =	vadd.s32 v12, v50;
	v46 =	vor.u32 $0x5, v43;
	v47 =	vld [tilespmem:s11+$0x60];
	[tilespmem:v27+s25+$0x0] =	vst.idx.msk $0xffff, v58  }
0x1b6: {  	v31 =	vadd.s32 v6, v14;
	v48 =	vor.u32 $0x6, v45;
	v49 =	vld [tilespmem:s11+$0xA0];
	[tilespmem:v56+s25+$0x0] =	vst.idx.msk $0xffff, v55  }
0x1b7: {  	v38 =	vadd.s32 v10, v50;
	v50 =	vadd.s32 v7, v50;
	v52 =	vld [tilespmem:s11+$0xFFFFFF20];
	[tilespmem:v16+s25+$0x0] =	vst.idx.msk $0xffff, v37  }
0x1b8: {  	v34 =	vadd.s32 v15, v31;
	v41 =	vor.u32 $0x3, v38;
	v42 =	vld [tilespmem:s11+$0xFFFFFFE0];
	[tilespmem:v22+s25+$0x0] =	vst.idx.msk $0xffff, v39  }
0x1b9: {  	v15 =	vor.u32 $0x7, v34;
	v51 =	vadd.s32 v9, v31;
	v21 =	vld [tilespmem:s11+$0xF0];
	[tilespmem:v19+s25+$0x0] =	vst.idx.msk $0xffff, v44  }
0x1ba: {  	v8 =	vadd.s32 v8, v31;
	v9 =	vor.u32 $0x1, v51;
	[tilespmem:v46+s25+$0x0] =	vst.idx.msk $0xffff, v47;
	v53 =	vld [tilespmem:s11+$0xFFFFFF70]  }
0x1bb: {  	v8 =	vor.u32 $0x2, v8;
	v56 =	vadd.s32 v11, v31;
	[tilespmem:v48+s25+$0x0] =	vst.idx.msk $0xffff, v49;
	v55 =	vld [tilespmem:s11+$0xFFFFFFB0]  }
0x1bc: {  	v58 =	vadd.s32 v13, v31;
	v11 =	vor.u32 $0x4, v56;
	[tilespmem:v50+s25+$0x0] =	vst.idx.msk $0xffff, v52;
	v59 =	vld [tilespmem:s11+$0x30]  }
0x1bd: {  	v60 =	vadd.s32 v12, v31;
	v13 =	vor.u32 $0x5, v58;
	v61 =	vld [tilespmem:s11+$0x70];
	[tilespmem:v41+s25+$0x0] =	vst.idx.msk $0xffff, v42  }
0x1be: {  	v12 =	vor.u32 $0x6, v60;
	v62 =	vld [tilespmem:s11+$0xB0];
	[tilespmem:v15+s25+$0x0] =	vst.idx.msk $0xffff, v21  }
0x1bf: {  	v7 =	vadd.s32 v7, v31;
	v54 =	vadd.s32 v10, v31;
	v63 =	vld [tilespmem:s11+$0xFFFFFF30];
	[tilespmem:v9+s25+$0x0] =	vst.idx.msk $0xffff, v53  }
0x1c0: {  	v10 =	vor.u32 $0x3, v54;
	v57 =	vld [tilespmem:s11+$0xFFFFFFF0];
	[tilespmem:v8+s25+$0x0] =	vst.idx.msk $0xffff, v55  }
0x1c1: {  	[tilespmem:v11+s25+$0x0] =	vst.idx.msk $0xffff, v59  }
0x1c2: {  	[tilespmem:v13+s25+$0x0] =	vst.idx.msk $0xffff, v61  }
0x1c3: {  	[tilespmem:v12+s25+$0x0] =	vst.idx.msk $0xffff, v62  }
0x1c4: {  	s0 =	rddreg [dreg:$0x1];
	[tilespmem:v7+s25+$0x0] =	vst.idx.msk $0xffff, v63  }
0x1c5: {  	s5 =	simm.s32 $0x0;
	s0 =	sadd.s32 s0, s31;
	[tilespmem:v10+s25+$0x0] =	vst.idx.msk $0xffff, v57  }
0x1c6: {  	[hbm4b:s0+s5] =	stream.linear.scatter [tilespmem:s25], [sflag:$0x5], $0x80, $0x38;
	[tilespmem:$0x12500] =	vst v63  }
0x1c7: {  	s1 =	simm.s32 $0x8488;
	s4 =	sadd.s32 $0x10, s0  }
0x1c8: {  	[hbm4b:s4+s5] =	stream.linear.scatter [tilespmem:s1], [sflag:$0x5], $0x80, $0x38;
	[tilespmem:$0x12500] =	vst v63  }
0x1c9: {  	s12 =	simm.s32 $0x8510;
	s11 =	sadd.s32 $0x20, s0  }
0x1ca: {  	[hbm4b:s11+s5] =	stream.linear.scatter [tilespmem:s12], [sflag:$0x5], $0x80, $0x38;
	[tilespmem:$0x12500] =	vst v63  }
0x1cb: {  	s14 =	simm.s32 $0x8598;
	s13 =	sadd.s32 $0x30, s0  }
0x1cc: {  	[hbm4b:s13+s5] =	stream.linear.scatter [tilespmem:s14], [sflag:$0x5], $0x80, $0x38;
	[tilespmem:$0x12500] =	vst v63  }
0x1cd: {  	s16 =	simm.s32 $0x8620;
	s15 =	sadd.s32 $0x40, s0  }
0x1ce: {  	[hbm4b:s15+s5] =	stream.linear.scatter [tilespmem:s16], [sflag:$0x5], $0x80, $0x38;
	[tilespmem:$0x12500] =	vst v63  }
0x1cf: {  	s18 =	simm.s32 $0x86A8;
	s17 =	sadd.s32 $0x50, s0  }
0x1d0: {  	[hbm4b:s17+s5] =	stream.linear.scatter [tilespmem:s18], [sflag:$0x5], $0x80, $0x38;
	[tilespmem:$0x12500] =	vst v63  }
0x1d1: {  	s20 =	simm.s32 $0x8730;
	s19 =	sadd.s32 $0x60, s0  }
0x1d2: {  	[hbm4b:s19+s5] =	stream.linear.scatter [tilespmem:s20], [sflag:$0x5], $0x80, $0x38;
	[tilespmem:$0x12500] =	vst v63  }
0x1d3: {  	s21 =	simm.s32 $0x87B8;
	s0 =	sadd.s32 $0x70, s0;
	s22 =	rddreg [dreg:$0xa]  }
0x1d4: {  	[hbm4b:s0+s5] =	stream.linear.scatter [tilespmem:s21], [sflag:$0x5], $0x80, $0x38;
	[tilespmem:$0x12500] =	vst v63  }
0x1d5: {  	s23 =	simm.s32 $0xA600;
	s0 =	sadd.s32 s31, s22  }
0x1d6: {  	[hbm4b:s0+s5] =	stream.linear.scatter [tilespmem:s23], [sflag:$0x5], $0x80, $0x38;
	[tilespmem:$0x12500] =	vst v63  }
0x1d7: {  	s26 =	simm.s32 $0xA688;
	s24 =	sadd.s32 $0x10, s0  }
0x1d8: {  	[hbm4b:s24+s5] =	stream.linear.scatter [tilespmem:s26], [sflag:$0x5], $0x80, $0x38;
	[tilespmem:$0x12500] =	vst v63  }
0x1d9: {  	s30 =	simm.s32 $0xA710;
	s28 =	sadd.s32 $0x20, s0  }
0x1da: {  	[hbm4b:s28+s5] =	stream.linear.scatter [tilespmem:s30], [sflag:$0x5], $0x80, $0x38;
	[tilespmem:$0x12500] =	vst v63  }
0x1db: {  	s8 =	simm.s32 $0xA798;
	s6 =	sadd.s32 $0x30, s0  }
0x1dc: {  	[hbm4b:s6+s5] =	stream.linear.scatter [tilespmem:s8], [sflag:$0x5], $0x80, $0x38;
	[tilespmem:$0x12500] =	vst v63  }
0x1dd: {  	s12 =	simm.s32 $0xA820;
	s11 =	sadd.s32 $0x40, s0  }
0x1de: {  	[hbm4b:s11+s5] =	stream.linear.scatter [tilespmem:s12], [sflag:$0x5], $0x80, $0x38;
	[tilespmem:$0x12500] =	vst v63  }
0x1df: {  	s14 =	simm.s32 $0xA8A8;
	s13 =	sadd.s32 $0x50, s0  }
0x1e0: {  	[hbm4b:s13+s5] =	stream.linear.scatter [tilespmem:s14], [sflag:$0x5], $0x80, $0x38;
	[tilespmem:$0x12500] =	vst v63  }
0x1e1: {  	s16 =	simm.s32 $0xA930;
	s15 =	sadd.s32 $0x60, s0  }
0x1e2: {  	[hbm4b:s15+s5] =	stream.linear.scatter [tilespmem:s16], [sflag:$0x5], $0x80, $0x38;
	[tilespmem:$0x12500] =	vst v63  }
0x1e3: {  	s17 =	simm.s32 $0xA9B8;
	s18 =	rddreg [dreg:$0xb];
	s0 =	sadd.s32 $0x70, s0  }
0x1e4: {  	[hbm4b:s0+s5] =	stream.linear.scatter [tilespmem:s17], [sflag:$0x5], $0x80, $0x38;
	[tilespmem:$0x12500] =	vst v63  }
0x1e5: {  	s19 =	simm.s32 $0x8840;
	s0 =	sadd.s32 s31, s18  }
0x1e6: {  	[hbm4b:s0+s5] =	stream.linear.scatter [tilespmem:s19], [sflag:$0x5], $0x80, $0x38;
	[tilespmem:$0x12500] =	vst v63  }
0x1e7: {  	s21 =	simm.s32 $0x88C8;
	s20 =	sadd.s32 $0x10, s0  }
0x1e8: {  	[hbm4b:s20+s5] =	stream.linear.scatter [tilespmem:s21], [sflag:$0x5], $0x80, $0x38;
	[tilespmem:$0x12500] =	vst v63  }
0x1e9: {  	s23 =	simm.s32 $0x8950;
	s22 =	sadd.s32 $0x20, s0  }
0x1ea: {  	[hbm4b:s22+s5] =	stream.linear.scatter [tilespmem:s23], [sflag:$0x5], $0x80, $0x38;
	[tilespmem:$0x12500] =	vst v63  }
0x1eb: {  	s26 =	simm.s32 $0x89D8;
	s24 =	sadd.s32 $0x30, s0  }
0x1ec: {  	[hbm4b:s24+s5] =	stream.linear.scatter [tilespmem:s26], [sflag:$0x5], $0x80, $0x38;
	[tilespmem:$0x12500] =	vst v63  }
0x1ed: {  	s30 =	simm.s32 $0x8A60;
	s28 =	sadd.s32 $0x40, s0  }
0x1ee: {  	[hbm4b:s28+s5] =	stream.linear.scatter [tilespmem:s30], [sflag:$0x5], $0x80, $0x38;
	[tilespmem:$0x12500] =	vst v63  }
0x1ef: {  	s6 =	simm.s32 $0x8AE8;
	s1 =	sadd.s32 $0x50, s0  }
0x1f0: {  	[hbm4b:s1+s5] =	stream.linear.scatter [tilespmem:s6], [sflag:$0x5], $0x80, $0x38;
	[tilespmem:$0x12500] =	vst v63  }
0x1f1: {  	s11 =	simm.s32 $0x8B70;
	s8 =	sadd.s32 $0x60, s0  }
0x1f2: {  	[hbm4b:s8+s5] =	stream.linear.scatter [tilespmem:s11], [sflag:$0x5], $0x80, $0x38;
	[tilespmem:$0x12500] =	vst v63  }
0x1f3: {  	s12 =	simm.s32 $0x8BF8;
	s13 =	rddreg [dreg:$0xc];
	s0 =	sadd.s32 $0x70, s0  }
0x1f4: {  	[hbm4b:s0+s5] =	stream.linear.scatter [tilespmem:s12], [sflag:$0x5], $0x80, $0x38;
	[tilespmem:$0x12500] =	vst v63  }
0x1f5: {  	s14 =	simm.s32 $0xAA40;
	s0 =	sadd.s32 s31, s13  }
0x1f6: {  	[hbm4b:s0+s5] =	stream.linear.scatter [tilespmem:s14], [sflag:$0x5], $0x80, $0x38;
	[tilespmem:$0x12500] =	vst v63  }
0x1f7: {  	s16 =	simm.s32 $0xAAC8;
	s15 =	sadd.s32 $0x10, s0  }
0x1f8: {  	[hbm4b:s15+s5] =	stream.linear.scatter [tilespmem:s16], [sflag:$0x5], $0x80, $0x38;
	[tilespmem:$0x12500] =	vst v63  }
0x1f9: {  	s18 =	simm.s32 $0xAB50;
	s17 =	sadd.s32 $0x20, s0  }
0x1fa: {  	[hbm4b:s17+s5] =	stream.linear.scatter [tilespmem:s18], [sflag:$0x5], $0x80, $0x38;
	[tilespmem:$0x12500] =	vst v63  }
0x1fb: {  	s20 =	simm.s32 $0xABD8;
	s19 =	sadd.s32 $0x30, s0  }
0x1fc: {  	[hbm4b:s19+s5] =	stream.linear.scatter [tilespmem:s20], [sflag:$0x5], $0x80, $0x38;
	[tilespmem:$0x12500] =	vst v63  }
0x1fd: {  	s22 =	simm.s32 $0xAC60;
	s21 =	sadd.s32 $0x40, s0  }
0x1fe: {  	[hbm4b:s21+s5] =	stream.linear.scatter [tilespmem:s22], [sflag:$0x5], $0x80, $0x38;
	[tilespmem:$0x12500] =	vst v63  }
0x1ff: {  	s24 =	simm.s32 $0xACE8;
	s23 =	sadd.s32 $0x50, s0  }
0x200: {  	[hbm4b:s23+s5] =	stream.linear.scatter [tilespmem:s24], [sflag:$0x5], $0x80, $0x38;
	[tilespmem:$0x12500] =	vst v63  }
0x201: {  	s28 =	simm.s32 $0xAD70;
	s26 =	sadd.s32 $0x60, s0  }
0x202: {  	[hbm4b:s26+s5] =	stream.linear.scatter [tilespmem:s28], [sflag:$0x5], $0x80, $0x38;
	[tilespmem:$0x12500] =	vst v63  }
0x203: {  	s30 =	simm.s32 $0xADF8;
	s1 =	rddreg [dreg:$0xd];
	s0 =	sadd.s32 $0x70, s0  }
0x204: {  	[hbm4b:s0+s5] =	stream.linear.scatter [tilespmem:s30], [sflag:$0x5], $0x80, $0x38;
	[tilespmem:$0x12500] =	vst v63  }
0x205: {  	s4 =	simm.s32 $0x8C80;
	s0 =	sadd.s32 s31, s1  }
0x206: {  	[hbm4b:s0+s5] =	stream.linear.scatter [tilespmem:s4], [sflag:$0x5], $0x80, $0x38;
	[tilespmem:$0x12500] =	vst v63  }
0x207: {  	s8 =	simm.s32 $0x8D08;
	s6 =	sadd.s32 $0x10, s0  }
0x208: {  	[hbm4b:s6+s5] =	stream.linear.scatter [tilespmem:s8], [sflag:$0x5], $0x80, $0x38;
	[tilespmem:$0x12500] =	vst v63  }
0x209: {  	s12 =	simm.s32 $0x8D90;
	s11 =	sadd.s32 $0x20, s0  }
0x20a: {  	[hbm4b:s11+s5] =	stream.linear.scatter [tilespmem:s12], [sflag:$0x5], $0x80, $0x38;
	[tilespmem:$0x12500] =	vst v63  }
0x20b: {  	s14 =	simm.s32 $0x8E18;
	s13 =	sadd.s32 $0x30, s0  }
0x20c: {  	[hbm4b:s13+s5] =	stream.linear.scatter [tilespmem:s14], [sflag:$0x5], $0x80, $0x38;
	[tilespmem:$0x12500] =	vst v63  }
0x20d: {  	s16 =	simm.s32 $0x8EA0;
	s15 =	sadd.s32 $0x40, s0  }
0x20e: {  	[hbm4b:s15+s5] =	stream.linear.scatter [tilespmem:s16], [sflag:$0x5], $0x80, $0x38;
	[tilespmem:$0x12500] =	vst v63  }
0x20f: {  	s18 =	simm.s32 $0x8F28;
	s17 =	sadd.s32 $0x50, s0  }
0x210: {  	[hbm4b:s17+s5] =	stream.linear.scatter [tilespmem:s18], [sflag:$0x5], $0x80, $0x38;
	[tilespmem:$0x12500] =	vst v63  }
0x211: {  	s20 =	simm.s32 $0x8FB0;
	s19 =	sadd.s32 $0x60, s0  }
0x212: {  	[hbm4b:s19+s5] =	stream.linear.scatter [tilespmem:s20], [sflag:$0x5], $0x80, $0x38;
	[tilespmem:$0x12500] =	vst v63  }
0x213: {  	s21 =	simm.s32 $0x9038;
	s22 =	rddreg [dreg:$0xe];
	s0 =	sadd.s32 $0x70, s0  }
0x214: {  	[hbm4b:s0+s5] =	stream.linear.scatter [tilespmem:s21], [sflag:$0x5], $0x80, $0x38;
	[tilespmem:$0x12500] =	vst v63  }
0x215: {  	s23 =	simm.s32 $0xAE80;
	s0 =	sadd.s32 s31, s22  }
0x216: {  	[hbm4b:s0+s5] =	stream.linear.scatter [tilespmem:s23], [sflag:$0x5], $0x80, $0x38;
	[tilespmem:$0x12500] =	vst v63  }
0x217: {  	s26 =	simm.s32 $0xAF08;
	s24 =	sadd.s32 $0x10, s0  }
0x218: {  	[hbm4b:s24+s5] =	stream.linear.scatter [tilespmem:s26], [sflag:$0x5], $0x80, $0x38;
	[tilespmem:$0x12500] =	vst v63  }
0x219: {  	s30 =	simm.s32 $0xAF90;
	s28 =	sadd.s32 $0x20, s0  }
0x21a: {  	[hbm4b:s28+s5] =	stream.linear.scatter [tilespmem:s30], [sflag:$0x5], $0x80, $0x38;
	[tilespmem:$0x12500] =	vst v63  }
0x21b: {  	s8 =	simm.s32 $0xB018;
	s6 =	sadd.s32 $0x30, s0  }
0x21c: {  	[hbm4b:s6+s5] =	stream.linear.scatter [tilespmem:s8], [sflag:$0x5], $0x80, $0x38;
	[tilespmem:$0x12500] =	vst v63  }
0x21d: {  	s12 =	simm.s32 $0xB0A0;
	s11 =	sadd.s32 $0x40, s0  }
0x21e: {  	[hbm4b:s11+s5] =	stream.linear.scatter [tilespmem:s12], [sflag:$0x5], $0x80, $0x38;
	[tilespmem:$0x12500] =	vst v63  }
0x21f: {  	s14 =	simm.s32 $0xB128;
	s13 =	sadd.s32 $0x50, s0  }
0x220: {  	[hbm4b:s13+s5] =	stream.linear.scatter [tilespmem:s14], [sflag:$0x5], $0x80, $0x38;
	[tilespmem:$0x12500] =	vst v63  }
0x221: {  	s16 =	simm.s32 $0xB1B0;
	s15 =	sadd.s32 $0x60, s0  }
0x222: {  	[hbm4b:s15+s5] =	stream.linear.scatter [tilespmem:s16], [sflag:$0x5], $0x80, $0x38;
	[tilespmem:$0x12500] =	vst v63  }
0x223: {  	s17 =	simm.s32 $0xB238;
	s18 =	rddreg [dreg:$0xf];
	s0 =	sadd.s32 $0x70, s0  }
0x224: {  	[hbm4b:s0+s5] =	stream.linear.scatter [tilespmem:s17], [sflag:$0x5], $0x80, $0x38;
	[tilespmem:$0x12500] =	vst v63  }
0x225: {  	s19 =	simm.s32 $0x90C0;
	s0 =	sadd.s32 s31, s18  }
0x226: {  	[hbm4b:s0+s5] =	stream.linear.scatter [tilespmem:s19], [sflag:$0x5], $0x80, $0x38;
	[tilespmem:$0x12500] =	vst v63  }
0x227: {  	s21 =	simm.s32 $0x9148;
	s20 =	sadd.s32 $0x10, s0  }
0x228: {  	[hbm4b:s20+s5] =	stream.linear.scatter [tilespmem:s21], [sflag:$0x5], $0x80, $0x38;
	[tilespmem:$0x12500] =	vst v63  }
0x229: {  	s23 =	simm.s32 $0x91D0;
	s22 =	sadd.s32 $0x20, s0  }
0x22a: {  	[hbm4b:s22+s5] =	stream.linear.scatter [tilespmem:s23], [sflag:$0x5], $0x80, $0x38;
	[tilespmem:$0x12500] =	vst v63  }
0x22b: {  	s26 =	simm.s32 $0x9258;
	s24 =	sadd.s32 $0x30, s0  }
0x22c: {  	[hbm4b:s24+s5] =	stream.linear.scatter [tilespmem:s26], [sflag:$0x5], $0x80, $0x38;
	[tilespmem:$0x12500] =	vst v63  }
0x22d: {  	s30 =	simm.s32 $0x92E0;
	s28 =	sadd.s32 $0x40, s0  }
0x22e: {  	[hbm4b:s28+s5] =	stream.linear.scatter [tilespmem:s30], [sflag:$0x5], $0x80, $0x38;
	[tilespmem:$0x12500] =	vst v63  }
0x22f: {  	s6 =	simm.s32 $0x9368;
	s1 =	sadd.s32 $0x50, s0  }
0x230: {  	[hbm4b:s1+s5] =	stream.linear.scatter [tilespmem:s6], [sflag:$0x5], $0x80, $0x38;
	[tilespmem:$0x12500] =	vst v63  }
0x231: {  	s11 =	simm.s32 $0x93F0;
	s8 =	sadd.s32 $0x60, s0  }
0x232: {  	[hbm4b:s8+s5] =	stream.linear.scatter [tilespmem:s11], [sflag:$0x5], $0x80, $0x38;
	[tilespmem:$0x12500] =	vst v63  }
0x233: {  	s12 =	simm.s32 $0x9478;
	s13 =	rddreg [dreg:$0x10];
	s0 =	sadd.s32 $0x70, s0  }
0x234: {  	[hbm4b:s0+s5] =	stream.linear.scatter [tilespmem:s12], [sflag:$0x5], $0x80, $0x38;
	[tilespmem:$0x12500] =	vst v63  }
0x235: {  	s14 =	simm.s32 $0xB2C0;
	s0 =	sadd.s32 s31, s13  }
0x236: {  	[hbm4b:s0+s5] =	stream.linear.scatter [tilespmem:s14], [sflag:$0x5], $0x80, $0x38;
	[tilespmem:$0x12500] =	vst v63  }
0x237: {  	s16 =	simm.s32 $0xB348;
	s15 =	sadd.s32 $0x10, s0  }
0x238: {  	[hbm4b:s15+s5] =	stream.linear.scatter [tilespmem:s16], [sflag:$0x5], $0x80, $0x38;
	[tilespmem:$0x12500] =	vst v63  }
0x239: {  	s18 =	simm.s32 $0xB3D0;
	s17 =	sadd.s32 $0x20, s0  }
0x23a: {  	[hbm4b:s17+s5] =	stream.linear.scatter [tilespmem:s18], [sflag:$0x5], $0x80, $0x38;
	[tilespmem:$0x12500] =	vst v63  }
0x23b: {  	s20 =	simm.s32 $0xB458;
	s19 =	sadd.s32 $0x30, s0  }
0x23c: {  	[hbm4b:s19+s5] =	stream.linear.scatter [tilespmem:s20], [sflag:$0x5], $0x80, $0x38;
	[tilespmem:$0x12500] =	vst v63  }
0x23d: {  	s22 =	simm.s32 $0xB4E0;
	s21 =	sadd.s32 $0x40, s0  }
0x23e: {  	[hbm4b:s21+s5] =	stream.linear.scatter [tilespmem:s22], [sflag:$0x5], $0x80, $0x38;
	[tilespmem:$0x12500] =	vst v63  }
0x23f: {  	s24 =	simm.s32 $0xB568;
	s23 =	sadd.s32 $0x50, s0  }
0x240: {  	[hbm4b:s23+s5] =	stream.linear.scatter [tilespmem:s24], [sflag:$0x5], $0x80, $0x38;
	[tilespmem:$0x12500] =	vst v63  }
0x241: {  	s28 =	simm.s32 $0xB5F0;
	s26 =	sadd.s32 $0x60, s0  }
0x242: {  	[hbm4b:s26+s5] =	stream.linear.scatter [tilespmem:s28], [sflag:$0x5], $0x80, $0x38;
	[tilespmem:$0x12500] =	vst v63  }
0x243: {  	s30 =	simm.s32 $0xB678;
	s1 =	rddreg [dreg:$0x11];
	s0 =	sadd.s32 $0x70, s0  }
0x244: {  	[hbm4b:s0+s5] =	stream.linear.scatter [tilespmem:s30], [sflag:$0x5], $0x80, $0x38;
	[tilespmem:$0x12500] =	vst v63  }
0x245: {  	s4 =	simm.s32 $0x9500;
	s0 =	sadd.s32 s31, s1  }
0x246: {  	[hbm4b:s0+s5] =	stream.linear.scatter [tilespmem:s4], [sflag:$0x5], $0x80, $0x38;
	[tilespmem:$0x12500] =	vst v63  }
0x247: {  	s8 =	simm.s32 $0x9588;
	s6 =	sadd.s32 $0x10, s0  }
0x248: {  	[hbm4b:s6+s5] =	stream.linear.scatter [tilespmem:s8], [sflag:$0x5], $0x80, $0x38;
	[tilespmem:$0x12500] =	vst v63  }
0x249: {  	s12 =	simm.s32 $0x9610;
	s11 =	sadd.s32 $0x20, s0  }
0x24a: {  	[hbm4b:s11+s5] =	stream.linear.scatter [tilespmem:s12], [sflag:$0x5], $0x80, $0x38;
	[tilespmem:$0x12500] =	vst v63  }
0x24b: {  	s14 =	simm.s32 $0x9698;
	s13 =	sadd.s32 $0x30, s0  }
0x24c: {  	[hbm4b:s13+s5] =	stream.linear.scatter [tilespmem:s14], [sflag:$0x5], $0x80, $0x38;
	[tilespmem:$0x12500] =	vst v63  }
0x24d: {  	s16 =	simm.s32 $0x9720;
	s15 =	sadd.s32 $0x40, s0  }
0x24e: {  	[hbm4b:s15+s5] =	stream.linear.scatter [tilespmem:s16], [sflag:$0x5], $0x80, $0x38;
	[tilespmem:$0x12500] =	vst v63  }
0x24f: {  	s18 =	simm.s32 $0x97A8;
	s17 =	sadd.s32 $0x50, s0  }
0x250: {  	[hbm4b:s17+s5] =	stream.linear.scatter [tilespmem:s18], [sflag:$0x5], $0x80, $0x38;
	[tilespmem:$0x12500] =	vst v63  }
0x251: {  	s20 =	simm.s32 $0x9830;
	s19 =	sadd.s32 $0x60, s0  }
0x252: {  	[hbm4b:s19+s5] =	stream.linear.scatter [tilespmem:s20], [sflag:$0x5], $0x80, $0x38;
	[tilespmem:$0x12500] =	vst v63  }
0x253: {  	s21 =	simm.s32 $0x98B8;
	s22 =	rddreg [dreg:$0x12];
	s0 =	sadd.s32 $0x70, s0  }
0x254: {  	[hbm4b:s0+s5] =	stream.linear.scatter [tilespmem:s21], [sflag:$0x5], $0x80, $0x38;
	[tilespmem:$0x12500] =	vst v63  }
0x255: {  	s23 =	simm.s32 $0xB700;
	s0 =	sadd.s32 s31, s22  }
0x256: {  	[hbm4b:s0+s5] =	stream.linear.scatter [tilespmem:s23], [sflag:$0x5], $0x80, $0x38;
	[tilespmem:$0x12500] =	vst v63  }
0x257: {  	s26 =	simm.s32 $0xB788;
	s24 =	sadd.s32 $0x10, s0  }
0x258: {  	[hbm4b:s24+s5] =	stream.linear.scatter [tilespmem:s26], [sflag:$0x5], $0x80, $0x38;
	[tilespmem:$0x12500] =	vst v63  }
0x259: {  	s30 =	simm.s32 $0xB810;
	s28 =	sadd.s32 $0x20, s0  }
0x25a: {  	[hbm4b:s28+s5] =	stream.linear.scatter [tilespmem:s30], [sflag:$0x5], $0x80, $0x38;
	[tilespmem:$0x12500] =	vst v63  }
0x25b: {  	s8 =	simm.s32 $0xB898;
	s6 =	sadd.s32 $0x30, s0  }
0x25c: {  	[hbm4b:s6+s5] =	stream.linear.scatter [tilespmem:s8], [sflag:$0x5], $0x80, $0x38;
	[tilespmem:$0x12500] =	vst v63  }
0x25d: {  	s12 =	simm.s32 $0xB920;
	s11 =	sadd.s32 $0x40, s0  }
0x25e: {  	[hbm4b:s11+s5] =	stream.linear.scatter [tilespmem:s12], [sflag:$0x5], $0x80, $0x38;
	[tilespmem:$0x12500] =	vst v63  }
0x25f: {  	s14 =	simm.s32 $0xB9A8;
	s13 =	sadd.s32 $0x50, s0  }
0x260: {  	[hbm4b:s13+s5] =	stream.linear.scatter [tilespmem:s14], [sflag:$0x5], $0x80, $0x38;
	[tilespmem:$0x12500] =	vst v63  }
0x261: {  	s16 =	simm.s32 $0xBA30;
	s15 =	sadd.s32 $0x60, s0  }
0x262: {  	[hbm4b:s15+s5] =	stream.linear.scatter [tilespmem:s16], [sflag:$0x5], $0x80, $0x38;
	[tilespmem:$0x12500] =	vst v63  }
0x263: {  	s17 =	simm.s32 $0xBAB8;
	s18 =	rddreg [dreg:$0x13];
	s0 =	sadd.s32 $0x70, s0  }
0x264: {  	[hbm4b:s0+s5] =	stream.linear.scatter [tilespmem:s17], [sflag:$0x5], $0x80, $0x38;
	[tilespmem:$0x12500] =	vst v63  }
0x265: {  	s19 =	simm.s32 $0x9940;
	s0 =	sadd.s32 s31, s18  }
0x266: {  	[hbm4b:s0+s5] =	stream.linear.scatter [tilespmem:s19], [sflag:$0x5], $0x80, $0x38;
	[tilespmem:$0x12500] =	vst v63  }
0x267: {  	s21 =	simm.s32 $0x99C8;
	s20 =	sadd.s32 $0x10, s0  }
0x268: {  	[hbm4b:s20+s5] =	stream.linear.scatter [tilespmem:s21], [sflag:$0x5], $0x80, $0x38;
	[tilespmem:$0x12500] =	vst v63  }
0x269: {  	s23 =	simm.s32 $0x9A50;
	s22 =	sadd.s32 $0x20, s0  }
0x26a: {  	[hbm4b:s22+s5] =	stream.linear.scatter [tilespmem:s23], [sflag:$0x5], $0x80, $0x38;
	[tilespmem:$0x12500] =	vst v63  }
0x26b: {  	s26 =	simm.s32 $0x9AD8;
	s24 =	sadd.s32 $0x30, s0  }
0x26c: {  	[hbm4b:s24+s5] =	stream.linear.scatter [tilespmem:s26], [sflag:$0x5], $0x80, $0x38;
	[tilespmem:$0x12500] =	vst v63  }
0x26d: {  	s30 =	simm.s32 $0x9B60;
	s28 =	sadd.s32 $0x40, s0  }
0x26e: {  	[hbm4b:s28+s5] =	stream.linear.scatter [tilespmem:s30], [sflag:$0x5], $0x80, $0x38;
	[tilespmem:$0x12500] =	vst v63  }
0x26f: {  	s6 =	simm.s32 $0x9BE8;
	s1 =	sadd.s32 $0x50, s0  }
0x270: {  	[hbm4b:s1+s5] =	stream.linear.scatter [tilespmem:s6], [sflag:$0x5], $0x80, $0x38;
	[tilespmem:$0x12500] =	vst v63  }
0x271: {  	s11 =	simm.s32 $0x9C70;
	s8 =	sadd.s32 $0x60, s0  }
0x272: {  	[hbm4b:s8+s5] =	stream.linear.scatter [tilespmem:s11], [sflag:$0x5], $0x80, $0x38;
	[tilespmem:$0x12500] =	vst v63  }
0x273: {  	s12 =	simm.s32 $0x9CF8;
	s13 =	rddreg [dreg:$0x14];
	s0 =	sadd.s32 $0x70, s0  }
0x274: {  	[hbm4b:s0+s5] =	stream.linear.scatter [tilespmem:s12], [sflag:$0x5], $0x80, $0x38;
	[tilespmem:$0x12500] =	vst v63  }
0x275: {  	s14 =	simm.s32 $0xBB40;
	s0 =	sadd.s32 s31, s13  }
0x276: {  	[hbm4b:s0+s5] =	stream.linear.scatter [tilespmem:s14], [sflag:$0x5], $0x80, $0x38;
	[tilespmem:$0x12500] =	vst v63  }
0x277: {  	s16 =	simm.s32 $0xBBC8;
	s15 =	sadd.s32 $0x10, s0  }
0x278: {  	[hbm4b:s15+s5] =	stream.linear.scatter [tilespmem:s16], [sflag:$0x5], $0x80, $0x38;
	[tilespmem:$0x12500] =	vst v63  }
0x279: {  	s18 =	simm.s32 $0xBC50;
	s17 =	sadd.s32 $0x20, s0  }
0x27a: {  	[hbm4b:s17+s5] =	stream.linear.scatter [tilespmem:s18], [sflag:$0x5], $0x80, $0x38;
	[tilespmem:$0x12500] =	vst v63  }
0x27b: {  	s20 =	simm.s32 $0xBCD8;
	s19 =	sadd.s32 $0x30, s0  }
0x27c: {  	[hbm4b:s19+s5] =	stream.linear.scatter [tilespmem:s20], [sflag:$0x5], $0x80, $0x38;
	[tilespmem:$0x12500] =	vst v63  }
0x27d: {  	s22 =	simm.s32 $0xBD60;
	s21 =	sadd.s32 $0x40, s0  }
0x27e: {  	[hbm4b:s21+s5] =	stream.linear.scatter [tilespmem:s22], [sflag:$0x5], $0x80, $0x38;
	[tilespmem:$0x12500] =	vst v63  }
0x27f: {  	s24 =	simm.s32 $0xBDE8;
	s23 =	sadd.s32 $0x50, s0  }
0x280: {  	[hbm4b:s23+s5] =	stream.linear.scatter [tilespmem:s24], [sflag:$0x5], $0x80, $0x38;
	[tilespmem:$0x12500] =	vst v63  }
0x281: {  	s28 =	simm.s32 $0xBE70;
	s26 =	sadd.s32 $0x60, s0  }
0x282: {  	[hbm4b:s26+s5] =	stream.linear.scatter [tilespmem:s28], [sflag:$0x5], $0x80, $0x38;
	[tilespmem:$0x12500] =	vst v63  }
0x283: {  	s30 =	simm.s32 $0xBEF8;
	s1 =	rddreg [dreg:$0x15];
	s0 =	sadd.s32 $0x70, s0  }
0x284: {  	[hbm4b:s0+s5] =	stream.linear.scatter [tilespmem:s30], [sflag:$0x5], $0x80, $0x38;
	[tilespmem:$0x12500] =	vst v63  }
0x285: {  	s4 =	simm.s32 $0x9D80;
	s0 =	sadd.s32 s31, s1  }
0x286: {  	[hbm4b:s0+s5] =	stream.linear.scatter [tilespmem:s4], [sflag:$0x5], $0x80, $0x38;
	[tilespmem:$0x12500] =	vst v63  }
0x287: {  	s8 =	simm.s32 $0x9E08;
	s6 =	sadd.s32 $0x10, s0  }
0x288: {  	[hbm4b:s6+s5] =	stream.linear.scatter [tilespmem:s8], [sflag:$0x5], $0x80, $0x38;
	[tilespmem:$0x12500] =	vst v63  }
0x289: {  	s12 =	simm.s32 $0x9E90;
	s11 =	sadd.s32 $0x20, s0  }
0x28a: {  	[hbm4b:s11+s5] =	stream.linear.scatter [tilespmem:s12], [sflag:$0x5], $0x80, $0x38;
	[tilespmem:$0x12500] =	vst v63  }
0x28b: {  	s14 =	simm.s32 $0x9F18;
	s13 =	sadd.s32 $0x30, s0  }
0x28c: {  	[hbm4b:s13+s5] =	stream.linear.scatter [tilespmem:s14], [sflag:$0x5], $0x80, $0x38;
	[tilespmem:$0x12500] =	vst v63  }
0x28d: {  	s16 =	simm.s32 $0x9FA0;
	s15 =	sadd.s32 $0x40, s0  }
0x28e: {  	[hbm4b:s15+s5] =	stream.linear.scatter [tilespmem:s16], [sflag:$0x5], $0x80, $0x38;
	[tilespmem:$0x12500] =	vst v63  }
0x28f: {  	s18 =	simm.s32 $0xA028;
	s17 =	sadd.s32 $0x50, s0  }
0x290: {  	[hbm4b:s17+s5] =	stream.linear.scatter [tilespmem:s18], [sflag:$0x5], $0x80, $0x38;
	[tilespmem:$0x12500] =	vst v63  }
0x291: {  	s20 =	simm.s32 $0xA0B0;
	s19 =	sadd.s32 $0x60, s0  }
0x292: {  	[hbm4b:s19+s5] =	stream.linear.scatter [tilespmem:s20], [sflag:$0x5], $0x80, $0x38;
	[tilespmem:$0x12500] =	vst v63  }
0x293: {  	s21 =	simm.s32 $0xA138;
	s22 =	rddreg [dreg:$0x16];
	s0 =	sadd.s32 $0x70, s0  }
0x294: {  	[hbm4b:s0+s5] =	stream.linear.scatter [tilespmem:s21], [sflag:$0x5], $0x80, $0x38;
	[tilespmem:$0x12500] =	vst v63  }
0x295: {  	s23 =	simm.s32 $0xBF80;
	s0 =	sadd.s32 s31, s22  }
0x296: {  	[hbm4b:s0+s5] =	stream.linear.scatter [tilespmem:s23], [sflag:$0x5], $0x80, $0x38;
	[tilespmem:$0x12500] =	vst v63  }
0x297: {  	s26 =	simm.s32 $0xC008;
	s24 =	sadd.s32 $0x10, s0  }
0x298: {  	[hbm4b:s24+s5] =	stream.linear.scatter [tilespmem:s26], [sflag:$0x5], $0x80, $0x38;
	[tilespmem:$0x12500] =	vst v63  }
0x299: {  	s30 =	simm.s32 $0xC090;
	s28 =	sadd.s32 $0x20, s0  }
0x29a: {  	[hbm4b:s28+s5] =	stream.linear.scatter [tilespmem:s30], [sflag:$0x5], $0x80, $0x38;
	[tilespmem:$0x12500] =	vst v63  }
0x29b: {  	s8 =	simm.s32 $0xC118;
	s6 =	sadd.s32 $0x30, s0  }
0x29c: {  	[hbm4b:s6+s5] =	stream.linear.scatter [tilespmem:s8], [sflag:$0x5], $0x80, $0x38;
	[tilespmem:$0x12500] =	vst v63  }
0x29d: {  	s12 =	simm.s32 $0xC1A0;
	s11 =	sadd.s32 $0x40, s0  }
0x29e: {  	[hbm4b:s11+s5] =	stream.linear.scatter [tilespmem:s12], [sflag:$0x5], $0x80, $0x38;
	[tilespmem:$0x12500] =	vst v63  }
0x29f: {  	s14 =	simm.s32 $0xC228;
	s13 =	sadd.s32 $0x50, s0  }
0x2a0: {  	[hbm4b:s13+s5] =	stream.linear.scatter [tilespmem:s14], [sflag:$0x5], $0x80, $0x38;
	[tilespmem:$0x12500] =	vst v63  }
0x2a1: {  	s16 =	simm.s32 $0xC2B0;
	s15 =	sadd.s32 $0x60, s0  }
0x2a2: {  	[hbm4b:s15+s5] =	stream.linear.scatter [tilespmem:s16], [sflag:$0x5], $0x80, $0x38;
	[tilespmem:$0x12500] =	vst v63  }
0x2a3: {  	s17 =	simm.s32 $0xC338;
	s18 =	rddreg [dreg:$0x17];
	s0 =	sadd.s32 $0x70, s0  }
0x2a4: {  	[hbm4b:s0+s5] =	stream.linear.scatter [tilespmem:s17], [sflag:$0x5], $0x80, $0x38;
	[tilespmem:$0x12500] =	vst v63  }
0x2a5: {  	s19 =	simm.s32 $0xA1C0;
	s0 =	sadd.s32 s31, s18  }
0x2a6: {  	[hbm4b:s0+s5] =	stream.linear.scatter [tilespmem:s19], [sflag:$0x5], $0x80, $0x38;
	[tilespmem:$0x12500] =	vst v63  }
0x2a7: {  	s21 =	simm.s32 $0xA248;
	s20 =	sadd.s32 $0x10, s0  }
0x2a8: {  	[hbm4b:s20+s5] =	stream.linear.scatter [tilespmem:s21], [sflag:$0x5], $0x80, $0x38;
	[tilespmem:$0x12500] =	vst v63  }
0x2a9: {  	s23 =	simm.s32 $0xA2D0;
	s22 =	sadd.s32 $0x20, s0  }
0x2aa: {  	[hbm4b:s22+s5] =	stream.linear.scatter [tilespmem:s23], [sflag:$0x5], $0x80, $0x38;
	[tilespmem:$0x12500] =	vst v63  }
0x2ab: {  	s26 =	simm.s32 $0xA358;
	s24 =	sadd.s32 $0x30, s0  }
0x2ac: {  	[hbm4b:s24+s5] =	stream.linear.scatter [tilespmem:s26], [sflag:$0x5], $0x80, $0x38;
	[tilespmem:$0x12500] =	vst v63  }
0x2ad: {  	s30 =	simm.s32 $0xA3E0;
	s28 =	sadd.s32 $0x40, s0  }
0x2ae: {  	[hbm4b:s28+s5] =	stream.linear.scatter [tilespmem:s30], [sflag:$0x5], $0x80, $0x38;
	[tilespmem:$0x12500] =	vst v63  }
0x2af: {  	s6 =	simm.s32 $0xA468;
	s1 =	sadd.s32 $0x50, s0  }
0x2b0: {  	[hbm4b:s1+s5] =	stream.linear.scatter [tilespmem:s6], [sflag:$0x5], $0x80, $0x38;
	[tilespmem:$0x12500] =	vst v63  }
0x2b1: {  	s11 =	simm.s32 $0xA4F0;
	s8 =	sadd.s32 $0x60, s0  }
0x2b2: {  	[hbm4b:s8+s5] =	stream.linear.scatter [tilespmem:s11], [sflag:$0x5], $0x80, $0x38;
	[tilespmem:$0x12500] =	vst v63  }
0x2b3: {  	s12 =	simm.s32 $0xA578;
	s13 =	rddreg [dreg:$0x19];
	s0 =	sadd.s32 $0x70, s0  }
0x2b4: {  	[hbm4b:s0+s5] =	stream.linear.scatter [tilespmem:s12], [sflag:$0x5], $0x80, $0x38;
	[tilespmem:$0x12500] =	vst v63  }
0x2b5: {  	s14 =	simm.s32 $0xC3C0;
	s0 =	sadd.s32 s31, s13  }
0x2b6: {  	[hbm4b:s0+s5] =	stream.linear.scatter [tilespmem:s14], [sflag:$0x5], $0x80, $0x38;
	[tilespmem:$0x12500] =	vst v63  }
0x2b7: {  	s16 =	simm.s32 $0xC448;
	s15 =	sadd.s32 $0x10, s0  }
0x2b8: {  	[hbm4b:s15+s5] =	stream.linear.scatter [tilespmem:s16], [sflag:$0x5], $0x80, $0x38;
	[tilespmem:$0x12500] =	vst v63  }
0x2b9: {  	s18 =	simm.s32 $0xC4D0;
	s17 =	sadd.s32 $0x20, s0  }
0x2ba: {  	[hbm4b:s17+s5] =	stream.linear.scatter [tilespmem:s18], [sflag:$0x5], $0x80, $0x38;
	[tilespmem:$0x12500] =	vst v63  }
0x2bb: {  	s20 =	simm.s32 $0xC558;
	s19 =	sadd.s32 $0x30, s0  }
0x2bc: {  	[hbm4b:s19+s5] =	stream.linear.scatter [tilespmem:s20], [sflag:$0x5], $0x80, $0x38;
	[tilespmem:$0x12500] =	vst v63  }
0x2bd: {  	s22 =	simm.s32 $0xC5E0;
	s21 =	sadd.s32 $0x40, s0  }
0x2be: {  	[hbm4b:s21+s5] =	stream.linear.scatter [tilespmem:s22], [sflag:$0x5], $0x80, $0x38;
	[tilespmem:$0x12500] =	vst v63  }
0x2bf: {  	s24 =	simm.s32 $0xC668;
	s23 =	sadd.s32 $0x50, s0  }
0x2c0: {  	[hbm4b:s23+s5] =	stream.linear.scatter [tilespmem:s24], [sflag:$0x5], $0x80, $0x38;
	[tilespmem:$0x12500] =	vst v63  }
0x2c1: {  	s28 =	simm.s32 $0xC6F0;
	s26 =	sadd.s32 $0x60, s0  }
0x2c2: {  	[hbm4b:s26+s5] =	stream.linear.scatter [tilespmem:s28], [sflag:$0x5], $0x80, $0x38;
	[tilespmem:$0x12500] =	vst v63  }
0x2c3: {  	s30 =	simm.s32 $0xC778;
	s31 =	simm.s32 $0x4;
	s0 =	sadd.s32 $0x70, s0  }
0x2c4: {  	[hbm4b:s0+s5] =	stream.linear.scatter [tilespmem:s30], [sflag:$0x5], $0x80, $0x38;
	[tilespmem:$0x12500] =	vst v63  }
0x2c5: {  	_ =	swait.ge [sflag:s31], $0x2000  }
.Ltmp6:
0x2c6: {  	[sflag:s31] =	ssyncset.done $0x0;
	(pc) =	sbr.rel @p1 .LBB2_15-.Ltmp6, $4  }
0x2c7: {  	[sflag:s31] =	ssyncadd.s32 $0xFFFFE000  }
0x2c8: {  	_ =	swait.ge [sflag:s31], $0x2000  }
0x2c9: {  	[sflag:s31] =	ssyncset.done $0x0  }
0x2ca: {  	[sflag:s31] =	ssyncadd.s32 $0xFFFFE000  }
.LBB2_20:
0x2cb: {  	s0 =	smin.u32 s10, $0x60;
	s1 =	rddreg [dreg:$0x1a]  }
0x2cc: {  	s0 =	sadd.s32 s0, s1  }
0x2cd: {  	s22 =	rddreg [dreg:$0x4];
	s0 =	sshll.u32 s0, $0x5  }
0x2ce: {  	s23 =	simm.s32 $0x100;
	s24 =	simm.s32 $0x1;
	s0 =	sadd.s32 s22, s0  }
0x2cf: {  	[tilespmem:s23], [sflag:$0x2] =	stream.linear.gather [hbm4b:s0+s3], $0x100, $0x38;
	[tilespmem:$0x12500] =	vst v63  }
0x2d0: {  	_ =	swait.ge [sflag:s24], $0x100  }
0x2d1: {  	[sflag:s24] =	ssyncset.done $0x0  }
0x2d2: {  	s26 =	simm.s32 $0x20;
	[sflag:s24] =	ssyncadd.s32 $0xFFFFFF00  }
0x2d3: {  	v7 =	vld [tilespmem:s26+$0x0];
	_ =	sdelay $0x4  }
0x2d4: {  	vm0 =	vgt.s32 v7, $0x1869F  }
0x2d5: {  	v9 =	vld [tilespmem:s26+$0xFFFFFFE0];
	v8 =	vsel vm0, $0x3F800000, v1  }
0x2d6: {  	(xrf0) =	vmax.scan.msk.f32 $0xffff, v8;
	v8 =	vld [tilespmem:s26+$0xFFFFFFF0];
	_ =	sdelay $0x1  }
0x2d7: {  	s28 =	simm.s32 $0x60;
	v10 =	vld [tilespmem:s26+$0x10]  }
0x2d8: {  	v11 =	vld [tilespmem:s28+$0x0]  }
0x2d9: {  	v12 =	vld [tilespmem:s28+$0xFFFFFFE0];
	vm2 =	vgt.s32 v9, $0x1869F  }
0x2da: {  	v13 =	vld [tilespmem:s28+$0xFFFFFFF0];
	v14 =	vsel vm2, $0x3F800000, v1;
	vm3 =	vgt.s32 v8, $0x1869F  }
0x2db: {  	v56 =	vld [tilespmem:s28+$0x10];
	v15, _, _ =	vpop (xrf0);
	(xrf0) =	vmax.scan.msk.f32 $0xffff, v14;
	v55 =	vsel vm3, $0x3F800000, v1  }
0x2dc: {  	vm4 =	vgt.s32 v10, $0x1869F;
	(xrf0) =	vmax.scan.msk.f32 $0xffff, v55  }
0x2dd: {  	v57 =	vsel vm4, $0x3F800000, v1  }
0x2de: {  	vm1 =	vgt.s32 v11, $0x1869F;
	vm5 =	vgt.s32 v12, $0x1869F;
	v9 =	vsel vm2, $0x1869F, v9;
	(xrf0) =	vmax.scan.msk.f32 $0xffff, v57  }
0x2df: {  	s30 =	simm.s32 $0x220;
	vm6 =	vgt.s32 v13, $0x1869F;
	v58 =	vsel vm1, $0x3F800000, v1;
	v7 =	vsel vm0, $0x1869F, v7  }
0x2e0: {  	s4 =	simm.s32 $0xA0;
	v59 =	vsel vm5, $0x3F800000, v1;
	vm2 =	vgt.s32 v56, $0x1869F;
	[tilespmem:s30+$0xFFFFFFE0] =	vst v9;
	v8 =	vsel vm3, $0x1869F, v8  }
0x2e1: {  	v61 =	vld [tilespmem:s4+$0x0];
	(v2sf) =	vpush v15, $0xF;
	[tilespmem:s30+$0xFFFFFFF0] =	vst v8;
	v8 =	vsel vm2, $0x3F800000, v1;
	(xrf0) =	vmax.scan.msk.f32 $0xffff, v58;
	v9, _, _ =	vpop (xrf0)  }
0x2e2: {  	v60 =	vsel vm6, $0x3F800000, v1;
	[tilespmem:s30+$0x0] =	vst v7;
	(xrf0) =	vmax.scan.msk.f32 $0xffff, v59;
	(v2sf) =	vpush v9, $0xF;
	v7, _, _ =	vpop (xrf0)  }
0x2e3: {  	(xrf0) =	vmax.scan.msk.f32 $0xffff, v60;
	(v2sf) =	vpush v7, $0xF  }
0x2e4: {  	(xrf0) =	vmax.scan.msk.f32 $0xffff, v8;
	v8, _, _ =	vpop (xrf0)  }
0x2e5: {  	(v2sf) =	vpush v8, $0xF  }
0x2e6: {  	s31 =	simm.s32 $0x260;
	v11 =	vsel vm1, $0x1869F, v11;
	vm0 =	vgt.s32 v61, $0x1869F  }
0x2e7: {  	[tilespmem:s31+$0x0] =	vst v11;
	v11 =	vsel vm0, $0x3F800000, v1;
	v8, _, _ =	vpop (xrf0)  }
0x2e8: {  	v10 =	vsel vm4, $0x1869F, v10;
	v9 =	vld [tilespmem:s4+$0xFFFFFFE0];
	(v2sf) =	vpush v8, $0xF;
	v8, _, _ =	vpop (xrf0)  }
0x2e9: {  	[tilespmem:s30+$0x10] =	vst v10;
	v10 =	vld [tilespmem:s4+$0xFFFFFFF0];
	(v2sf) =	vpush v8, $0xF;
	v8, _, _ =	vpop (xrf0)  }
0x2ea: {  	v7 =	vsel vm6, $0x1869F, v13;
	(xrf0) =	vmax.scan.msk.f32 $0xffff, v11;
	(v2sf) =	vpush v8, $0xF;
	v11, _, _ =	vpop (xrf0)  }
0x2eb: {  	[tilespmem:s31+$0xFFFFFFF0] =	vst v7;
	v7 =	vld [tilespmem:s4+$0x10];
	(v2sf) =	vpush v11, $0xF;
	_ =	sdelay $0x1  }
0x2ec: {  	v12 =	vsel vm5, $0x1869F, v12;
	v62 =	vsel vm2, $0x1869F, v56;
	vm1 =	vgt.s32 v9, $0x1869F  }
0x2ed: {  	[tilespmem:s31+$0xFFFFFFE0] =	vst v12;
	v9 =	vsel vm1, $0x1869F, v9;
	v63 =	vsel vm1, $0x3F800000, v1;
	vm1 =	vgt.s32 v10, $0x1869F  }
0x2ee: {  	p1 =	por $0x0, $0x0;
	s5 =	simm.s32 $0x2A0;
	[tilespmem:s31+$0x10] =	vst v62;
	v8 =	vsel vm1, $0x1869F, v10;
	v10 =	vsel vm1, $0x3F800000, v1;
	(xrf0) =	vmax.scan.msk.f32 $0xffff, v63  }
0x2ef: {  	s6 =	simm.s32 $0x8;
	s12 =	simm.s32 $0xE0;
	[tilespmem:s5+$0xFFFFFFE0] =	vst v9;
	v9 =	vsel vm0, $0x1869F, v61;
	vm0 =	vgt.s32 v7, $0x1869F;
	(xrf0) =	vmax.scan.msk.f32 $0xffff, v10;
	s11 =	spop (v2sf)  }
.LBB2_21:
0x2f0: {  	v10 =	vld [tilespmem:s12+$0x0];
	[tilespmem:s5+$0xFFFFFFF0] =	vst v8;
	v7 =	vsel vm0, $0x1869F, v7;
	v8 =	vsel vm0, $0x3F800000, v1;
	s0 =	spop (v2sf)  }
0x2f1: {  	v11 =	vld [tilespmem:s12+$0xFFFFFFE0];
	[tilespmem:s5+$0x0] =	vst v9;
	(xrf0) =	vmax.scan.msk.f32 $0xffff, v8;
	s4 =	spop (v2sf)  }
0x2f2: {  	s6 =	sadd.s32 $0x4, s6;
	p3 =	sgt.f32 s0, $0.0e+00;
	v8 =	vld [tilespmem:s12+$0xFFFFFFF0];
	[tilespmem:s5+$0x10] =	vst v7;
	p4 =	sgt.f32 s4, $0.0e+00  }
0x2f3: {  	p5 =	sgt.f32 s11, $0.0e+00;
	p2 =	slt.u32 s6, $0xC;
	v9, _, _ =	vpop (xrf0);
	s0 =	spop (v2sf)  }
0x2f4: {  	v7 =	vld [tilespmem:s12+$0x10];
	v12, _, _ =	vpop (xrf0);
	(v2sf) =	vpush v9, $0xF;
	p3 =	por p3, p4;
	p4 =	sgt.f32 s0, $0.0e+00  }
.Ltmp7:
0x2f5: {  	vm0 =	vgt.s32 v10, $0x1869F;
	(v2sf) =	vpush v12, $0xF;
	v9, _, _ =	vpop (xrf0);
	p3 =	por p3, p5;
	(pc) =	sbr.rel @p2 .LBB2_21-.Ltmp7, $4  }
0x2f6: {  	vm1 =	vgt.s32 v11, $0x1869F;
	v13 =	vsel vm0, $0x3F800000, v1;
	(v2sf) =	vpush v9, $0xF;
	p3 =	por p3, p4  }
0x2f7: {  	v9 =	vsel vm1, $0x1869F, v11;
	v11 =	vsel vm1, $0x3F800000, v1;
	vm1 =	vgt.s32 v8, $0x1869F;
	(xrf0) =	vmax.scan.msk.f32 $0xffff, v13;
	v12, _, _ =	vpop (xrf0);
	p1 =	por p1, p3  }
0x2f8: {  	s5 =	sadd.s32 $0x40, s5;
	v8 =	vsel vm1, $0x1869F, v8;
	v13 =	vsel vm1, $0x3F800000, v1;
	(xrf0) =	vmax.scan.msk.f32 $0xffff, v11;
	(v2sf) =	vpush v12, $0xF  }
0x2f9: {  	s12 =	sadd.s32 $0x40, s12;
	[tilespmem:s5+$0xFFFFFFE0] =	vst v9;
	v9 =	vsel vm0, $0x1869F, v10;
	vm0 =	vgt.s32 v7, $0x1869F;
	(xrf0) =	vmax.scan.msk.f32 $0xffff, v13;
	s11 =	spop (v2sf)  }
0x2fa: {  	v10 =	vsel vm0, $0x3F800000, v1  }
0x2fb: {  	(xrf0) =	vmax.scan.msk.f32 $0xffff, v10;
	_ =	sdelay $0x2  }
0x2fc: {  	v10, _, _ =	vpop (xrf0)  }
0x2fd: {  	v11, _, _ =	vpop (xrf0);
	(v2sf) =	vpush v10, $0xF  }
0x2fe: {  	(v2sf) =	vpush v11, $0xF;
	v10, _, _ =	vpop (xrf0)  }
0x2ff: {  	(v2sf) =	vpush v10, $0xF;
	v10, _, _ =	vpop (xrf0)  }
0x300: {  	(v2sf) =	vpush v10, $0xF  }
0x301: {  	[tilespmem:s5+$0xFFFFFFF0] =	vst v8  }
0x302: {  	v7 =	vsel vm0, $0x1869F, v7;
	[tilespmem:s5+$0x0] =	vst v9  }
0x303: {  	s19 =	spop (v2sf);
	s1 =	simm.s32 $0x80;
	[tilespmem:s5+$0x10] =	vst v7  }
0x304: {  	s4 =	simm.s32 $0x200;
	s20 =	spop (v2sf);
	s0 =	rddreg [dreg:$0x3]  }
0x305: {  	[tilespmem:s9], [sflag:$0x3] =	stream.indirect.gather [hbm4b:s0+s1], $0x40, s4, s1, $0xb8;
	[tilespmem:$0x12500] =	vst v63  }
0x306: {  	s10 =	simm.s32 $0x280;
	s21 =	simm.s32 $0x2400;
	s15 =	spop (v2sf)  }
0x307: {  	[tilespmem:s21], [sflag:$0x3] =	stream.indirect.gather [hbm4b:s0+s1], $0x40, s10, s1, $0xb8;
	[tilespmem:$0x12500] =	vst v63  }
0x308: {  	s16 =	spop (v2sf)  }
0x309: {  	s17 =	spop (v2sf)  }
0x30a: {  	s18 =	spop (v2sf)  }
0x30b: {  	s13 =	spop (v2sf)  }
0x30c: {  	s31 =	spop (v2sf)  }
0x30d: {  	s14 =	spop (v2sf)  }
0x30e: {  	s12 =	spop (v2sf)  }
0x30f: {  	s21 =	simm.s32 @!p0 $0x6;
	s28 =	spop (v2sf)  }
0x310: {  	_ =	swait.ge @!p0 [sflag:s21], $0x400  }
0x311: {  	[sflag:s21] =	ssyncset.done @!p0 $0x0  }
0x312: {  	[sflag:s21] =	ssyncadd.s32 @!p0 $0xFFFFFC00  }
0x313: {  	_ =	swait.ge @!p0 [sflag:s21], $0x400  }
0x314: {  	[sflag:s21] =	ssyncset.done @!p0 $0x0  }
0x315: {  	[sflag:s21] =	ssyncadd.s32 @!p0 $0xFFFFFC00  }
0x316: {  	_ =	swait.ge @!p0 [sflag:s21], $0x400  }
0x317: {  	[sflag:s21] =	ssyncset.done @!p0 $0x0  }
0x318: {  	[sflag:s21] =	ssyncadd.s32 @!p0 $0xFFFFFC00  }
0x319: {  	_ =	swait.ge @!p0 [sflag:s21], $0x400  }
0x31a: {  	[sflag:s21] =	ssyncset.done @!p0 $0x0  }
0x31b: {  	[sflag:s21] =	ssyncadd.s32 @!p0 $0xFFFFFC00  }
0x31c: {  	_ =	swait.ge @!p0 [sflag:s21], $0x400  }
0x31d: {  	[sflag:s21] =	ssyncset.done @!p0 $0x0  }
0x31e: {  	[sflag:s21] =	ssyncadd.s32 @!p0 $0xFFFFFC00  }
0x31f: {  	_ =	swait.ge @!p0 [sflag:s21], $0x400  }
0x320: {  	[sflag:s21] =	ssyncset.done @!p0 $0x0  }
0x321: {  	[sflag:s21] =	ssyncadd.s32 @!p0 $0xFFFFFC00  }
0x322: {  	_ =	swait.ge @!p0 [sflag:s21], $0x400  }
0x323: {  	[sflag:s21] =	ssyncset.done @!p0 $0x0  }
0x324: {  	[sflag:s21] =	ssyncadd.s32 @!p0 $0xFFFFFC00  }
0x325: {  	_ =	swait.ge @!p0 [sflag:s21], $0x400  }
0x326: {  	[sflag:s21] =	ssyncset.done @!p0 $0x0  }
0x327: {  	[sflag:s21] =	ssyncadd.s32 @!p0 $0xFFFFFC00  }
0x328: {  	_ =	swait.ge @!p0 [sflag:s21], $0x400  }
0x329: {  	[sflag:s21] =	ssyncset.done @!p0 $0x0  }
0x32a: {  	[sflag:s21] =	ssyncadd.s32 @!p0 $0xFFFFFC00  }
0x32b: {  	_ =	swait.ge @!p0 [sflag:s21], $0x400  }
0x32c: {  	[sflag:s21] =	ssyncset.done @!p0 $0x0  }
0x32d: {  	[sflag:s21] =	ssyncadd.s32 @!p0 $0xFFFFFC00  }
0x32e: {  	_ =	swait.ge @!p0 [sflag:s21], $0x400  }
0x32f: {  	[sflag:s21] =	ssyncset.done @!p0 $0x0  }
0x330: {  	s22 =	simm.s32 $0x0;
	s23 =	simm.s32 $0x1;
	[sflag:s21] =	ssyncadd.s32 @!p0 $0xFFFFFC00  }
0x331: {  	s24 =	simm.s32 $0x2;
	s26 =	simm.s32 $0x3;
	_ =	swait.ge @!p0 [sflag:s21], $0x400  }
0x332: {  	s30 =	simm.s32 $0x5;
	s6 =	sand.u32 $0x78, s23;
	[sflag:s21] =	ssyncset.done @!p0 $0x0  }
0x333: {  	s8 =	sand.u32 $0x78, s24;
	s23 =	sand.u32 $0x78, s30;
	[sflag:s21] =	ssyncadd.s32 @!p0 $0xFFFFFC00  }
0x334: {  	s24 =	simm.s32 $0x7;
	s30 =	simm.s32 $0x9;
	_ =	swait.ge @!p0 [sflag:s21], $0x400  }
0x335: {  	s24 =	sand.u32 $0x78, s24;
	v17 =	vmov s6;
	s6 =	sand.u32 $0x78, s30;
	[sflag:s21] =	ssyncset.done @!p0 $0x0  }
0x336: {  	v18 =	vmov s8;
	v21 =	vmov s23;
	s23 =	simm.s32 $0xD;
	s4 =	sand.u32 $0x78, s22;
	[sflag:s21] =	ssyncadd.s32 @!p0 $0xFFFFFC00  }
0x337: {  	s22 =	sand.u32 $0x78, s26;
	v24 =	vmov s24;
	v14 =	vmov s6;
	v17 =	vshrl.u32 v17, $0x3;
	s0 =	simm.s32 $0x0;
	_ =	swait.ge @!p0 [sflag:s21], $0x400  }
0x338: {  	s30 =	sand.u32 $0x78, s23;
	v18 =	vshrl.u32 v18, $0x3;
	v21 =	vshrl.u32 v21, $0x3;
	v16 =	vmov s4;
	s0 =	sand.u32 $0x40, s0;
	[sflag:s21] =	ssyncset.done @!p0 $0x0  }
0x339: {  	v19 =	vmov s22;
	v9 =	vmov s30;
	v23 =	vmov s0;
	[sflag:s21] =	ssyncadd.s32 @!p0 $0xFFFFFC00  }
0x33a: {  	v17 =	vshll.u32 v17, v3;
	v24 =	vshrl.u32 v24, $0x3;
	v23 =	vmul.u32 $0x88, v23;
	_ =	swait.ge @!p0 [sflag:s21], $0x400  }
0x33b: {  	v18 =	vshll.u32 v18, v3;
	v21 =	vshll.u32 v21, v3;
	v14 =	vshrl.u32 v14, $0x3;
	[sflag:s21] =	ssyncset.done @!p0 $0x0  }
0x33c: {  	s22 =	simm.s32 $0xC;
	s1 =	simm.s32 $0x6;
	v24 =	vshll.u32 v24, v3;
	v17 =	vbroadcast v17, $0x0;
	v23 =	vbroadcast v23, $0x0;
	[sflag:s21] =	ssyncadd.s32 @!p0 $0xFFFFFC00  }
0x33d: {  	s10 =	simm.s32 $0x4;
	v19 =	vshrl.u32 v19, $0x3;
	v18 =	vbroadcast v18, $0x0;
	s26 =	sand.u32 $0x78, s1;
	v24 =	vbroadcast v24, $0x0;
	_ =	swait.ge @!p0 [sflag:s21], $0x400  }
0x33e: {  	s10 =	sand.u32 $0x78, s10;
	v19 =	vshll.u32 v19, v3;
	v22 =	vmov s26;
	s26 =	sand.u32 $0x78, s22;
	v25 =	vadd.s32 v0, v23;
	[sflag:s21] =	ssyncset.done @!p0 $0x0  }
0x33f: {  	v20 =	vmov s10;
	v13 =	vmov s26;
	s26 =	simm.s32 $0x45F0;
	v26 =	vadd.s32 v24, v25;
	[sflag:s21] =	ssyncadd.s32 @!p0 $0xFFFFFC00  }
0x340: {  	v19 =	vbroadcast v19, $0x0;
	v28 =	vadd.s32 v17, v25;
	v26 =	vor.u32 $0x7, v26;
	v27 =	vld [tilespmem:s26+$0xFFFFFFD0]  }
0x341: {  	v20 =	vshrl.u32 v20, $0x3;
	v29 =	vadd.s32 v18, v25;
	v28 =	vor.u32 $0x1, v28;
	v30 =	vld [tilespmem:s26+$0xFFFFFE50]  }
0x342: {  	v22 =	vshrl.u32 v22, $0x3;
	v20 =	vshll.u32 v20, v3;
	v29 =	vor.u32 $0x2, v29;
	v32 =	vld [tilespmem:s26+$0xFFFFFE90]  }
0x343: {  	v16 =	vshrl.u32 v16, $0x3;
	v22 =	vshll.u32 v22, v3;
	v20 =	vbroadcast v20, $0x0  }
0x344: {  	v21 =	vbroadcast v21, $0x0;
	v22 =	vbroadcast v22, $0x0;
	v31 =	vadd.s32 v19, v25  }
0x345: {  	s5 =	simm.s32 $0x8;
	v16 =	vshll.u32 v16, v3;
	v33 =	vadd.s32 v20, v25;
	v31 =	vor.u32 $0x3, v31;
	v35 =	vld [tilespmem:s26+$0xFFFFFED0];
	[tilespmem:v26+s2+$0x0] =	vst.idx.msk $0xffff, v27  }
0x346: {  	s4 =	sand.u32 $0x78, s5;
	v16 =	vbroadcast v16, $0x0;
	v37 =	vadd.s32 v22, v25;
	v33 =	vor.u32 $0x4, v33;
	v36 =	vld [tilespmem:s26+$0xFFFFFF10];
	[tilespmem:v28+s2+$0x0] =	vst.idx.msk $0xffff, v30  }
0x347: {  	v15 =	vmov s4;
	v34 =	vadd.s32 v4, v23;
	v30 =	vor.u32 $0x6, v37;
	[tilespmem:v29+s2+$0x0] =	vst.idx.msk $0xffff, v32;
	v29 =	vld [tilespmem:s26+$0xFFFFFF90]  }
0x348: {  	v62 =	vld [tilespmem:s26+$0xFFFFFE10];
	v26 =	vadd.s32 v24, v34;
	v27 =	vadd.s32 v21, v25;
	v25 =	vadd.s32 v16, v25  }
0x349: {  	s4 =	simm.s32 $0xE;
	v14 =	vshll.u32 v14, v3;
	v9 =	vshrl.u32 v9, $0x3;
	v38 =	vld [tilespmem:s26+$0xFFFFFFE0];
	v26 =	vor.u32 $0x7, v26  }
0x34a: {  	s23 =	sand.u32 $0x78, s4;
	v15 =	vshrl.u32 v15, $0x3;
	v61 =	vadd.s32 v18, v34;
	v28 =	vld [tilespmem:s26+$0xFFFFFF50];
	[tilespmem:v31+s2+$0x0] =	vst.idx.msk $0xffff, v35;
	v27 =	vor.u32 $0x5, v27  }
0x34b: {  	v8 =	vmov s23;
	v39 =	vadd.s32 v17, v34;
	v31 =	vor.u32 $0x2, v61;
	[tilespmem:v33+s2+$0x0] =	vst.idx.msk $0xffff, v36;
	v49 =	vld [tilespmem:s26+$0xFFFFFEA0]  }
0x34c: {  	v15 =	vshll.u32 v15, v3;
	v40 =	vadd.s32 v19, v34;
	v39 =	vor.u32 $0x1, v39;
	v45 =	vld [tilespmem:s26+$0xFFFFFE60];
	[tilespmem:v30+s2+$0x0] =	vst.idx.msk $0xffff, v29  }
0x34d: {  	v46 =	vadd.s32 v5, v23;
	v41 =	vadd.s32 v20, v34;
	v63 =	vor.u32 $0x3, v40;
	v52 =	vld [tilespmem:s26+$0xFFFFFEE0];
	[tilespmem:v25+s2+$0x0] =	vst.idx.msk $0xffff, v62  }
0x34e: {  	v23 =	vadd.s32 v6, v23;
	v48 =	vor.u32 $0x4, v41;
	v53 =	vld [tilespmem:s26+$0xFFFFFF20];
	[tilespmem:v26+s2+$0x0] =	vst.idx.msk $0xffff, v38;
	v26 =	vadd.s32 v24, v46  }
0x34f: {  	s1 =	simm.s32 $0xA;
	v42 =	vadd.s32 v21, v34;
	v47 =	vadd.s32 v22, v34;
	[tilespmem:v27+s2+$0x0] =	vst.idx.msk $0xffff, v28;
	v27 =	vld [tilespmem:s26+$0xFFFFFFF0];
	v26 =	vor.u32 $0x7, v26  }
0x350: {  	s1 =	sand.u32 $0x78, s1;
	v51 =	vadd.s32 v17, v46;
	v43 =	vadd.s32 v18, v46;
	v28 =	vor.u32 $0x6, v47;
	[tilespmem:v31+s2+$0x0] =	vst.idx.msk $0xffff, v49;
	v31 =	vld [tilespmem:s26+$0xFFFFFFA0]  }
0x351: {  	v11 =	vmov s1;
	v54 =	vadd.s32 v21, v46;
	v34 =	vadd.s32 v16, v34;
	[tilespmem:v39+s2+$0x0] =	vst.idx.msk $0xffff, v45;
	v57 =	vld [tilespmem:s26+$0xFFFFFE20]  }
0x352: {  	v56 =	vadd.s32 v22, v46;
	v17 =	vadd.s32 v17, v23;
	v50 =	vor.u32 $0x5, v42;
	[tilespmem:v63+s2+$0x0] =	vst.idx.msk $0xffff, v52;
	v55 =	vld [tilespmem:s26+$0xFFFFFF60]  }
0x353: {  	v18 =	vadd.s32 v18, v23;
	v22 =	vadd.s32 v22, v23;
	v30 =	vor.u32 $0x1, v51;
	[tilespmem:v48+s2+$0x0] =	vst.idx.msk $0xffff, v53;
	v58 =	vld [tilespmem:s26+$0xFFFFFE70]  }
0x354: {  	v43 =	vor.u32 $0x2, v43;
	v59 =	vor.u32 $0x1, v17;
	v24 =	vadd.s32 v24, v23;
	v60 =	vld [tilespmem:s26+$0xFFFFFEB0];
	[tilespmem:v26+s2+$0x0] =	vst.idx.msk $0xffff, v27  }
0x355: {  	v17 =	vadd.s32 v20, v23;
	v29 =	vadd.s32 v19, v46;
	v24 =	vor.u32 $0x7, v24;
	[tilespmem:v28+s2+$0x0] =	vst.idx.msk $0xffff, v31;
	v27 =	vld [tilespmem:s26+$0x0]  }
0x356: {  	v25 =	vadd.s32 v20, v46;
	v20 =	vadd.s32 v21, v23;
	v29 =	vor.u32 $0x3, v29;
	v21 =	vld [tilespmem:s26+$0xFFFFFEF0];
	[tilespmem:v34+s2+$0x0] =	vst.idx.msk $0xffff, v57  }
0x357: {  	p3 =	sgt.f32 s19, $0.0e+00;
	v19 =	vadd.s32 v19, v23;
	v25 =	vor.u32 $0x4, v25;
	v39 =	vor.u32 $0x6, v56;
	v28 =	vld [tilespmem:s26+$0xFFFFFF30];
	[tilespmem:v50+s2+$0x0] =	vst.idx.msk $0xffff, v55  }
0x358: {  	p5 =	sgt.f32 s20, $0.0e+00;
	s10 =	simm.s32 $0xB;
	s22 =	simm.s32 $0xF;
	v62 =	vor.u32 $0x3, v19;
	v19 =	vor.u32 $0x4, v17;
	v17 =	vor.u32 $0x6, v22;
	v22 =	vld [tilespmem:s26+$0xFFFFFFB0];
	[tilespmem:v30+s2+$0x0] =	vst.idx.msk $0xffff, v58  }
0x359: {  	s6 =	simm.s32 $0x4;
	s24 =	sand.u32 $0x78, s10;
	s4 =	sand.u32 $0x78, s22;
	v32 =	vor.u32 $0x5, v54;
	v61 =	vor.u32 $0x2, v18;
	v18 =	vor.u32 $0x5, v20;
	[tilespmem:v43+s2+$0x0] =	vst.idx.msk $0xffff, v60;
	v20 =	vld [tilespmem:s26+$0xFFFFFF70]  }
0x35a: {  	p4 =	sgt.f32 s11, $0.0e+00;
	v12 =	vmov s24;
	s24 =	sand.u32 $0x40, s6;
	v10 =	vmov s4;
	v26 =	vadd.s32 v16, v46;
	[tilespmem:v24+s2+$0x0] =	vst.idx.msk $0xffff, v27;
	v24 =	vld [tilespmem:s26+$0xFFFFFE30]  }
0x35b: {  	p6 =	por p3, p5;
	p5 =	sgt.f32 s15, $0.0e+00;
	v11 =	vshrl.u32 v11, $0x3;
	v13 =	vshrl.u32 v13, $0x3;
	v7 =	vmov s24;
	[tilespmem:v29+s2+$0x0] =	vst.idx.msk $0xffff, v21  }
0x35c: {  	s11 =	simm.s32 $0x47F0;
	p6 =	por p6, p4;
	v12 =	vshrl.u32 v12, $0x3;
	v11 =	vshll.u32 v11, v3;
	v31 =	vmul.u32 $0x88, v7;
	[tilespmem:v25+s2+$0x0] =	vst.idx.msk $0xffff, v28  }
0x35d: {  	p6 =	por p6, p5;
	v13 =	vshll.u32 v13, v3;
	v12 =	vshll.u32 v12, v3;
	p2 =	sgt.f32 s18, $0.0e+00;
	p0 =	sgt.f32 s17, $0.0e+00;
	v7 =	vbroadcast v15, $0x0;
	v30 =	vld [tilespmem:s26+$0xFFFFFE80];
	[tilespmem:v39+s2+$0x0] =	vst.idx.msk $0xffff, v22  }
0x35e: {  	p1 =	por p1, p6;
	p3 =	sgt.f32 s16, $0.0e+00;
	p4 =	sgt.f32 s13, $0.0e+00;
	v21 =	vshll.u32 v9, v3;
	v9 =	vbroadcast v14, $0x0;
	v29 =	vld [tilespmem:s26+$0xFFFFFEC0];
	v14 =	vbroadcast v31, $0x0;
	[tilespmem:v32+s2+$0x0] =	vst.idx.msk $0xffff, v20  }
0x35f: {  	p5 =	sgt.f32 s12, $0.0e+00;
	p6 =	sgt.f32 s28, $0.0e+00;
	p0 =	por p0, p2;
	v63 =	vld [tilespmem:s26+$0xFFFFFF00];
	v27 =	vshrl.u32 v8, $0x3;
	v8 =	vbroadcast v11, $0x0;
	v11 =	vshrl.u32 v10, $0x3;
	[tilespmem:v26+s2+$0x0] =	vst.idx.msk $0xffff, v24  }
0x360: {  	p2 =	sgt.f32 s14, $0.0e+00;
	p0 =	por p0, p3;
	v16 =	vadd.s32 v16, v23;
	v23 =	vld [tilespmem:s26+$0xFFFFFF40];
	v10 =	vbroadcast v12, $0x0;
	v12 =	vshll.u32 v11, v3;
	s30 =	rddreg [dreg:$0x5]  }
0x361: {  	p0 =	por p0, p4;
	p4 =	sgt.f32 s31, $0.0e+00;
	v25 =	vadd.s32 v0, v14;
	v22 =	vld [tilespmem:s26+$0xFFFFFF80];
	v11 =	vbroadcast v13, $0x0;
	v15 =	vbroadcast v12, $0x0;
	s31 =	rddreg [dreg:$0x1e]  }
0x362: {  	p2 =	por p2, p5;
	p0 =	por p1, p0;
	v20 =	vshll.u32 v27, v3;
	v13 =	vbroadcast v21, $0x0;
	v27 =	vld [tilespmem:s11+$0xFFFFFFD0];
	v33 =	vadd.s32 v10, v25;
	s0 =	sadd.s32 s30, s31  }
0x363: {  	p2 =	por p2, p4;
	v12 =	vbroadcast v20, $0x0;
	v32 =	vadd.s32 v11, v25;
	v20 =	vadd.s32 v15, v25;
	v24 =	vld [tilespmem:s26+$0xFFFFFFC0];
	[tilespmem:v59+s2+$0x0] =	vst.idx.msk $0xffff, v30;
	s1 =	sshll.u32 s0, $0xB;
	s0 =	sshll.u32 s0, $0x8  }
0x364: {  	p1 =	por p2, p6;
	v31 =	vadd.s32 v13, v25;
	v26 =	vadd.s32 v9, v25;
	v28 =	vor.u32 $0x7, v20;
	v20 =	vld [tilespmem:s11+$0xFFFFFE10];
	[tilespmem:v61+s2+$0x0] =	vst.idx.msk $0xffff, v29;
	s1 =	sand.u32 $0x1FFE0000, s1;
	s0 =	sand.u32 $0x3F00, s0  }
0x365: {  	p0 =	por p0, p1;
	v21 =	vld [tilespmem:s26+$0xFFFFFE40];
	v30 =	vadd.s32 v8, v25;
	v26 =	vor.u32 $0x1, v26;
	v29 =	vadd.s32 v12, v25;
	[tilespmem:v62+s2+$0x0] =	vst.idx.msk $0xffff, v63;
	s1 =	sor.u32 s0, s1  }
.LBB2_23:
0x366: {  	s0 =	sadd.s32 $0x9, s5;
	v34 =	vld [tilespmem:s11+$0xFFFFFE50];
	v30 =	vor.u32 $0x2, v30;
	v33 =	vor.u32 $0x3, v33;
	v32 =	vor.u32 $0x4, v32;
	[tilespmem:v19+s2+$0x0] =	vst.idx.msk $0xffff, v23;
	s12 =	smov.u32 s5;
	s5 =	sadd.s32 $0x8, s5  }
0x367: {  	v19 =	vadd.s32 v7, v25;
	v25 =	vor.u32 $0x5, v31;
	v29 =	vor.u32 $0x6, v29;
	s4 =	sand.u32 $0x78, s5;
	s0 =	sand.u32 $0x78, s0;
	s8 =	sadd.s32 $0xA, s12;
	v23 =	vld [tilespmem:s11+$0xFFFFFE90];
	[tilespmem:v18+s2+$0x0] =	vst.idx.msk $0xffff, v22  }
0x368: {  	p1 =	slt.u32 s5, $0xF8;
	v18 =	vadd.s32 v4, v14;
	v22 =	vmov s4;
	v31 =	vmov s0;
	s0 =	sand.u32 $0x78, s8;
	v35 =	vld [tilespmem:s11+$0xFFFFFED0];
	[tilespmem:v17+s2+$0x0] =	vst.idx.msk $0xffff, v24  }
0x369: {  	v17 =	vadd.s32 v9, v18;
	v24 =	vmov s0;
	v36 =	vld [tilespmem:s11+$0xFFFFFF10];
	[tilespmem:v28+s2+$0x0] =	vst.idx.msk $0xffff, v27;
	v27 =	vadd.s32 v15, v18  }
0x36a: {  	v37 =	vadd.s32 v10, v18;
	v28 =	vadd.s32 v8, v18;
	v38 =	vld [tilespmem:s11+$0xFFFFFFE0];
	v27 =	vor.u32 $0x7, v27;
	[tilespmem:v16+s2+$0x0] =	vst.idx.msk $0xffff, v21  }
0x36b: {  	v16 =	vor.u32 $0x1, v17;
	v17 =	vadd.s32 v11, v18;
	[tilespmem:v26+s2+$0x0] =	vst.idx.msk $0xffff, v34;
	v21 =	vld [tilespmem:s11+$0xFFFFFF50];
	v26 =	vadd.s32 v13, v18  }
0x36c: {  	s0 =	sadd.s32 $0xB, s12;
	v34 =	vadd.s32 v12, v18;
	[tilespmem:v30+s2+$0x0] =	vst.idx.msk $0xffff, v23;
	v23 =	vor.u32 $0x2, v28;
	v28 =	vor.u32 $0x3, v37;
	v30 =	vld [tilespmem:s11+$0xFFFFFF90]  }
0x36d: {  	s4 =	sadd.s32 $0xC, s12;
	s0 =	sand.u32 $0x78, s0;
	v17 =	vor.u32 $0x4, v17;
	v26 =	vor.u32 $0x5, v26;
	v37 =	vld [tilespmem:s11+$0xFFFFFE60];
	[tilespmem:v33+s2+$0x0] =	vst.idx.msk $0xffff, v35;
	v33 =	vor.u32 $0x6, v34  }
0x36e: {  	v34 =	vmov s0;
	s0 =	sand.u32 $0x78, s4;
	v35 =	vadd.s32 v7, v18;
	v18 =	vadd.s32 v5, v14;
	v39 =	vld [tilespmem:s11+$0xFFFFFEA0];
	[tilespmem:v32+s2+$0x0] =	vst.idx.msk $0xffff, v36  }
0x36f: {  	v32 =	vmov s0;
	v36 =	vadd.s32 v9, v18;
	v40 =	vld [tilespmem:s11+$0xFFFFFEE0];
	[tilespmem:v27+s2+$0x0] =	vst.idx.msk $0xffff, v38;
	v27 =	vadd.s32 v15, v18  }
0x370: {  	v41 =	vadd.s32 v10, v18;
	v38 =	vadd.s32 v8, v18;
	[tilespmem:v25+s2+$0x0] =	vst.idx.msk $0xffff, v21;
	v21 =	vld [tilespmem:s11+$0xFFFFFFF0];
	v25 =	vor.u32 $0x7, v27  }
0x371: {  	v42 =	vadd.s32 v11, v18;
	v43 =	vadd.s32 v13, v18;
	v27 =	vor.u32 $0x1, v36;
	v36 =	vld [tilespmem:s11+$0xFFFFFF20];
	[tilespmem:v29+s2+$0x0] =	vst.idx.msk $0xffff, v30  }
0x372: {  	s0 =	sadd.s32 $0xD, s12;
	v29 =	vor.u32 $0x3, v41;
	v30 =	vadd.s32 v12, v18;
	[tilespmem:v19+s2+$0x0] =	vst.idx.msk $0xffff, v20;
	v20 =	vor.u32 $0x2, v38;
	v19 =	vld [tilespmem:s11+$0xFFFFFF60]  }
0x373: {  	s4 =	sadd.s32 $0xE, s12;
	s0 =	sand.u32 $0x78, s0;
	v38 =	vor.u32 $0x5, v43;
	v30 =	vor.u32 $0x6, v30;
	[tilespmem:v16+s2+$0x0] =	vst.idx.msk $0xffff, v37;
	v37 =	vor.u32 $0x4, v42;
	v16 =	vld [tilespmem:s11+$0xFFFFFFA0]  }
0x374: {  	v14 =	vadd.s32 v6, v14;
	v41 =	vmov s0;
	s0 =	sand.u32 $0x78, s4;
	v43 =	vadd.s32 v7, v18;
	v42 =	vld [tilespmem:s11+$0xFFFFFE20];
	[tilespmem:v23+s2+$0x0] =	vst.idx.msk $0xffff, v39  }
0x375: {  	v9 =	vadd.s32 v9, v14;
	v15 =	vadd.s32 v15, v14;
	v23 =	vmov s0;
	v39 =	vld [tilespmem:s11+$0xFFFFFE70];
	[tilespmem:v25+s2+$0x0] =	vst.idx.msk $0xffff, v21  }
0x376: {  	v10 =	vadd.s32 v10, v14;
	v8 =	vadd.s32 v8, v14;
	v15 =	vor.u32 $0x7, v15;
	[tilespmem:v28+s2+$0x0] =	vst.idx.msk $0xffff, v40;
	v21 =	vld [tilespmem:s11+$0x0]  }
0x377: {  	v11 =	vadd.s32 v11, v14;
	v13 =	vadd.s32 v13, v14;
	v28 =	vor.u32 $0x1, v9;
	v9 =	vld [tilespmem:s11+$0xFFFFFEB0];
	[tilespmem:v17+s2+$0x0] =	vst.idx.msk $0xffff, v36  }
0x378: {  	v40 =	vor.u32 $0x3, v10;
	v10 =	vadd.s32 v12, v14;
	v36 =	vor.u32 $0x2, v8;
	v8 =	vld [tilespmem:s11+$0xFFFFFEF0];
	[tilespmem:v26+s2+$0x0] =	vst.idx.msk $0xffff, v19  }
0x379: {  	v18 =	vor.u32 $0x5, v13;
	v17 =	vor.u32 $0x6, v10;
	v19 =	vor.u32 $0x4, v11;
	v12 =	vld [tilespmem:s11+$0xFFFFFF30];
	[tilespmem:v33+s2+$0x0] =	vst.idx.msk $0xffff, v16  }
0x37a: {  	v10 =	vshrl.u32 v22, $0x3;
	v11 =	vshrl.u32 v31, $0x3;
	v16 =	vadd.s32 v7, v14;
	[tilespmem:v35+s2+$0x0] =	vst.idx.msk $0xffff, v42;
	v13 =	vld [tilespmem:s11+$0xFFFFFF70]  }
0x37b: {  	v22 =	vshrl.u32 v32, $0x3;
	v7 =	vshrl.u32 v24, $0x3;
	v14 =	vshrl.u32 v34, $0x3;
	v24 =	vld [tilespmem:s11+$0xFFFFFFB0];
	[tilespmem:v15+s2+$0x0] =	vst.idx.msk $0xffff, v21  }
0x37c: {  	s6 =	sadd.s32 $0x4, s6;
	v10 =	vshll.u32 v10, v3;
	v11 =	vshll.u32 v11, v3;
	v15 =	vshrl.u32 v41, $0x3;
	v21 =	vld [tilespmem:s11+$0xFFFFFE30];
	[tilespmem:v27+s2+$0x0] =	vst.idx.msk $0xffff, v39  }
0x37d: {  	s4 =	sadd.s32 $0xF, s12;
	s0 =	sand.u32 $0x40, s6;
	v25 =	vshll.u32 v7, v3;
	v26 =	vshll.u32 v14, v3;
	v27 =	vshrl.u32 v23, $0x3;
	v31 =	vld [tilespmem:s11+$0xFFFFFE80];
	[tilespmem:v20+s2+$0x0] =	vst.idx.msk $0xffff, v9  }
0x37e: {  	v7 =	vmov s0;
	s0 =	sand.u32 $0x78, s4;
	v32 =	vshll.u32 v15, v3;
	v20 =	vshll.u32 v22, v3;
	v34 =	vld [tilespmem:s11+$0xFFFFFEC0];
	[tilespmem:v29+s2+$0x0] =	vst.idx.msk $0xffff, v8  }
0x37f: {  	v14 =	vmul.u32 $0x88, v7;
	v7 =	vbroadcast v10, $0x0;
	v10 =	vmov s0;
	v35 =	vld [tilespmem:s11+$0xFFFFFF00];
	[tilespmem:v37+s2+$0x0] =	vst.idx.msk $0xffff, v12  }
0x380: {  	v9 =	vbroadcast v11, $0x0;
	v11 =	vshrl.u32 v10, $0x3;
	v8 =	vbroadcast v25, $0x0;
	v23 =	vld [tilespmem:s11+$0xFFFFFF40];
	[tilespmem:v38+s2+$0x0] =	vst.idx.msk $0xffff, v13  }
0x381: {  	v14 =	vbroadcast v14, $0x0;
	v10 =	vbroadcast v26, $0x0;
	v12 =	vshll.u32 v11, v3;
	v22 =	vld [tilespmem:s11+$0xFFFFFF80];
	[tilespmem:v30+s2+$0x0] =	vst.idx.msk $0xffff, v24  }
.Ltmp8:
0x382: {  	v11 =	vbroadcast v20, $0x0;
	v20 =	vshll.u32 v27, v3;
	v15 =	vbroadcast v12, $0x0;
	[tilespmem:v43+s2+$0x0] =	vst.idx.msk $0xffff, v21;
	v24 =	vld [tilespmem:s11+$0xFFFFFFC0];
	(pc) =	sbr.rel @p1 .LBB2_23-.Ltmp8, $4  }
0x383: {  	v25 =	vadd.s32 v0, v14;
	v13 =	vbroadcast v32, $0x0;
	v12 =	vbroadcast v20, $0x0;
	v21 =	vld [tilespmem:s11+$0xFFFFFE40];
	[tilespmem:v28+s2+$0x0] =	vst.idx.msk $0xffff, v31  }
0x384: {  	v26 =	vadd.s32 v9, v25;
	v30 =	vadd.s32 v8, v25;
	v20 =	vadd.s32 v15, v25;
	s11 =	sadd.s32 $0x200, s11  }
0x385: {  	v33 =	vadd.s32 v10, v25;
	v32 =	vadd.s32 v11, v25;
	v28 =	vor.u32 $0x7, v20;
	v27 =	vld [tilespmem:s11+$0xFFFFFFD0];
	[tilespmem:v36+s2+$0x0] =	vst.idx.msk $0xffff, v34  }
0x386: {  	v26 =	vor.u32 $0x1, v26;
	v29 =	vadd.s32 v12, v25;
	v31 =	vadd.s32 v13, v25;
	v20 =	vld [tilespmem:s11+$0xFFFFFE10];
	[tilespmem:v40+s2+$0x0] =	vst.idx.msk $0xffff, v35  }
0x387: {  	_ =	sdelay $0x3  }
0x388: {  	v34 =	vld [tilespmem:s11+$0xFFFFFE50];
	[tilespmem:v19+s2+$0x0] =	vst.idx.msk $0xffff, v23  }
0x389: {  	v63 =	vor.u32 $0x2, v30;
	v35 =	vld [tilespmem:s11+$0xFFFFFE90];
	[tilespmem:v18+s2+$0x0] =	vst.idx.msk $0xffff, v22  }
0x38a: {  	v36 =	vor.u32 $0x3, v33;
	v38 =	vld [tilespmem:s11+$0xFFFFFED0];
	[tilespmem:v17+s2+$0x0] =	vst.idx.msk $0xffff, v24  }
0x38b: {  	v39 =	vor.u32 $0x4, v32;
	v40 =	vld [tilespmem:s11+$0xFFFFFF10];
	[tilespmem:v16+s2+$0x0] =	vst.idx.msk $0xffff, v21  }
0x38c: {  	v42 =	vor.u32 $0x5, v31;
	v43 =	vld [tilespmem:s11+$0xFFFFFF50];
	[tilespmem:v28+s2+$0x0] =	vst.idx.msk $0xffff, v27  }
0x38d: {  	v37 =	vadd.s32 v4, v14;
	v44 =	vor.u32 $0x6, v29;
	v45 =	vld [tilespmem:s11+$0xFFFFFF90];
	[tilespmem:v26+s2+$0x0] =	vst.idx.msk $0xffff, v34  }
0x38e: {  	v46 =	vadd.s32 v7, v25;
	v41 =	vadd.s32 v15, v37;
	[tilespmem:v63+s2+$0x0] =	vst.idx.msk $0xffff, v35  }
0x38f: {  	v47 =	vadd.s32 v9, v37;
	v27 =	vor.u32 $0x7, v41;
	v28 =	vld [tilespmem:s11+$0xFFFFFFE0];
	[tilespmem:v36+s2+$0x0] =	vst.idx.msk $0xffff, v38  }
0x390: {  	v48 =	vadd.s32 v8, v37;
	v25 =	vor.u32 $0x1, v47;
	[tilespmem:v39+s2+$0x0] =	vst.idx.msk $0xffff, v40;
	v49 =	vld [tilespmem:s11+$0xFFFFFE60]  }
0x391: {  	v57 =	vadd.s32 v11, v37;
	v51 =	vor.u32 $0x2, v48;
	[tilespmem:v42+s2+$0x0] =	vst.idx.msk $0xffff, v43;
	v52 =	vld [tilespmem:s11+$0xFFFFFEA0]  }
0x392: {  	v59 =	vadd.s32 v13, v37;
	v24 =	vor.u32 $0x4, v57;
	[tilespmem:v44+s2+$0x0] =	vst.idx.msk $0xffff, v45;
	v60 =	vld [tilespmem:s11+$0xFFFFFF20]  }
0x393: {  	v61 =	vadd.s32 v12, v37;
	v19 =	vor.u32 $0x5, v59;
	[tilespmem:v46+s2+$0x0] =	vst.idx.msk $0xffff, v20;
	v62 =	vld [tilespmem:s11+$0xFFFFFF60]  }
0x394: {  	v50 =	vadd.s32 v5, v14;
	v20 =	vor.u32 $0x6, v61;
	v63 =	vld [tilespmem:s11+$0xFFFFFFA0];
	[tilespmem:v27+s2+$0x0] =	vst.idx.msk $0xffff, v28  }
0x395: {  	v54 =	vadd.s32 v10, v37;
	v32 =	vadd.s32 v7, v37;
	v33 =	vld [tilespmem:s11+$0xFFFFFE20];
	[tilespmem:v25+s2+$0x0] =	vst.idx.msk $0xffff, v49  }
0x396: {  	v53 =	vadd.s32 v15, v50;
	v58 =	vld [tilespmem:s11+$0xFFFFFEE0];
	v27 =	vor.u32 $0x3, v54;
	[tilespmem:v51+s2+$0x0] =	vst.idx.msk $0xffff, v52  }
0x397: {  	v56 =	vor.u32 $0x7, v53;
	v35 =	vadd.s32 v9, v50;
	v55 =	vld [tilespmem:s11+$0xFFFFFFF0];
	[tilespmem:v24+s2+$0x0] =	vst.idx.msk $0xffff, v60  }
0x398: {  	v36 =	vadd.s32 v8, v50;
	v16 =	vor.u32 $0x1, v35;
	[tilespmem:v19+s2+$0x0] =	vst.idx.msk $0xffff, v62;
	v37 =	vld [tilespmem:s11+$0xFFFFFE70]  }
0x399: {  	v40 =	vadd.s32 v11, v50;
	v22 =	vor.u32 $0x2, v36;
	[tilespmem:v20+s2+$0x0] =	vst.idx.msk $0xffff, v63;
	v39 =	vld [tilespmem:s11+$0xFFFFFEB0]  }
0x39a: {  	v43 =	vadd.s32 v13, v50;
	v19 =	vor.u32 $0x4, v40;
	[tilespmem:v32+s2+$0x0] =	vst.idx.msk $0xffff, v33;
	v44 =	vld [tilespmem:s11+$0xFFFFFF30]  }
0x39b: {  	v45 =	vadd.s32 v12, v50;
	v46 =	vor.u32 $0x5, v43;
	v47 =	vld [tilespmem:s11+$0xFFFFFF70];
	[tilespmem:v27+s2+$0x0] =	vst.idx.msk $0xffff, v58  }
0x39c: {  	v31 =	vadd.s32 v6, v14;
	v48 =	vor.u32 $0x6, v45;
	v49 =	vld [tilespmem:s11+$0xFFFFFFB0];
	[tilespmem:v56+s2+$0x0] =	vst.idx.msk $0xffff, v55  }
0x39d: {  	v38 =	vadd.s32 v10, v50;
	v50 =	vadd.s32 v7, v50;
	v52 =	vld [tilespmem:s11+$0xFFFFFE30];
	[tilespmem:v16+s2+$0x0] =	vst.idx.msk $0xffff, v37  }
0x39e: {  	v34 =	vadd.s32 v15, v31;
	v41 =	vor.u32 $0x3, v38;
	v42 =	vld [tilespmem:s11+$0xFFFFFEF0];
	[tilespmem:v22+s2+$0x0] =	vst.idx.msk $0xffff, v39  }
0x39f: {  	v15 =	vor.u32 $0x7, v34;
	v51 =	vadd.s32 v9, v31;
	v21 =	vld [tilespmem:s11+$0x0];
	[tilespmem:v19+s2+$0x0] =	vst.idx.msk $0xffff, v44  }
0x3a0: {  	v8 =	vadd.s32 v8, v31;
	v9 =	vor.u32 $0x1, v51;
	[tilespmem:v46+s2+$0x0] =	vst.idx.msk $0xffff, v47;
	v53 =	vld [tilespmem:s11+$0xFFFFFE80]  }
0x3a1: {  	v8 =	vor.u32 $0x2, v8;
	v56 =	vadd.s32 v11, v31;
	[tilespmem:v48+s2+$0x0] =	vst.idx.msk $0xffff, v49;
	v55 =	vld [tilespmem:s11+$0xFFFFFEC0]  }
0x3a2: {  	v58 =	vadd.s32 v13, v31;
	v11 =	vor.u32 $0x4, v56;
	[tilespmem:v50+s2+$0x0] =	vst.idx.msk $0xffff, v52;
	v59 =	vld [tilespmem:s11+$0xFFFFFF40]  }
0x3a3: {  	v60 =	vadd.s32 v12, v31;
	v13 =	vor.u32 $0x5, v58;
	v61 =	vld [tilespmem:s11+$0xFFFFFF80];
	[tilespmem:v41+s2+$0x0] =	vst.idx.msk $0xffff, v42  }
0x3a4: {  	v12 =	vor.u32 $0x6, v60;
	v62 =	vld [tilespmem:s11+$0xFFFFFFC0];
	[tilespmem:v15+s2+$0x0] =	vst.idx.msk $0xffff, v21  }
0x3a5: {  	v7 =	vadd.s32 v7, v31;
	v54 =	vadd.s32 v10, v31;
	v63 =	vld [tilespmem:s11+$0xFFFFFE40];
	[tilespmem:v9+s2+$0x0] =	vst.idx.msk $0xffff, v53  }
0x3a6: {  	v10 =	vor.u32 $0x3, v54;
	v57 =	vld [tilespmem:s11+$0xFFFFFF00];
	[tilespmem:v8+s2+$0x0] =	vst.idx.msk $0xffff, v55  }
0x3a7: {  	[tilespmem:v11+s2+$0x0] =	vst.idx.msk $0xffff, v59  }
0x3a8: {  	[tilespmem:v13+s2+$0x0] =	vst.idx.msk $0xffff, v61  }
0x3a9: {  	[tilespmem:v12+s2+$0x0] =	vst.idx.msk $0xffff, v62  }
0x3aa: {  	s0 =	rddreg [dreg:$0x1];
	[tilespmem:v7+s2+$0x0] =	vst.idx.msk $0xffff, v63  }
0x3ab: {  	s0 =	sadd.s32 s0, s1;
	[tilespmem:v10+s2+$0x0] =	vst.idx.msk $0xffff, v57  }
0x3ac: {  	[hbm4b:s0+s3] =	stream.linear.scatter [tilespmem:s2], [sflag:$0x6], $0x80, $0x38;
	[tilespmem:$0x12500] =	vst v63  }
0x3ad: {  	s5 =	simm.s32 $0xC888;
	s4 =	sadd.s32 $0x10, s0  }
0x3ae: {  	[hbm4b:s4+s3] =	stream.linear.scatter [tilespmem:s5], [sflag:$0x6], $0x80, $0x38;
	[tilespmem:$0x12500] =	vst v63  }
0x3af: {  	s19 =	simm.s32 $0xC910;
	s18 =	sadd.s32 $0x20, s0  }
0x3b0: {  	[hbm4b:s18+s3] =	stream.linear.scatter [tilespmem:s19], [sflag:$0x6], $0x80, $0x38;
	[tilespmem:$0x12500] =	vst v63  }
0x3b1: {  	s21 =	simm.s32 $0xC998;
	s20 =	sadd.s32 $0x30, s0  }
0x3b2: {  	[hbm4b:s20+s3] =	stream.linear.scatter [tilespmem:s21], [sflag:$0x6], $0x80, $0x38;
	[tilespmem:$0x12500] =	vst v63  }
0x3b3: {  	s23 =	simm.s32 $0xCA20;
	s22 =	sadd.s32 $0x40, s0  }
0x3b4: {  	[hbm4b:s22+s3] =	stream.linear.scatter [tilespmem:s23], [sflag:$0x6], $0x80, $0x38;
	[tilespmem:$0x12500] =	vst v63  }
0x3b5: {  	s26 =	simm.s32 $0xCAA8;
	s24 =	sadd.s32 $0x50, s0  }
0x3b6: {  	[hbm4b:s24+s3] =	stream.linear.scatter [tilespmem:s26], [sflag:$0x6], $0x80, $0x38;
	[tilespmem:$0x12500] =	vst v63  }
0x3b7: {  	s30 =	simm.s32 $0xCB30;
	s28 =	sadd.s32 $0x60, s0  }
0x3b8: {  	[hbm4b:s28+s3] =	stream.linear.scatter [tilespmem:s30], [sflag:$0x6], $0x80, $0x38;
	[tilespmem:$0x12500] =	vst v63  }
0x3b9: {  	s31 =	simm.s32 $0xCBB8;
	s0 =	sadd.s32 $0x70, s0;
	s4 =	rddreg [dreg:$0xa]  }
0x3ba: {  	[hbm4b:s0+s3] =	stream.linear.scatter [tilespmem:s31], [sflag:$0x6], $0x80, $0x38;
	[tilespmem:$0x12500] =	vst v63  }
0x3bb: {  	s5 =	simm.s32 $0xEA00;
	s0 =	sadd.s32 s1, s4  }
0x3bc: {  	[hbm4b:s0+s3] =	stream.linear.scatter [tilespmem:s5], [sflag:$0x6], $0x80, $0x38;
	[tilespmem:$0x12500] =	vst v63  }
0x3bd: {  	s8 =	simm.s32 $0xEA88;
	s6 =	sadd.s32 $0x10, s0  }
0x3be: {  	[hbm4b:s6+s3] =	stream.linear.scatter [tilespmem:s8], [sflag:$0x6], $0x80, $0x38;
	[tilespmem:$0x12500] =	vst v63  }
0x3bf: {  	s11 =	simm.s32 $0xEB10;
	s10 =	sadd.s32 $0x20, s0  }
0x3c0: {  	[hbm4b:s10+s3] =	stream.linear.scatter [tilespmem:s11], [sflag:$0x6], $0x80, $0x38;
	[tilespmem:$0x12500] =	vst v63  }
0x3c1: {  	s13 =	simm.s32 $0xEB98;
	s12 =	sadd.s32 $0x30, s0  }
0x3c2: {  	[hbm4b:s12+s3] =	stream.linear.scatter [tilespmem:s13], [sflag:$0x6], $0x80, $0x38;
	[tilespmem:$0x12500] =	vst v63  }
0x3c3: {  	s15 =	simm.s32 $0xEC20;
	s14 =	sadd.s32 $0x40, s0  }
0x3c4: {  	[hbm4b:s14+s3] =	stream.linear.scatter [tilespmem:s15], [sflag:$0x6], $0x80, $0x38;
	[tilespmem:$0x12500] =	vst v63  }
0x3c5: {  	s17 =	simm.s32 $0xECA8;
	s16 =	sadd.s32 $0x50, s0  }
0x3c6: {  	[hbm4b:s16+s3] =	stream.linear.scatter [tilespmem:s17], [sflag:$0x6], $0x80, $0x38;
	[tilespmem:$0x12500] =	vst v63  }
0x3c7: {  	s19 =	simm.s32 $0xED30;
	s18 =	sadd.s32 $0x60, s0  }
0x3c8: {  	[hbm4b:s18+s3] =	stream.linear.scatter [tilespmem:s19], [sflag:$0x6], $0x80, $0x38;
	[tilespmem:$0x12500] =	vst v63  }
0x3c9: {  	s20 =	simm.s32 $0xEDB8;
	s21 =	rddreg [dreg:$0xb];
	s0 =	sadd.s32 $0x70, s0  }
0x3ca: {  	[hbm4b:s0+s3] =	stream.linear.scatter [tilespmem:s20], [sflag:$0x6], $0x80, $0x38;
	[tilespmem:$0x12500] =	vst v63  }
0x3cb: {  	s22 =	simm.s32 $0xCC40;
	s0 =	sadd.s32 s1, s21  }
0x3cc: {  	[hbm4b:s0+s3] =	stream.linear.scatter [tilespmem:s22], [sflag:$0x6], $0x80, $0x38;
	[tilespmem:$0x12500] =	vst v63  }
0x3cd: {  	s24 =	simm.s32 $0xCCC8;
	s23 =	sadd.s32 $0x10, s0  }
0x3ce: {  	[hbm4b:s23+s3] =	stream.linear.scatter [tilespmem:s24], [sflag:$0x6], $0x80, $0x38;
	[tilespmem:$0x12500] =	vst v63  }
0x3cf: {  	s28 =	simm.s32 $0xCD50;
	s26 =	sadd.s32 $0x20, s0  }
0x3d0: {  	[hbm4b:s26+s3] =	stream.linear.scatter [tilespmem:s28], [sflag:$0x6], $0x80, $0x38;
	[tilespmem:$0x12500] =	vst v63  }
0x3d1: {  	s31 =	simm.s32 $0xCDD8;
	s30 =	sadd.s32 $0x30, s0  }
0x3d2: {  	[hbm4b:s30+s3] =	stream.linear.scatter [tilespmem:s31], [sflag:$0x6], $0x80, $0x38;
	[tilespmem:$0x12500] =	vst v63  }
0x3d3: {  	s6 =	simm.s32 $0xCE60;
	s5 =	sadd.s32 $0x40, s0  }
0x3d4: {  	[hbm4b:s5+s3] =	stream.linear.scatter [tilespmem:s6], [sflag:$0x6], $0x80, $0x38;
	[tilespmem:$0x12500] =	vst v63  }
0x3d5: {  	s10 =	simm.s32 $0xCEE8;
	s8 =	sadd.s32 $0x50, s0  }
0x3d6: {  	[hbm4b:s8+s3] =	stream.linear.scatter [tilespmem:s10], [sflag:$0x6], $0x80, $0x38;
	[tilespmem:$0x12500] =	vst v63  }
0x3d7: {  	s12 =	simm.s32 $0xCF70;
	s11 =	sadd.s32 $0x60, s0  }
0x3d8: {  	[hbm4b:s11+s3] =	stream.linear.scatter [tilespmem:s12], [sflag:$0x6], $0x80, $0x38;
	[tilespmem:$0x12500] =	vst v63  }
0x3d9: {  	s13 =	simm.s32 $0xCFF8;
	s14 =	rddreg [dreg:$0xc];
	s0 =	sadd.s32 $0x70, s0  }
0x3da: {  	[hbm4b:s0+s3] =	stream.linear.scatter [tilespmem:s13], [sflag:$0x6], $0x80, $0x38;
	[tilespmem:$0x12500] =	vst v63  }
0x3db: {  	s15 =	simm.s32 $0xEE40;
	s0 =	sadd.s32 s1, s14  }
0x3dc: {  	[hbm4b:s0+s3] =	stream.linear.scatter [tilespmem:s15], [sflag:$0x6], $0x80, $0x38;
	[tilespmem:$0x12500] =	vst v63  }
0x3dd: {  	s17 =	simm.s32 $0xEEC8;
	s16 =	sadd.s32 $0x10, s0  }
0x3de: {  	[hbm4b:s16+s3] =	stream.linear.scatter [tilespmem:s17], [sflag:$0x6], $0x80, $0x38;
	[tilespmem:$0x12500] =	vst v63  }
0x3df: {  	s19 =	simm.s32 $0xEF50;
	s18 =	sadd.s32 $0x20, s0  }
0x3e0: {  	[hbm4b:s18+s3] =	stream.linear.scatter [tilespmem:s19], [sflag:$0x6], $0x80, $0x38;
	[tilespmem:$0x12500] =	vst v63  }
0x3e1: {  	s21 =	simm.s32 $0xEFD8;
	s20 =	sadd.s32 $0x30, s0  }
0x3e2: {  	[hbm4b:s20+s3] =	stream.linear.scatter [tilespmem:s21], [sflag:$0x6], $0x80, $0x38;
	[tilespmem:$0x12500] =	vst v63  }
0x3e3: {  	s23 =	simm.s32 $0xF060;
	s22 =	sadd.s32 $0x40, s0  }
0x3e4: {  	[hbm4b:s22+s3] =	stream.linear.scatter [tilespmem:s23], [sflag:$0x6], $0x80, $0x38;
	[tilespmem:$0x12500] =	vst v63  }
0x3e5: {  	s26 =	simm.s32 $0xF0E8;
	s24 =	sadd.s32 $0x50, s0  }
0x3e6: {  	[hbm4b:s24+s3] =	stream.linear.scatter [tilespmem:s26], [sflag:$0x6], $0x80, $0x38;
	[tilespmem:$0x12500] =	vst v63  }
0x3e7: {  	s30 =	simm.s32 $0xF170;
	s28 =	sadd.s32 $0x60, s0  }
0x3e8: {  	[hbm4b:s28+s3] =	stream.linear.scatter [tilespmem:s30], [sflag:$0x6], $0x80, $0x38;
	[tilespmem:$0x12500] =	vst v63  }
0x3e9: {  	s4 =	rddreg [dreg:$0xd];
	s31 =	simm.s32 $0xF1F8;
	s0 =	sadd.s32 $0x70, s0  }
0x3ea: {  	[hbm4b:s0+s3] =	stream.linear.scatter [tilespmem:s31], [sflag:$0x6], $0x80, $0x38;
	[tilespmem:$0x12500] =	vst v63  }
0x3eb: {  	s5 =	simm.s32 $0xD080;
	s0 =	sadd.s32 s1, s4  }
0x3ec: {  	[hbm4b:s0+s3] =	stream.linear.scatter [tilespmem:s5], [sflag:$0x6], $0x80, $0x38;
	[tilespmem:$0x12500] =	vst v63  }
0x3ed: {  	s8 =	simm.s32 $0xD108;
	s6 =	sadd.s32 $0x10, s0  }
0x3ee: {  	[hbm4b:s6+s3] =	stream.linear.scatter [tilespmem:s8], [sflag:$0x6], $0x80, $0x38;
	[tilespmem:$0x12500] =	vst v63  }
0x3ef: {  	s11 =	simm.s32 $0xD190;
	s10 =	sadd.s32 $0x20, s0  }
0x3f0: {  	[hbm4b:s10+s3] =	stream.linear.scatter [tilespmem:s11], [sflag:$0x6], $0x80, $0x38;
	[tilespmem:$0x12500] =	vst v63  }
0x3f1: {  	s13 =	simm.s32 $0xD218;
	s12 =	sadd.s32 $0x30, s0  }
0x3f2: {  	[hbm4b:s12+s3] =	stream.linear.scatter [tilespmem:s13], [sflag:$0x6], $0x80, $0x38;
	[tilespmem:$0x12500] =	vst v63  }
0x3f3: {  	s15 =	simm.s32 $0xD2A0;
	s14 =	sadd.s32 $0x40, s0  }
0x3f4: {  	[hbm4b:s14+s3] =	stream.linear.scatter [tilespmem:s15], [sflag:$0x6], $0x80, $0x38;
	[tilespmem:$0x12500] =	vst v63  }
0x3f5: {  	s17 =	simm.s32 $0xD328;
	s16 =	sadd.s32 $0x50, s0  }
0x3f6: {  	[hbm4b:s16+s3] =	stream.linear.scatter [tilespmem:s17], [sflag:$0x6], $0x80, $0x38;
	[tilespmem:$0x12500] =	vst v63  }
0x3f7: {  	s19 =	simm.s32 $0xD3B0;
	s18 =	sadd.s32 $0x60, s0  }
0x3f8: {  	[hbm4b:s18+s3] =	stream.linear.scatter [tilespmem:s19], [sflag:$0x6], $0x80, $0x38;
	[tilespmem:$0x12500] =	vst v63  }
0x3f9: {  	s20 =	simm.s32 $0xD438;
	s21 =	rddreg [dreg:$0xe];
	s0 =	sadd.s32 $0x70, s0  }
0x3fa: {  	[hbm4b:s0+s3] =	stream.linear.scatter [tilespmem:s20], [sflag:$0x6], $0x80, $0x38;
	[tilespmem:$0x12500] =	vst v63  }
0x3fb: {  	s22 =	simm.s32 $0xF280;
	s0 =	sadd.s32 s1, s21  }
0x3fc: {  	[hbm4b:s0+s3] =	stream.linear.scatter [tilespmem:s22], [sflag:$0x6], $0x80, $0x38;
	[tilespmem:$0x12500] =	vst v63  }
0x3fd: {  	s24 =	simm.s32 $0xF308;
	s23 =	sadd.s32 $0x10, s0  }
0x3fe: {  	[hbm4b:s23+s3] =	stream.linear.scatter [tilespmem:s24], [sflag:$0x6], $0x80, $0x38;
	[tilespmem:$0x12500] =	vst v63  }
0x3ff: {  	s28 =	simm.s32 $0xF390;
	s26 =	sadd.s32 $0x20, s0  }
0x400: {  	[hbm4b:s26+s3] =	stream.linear.scatter [tilespmem:s28], [sflag:$0x6], $0x80, $0x38;
	[tilespmem:$0x12500] =	vst v63  }
0x401: {  	s31 =	simm.s32 $0xF418;
	s30 =	sadd.s32 $0x30, s0  }
0x402: {  	[hbm4b:s30+s3] =	stream.linear.scatter [tilespmem:s31], [sflag:$0x6], $0x80, $0x38;
	[tilespmem:$0x12500] =	vst v63  }
0x403: {  	s6 =	simm.s32 $0xF4A0;
	s5 =	sadd.s32 $0x40, s0  }
0x404: {  	[hbm4b:s5+s3] =	stream.linear.scatter [tilespmem:s6], [sflag:$0x6], $0x80, $0x38;
	[tilespmem:$0x12500] =	vst v63  }
0x405: {  	s10 =	simm.s32 $0xF528;
	s8 =	sadd.s32 $0x50, s0  }
0x406: {  	[hbm4b:s8+s3] =	stream.linear.scatter [tilespmem:s10], [sflag:$0x6], $0x80, $0x38;
	[tilespmem:$0x12500] =	vst v63  }
0x407: {  	s12 =	simm.s32 $0xF5B0;
	s11 =	sadd.s32 $0x60, s0  }
0x408: {  	[hbm4b:s11+s3] =	stream.linear.scatter [tilespmem:s12], [sflag:$0x6], $0x80, $0x38;
	[tilespmem:$0x12500] =	vst v63  }
0x409: {  	s13 =	simm.s32 $0xF638;
	s14 =	rddreg [dreg:$0xf];
	s0 =	sadd.s32 $0x70, s0  }
0x40a: {  	[hbm4b:s0+s3] =	stream.linear.scatter [tilespmem:s13], [sflag:$0x6], $0x80, $0x38;
	[tilespmem:$0x12500] =	vst v63  }
0x40b: {  	s15 =	simm.s32 $0xD4C0;
	s0 =	sadd.s32 s1, s14  }
0x40c: {  	[hbm4b:s0+s3] =	stream.linear.scatter [tilespmem:s15], [sflag:$0x6], $0x80, $0x38;
	[tilespmem:$0x12500] =	vst v63  }
0x40d: {  	s17 =	simm.s32 $0xD548;
	s16 =	sadd.s32 $0x10, s0  }
0x40e: {  	[hbm4b:s16+s3] =	stream.linear.scatter [tilespmem:s17], [sflag:$0x6], $0x80, $0x38;
	[tilespmem:$0x12500] =	vst v63  }
0x40f: {  	s19 =	simm.s32 $0xD5D0;
	s18 =	sadd.s32 $0x20, s0  }
0x410: {  	[hbm4b:s18+s3] =	stream.linear.scatter [tilespmem:s19], [sflag:$0x6], $0x80, $0x38;
	[tilespmem:$0x12500] =	vst v63  }
0x411: {  	s21 =	simm.s32 $0xD658;
	s20 =	sadd.s32 $0x30, s0  }
0x412: {  	[hbm4b:s20+s3] =	stream.linear.scatter [tilespmem:s21], [sflag:$0x6], $0x80, $0x38;
	[tilespmem:$0x12500] =	vst v63  }
0x413: {  	s23 =	simm.s32 $0xD6E0;
	s22 =	sadd.s32 $0x40, s0  }
0x414: {  	[hbm4b:s22+s3] =	stream.linear.scatter [tilespmem:s23], [sflag:$0x6], $0x80, $0x38;
	[tilespmem:$0x12500] =	vst v63  }
0x415: {  	s26 =	simm.s32 $0xD768;
	s24 =	sadd.s32 $0x50, s0  }
0x416: {  	[hbm4b:s24+s3] =	stream.linear.scatter [tilespmem:s26], [sflag:$0x6], $0x80, $0x38;
	[tilespmem:$0x12500] =	vst v63  }
0x417: {  	s30 =	simm.s32 $0xD7F0;
	s28 =	sadd.s32 $0x60, s0  }
0x418: {  	[hbm4b:s28+s3] =	stream.linear.scatter [tilespmem:s30], [sflag:$0x6], $0x80, $0x38;
	[tilespmem:$0x12500] =	vst v63  }
0x419: {  	s4 =	rddreg [dreg:$0x10];
	s31 =	simm.s32 $0xD878;
	s0 =	sadd.s32 $0x70, s0  }
0x41a: {  	[hbm4b:s0+s3] =	stream.linear.scatter [tilespmem:s31], [sflag:$0x6], $0x80, $0x38;
	[tilespmem:$0x12500] =	vst v63  }
0x41b: {  	s5 =	simm.s32 $0xF6C0;
	s0 =	sadd.s32 s1, s4  }
0x41c: {  	[hbm4b:s0+s3] =	stream.linear.scatter [tilespmem:s5], [sflag:$0x6], $0x80, $0x38;
	[tilespmem:$0x12500] =	vst v63  }
0x41d: {  	s8 =	simm.s32 $0xF748;
	s6 =	sadd.s32 $0x10, s0  }
0x41e: {  	[hbm4b:s6+s3] =	stream.linear.scatter [tilespmem:s8], [sflag:$0x6], $0x80, $0x38;
	[tilespmem:$0x12500] =	vst v63  }
0x41f: {  	s11 =	simm.s32 $0xF7D0;
	s10 =	sadd.s32 $0x20, s0  }
0x420: {  	[hbm4b:s10+s3] =	stream.linear.scatter [tilespmem:s11], [sflag:$0x6], $0x80, $0x38;
	[tilespmem:$0x12500] =	vst v63  }
0x421: {  	s13 =	simm.s32 $0xF858;
	s12 =	sadd.s32 $0x30, s0  }
0x422: {  	[hbm4b:s12+s3] =	stream.linear.scatter [tilespmem:s13], [sflag:$0x6], $0x80, $0x38;
	[tilespmem:$0x12500] =	vst v63  }
0x423: {  	s15 =	simm.s32 $0xF8E0;
	s14 =	sadd.s32 $0x40, s0  }
0x424: {  	[hbm4b:s14+s3] =	stream.linear.scatter [tilespmem:s15], [sflag:$0x6], $0x80, $0x38;
	[tilespmem:$0x12500] =	vst v63  }
0x425: {  	s17 =	simm.s32 $0xF968;
	s16 =	sadd.s32 $0x50, s0  }
0x426: {  	[hbm4b:s16+s3] =	stream.linear.scatter [tilespmem:s17], [sflag:$0x6], $0x80, $0x38;
	[tilespmem:$0x12500] =	vst v63  }
0x427: {  	s19 =	simm.s32 $0xF9F0;
	s18 =	sadd.s32 $0x60, s0  }
0x428: {  	[hbm4b:s18+s3] =	stream.linear.scatter [tilespmem:s19], [sflag:$0x6], $0x80, $0x38;
	[tilespmem:$0x12500] =	vst v63  }
0x429: {  	s20 =	simm.s32 $0xFA78;
	s21 =	rddreg [dreg:$0x11];
	s0 =	sadd.s32 $0x70, s0  }
0x42a: {  	[hbm4b:s0+s3] =	stream.linear.scatter [tilespmem:s20], [sflag:$0x6], $0x80, $0x38;
	[tilespmem:$0x12500] =	vst v63  }
0x42b: {  	s22 =	simm.s32 $0xD900;
	s0 =	sadd.s32 s1, s21  }
0x42c: {  	[hbm4b:s0+s3] =	stream.linear.scatter [tilespmem:s22], [sflag:$0x6], $0x80, $0x38;
	[tilespmem:$0x12500] =	vst v63  }
0x42d: {  	s24 =	simm.s32 $0xD988;
	s23 =	sadd.s32 $0x10, s0  }
0x42e: {  	[hbm4b:s23+s3] =	stream.linear.scatter [tilespmem:s24], [sflag:$0x6], $0x80, $0x38;
	[tilespmem:$0x12500] =	vst v63  }
0x42f: {  	s28 =	simm.s32 $0xDA10;
	s26 =	sadd.s32 $0x20, s0  }
0x430: {  	[hbm4b:s26+s3] =	stream.linear.scatter [tilespmem:s28], [sflag:$0x6], $0x80, $0x38;
	[tilespmem:$0x12500] =	vst v63  }
0x431: {  	s31 =	simm.s32 $0xDA98;
	s30 =	sadd.s32 $0x30, s0  }
0x432: {  	[hbm4b:s30+s3] =	stream.linear.scatter [tilespmem:s31], [sflag:$0x6], $0x80, $0x38;
	[tilespmem:$0x12500] =	vst v63  }
0x433: {  	s6 =	simm.s32 $0xDB20;
	s5 =	sadd.s32 $0x40, s0  }
0x434: {  	[hbm4b:s5+s3] =	stream.linear.scatter [tilespmem:s6], [sflag:$0x6], $0x80, $0x38;
	[tilespmem:$0x12500] =	vst v63  }
0x435: {  	s10 =	simm.s32 $0xDBA8;
	s8 =	sadd.s32 $0x50, s0  }
0x436: {  	[hbm4b:s8+s3] =	stream.linear.scatter [tilespmem:s10], [sflag:$0x6], $0x80, $0x38;
	[tilespmem:$0x12500] =	vst v63  }
0x437: {  	s12 =	simm.s32 $0xDC30;
	s11 =	sadd.s32 $0x60, s0  }
0x438: {  	[hbm4b:s11+s3] =	stream.linear.scatter [tilespmem:s12], [sflag:$0x6], $0x80, $0x38;
	[tilespmem:$0x12500] =	vst v63  }
0x439: {  	s13 =	simm.s32 $0xDCB8;
	s14 =	rddreg [dreg:$0x12];
	s0 =	sadd.s32 $0x70, s0  }
0x43a: {  	[hbm4b:s0+s3] =	stream.linear.scatter [tilespmem:s13], [sflag:$0x6], $0x80, $0x38;
	[tilespmem:$0x12500] =	vst v63  }
0x43b: {  	s15 =	simm.s32 $0xFB00;
	s0 =	sadd.s32 s1, s14  }
0x43c: {  	[hbm4b:s0+s3] =	stream.linear.scatter [tilespmem:s15], [sflag:$0x6], $0x80, $0x38;
	[tilespmem:$0x12500] =	vst v63  }
0x43d: {  	s17 =	simm.s32 $0xFB88;
	s16 =	sadd.s32 $0x10, s0  }
0x43e: {  	[hbm4b:s16+s3] =	stream.linear.scatter [tilespmem:s17], [sflag:$0x6], $0x80, $0x38;
	[tilespmem:$0x12500] =	vst v63  }
0x43f: {  	s19 =	simm.s32 $0xFC10;
	s18 =	sadd.s32 $0x20, s0  }
0x440: {  	[hbm4b:s18+s3] =	stream.linear.scatter [tilespmem:s19], [sflag:$0x6], $0x80, $0x38;
	[tilespmem:$0x12500] =	vst v63  }
0x441: {  	s21 =	simm.s32 $0xFC98;
	s20 =	sadd.s32 $0x30, s0  }
0x442: {  	[hbm4b:s20+s3] =	stream.linear.scatter [tilespmem:s21], [sflag:$0x6], $0x80, $0x38;
	[tilespmem:$0x12500] =	vst v63  }
0x443: {  	s23 =	simm.s32 $0xFD20;
	s22 =	sadd.s32 $0x40, s0  }
0x444: {  	[hbm4b:s22+s3] =	stream.linear.scatter [tilespmem:s23], [sflag:$0x6], $0x80, $0x38;
	[tilespmem:$0x12500] =	vst v63  }
0x445: {  	s26 =	simm.s32 $0xFDA8;
	s24 =	sadd.s32 $0x50, s0  }
0x446: {  	[hbm4b:s24+s3] =	stream.linear.scatter [tilespmem:s26], [sflag:$0x6], $0x80, $0x38;
	[tilespmem:$0x12500] =	vst v63  }
0x447: {  	s30 =	simm.s32 $0xFE30;
	s28 =	sadd.s32 $0x60, s0  }
0x448: {  	[hbm4b:s28+s3] =	stream.linear.scatter [tilespmem:s30], [sflag:$0x6], $0x80, $0x38;
	[tilespmem:$0x12500] =	vst v63  }
0x449: {  	s4 =	rddreg [dreg:$0x13];
	s31 =	simm.s32 $0xFEB8;
	s0 =	sadd.s32 $0x70, s0  }
0x44a: {  	[hbm4b:s0+s3] =	stream.linear.scatter [tilespmem:s31], [sflag:$0x6], $0x80, $0x38;
	[tilespmem:$0x12500] =	vst v63  }
0x44b: {  	s5 =	simm.s32 $0xDD40;
	s0 =	sadd.s32 s1, s4  }
0x44c: {  	[hbm4b:s0+s3] =	stream.linear.scatter [tilespmem:s5], [sflag:$0x6], $0x80, $0x38;
	[tilespmem:$0x12500] =	vst v63  }
0x44d: {  	s8 =	simm.s32 $0xDDC8;
	s6 =	sadd.s32 $0x10, s0  }
0x44e: {  	[hbm4b:s6+s3] =	stream.linear.scatter [tilespmem:s8], [sflag:$0x6], $0x80, $0x38;
	[tilespmem:$0x12500] =	vst v63  }
0x44f: {  	s11 =	simm.s32 $0xDE50;
	s10 =	sadd.s32 $0x20, s0  }
0x450: {  	[hbm4b:s10+s3] =	stream.linear.scatter [tilespmem:s11], [sflag:$0x6], $0x80, $0x38;
	[tilespmem:$0x12500] =	vst v63  }
0x451: {  	s13 =	simm.s32 $0xDED8;
	s12 =	sadd.s32 $0x30, s0  }
0x452: {  	[hbm4b:s12+s3] =	stream.linear.scatter [tilespmem:s13], [sflag:$0x6], $0x80, $0x38;
	[tilespmem:$0x12500] =	vst v63  }
0x453: {  	s15 =	simm.s32 $0xDF60;
	s14 =	sadd.s32 $0x40, s0  }
0x454: {  	[hbm4b:s14+s3] =	stream.linear.scatter [tilespmem:s15], [sflag:$0x6], $0x80, $0x38;
	[tilespmem:$0x12500] =	vst v63  }
0x455: {  	s17 =	simm.s32 $0xDFE8;
	s16 =	sadd.s32 $0x50, s0  }
0x456: {  	[hbm4b:s16+s3] =	stream.linear.scatter [tilespmem:s17], [sflag:$0x6], $0x80, $0x38;
	[tilespmem:$0x12500] =	vst v63  }
0x457: {  	s19 =	simm.s32 $0xE070;
	s18 =	sadd.s32 $0x60, s0  }
0x458: {  	[hbm4b:s18+s3] =	stream.linear.scatter [tilespmem:s19], [sflag:$0x6], $0x80, $0x38;
	[tilespmem:$0x12500] =	vst v63  }
0x459: {  	s20 =	simm.s32 $0xE0F8;
	s21 =	rddreg [dreg:$0x14];
	s0 =	sadd.s32 $0x70, s0  }
0x45a: {  	[hbm4b:s0+s3] =	stream.linear.scatter [tilespmem:s20], [sflag:$0x6], $0x80, $0x38;
	[tilespmem:$0x12500] =	vst v63  }
0x45b: {  	s22 =	simm.s32 $0xFF40;
	s0 =	sadd.s32 s1, s21  }
0x45c: {  	[hbm4b:s0+s3] =	stream.linear.scatter [tilespmem:s22], [sflag:$0x6], $0x80, $0x38;
	[tilespmem:$0x12500] =	vst v63  }
0x45d: {  	s24 =	simm.s32 $0xFFC8;
	s23 =	sadd.s32 $0x10, s0  }
0x45e: {  	[hbm4b:s23+s3] =	stream.linear.scatter [tilespmem:s24], [sflag:$0x6], $0x80, $0x38;
	[tilespmem:$0x12500] =	vst v63  }
0x45f: {  	s28 =	simm.s32 $0x10050;
	s26 =	sadd.s32 $0x20, s0  }
0x460: {  	[hbm4b:s26+s3] =	stream.linear.scatter [tilespmem:s28], [sflag:$0x6], $0x80, $0x38;
	[tilespmem:$0x12500] =	vst v63  }
0x461: {  	s31 =	simm.s32 $0x100D8;
	s30 =	sadd.s32 $0x30, s0  }
0x462: {  	[hbm4b:s30+s3] =	stream.linear.scatter [tilespmem:s31], [sflag:$0x6], $0x80, $0x38;
	[tilespmem:$0x12500] =	vst v63  }
0x463: {  	s6 =	simm.s32 $0x10160;
	s5 =	sadd.s32 $0x40, s0  }
0x464: {  	[hbm4b:s5+s3] =	stream.linear.scatter [tilespmem:s6], [sflag:$0x6], $0x80, $0x38;
	[tilespmem:$0x12500] =	vst v63  }
0x465: {  	s10 =	simm.s32 $0x101E8;
	s8 =	sadd.s32 $0x50, s0  }
0x466: {  	[hbm4b:s8+s3] =	stream.linear.scatter [tilespmem:s10], [sflag:$0x6], $0x80, $0x38;
	[tilespmem:$0x12500] =	vst v63  }
0x467: {  	s12 =	simm.s32 $0x10270;
	s11 =	sadd.s32 $0x60, s0  }
0x468: {  	[hbm4b:s11+s3] =	stream.linear.scatter [tilespmem:s12], [sflag:$0x6], $0x80, $0x38;
	[tilespmem:$0x12500] =	vst v63  }
0x469: {  	s13 =	simm.s32 $0x102F8;
	s14 =	rddreg [dreg:$0x15];
	s0 =	sadd.s32 $0x70, s0  }
0x46a: {  	[hbm4b:s0+s3] =	stream.linear.scatter [tilespmem:s13], [sflag:$0x6], $0x80, $0x38;
	[tilespmem:$0x12500] =	vst v63  }
0x46b: {  	s15 =	simm.s32 $0xE180;
	s0 =	sadd.s32 s1, s14  }
0x46c: {  	[hbm4b:s0+s3] =	stream.linear.scatter [tilespmem:s15], [sflag:$0x6], $0x80, $0x38;
	[tilespmem:$0x12500] =	vst v63  }
0x46d: {  	s17 =	simm.s32 $0xE208;
	s16 =	sadd.s32 $0x10, s0  }
0x46e: {  	[hbm4b:s16+s3] =	stream.linear.scatter [tilespmem:s17], [sflag:$0x6], $0x80, $0x38;
	[tilespmem:$0x12500] =	vst v63  }
0x46f: {  	s19 =	simm.s32 $0xE290;
	s18 =	sadd.s32 $0x20, s0  }
0x470: {  	[hbm4b:s18+s3] =	stream.linear.scatter [tilespmem:s19], [sflag:$0x6], $0x80, $0x38;
	[tilespmem:$0x12500] =	vst v63  }
0x471: {  	s21 =	simm.s32 $0xE318;
	s20 =	sadd.s32 $0x30, s0  }
0x472: {  	[hbm4b:s20+s3] =	stream.linear.scatter [tilespmem:s21], [sflag:$0x6], $0x80, $0x38;
	[tilespmem:$0x12500] =	vst v63  }
0x473: {  	s23 =	simm.s32 $0xE3A0;
	s22 =	sadd.s32 $0x40, s0  }
0x474: {  	[hbm4b:s22+s3] =	stream.linear.scatter [tilespmem:s23], [sflag:$0x6], $0x80, $0x38;
	[tilespmem:$0x12500] =	vst v63  }
0x475: {  	s26 =	simm.s32 $0xE428;
	s24 =	sadd.s32 $0x50, s0  }
0x476: {  	[hbm4b:s24+s3] =	stream.linear.scatter [tilespmem:s26], [sflag:$0x6], $0x80, $0x38;
	[tilespmem:$0x12500] =	vst v63  }
0x477: {  	s30 =	simm.s32 $0xE4B0;
	s28 =	sadd.s32 $0x60, s0  }
0x478: {  	[hbm4b:s28+s3] =	stream.linear.scatter [tilespmem:s30], [sflag:$0x6], $0x80, $0x38;
	[tilespmem:$0x12500] =	vst v63  }
0x479: {  	s4 =	rddreg [dreg:$0x16];
	s31 =	simm.s32 $0xE538;
	s0 =	sadd.s32 $0x70, s0  }
0x47a: {  	[hbm4b:s0+s3] =	stream.linear.scatter [tilespmem:s31], [sflag:$0x6], $0x80, $0x38;
	[tilespmem:$0x12500] =	vst v63  }
0x47b: {  	s5 =	simm.s32 $0x10380;
	s0 =	sadd.s32 s1, s4  }
0x47c: {  	[hbm4b:s0+s3] =	stream.linear.scatter [tilespmem:s5], [sflag:$0x6], $0x80, $0x38;
	[tilespmem:$0x12500] =	vst v63  }
0x47d: {  	s8 =	simm.s32 $0x10408;
	s6 =	sadd.s32 $0x10, s0  }
0x47e: {  	[hbm4b:s6+s3] =	stream.linear.scatter [tilespmem:s8], [sflag:$0x6], $0x80, $0x38;
	[tilespmem:$0x12500] =	vst v63  }
0x47f: {  	s11 =	simm.s32 $0x10490;
	s10 =	sadd.s32 $0x20, s0  }
0x480: {  	[hbm4b:s10+s3] =	stream.linear.scatter [tilespmem:s11], [sflag:$0x6], $0x80, $0x38;
	[tilespmem:$0x12500] =	vst v63  }
0x481: {  	s13 =	simm.s32 $0x10518;
	s12 =	sadd.s32 $0x30, s0  }
0x482: {  	[hbm4b:s12+s3] =	stream.linear.scatter [tilespmem:s13], [sflag:$0x6], $0x80, $0x38;
	[tilespmem:$0x12500] =	vst v63  }
0x483: {  	s15 =	simm.s32 $0x105A0;
	s14 =	sadd.s32 $0x40, s0  }
0x484: {  	[hbm4b:s14+s3] =	stream.linear.scatter [tilespmem:s15], [sflag:$0x6], $0x80, $0x38;
	[tilespmem:$0x12500] =	vst v63  }
0x485: {  	s17 =	simm.s32 $0x10628;
	s16 =	sadd.s32 $0x50, s0  }
0x486: {  	[hbm4b:s16+s3] =	stream.linear.scatter [tilespmem:s17], [sflag:$0x6], $0x80, $0x38;
	[tilespmem:$0x12500] =	vst v63  }
0x487: {  	s19 =	simm.s32 $0x106B0;
	s18 =	sadd.s32 $0x60, s0  }
0x488: {  	[hbm4b:s18+s3] =	stream.linear.scatter [tilespmem:s19], [sflag:$0x6], $0x80, $0x38;
	[tilespmem:$0x12500] =	vst v63  }
0x489: {  	s20 =	simm.s32 $0x10738;
	s21 =	rddreg [dreg:$0x17];
	s0 =	sadd.s32 $0x70, s0  }
0x48a: {  	[hbm4b:s0+s3] =	stream.linear.scatter [tilespmem:s20], [sflag:$0x6], $0x80, $0x38;
	[tilespmem:$0x12500] =	vst v63  }
0x48b: {  	s22 =	simm.s32 $0xE5C0;
	s0 =	sadd.s32 s1, s21  }
0x48c: {  	[hbm4b:s0+s3] =	stream.linear.scatter [tilespmem:s22], [sflag:$0x6], $0x80, $0x38;
	[tilespmem:$0x12500] =	vst v63  }
0x48d: {  	s24 =	simm.s32 $0xE648;
	s23 =	sadd.s32 $0x10, s0  }
0x48e: {  	[hbm4b:s23+s3] =	stream.linear.scatter [tilespmem:s24], [sflag:$0x6], $0x80, $0x38;
	[tilespmem:$0x12500] =	vst v63  }
0x48f: {  	s28 =	simm.s32 $0xE6D0;
	s26 =	sadd.s32 $0x20, s0  }
0x490: {  	[hbm4b:s26+s3] =	stream.linear.scatter [tilespmem:s28], [sflag:$0x6], $0x80, $0x38;
	[tilespmem:$0x12500] =	vst v63  }
0x491: {  	s31 =	simm.s32 $0xE758;
	s30 =	sadd.s32 $0x30, s0  }
0x492: {  	[hbm4b:s30+s3] =	stream.linear.scatter [tilespmem:s31], [sflag:$0x6], $0x80, $0x38;
	[tilespmem:$0x12500] =	vst v63  }
0x493: {  	s6 =	simm.s32 $0xE7E0;
	s5 =	sadd.s32 $0x40, s0  }
0x494: {  	[hbm4b:s5+s3] =	stream.linear.scatter [tilespmem:s6], [sflag:$0x6], $0x80, $0x38;
	[tilespmem:$0x12500] =	vst v63  }
0x495: {  	s10 =	simm.s32 $0xE868;
	s8 =	sadd.s32 $0x50, s0  }
0x496: {  	[hbm4b:s8+s3] =	stream.linear.scatter [tilespmem:s10], [sflag:$0x6], $0x80, $0x38;
	[tilespmem:$0x12500] =	vst v63  }
0x497: {  	s12 =	simm.s32 $0xE8F0;
	s11 =	sadd.s32 $0x60, s0  }
0x498: {  	[hbm4b:s11+s3] =	stream.linear.scatter [tilespmem:s12], [sflag:$0x6], $0x80, $0x38;
	[tilespmem:$0x12500] =	vst v63  }
0x499: {  	s13 =	simm.s32 $0xE978;
	s14 =	rddreg [dreg:$0x19];
	s0 =	sadd.s32 $0x70, s0  }
0x49a: {  	[hbm4b:s0+s3] =	stream.linear.scatter [tilespmem:s13], [sflag:$0x6], $0x80, $0x38;
	[tilespmem:$0x12500] =	vst v63  }
0x49b: {  	s15 =	simm.s32 $0x107C0;
	s0 =	sadd.s32 s1, s14  }
0x49c: {  	[hbm4b:s0+s3] =	stream.linear.scatter [tilespmem:s15], [sflag:$0x6], $0x80, $0x38;
	[tilespmem:$0x12500] =	vst v63  }
0x49d: {  	s17 =	simm.s32 $0x10848;
	s16 =	sadd.s32 $0x10, s0  }
0x49e: {  	[hbm4b:s16+s3] =	stream.linear.scatter [tilespmem:s17], [sflag:$0x6], $0x80, $0x38;
	[tilespmem:$0x12500] =	vst v63  }
0x49f: {  	s19 =	simm.s32 $0x108D0;
	s18 =	sadd.s32 $0x20, s0  }
0x4a0: {  	[hbm4b:s18+s3] =	stream.linear.scatter [tilespmem:s19], [sflag:$0x6], $0x80, $0x38;
	[tilespmem:$0x12500] =	vst v63  }
0x4a1: {  	s21 =	simm.s32 $0x10958;
	s8 =	rddreg [dreg:$0x1c];
	s20 =	sadd.s32 $0x30, s0  }
0x4a2: {  	[hbm4b:s20+s3] =	stream.linear.scatter [tilespmem:s21], [sflag:$0x6], $0x80, $0x38;
	[tilespmem:$0x12500] =	vst v63  }
0x4a3: {  	s23 =	simm.s32 $0x109E0;
	s8 =	sadd.s32 $0x1, s8;
	s22 =	sadd.s32 $0x40, s0  }
0x4a4: {  	[hbm4b:s22+s3] =	stream.linear.scatter [tilespmem:s23], [sflag:$0x6], $0x80, $0x38;
	[tilespmem:$0x12500] =	vst v63  }
0x4a5: {  	s26 =	simm.s32 $0x10A68;
	p1 =	sne.s32 s8, $0x32;
	s24 =	sadd.s32 $0x50, s0  }
0x4a6: {  	[hbm4b:s24+s3] =	stream.linear.scatter [tilespmem:s26], [sflag:$0x6], $0x80, $0x38;
	[tilespmem:$0x12500] =	vst v63  }
.Ltmp9:
0x4a7: {  	_ = 	snop;
	(pc) =	sbr.rel @p1 .LBB2_4-.Ltmp9, $4  }
.Ltmp10:
0x4a8: {  	s30 =	simm.s32 $0x10AF0;
	s28 =	sadd.s32 $0x60, s0;
	(pc) =	sbr.rel @!p1 .LBB2_25-.Ltmp10, $4  }
0x4a9: {  	[hbm4b:s28+s3] =	stream.linear.scatter [tilespmem:s30], [sflag:$0x6], $0x80, $0x38;
	[tilespmem:$0x12500] =	vst v63  }
0x4aa: {  	s31 =	simm.s32 $0x10B78;
	s0 =	sadd.s32 $0x70, s0  }
0x4ab: {  	[hbm4b:s0+s3] =	stream.linear.scatter [tilespmem:s31], [sflag:$0x6], $0x80, $0x38;
	[tilespmem:$0x12500] =	vst v63  }
0x4ac: {  	_ = 	snop  }
.LBB2_8:
0x4ad: {  	_ =	sdelay $0x3  }
0x4ae: {  	v13 =	vand.u32 $0x38, v11;
	v10 =	vor.u32 v8, v10  }
0x4af: {  	v12 =	vld.idx.msk [tilespmem:v12+s29+$0x0], vm0;
	v63 =	vand.u32 $0x7, v11;
	v7 =	vor.u32 v7, v13;
	v9 =	vor.u32 v9, v10  }
0x4b0: {  	v7 =	vor.u32 v63, v7;
	_ =	sdelay $0x3  }
0x4b1: {  	v8 =	vor.u32 v8, v13;
	[tilespmem:v9+s9+$0x0] =	vst.idx.msk vm0, v12  }
0x4b2: {  	v8 =	vor.u32 v63, v8;
	v7 =	vld.idx.msk [tilespmem:v7+s29+$0x0], vm0;
	_ =	sdelay $0x4  }
0x4b3: {  	[tilespmem:v8+s9+$0x0] =	vst.idx.msk vm0, v7  }
.LBB2_9:
0x4b4: {  	s1 =	sadd.s32 $0x1, s1  }
0x4b5: {  	p0 =	sne.s32 s1, $0x10  }
.Ltmp11:
0x4b6: {  	_ = 	snop;
	(pc) =	sbr.rel @!p0 .LBB2_10-.Ltmp11, $1  }
0x4b7: {  	_ =	sdelay $0x3  }
.LBB2_5:
0x4b8: {  	s5 =	sshll.u32 s1, $0x4  }
0x4b9: {  	v7 =	vld [tilespmem:s5+$0x0];
	_ =	sdelay $0x4  }
0x4ba: {  	vm0 =	vgt.s32 v7, $0x1869F  }
0x4bb: {  	v8 =	vsel vm0, $0x3F800000, v1  }
0x4bc: {  	(xrf0) =	vmax.scan.msk.f32 $0xffff, v8;
	_ =	sdelay $0x5  }
0x4bd: {  	v8, _, _ =	vpop (xrf0)  }
0x4be: {  	(v2sf) =	vpush v8, $0xF;
	_ =	sdelay $0xe  }
0x4bf: {  	s6 =	spop (v2sf)  }
0x4c0: {  	p0 =	sgt.f32 s6, $0.0e+00  }
.Ltmp12:
0x4c1: {  	_ = 	snop;
	(pc) =	sbr.rel @!p0 .LBB2_9-.Ltmp12, $1  }
0x4c2: {  	_ =	sdelay $0x3  }
0x4c3: {  	vm1 =	vgt.s32 v7, $0x186A0  }
0x4c4: {  	s6 =	simm.s32 $0x0;
	v7 =	vnsel vm1, $0x186A0, v7  }
0x4c5: {  	v8 =	vmov s6;
	v7 =	vshll.u32 v7, $0x6  }
0x4c6: {  	v9 =	vmov s5;
	v10 =	vand.u32 $0x38, v8;
	v7 =	vadd.s32 $0xFF9E5800, v7  }
0x4c7: {  	v11 =	vshll.u32 v9, $0x6;
	v9 =	vand.u32 $0x7, v8;
	v12 =	vor.u32 v7, v10  }
0x4c8: {  	v12 =	vor.u32 v9, v12;
	_ =	sdelay $0x2  }
0x4c9: {  	s31 =	simm.s32 $0x1  }
0x4ca: {  	s5 =	simm.s32 $0x2;
	v8 =	vor.u32 v2, v11;
	v11 =	vmov s31  }
.LBB2_7:
0x4cb: {  	p0 =	sne.s32 s5, $0x3F;
	v13 =	vld.idx.msk [tilespmem:v12+s29+$0x0], vm0;
	v12 =	vor.u32 v8, v10;
	v10 =	vand.u32 $0x38, v11  }
0x4cc: {  	v14 =	vor.u32 v7, v10;
	v15 =	vor.u32 v9, v12;
	v9 =	vand.u32 $0x7, v11  }
.Ltmp13:
0x4cd: {  	v12 =	vor.u32 v9, v14;
	(pc) =	sbr.rel @p0 .LBB2_7-.Ltmp13, $2  }
0x4ce: {  	_ =	sdelay $0x2  }
0x4cf: {  	v11 =	vmov s5;
	s5 =	sadd.s32 $0x1, s5;
	[tilespmem:v15+s9+$0x0] =	vst.idx.msk vm0, v13  }
.Ltmp14:
0x4d0: {  	_ = 	snop;
	(pc) =	sbr.rel .LBB2_8-.Ltmp14, $1  }
0x4d1: {  	_ =	sdelay $0x3  }
.LBB2_18:
0x4d2: {  	_ =	sdelay $0x3  }
0x4d3: {  	v13 =	vand.u32 $0x38, v11;
	v10 =	vor.u32 v8, v10  }
0x4d4: {  	v12 =	vld.idx.msk [tilespmem:v12+s29+$0x0], vm0;
	v63 =	vand.u32 $0x7, v11;
	v7 =	vor.u32 v7, v13;
	v9 =	vor.u32 v9, v10  }
0x4d5: {  	v7 =	vor.u32 v63, v7;
	_ =	sdelay $0x3  }
0x4d6: {  	v8 =	vor.u32 v8, v13;
	[tilespmem:v9+s7+$0x0] =	vst.idx.msk vm0, v12  }
0x4d7: {  	v8 =	vor.u32 v63, v8;
	v7 =	vld.idx.msk [tilespmem:v7+s29+$0x0], vm0;
	_ =	sdelay $0x4  }
0x4d8: {  	[tilespmem:v8+s7+$0x0] =	vst.idx.msk vm0, v7  }
.LBB2_19:
0x4d9: {  	s5 =	sadd.s32 $0x1, s5  }
0x4da: {  	p1 =	sne.s32 s5, $0x10  }
.Ltmp15:
0x4db: {  	_ = 	snop;
	(pc) =	sbr.rel @!p1 .LBB2_20-.Ltmp15, $1  }
0x4dc: {  	_ =	sdelay $0x3  }
.LBB2_15:
0x4dd: {  	s6 =	sshll.u32 s5, $0x4  }
0x4de: {  	v7 =	vld [tilespmem:s6+$0x100];
	_ =	sdelay $0x4  }
0x4df: {  	vm0 =	vgt.s32 v7, $0x1869F  }
0x4e0: {  	v8 =	vsel vm0, $0x3F800000, v1  }
0x4e1: {  	(xrf0) =	vmax.scan.msk.f32 $0xffff, v8;
	_ =	sdelay $0x5  }
0x4e2: {  	v8, _, _ =	vpop (xrf0)  }
0x4e3: {  	(v2sf) =	vpush v8, $0xF;
	_ =	sdelay $0xe  }
0x4e4: {  	s0 =	spop (v2sf)  }
0x4e5: {  	p1 =	sgt.f32 s0, $0.0e+00  }
.Ltmp16:
0x4e6: {  	_ = 	snop;
	(pc) =	sbr.rel @!p1 .LBB2_19-.Ltmp16, $1  }
0x4e7: {  	_ =	sdelay $0x3  }
0x4e8: {  	vm1 =	vgt.s32 v7, $0x186A0  }
0x4e9: {  	s0 =	simm.s32 $0x0;
	v7 =	vnsel vm1, $0x186A0, v7  }
0x4ea: {  	v8 =	vmov s0;
	v7 =	vshll.u32 v7, $0x6  }
0x4eb: {  	v9 =	vmov s6;
	v10 =	vand.u32 $0x38, v8;
	v7 =	vadd.s32 $0xFF9E5800, v7  }
0x4ec: {  	v11 =	vshll.u32 v9, $0x6;
	v9 =	vand.u32 $0x7, v8;
	v12 =	vor.u32 v7, v10  }
0x4ed: {  	v12 =	vor.u32 v9, v12;
	_ =	sdelay $0x2  }
0x4ee: {  	s31 =	simm.s32 $0x1  }
0x4ef: {  	s6 =	simm.s32 $0x2;
	v8 =	vor.u32 v2, v11;
	v11 =	vmov s31  }
.LBB2_17:
0x4f0: {  	p1 =	sne.s32 s6, $0x3F;
	v13 =	vld.idx.msk [tilespmem:v12+s29+$0x0], vm0;
	v12 =	vor.u32 v8, v10;
	v10 =	vand.u32 $0x38, v11  }
0x4f1: {  	v14 =	vor.u32 v7, v10;
	v15 =	vor.u32 v9, v12;
	v9 =	vand.u32 $0x7, v11  }
.Ltmp17:
0x4f2: {  	v12 =	vor.u32 v9, v14;
	(pc) =	sbr.rel @p1 .LBB2_17-.Ltmp17, $2  }
0x4f3: {  	_ =	sdelay $0x2  }
0x4f4: {  	v11 =	vmov s6;
	s6 =	sadd.s32 $0x1, s6;
	[tilespmem:v15+s7+$0x0] =	vst.idx.msk vm0, v13  }
.Ltmp18:
0x4f5: {  	_ = 	snop;
	(pc) =	sbr.rel .LBB2_18-.Ltmp18, $1  }
0x4f6: {  	_ =	sdelay $0x3  }
.LBB2_26:
0x4f7: {  	_ =	sfence.sel $0x180000  }
0x4f8: {  	[bflag:$0x0] =	sbarrier.arrive $0xFFFF  }
0x4f9: {  	_ =	strace $0x90000047  }
0x4fa: {  	s0 =	stileid.u32;
	[bflag:$0x2] =	sbarrier.arrive $0xFFFF  }
0x4fb: {  	p0 =	sne.s32 s0, $0x0;
	s0 =	rddreg [dreg:$0x2]  }
0x4fc: {  	s0 =	sadd.s32 @!p0 $0x100000, s0  }
0x4fd: {  	[sflag:s0] =	ssyncadd.tile.s32 @!p0 $0x1;
	_ =	shalt  }
.Lfunc_end2:
_tile_overlayer_lowered:
.L_overlay_start_2:
0x4fe: {  	(tag) =	ssettag $0x2  }
0x4ff: {  	s0 =	rddreg [dreg:$0x0];
	s2 =	stileid.u32  }
0x500: {  	s1 =	rddreg [dreg:$0x1];
	p0 =	sne.s32 s2, $0x0  }
0x501: {  	s3 =	rddreg [dreg:$0x2];
	[bflag:$0x3] =	sbarrier.arrive $0xFFFF;
	s2 =	simm.s32 @!p0 $0x1C07  }
0x502: {  	[timem:s3], [sflag:s2] =	dma.local @!p0 [hbm:s0], s1  }
0x503: {  	s0 =	simm.s32 @!p0 $0x7  }
0x504: {  	_ =	swait.ge @!p0 [sflag:s0], s1  }
0x505: {  	s1 =	ssub.s32 @!p0 $0x0, s1;
	[sflag:s0] =	ssyncset.done @!p0 $0x0  }
0x506: {  	[sflag:s0] =	ssyncadd.s32 @!p0 s1  }
0x507: {  	[bflag:$0x3] =	sbarrier.arrive $0xFFFF  }
0x508: {  	_ =	shalt  }

</sc_bundles>
